<compile_context>
chip_gen: v7x
topology: tpu7x:2x2x1
jax: 0.10.2.dev20260603
libtpu: 0.0.44.dev20260713+nightly
codegen_flags: <defaults>
</compile_context>

<pallas_src>
import functools

import jax
import jax.numpy as jnp
from jax import lax
from jax.experimental import pallas as pl
from jax.experimental.pallas import tpu as pltpu
from jax.experimental.pallas import tpu_sc as plsc

NC, NS = 2, 16
NW = NC * NS
G = 32


def _precompute_body(h_ref, r_ref, ws_ref, wr_ref, kg_ref, wkg_ref, wkgb_ref,
                     aws_ref, awr_ref, combo_ref):
    d = h_ref.shape[1]
    a_dim = ws_ref.shape[1]
    pad = jnp.zeros((h_ref.shape[0], d - a_dim), jnp.float32)
    aws_ref[...] = jnp.concatenate(
        [jnp.dot(h_ref[...], ws_ref[...], preferred_element_type=jnp.float32),
         pad], axis=1)
    awr_ref[...] = jnp.concatenate(
        [jnp.dot(r_ref[...], wr_ref[...], preferred_element_type=jnp.float32),
         pad], axis=1)
    t = jnp.dot(kg_ref[...], wkg_ref[:d, :],
                preferred_element_type=jnp.float32)
    b2 = jnp.dot(kg_ref[...], wkg_ref[d:, :],
                 preferred_element_type=jnp.float32)
    combo_ref[...] = jnp.concatenate(
        [t[0:1] + b2[0:1], t[0:1] + b2[1:2], t[1:2] + b2[0:1], t[1:2] + b2[1:2]],
        axis=0) + wkgb_ref[...]


def _final_body(p_ref, wh_ref, out_ref):
    out_ref[...] = jnp.dot(jnp.sum(p_ref[...], axis=0), wh_ref[...],
                           preferred_element_type=jnp.float32)


def _sc_edge_kernel(acc_rows, d, a_dim, ng):
    rows_per_sub = acc_rows // NS

    mesh = plsc.VectorSubcoreMesh(core_axis_name="c", subcore_axis_name="s",
                                  num_cores=NC)

    @functools.partial(
        pl.kernel,
        out_type=pltpu.HBM((NC, acc_rows, d), jnp.float32),
        mesh=mesh,
        compiler_params=pltpu.CompilerParams(needs_layout_passes=False),
        scratch_types=[
            [pltpu.VMEM((G, 8), jnp.int32)] * 2,
            [pltpu.VMEM((G,), jnp.int32)] * 2,
            [pltpu.VMEM((G,), jnp.int32)] * 2,
            [pltpu.VMEM((G,), jnp.int32)] * 2,
            [pltpu.VMEM((G,), jnp.int32)] * 2,
            [pltpu.VMEM((G, d), jnp.float32)] * 2,
            [pltpu.VMEM((G, d), jnp.float32)] * 2,
            [pltpu.VMEM((G, d), jnp.float32)] * 2,
            [pltpu.VMEM((G, d), jnp.float32)] * 2,
            pltpu.VMEM((G,), jnp.float32),
            pltpu.VMEM((4, a_dim), jnp.float32),
            pltpu.VMEM((a_dim, 16), jnp.float32),
            pltpu.VMEM((16,), jnp.float32),
            pltpu.VMEM((16,), jnp.int32),
            pltpu.VMEM_SHARED((acc_rows, d), jnp.float32),
            pltpu.SemaphoreType.DMA,
            pltpu.SemaphoreType.DMA,
        ],
    )
    def sc_kernel(e8_hbm, hid_hbm, rela_hbm, aws_hbm, awr_hbm, combo_hbm,
                  w_hbm, wb_hbm, lf_hbm, out_hbm,
                  ev, sub_v, rel_v, obj_v, c_v, hs_v, hr_v, as_v, ar_v,
                  alpha_v, combo_v, w_v, wb_v, lf_v,
                  accum, sem, sem_e):
        c = lax.axis_index("c")
        s = lax.axis_index("s")
        wid = s * NC + c

        pltpu.sync_copy(combo_hbm, combo_v)
        pltpu.sync_copy(w_hbm, w_v)
        pltpu.sync_copy(wb_hbm, wb_v)
        pltpu.sync_copy(lf_hbm, lf_v)

        def zrow(r, carry):
            for k in range(d // 16):
                hs_v[0][r, pl.ds(16 * k, 16)] = jnp.zeros((16,), jnp.float32)
            return carry
        lax.fori_loop(0, G, zrow, 0)
        for j in range(rows_per_sub // G):
            pltpu.sync_copy(hs_v[0],
                            accum.at[pl.ds(s * rows_per_sub + j * G, G)])
        rem = rows_per_sub % G
        if rem:
            pltpu.sync_copy(
                hs_v[0].at[pl.ds(0, rem)],
                accum.at[pl.ds(s * rows_per_sub + rows_per_sub - rem, rem)])
        plsc.subcore_barrier()

        left_vec = lf_v[...]
        wb_vec = wb_v[...]

        def ebase(g):
            return (g * NW + wid) * G

        def extract_and_fire(h):
            for q in range(G // 16):
                evec = lax.iota(jnp.int32, 16) + q * 16
                head = plsc.load_gather(ev[h], [evec, jnp.full((16,), 1, jnp.int32)])
                rel = plsc.load_gather(ev[h], [evec, jnp.full((16,), 2, jnp.int32)])
                tail = plsc.load_gather(ev[h], [evec, jnp.full((16,), 3, jnp.int32)])
                sub = plsc.load_gather(ev[h], [evec, jnp.full((16,), 4, jnp.int32)])
                obj = plsc.load_gather(ev[h], [evec, jnp.full((16,), 5, jnp.int32)])
                cvec = (2 * (head >= left_vec).astype(jnp.int32)
                        + (tail >= left_vec).astype(jnp.int32))
                sub_v[h][pl.ds(q * 16, 16)] = sub
                rel_v[h][pl.ds(q * 16, 16)] = rel
                obj_v[h][pl.ds(q * 16, 16)] = obj
                c_v[h][pl.ds(q * 16, 16)] = cvec
            pltpu.async_copy(hid_hbm.at[sub_v[h]], hs_v[h], sem)
            pltpu.async_copy(rela_hbm.at[rel_v[h]], hr_v[h], sem)
            pltpu.async_copy(aws_hbm.at[sub_v[h]], as_v[h], sem)
            pltpu.async_copy(awr_hbm.at[rel_v[h]], ar_v[h], sem)

        def drain_gathers(h):
            pltpu.make_async_copy(hid_hbm.at[sub_v[h]], hs_v[h], sem).wait()
            pltpu.make_async_copy(rela_hbm.at[rel_v[h]], hr_v[h], sem).wait()
            pltpu.make_async_copy(aws_hbm.at[sub_v[h]], as_v[h], sem).wait()
            pltpu.make_async_copy(awr_hbm.at[rel_v[h]], ar_v[h], sem).wait()

        asum_base = a_dim

        def compute(h):
            @plsc.parallel_loop(0, G, unroll=4)
            def asum_row(e):
                csp = plsc.load_gather(c_v[h], [jnp.full((16,), 0, jnp.int32) + e])
                for kq in range(a_dim // 16):
                    cb = plsc.load_gather(
                        combo_v, [csp, lax.iota(jnp.int32, 16) + kq * 16])
                    as_v[h][e, pl.ds(asum_base + kq * 16, 16)] = (
                        as_v[h][e, pl.ds(kq * 16, 16)]
                        + ar_v[h][e, pl.ds(kq * 16, 16)] + cb)

            for q in range(G // 16):
                evec = lax.iota(jnp.int32, 16) + q * 16
                acc = jnp.zeros((16,), jnp.float32)
                for k in range(a_dim):
                    av = plsc.load_gather(
                        as_v[h], [evec, jnp.full((16,), asum_base + k, jnp.int32)])
                    acc = acc + jnp.maximum(av, 0.0) * w_v[k, :]
                x = acc + wb_vec
                alpha = 1.0 / (1.0 + jnp.exp(-x))
                plsc.store_scatter(alpha_v, [evec], alpha)

            @plsc.parallel_loop(0, G, unroll=4)
            def msg_row(e):
                a_e = plsc.load_gather(alpha_v, [jnp.full((16,), 0, jnp.int32) + e])
                for sl in range(d // 16):
                    hr_v[h][e, pl.ds(16 * sl, 16)] = a_e * (
                        hs_v[h][e, pl.ds(16 * sl, 16)]
                        + hr_v[h][e, pl.ds(16 * sl, 16)])

            pltpu.sync_copy(hr_v[h], accum.at[obj_v[h]], add=True)

        pltpu.sync_copy(e8_hbm.at[pl.ds(ebase(0), G)], ev[0])
        pltpu.async_copy(e8_hbm.at[pl.ds(ebase(1), G)], ev[1], sem_e)
        extract_and_fire(0)

        def pair(i, carry):
            for h in range(2):
                g = 2 * i + h
                o = 1 - h
                pltpu.make_async_copy(
                    e8_hbm.at[pl.ds(ebase(g + 1), G)], ev[o], sem_e).wait()
                extract_and_fire(o)
                pltpu.async_copy(
                    e8_hbm.at[pl.ds(ebase(g + 2), G)], ev[h], sem_e)
                drain_gathers(h)
                compute(h)
            return carry
        lax.fori_loop(0, ng // 2, pair, 0)

        pltpu.make_async_copy(
            e8_hbm.at[pl.ds(ebase(ng + 1), G)], ev[1], sem_e).wait()
        drain_gathers(0)

        plsc.subcore_barrier()
        for j in range(rows_per_sub // G):
            r0 = s * rows_per_sub + j * G
            pltpu.sync_copy(accum.at[pl.ds(r0, G)], out_hbm.at[c, pl.ds(r0, G)])
        if rows_per_sub % G:
            rem2 = rows_per_sub % G
            r0 = s * rows_per_sub + rows_per_sub - rem2
            pltpu.sync_copy(accum.at[pl.ds(r0, rem2)],
                            out_hbm.at[c, pl.ds(r0, rem2)])

    return sc_kernel


def kernel(hidden, edges, n_node, kgemb, left_num, rela_embed, Ws_attn,
           Wr_attn, Wkg_attn_W, Wkg_attn_b, w_alpha_W, w_alpha_b, W_h):
    n, d = hidden.shape
    a_dim = Ws_attn.shape[1]
    e = edges.shape[0]

    ng = -(-e // (NW * G))
    ng = ng + (ng % 2)
    acc_rows = -(-(n + 1) // (NS * 8)) * (NS * 8)
    blk = 1000 if n % 1000 == 0 else 8 * (n // 8)
    grid = n // blk

    e6 = jnp.pad(edges.astype(jnp.int32), ((0, 0), (0, 2)))
    dummy = jnp.broadcast_to(
        jnp.array([0, 0, 0, 0, 0, n, 0, 0], jnp.int32),
        (NW * (ng + 2) * G - e, 8))
    e8 = jnp.concatenate([e6, dummy], axis=0)
    w_bc = jnp.broadcast_to(
        w_alpha_W.reshape((a_dim, 1)).astype(jnp.float32), (a_dim, 16))
    wb16 = jnp.broadcast_to(w_alpha_b.astype(jnp.float32), (16,))
    lf16 = jnp.broadcast_to(jnp.asarray(left_num, jnp.int32), (16,))
    wkgb = Wkg_attn_b.reshape((1, a_dim)).astype(jnp.float32)

    aws, awr, combo4 = pl.pallas_call(
        _precompute_body,
        grid=(grid,),
        in_specs=[
            pl.BlockSpec((blk, d), lambda i: (i, 0)),
            pl.BlockSpec((blk, d), lambda i: (i, 0)),
            pl.BlockSpec((d, a_dim), lambda i: (0, 0)),
            pl.BlockSpec((d, a_dim), lambda i: (0, 0)),
            pl.BlockSpec((2, d), lambda i: (0, 0)),
            pl.BlockSpec((2 * d, a_dim), lambda i: (0, 0)),
            pl.BlockSpec((1, a_dim), lambda i: (0, 0)),
        ],
        out_specs=[
            pl.BlockSpec((blk, d), lambda i: (i, 0)),
            pl.BlockSpec((blk, d), lambda i: (i, 0)),
            pl.BlockSpec((4, a_dim), lambda i: (0, 0)),
        ],
        out_shape=[
            jax.ShapeDtypeStruct((n, d), jnp.float32),
            jax.ShapeDtypeStruct((n, d), jnp.float32),
            jax.ShapeDtypeStruct((4, a_dim), jnp.float32),
        ],
    )(hidden, rela_embed, Ws_attn, Wr_attn, kgemb, Wkg_attn_W, wkgb)

    parts = _sc_edge_kernel(acc_rows, d, a_dim, ng)(
        e8, hidden, rela_embed, aws, awr, combo4, w_bc, wb16, lf16)

    if n % 1000 == 0:
        blk2, grid2 = 1000, n // 1000
    else:
        blk2, grid2 = acc_rows // NS, NS
    out_pad = pl.pallas_call(
        _final_body,
        grid=(grid2,),
        in_specs=[
            pl.BlockSpec((NC, blk2, d), lambda i: (0, i, 0)),
            pl.BlockSpec((d, d), lambda i: (0, 0)),
        ],
        out_specs=pl.BlockSpec((blk2, d), lambda i: (i, 0)),
        out_shape=jax.ShapeDtypeStruct((blk2 * grid2, d), jnp.float32),
    )(parts, W_h)

    return out_pad[:n]

# --- scband reference (transcript-rebuilt; emitter-appended) ---
"""Pipeline reference for scband-gnnlayer-69861938036806 (READ-ONLY COPY).

The authoritative reference and input builder live on the scoring server;
editing this copy changes nothing except your own understanding.
"""

import jax, jax.numpy as jnp
import numpy as np

N_NODE = 10000
N_EDGE = 320000
IN_DIM = 128
OUT_DIM = 128
ATTN_DIM = 32
N_REL = 5000
LEFT_NUM = 5000


def setup_inputs(seed: int = 0) -> dict:
    key = jax.random.key(seed)
    ks = jax.random.split(key, 12)
    hidden = jax.random.normal(ks[0], (N_NODE, IN_DIM), dtype=jnp.float32)
    edges = jax.random.randint(ks[1], (N_EDGE, 6), 0, N_NODE, dtype=jnp.int32)
    kgemb = jax.random.normal(ks[2], (2, IN_DIM), dtype=jnp.float32)
    rela_embed = jax.random.normal(ks[3], (2 * N_REL + 5, IN_DIM), dtype=jnp.float32) * 0.02
    Ws_attn = jax.random.normal(ks[4], (IN_DIM, ATTN_DIM), dtype=jnp.float32) * (1.0 / np.sqrt(IN_DIM))
    Wr_attn = jax.random.normal(ks[5], (IN_DIM, ATTN_DIM), dtype=jnp.float32) * (1.0 / np.sqrt(IN_DIM))
    Wkg_attn_W = jax.random.normal(ks[6], (2 * IN_DIM, ATTN_DIM), dtype=jnp.float32) * (1.0 / np.sqrt(2 * IN_DIM))
    Wkg_attn_b = jnp.zeros((ATTN_DIM,), dtype=jnp.float32)
    w_alpha_W = jax.random.normal(ks[7], (ATTN_DIM, 1), dtype=jnp.float32) * (1.0 / np.sqrt(ATTN_DIM))
    w_alpha_b = jnp.zeros((1,), dtype=jnp.float32)
    W_h = jax.random.normal(ks[8], (IN_DIM, OUT_DIM), dtype=jnp.float32) * (1.0 / np.sqrt(IN_DIM))
    return {
        "hidden": hidden,
        "edges": edges,
        "n_node": N_NODE,
        "kgemb": kgemb,
        "left_num": LEFT_NUM,
        "rela_embed": rela_embed,
        "Ws_attn": Ws_attn,
        "Wr_attn": Wr_attn,
        "Wkg_attn_W": Wkg_attn_W,
        "Wkg_attn_b": Wkg_attn_b,
        "w_alpha_W": w_alpha_W,
        "w_alpha_b": w_alpha_b,
        "W_h": W_h,
    }


def reference(hidden, edges, n_node, kgemb, left_num, rela_embed, Ws_attn, Wr_attn,
              Wkg_attn_W, Wkg_attn_b, w_alpha_W, w_alpha_b, W_h):
    sub = edges[:, 4]
    rel = edges[:, 2]
    obj = edges[:, 5]
    hs = jnp.take(hidden, sub, axis=0)
    hr = jnp.take(rela_embed, rel, axis=0)
    head = edges[:, 1]
    tail = edges[:, 3]
    kg_h = jnp.take(kgemb, (head >= left_num).astype(jnp.int32), axis=0)
    kg_t = jnp.take(kgemb, (tail >= left_num).astype(jnp.int32), axis=0)
    kg = jnp.concatenate([kg_h, kg_t], axis=1)
    message = hs + hr
    pre = jax.nn.relu(hs @ Ws_attn + hr @ Wr_attn + kg @ Wkg_attn_W + Wkg_attn_b)
    alpha = jax.nn.sigmoid(pre @ w_alpha_W + w_alpha_b)
    message = alpha * message
    n_node_arr = jnp.asarray(n_node, dtype=jnp.int32)
    obj = obj + (n_node_arr - n_node_arr)
    message_agg = jax.ops.segment_sum(message, obj, num_segments=hidden.shape[0])
    hidden_new = message_agg @ W_h  # act is identity (default lambda x: x)
    return hidden_new

if __name__ == "__main__":
    import jax
    _d = setup_inputs()
    print(jax.jit(kernel)(*tuple(_d.values())))

</pallas_src>

<mosaic_0001>
#map = affine_map<(d0, d1) -> (0, 0)>
#map1 = affine_map<(d0, d1) -> (0)>
#map2 = affine_map<(d0, d1) -> (0, 0, 0)>
module attributes {stable_mosaic.version = 14 : i64} {
  func.func @sc_kernel(%arg0: i32, %arg1: i32, %arg2: memref<323584x8xi32, #tpu.memory_space<hbm>>, %arg3: memref<10000x128xf32, #tpu.memory_space<hbm>>, %arg4: memref<10005x128xf32, #tpu.memory_space<hbm>>, %arg5: memref<10000x128xf32, #tpu.memory_space<hbm>>, %arg6: memref<10000x128xf32, #tpu.memory_space<hbm>>, %arg7: memref<4x32xf32, #tpu.memory_space<hbm>>, %arg8: memref<32x16xf32, #tpu.memory_space<hbm>>, %arg9: memref<16xf32, #tpu.memory_space<hbm>>, %arg10: memref<16xi32, #tpu.memory_space<hbm>>, %arg11: memref<2x10112x128xf32, #tpu.memory_space<hbm>>, %arg12: memref<32x8xi32, #tpu.memory_space<vmem>>, %arg13: memref<32x8xi32, #tpu.memory_space<vmem>>, %arg14: memref<32xi32, #tpu.memory_space<vmem>>, %arg15: memref<32xi32, #tpu.memory_space<vmem>>, %arg16: memref<32xi32, #tpu.memory_space<vmem>>, %arg17: memref<32xi32, #tpu.memory_space<vmem>>, %arg18: memref<32xi32, #tpu.memory_space<vmem>>, %arg19: memref<32xi32, #tpu.memory_space<vmem>>, %arg20: memref<32xi32, #tpu.memory_space<vmem>>, %arg21: memref<32xi32, #tpu.memory_space<vmem>>, %arg22: memref<32x128xf32, #tpu.memory_space<vmem>>, %arg23: memref<32x128xf32, #tpu.memory_space<vmem>>, %arg24: memref<32x128xf32, #tpu.memory_space<vmem>>, %arg25: memref<32x128xf32, #tpu.memory_space<vmem>>, %arg26: memref<32x128xf32, #tpu.memory_space<vmem>>, %arg27: memref<32x128xf32, #tpu.memory_space<vmem>>, %arg28: memref<32x128xf32, #tpu.memory_space<vmem>>, %arg29: memref<32x128xf32, #tpu.memory_space<vmem>>, %arg30: memref<32xf32, #tpu.memory_space<vmem>>, %arg31: memref<4x32xf32, #tpu.memory_space<vmem>>, %arg32: memref<32x16xf32, #tpu.memory_space<vmem>>, %arg33: memref<16xf32, #tpu.memory_space<vmem>>, %arg34: memref<16xi32, #tpu.memory_space<vmem>>, %arg35: memref<10112x128xf32, #tpu.memory_space<vmem_shared>>, %arg36: memref<!tpu.dma_semaphore, #tpu.memory_space<semaphore_mem>>, %arg37: memref<!tpu.dma_semaphore, #tpu.memory_space<semaphore_mem>>) attributes {dimension_semantics = [#tpu.dimension_semantics<core_parallel>, #tpu.dimension_semantics<subcore_parallel>], iteration_bounds = array<i64: 2, 16>, scalar_prefetch = 0 : i64, scratch_operands = 26 : i64, tpu.core_type = #tpu.core_type<sc_vector_subcore>, window_params = [{transform_indices = #map}, {transform_indices = #map}, {transform_indices = #map}, {transform_indices = #map}, {transform_indices = #map}, {transform_indices = #map}, {transform_indices = #map}, {transform_indices = #map1}, {transform_indices = #map1}, {transform_indices = #map2}]} {
    %mul3A = arith.constant 2 : i32
    %mul3A_0 = arith.muli %arg1, %mul3A : i32
    %add3A = arith.addi %mul3A_0, %arg0 : i32
    "tpu.region"() ({
      %run_scoped3A = tpu.sem_alloc : memref<!tpu.dma_semaphore, #tpu.memory_space<semaphore_mem>>
      tpu.enqueue_dma source(%arg7 : memref<4x32xf32, #tpu.memory_space<hbm>>) target(%arg31 : memref<4x32xf32, #tpu.memory_space<vmem>>) target_semaphore(%run_scoped3A : memref<!tpu.dma_semaphore, #tpu.memory_space<semaphore_mem>>)
      tpu.wait_dma2 semaphore(%run_scoped3A : memref<!tpu.dma_semaphore, #tpu.memory_space<semaphore_mem>>) src(%arg7 : memref<4x32xf32, #tpu.memory_space<hbm>>) dst(%arg31 : memref<4x32xf32, #tpu.memory_space<vmem>>)
      tpu.yield
    }) : () -> ()
    "tpu.region"() ({
      %run_scoped3A = tpu.sem_alloc : memref<!tpu.dma_semaphore, #tpu.memory_space<semaphore_mem>>
      tpu.enqueue_dma source(%arg8 : memref<32x16xf32, #tpu.memory_space<hbm>>) target(%arg32 : memref<32x16xf32, #tpu.memory_space<vmem>>) target_semaphore(%run_scoped3A : memref<!tpu.dma_semaphore, #tpu.memory_space<semaphore_mem>>)
      tpu.wait_dma2 semaphore(%run_scoped3A : memref<!tpu.dma_semaphore, #tpu.memory_space<semaphore_mem>>) src(%arg8 : memref<32x16xf32, #tpu.memory_space<hbm>>) dst(%arg32 : memref<32x16xf32, #tpu.memory_space<vmem>>)
      tpu.yield
    }) : () -> ()
    "tpu.region"() ({
      %run_scoped3A = tpu.sem_alloc : memref<!tpu.dma_semaphore, #tpu.memory_space<semaphore_mem>>
      tpu.enqueue_dma source(%arg9 : memref<16xf32, #tpu.memory_space<hbm>>) target(%arg33 : memref<16xf32, #tpu.memory_space<vmem>>) target_semaphore(%run_scoped3A : memref<!tpu.dma_semaphore, #tpu.memory_space<semaphore_mem>>)
      tpu.wait_dma2 semaphore(%run_scoped3A : memref<!tpu.dma_semaphore, #tpu.memory_space<semaphore_mem>>) src(%arg9 : memref<16xf32, #tpu.memory_space<hbm>>) dst(%arg33 : memref<16xf32, #tpu.memory_space<vmem>>)
      tpu.yield
    }) : () -> ()
    "tpu.region"() ({
      %run_scoped3A = tpu.sem_alloc : memref<!tpu.dma_semaphore, #tpu.memory_space<semaphore_mem>>
      tpu.enqueue_dma source(%arg10 : memref<16xi32, #tpu.memory_space<hbm>>) target(%arg34 : memref<16xi32, #tpu.memory_space<vmem>>) target_semaphore(%run_scoped3A : memref<!tpu.dma_semaphore, #tpu.memory_space<semaphore_mem>>)
      tpu.wait_dma2 semaphore(%run_scoped3A : memref<!tpu.dma_semaphore, #tpu.memory_space<semaphore_mem>>) src(%arg10 : memref<16xi32, #tpu.memory_space<hbm>>) dst(%arg34 : memref<16xi32, #tpu.memory_space<vmem>>)
      tpu.yield
    }) : () -> ()
    %scan3A = arith.constant 0 : i32
    %scan3A_1 = arith.constant 0 : i32
    %scan3A_2 = arith.constant 32 : i32
    %scan3A_3 = arith.addi %scan3A_1, %scan3A_2 : i32
    %scan3A_4 = arith.constant 1 : i32
    scf.for %scan3A_285 = %scan3A_1 to %scan3A_3 step %scan3A_4  : i32 {
      %broadcast_in_dim3A_286 = arith.constant 0.000000e+00 : f32
      %broadcast_in_dim3A_287 = vector.broadcast %broadcast_in_dim3A_286 : f32 to vector<16xf32>
      %swap3A_288 = arith.index_cast %scan3A_285 : i32 to index
      %swap3A_289 = arith.constant 0 : index
      %swap3A_290 = tpu.vector_load %arg22[%swap3A_288, %swap3A_289] {strides = array<i32>} : memref<32x128xf32, #tpu.memory_space<vmem>>, vector<16xf32>,
      tpu.vector_store %arg22[%swap3A_288, %swap3A_289], %broadcast_in_dim3A_287 {strides = array<i32>} : memref<32x128xf32, #tpu.memory_space<vmem>>, vector<16xf32>,
      %broadcast_in_dim3A_291 = arith.constant 0.000000e+00 : f32
      %broadcast_in_dim3A_292 = vector.broadcast %broadcast_in_dim3A_291 : f32 to vector<16xf32>
      %swap3A_293 = arith.index_cast %scan3A_285 : i32 to index
      %swap3A_294 = arith.constant 16 : index
      %swap3A_295 = tpu.vector_load %arg22[%swap3A_293, %swap3A_294] {strides = array<i32>} : memref<32x128xf32, #tpu.memory_space<vmem>>, vector<16xf32>,
      tpu.vector_store %arg22[%swap3A_293, %swap3A_294], %broadcast_in_dim3A_292 {strides = array<i32>} : memref<32x128xf32, #tpu.memory_space<vmem>>, vector<16xf32>,
      %broadcast_in_dim3A_296 = arith.constant 0.000000e+00 : f32
      %broadcast_in_dim3A_297 = vector.broadcast %broadcast_in_dim3A_296 : f32 to vector<16xf32>
      %swap3A_298 = arith.index_cast %scan3A_285 : i32 to index
      %swap3A_299 = arith.constant 32 : index
      %swap3A_300 = tpu.vector_load %arg22[%swap3A_298, %swap3A_299] {strides = array<i32>} : memref<32x128xf32, #tpu.memory_space<vmem>>, vector<16xf32>,
      tpu.vector_store %arg22[%swap3A_298, %swap3A_299], %broadcast_in_dim3A_297 {strides = array<i32>} : memref<32x128xf32, #tpu.memory_space<vmem>>, vector<16xf32>,
      %broadcast_in_dim3A_301 = arith.constant 0.000000e+00 : f32
      %broadcast_in_dim3A_302 = vector.broadcast %broadcast_in_dim3A_301 : f32 to vector<16xf32>
      %swap3A_303 = arith.index_cast %scan3A_285 : i32 to index
      %swap3A_304 = arith.constant 48 : index
      %swap3A_305 = tpu.vector_load %arg22[%swap3A_303, %swap3A_304] {strides = array<i32>} : memref<32x128xf32, #tpu.memory_space<vmem>>, vector<16xf32>,
      tpu.vector_store %arg22[%swap3A_303, %swap3A_304], %broadcast_in_dim3A_302 {strides = array<i32>} : memref<32x128xf32, #tpu.memory_space<vmem>>, vector<16xf32>,
      %broadcast_in_dim3A_306 = arith.constant 0.000000e+00 : f32
      %broadcast_in_dim3A_307 = vector.broadcast %broadcast_in_dim3A_306 : f32 to vector<16xf32>
      %swap3A_308 = arith.index_cast %scan3A_285 : i32 to index
      %swap3A_309 = arith.constant 64 : index
      %swap3A_310 = tpu.vector_load %arg22[%swap3A_308, %swap3A_309] {strides = array<i32>} : memref<32x128xf32, #tpu.memory_space<vmem>>, vector<16xf32>,
      tpu.vector_store %arg22[%swap3A_308, %swap3A_309], %broadcast_in_dim3A_307 {strides = array<i32>} : memref<32x128xf32, #tpu.memory_space<vmem>>, vector<16xf32>,
      %broadcast_in_dim3A_311 = arith.constant 0.000000e+00 : f32
      %broadcast_in_dim3A_312 = vector.broadcast %broadcast_in_dim3A_311 : f32 to vector<16xf32>
      %swap3A_313 = arith.index_cast %scan3A_285 : i32 to index
      %swap3A_314 = arith.constant 80 : index
      %swap3A_315 = tpu.vector_load %arg22[%swap3A_313, %swap3A_314] {strides = array<i32>} : memref<32x128xf32, #tpu.memory_space<vmem>>, vector<16xf32>,
      tpu.vector_store %arg22[%swap3A_313, %swap3A_314], %broadcast_in_dim3A_312 {strides = array<i32>} : memref<32x128xf32, #tpu.memory_space<vmem>>, vector<16xf32>,
      %broadcast_in_dim3A_316 = arith.constant 0.000000e+00 : f32
      %broadcast_in_dim3A_317 = vector.broadcast %broadcast_in_dim3A_316 : f32 to vector<16xf32>
      %swap3A_318 = arith.index_cast %scan3A_285 : i32 to index
      %swap3A_319 = arith.constant 96 : index
      %swap3A_320 = tpu.vector_load %arg22[%swap3A_318, %swap3A_319] {strides = array<i32>} : memref<32x128xf32, #tpu.memory_space<vmem>>, vector<16xf32>,
      tpu.vector_store %arg22[%swap3A_318, %swap3A_319], %broadcast_in_dim3A_317 {strides = array<i32>} : memref<32x128xf32, #tpu.memory_space<vmem>>, vector<16xf32>,
      %broadcast_in_dim3A_321 = arith.constant 0.000000e+00 : f32
      %broadcast_in_dim3A_322 = vector.broadcast %broadcast_in_dim3A_321 : f32 to vector<16xf32>
      %swap3A_323 = arith.index_cast %scan3A_285 : i32 to index
      %swap3A_324 = arith.constant 112 : index
      %swap3A_325 = tpu.vector_load %arg22[%swap3A_323, %swap3A_324] {strides = array<i32>} : memref<32x128xf32, #tpu.memory_space<vmem>>, vector<16xf32>,
      tpu.vector_store %arg22[%swap3A_323, %swap3A_324], %broadcast_in_dim3A_322 {strides = array<i32>} : memref<32x128xf32, #tpu.memory_space<vmem>>, vector<16xf32>,
    }
    %scan3A_5 = arith.constant 32 : i32
    %mul3A_6 = arith.constant 632 : i32
    %mul3A_7 = arith.muli %arg1, %mul3A_6 : i32
    %add3A_8 = arith.constant 0 : i32
    %add3A_9 = arith.addi %mul3A_7, %add3A_8 : i32
    "tpu.region"() ({
      %run_scoped3A = tpu.sem_alloc : memref<!tpu.dma_semaphore, #tpu.memory_space<semaphore_mem>>
      %dma_start3A_285 = arith.constant 0 : i32
      %dma_start3A_286 = tpu.memref_slice %arg35[%add3A_9, %dma_start3A_285] : memref<10112x128xf32, #tpu.memory_space<vmem_shared>> -> memref<32x128xf32, #tpu.memory_space<vmem_shared>>
      %dma_start3A_287 = arith.constant 0 : i32
      %dma_start3A_288 = tpu.memref_slice %arg35[%add3A_9, %dma_start3A_287] : memref<10112x128xf32, #tpu.memory_space<vmem_shared>> -> memref<32x128xf32, #tpu.memory_space<vmem_shared>>
      tpu.enqueue_dma source(%arg22 : memref<32x128xf32, #tpu.memory_space<vmem>>) target(%dma_start3A_288 : memref<32x128xf32, #tpu.memory_space<vmem_shared>>) target_semaphore(%run_scoped3A : memref<!tpu.dma_semaphore, #tpu.memory_space<semaphore_mem>>)
      %dma_wait3A_289 = arith.constant 0 : i32
      %dma_wait3A_290 = tpu.memref_slice %arg35[%add3A_9, %dma_wait3A_289] : memref<10112x128xf32, #tpu.memory_space<vmem_shared>> -> memref<32x128xf32, #tpu.memory_space<vmem_shared>>
      %dma_wait3A_291 = arith.constant 0 : i32
      %dma_wait3A_292 = tpu.memref_slice %arg35[%add3A_9, %dma_wait3A_291] : memref<10112x128xf32, #tpu.memory_space<vmem_shared>> -> memref<32x128xf32, #tpu.memory_space<vmem_shared>>
      tpu.wait_dma2 semaphore(%run_scoped3A : memref<!tpu.dma_semaphore, #tpu.memory_space<semaphore_mem>>) src(%arg22 : memref<32x128xf32, #tpu.memory_space<vmem>>) dst(%dma_wait3A_292 : memref<32x128xf32, #tpu.memory_space<vmem_shared>>)
      tpu.yield
    }) : () -> ()
    %mul3A_10 = arith.constant 632 : i32
    %mul3A_11 = arith.muli %arg1, %mul3A_10 : i32
    %add3A_12 = arith.constant 32 : i32
    %add3A_13 = arith.addi %mul3A_11, %add3A_12 : i32
    "tpu.region"() ({
      %run_scoped3A = tpu.sem_alloc : memref<!tpu.dma_semaphore, #tpu.memory_space<semaphore_mem>>
      %dma_start3A_285 = arith.constant 0 : i32
      %dma_start3A_286 = tpu.memref_slice %arg35[%add3A_13, %dma_start3A_285] : memref<10112x128xf32, #tpu.memory_space<vmem_shared>> -> memref<32x128xf32, #tpu.memory_space<vmem_shared>>
      %dma_start3A_287 = arith.constant 0 : i32
      %dma_start3A_288 = tpu.memref_slice %arg35[%add3A_13, %dma_start3A_287] : memref<10112x128xf32, #tpu.memory_space<vmem_shared>> -> memref<32x128xf32, #tpu.memory_space<vmem_shared>>
      tpu.enqueue_dma source(%arg22 : memref<32x128xf32, #tpu.memory_space<vmem>>) target(%dma_start3A_288 : memref<32x128xf32, #tpu.memory_space<vmem_shared>>) target_semaphore(%run_scoped3A : memref<!tpu.dma_semaphore, #tpu.memory_space<semaphore_mem>>)
      %dma_wait3A_289 = arith.constant 0 : i32
      %dma_wait3A_290 = tpu.memref_slice %arg35[%add3A_13, %dma_wait3A_289] : memref<10112x128xf32, #tpu.memory_space<vmem_shared>> -> memref<32x128xf32, #tpu.memory_space<vmem_shared>>
      %dma_wait3A_291 = arith.constant 0 : i32
      %dma_wait3A_292 = tpu.memref_slice %arg35[%add3A_13, %dma_wait3A_291] : memref<10112x128xf32, #tpu.memory_space<vmem_shared>> -> memref<32x128xf32, #tpu.memory_space<vmem_shared>>
      tpu.wait_dma2 semaphore(%run_scoped3A : memref<!tpu.dma_semaphore, #tpu.memory_space<semaphore_mem>>) src(%arg22 : memref<32x128xf32, #tpu.memory_space<vmem>>) dst(%dma_wait3A_292 : memref<32x128xf32, #tpu.memory_space<vmem_shared>>)
      tpu.yield
    }) : () -> ()
    %mul3A_14 = arith.constant 632 : i32
    %mul3A_15 = arith.muli %arg1, %mul3A_14 : i32
    %add3A_16 = arith.constant 64 : i32
    %add3A_17 = arith.addi %mul3A_15, %add3A_16 : i32
    "tpu.region"() ({
      %run_scoped3A = tpu.sem_alloc : memref<!tpu.dma_semaphore, #tpu.memory_space<semaphore_mem>>
      %dma_start3A_285 = arith.constant 0 : i32
      %dma_start3A_286 = tpu.memref_slice %arg35[%add3A_17, %dma_start3A_285] : memref<10112x128xf32, #tpu.memory_space<vmem_shared>> -> memref<32x128xf32, #tpu.memory_space<vmem_shared>>
      %dma_start3A_287 = arith.constant 0 : i32
      %dma_start3A_288 = tpu.memref_slice %arg35[%add3A_17, %dma_start3A_287] : memref<10112x128xf32, #tpu.memory_space<vmem_shared>> -> memref<32x128xf32, #tpu.memory_space<vmem_shared>>
      tpu.enqueue_dma source(%arg22 : memref<32x128xf32, #tpu.memory_space<vmem>>) target(%dma_start3A_288 : memref<32x128xf32, #tpu.memory_space<vmem_shared>>) target_semaphore(%run_scoped3A : memref<!tpu.dma_semaphore, #tpu.memory_space<semaphore_mem>>)
      %dma_wait3A_289 = arith.constant 0 : i32
      %dma_wait3A_290 = tpu.memref_slice %arg35[%add3A_17, %dma_wait3A_289] : memref<10112x128xf32, #tpu.memory_space<vmem_shared>> -> memref<32x128xf32, #tpu.memory_space<vmem_shared>>
      %dma_wait3A_291 = arith.constant 0 : i32
      %dma_wait3A_292 = tpu.memref_slice %arg35[%add3A_17, %dma_wait3A_291] : memref<10112x128xf32, #tpu.memory_space<vmem_shared>> -> memref<32x128xf32, #tpu.memory_space<vmem_shared>>
      tpu.wait_dma2 semaphore(%run_scoped3A : memref<!tpu.dma_semaphore, #tpu.memory_space<semaphore_mem>>) src(%arg22 : memref<32x128xf32, #tpu.memory_space<vmem>>) dst(%dma_wait3A_292 : memref<32x128xf32, #tpu.memory_space<vmem_shared>>)
      tpu.yield
    }) : () -> ()
    %mul3A_18 = arith.constant 632 : i32
    %mul3A_19 = arith.muli %arg1, %mul3A_18 : i32
    %add3A_20 = arith.constant 96 : i32
    %add3A_21 = arith.addi %mul3A_19, %add3A_20 : i32
    "tpu.region"() ({
      %run_scoped3A = tpu.sem_alloc : memref<!tpu.dma_semaphore, #tpu.memory_space<semaphore_mem>>
      %dma_start3A_285 = arith.constant 0 : i32
      %dma_start3A_286 = tpu.memref_slice %arg35[%add3A_21, %dma_start3A_285] : memref<10112x128xf32, #tpu.memory_space<vmem_shared>> -> memref<32x128xf32, #tpu.memory_space<vmem_shared>>
      %dma_start3A_287 = arith.constant 0 : i32
      %dma_start3A_288 = tpu.memref_slice %arg35[%add3A_21, %dma_start3A_287] : memref<10112x128xf32, #tpu.memory_space<vmem_shared>> -> memref<32x128xf32, #tpu.memory_space<vmem_shared>>
      tpu.enqueue_dma source(%arg22 : memref<32x128xf32, #tpu.memory_space<vmem>>) target(%dma_start3A_288 : memref<32x128xf32, #tpu.memory_space<vmem_shared>>) target_semaphore(%run_scoped3A : memref<!tpu.dma_semaphore, #tpu.memory_space<semaphore_mem>>)
      %dma_wait3A_289 = arith.constant 0 : i32
      %dma_wait3A_290 = tpu.memref_slice %arg35[%add3A_21, %dma_wait3A_289] : memref<10112x128xf32, #tpu.memory_space<vmem_shared>> -> memref<32x128xf32, #tpu.memory_space<vmem_shared>>
      %dma_wait3A_291 = arith.constant 0 : i32
      %dma_wait3A_292 = tpu.memref_slice %arg35[%add3A_21, %dma_wait3A_291] : memref<10112x128xf32, #tpu.memory_space<vmem_shared>> -> memref<32x128xf32, #tpu.memory_space<vmem_shared>>
      tpu.wait_dma2 semaphore(%run_scoped3A : memref<!tpu.dma_semaphore, #tpu.memory_space<semaphore_mem>>) src(%arg22 : memref<32x128xf32, #tpu.memory_space<vmem>>) dst(%dma_wait3A_292 : memref<32x128xf32, #tpu.memory_space<vmem_shared>>)
      tpu.yield
    }) : () -> ()
    %mul3A_22 = arith.constant 632 : i32
    %mul3A_23 = arith.muli %arg1, %mul3A_22 : i32
    %add3A_24 = arith.constant 128 : i32
    %add3A_25 = arith.addi %mul3A_23, %add3A_24 : i32
    "tpu.region"() ({
      %run_scoped3A = tpu.sem_alloc : memref<!tpu.dma_semaphore, #tpu.memory_space<semaphore_mem>>
      %dma_start3A_285 = arith.constant 0 : i32
      %dma_start3A_286 = tpu.memref_slice %arg35[%add3A_25, %dma_start3A_285] : memref<10112x128xf32, #tpu.memory_space<vmem_shared>> -> memref<32x128xf32, #tpu.memory_space<vmem_shared>>
      %dma_start3A_287 = arith.constant 0 : i32
      %dma_start3A_288 = tpu.memref_slice %arg35[%add3A_25, %dma_start3A_287] : memref<10112x128xf32, #tpu.memory_space<vmem_shared>> -> memref<32x128xf32, #tpu.memory_space<vmem_shared>>
      tpu.enqueue_dma source(%arg22 : memref<32x128xf32, #tpu.memory_space<vmem>>) target(%dma_start3A_288 : memref<32x128xf32, #tpu.memory_space<vmem_shared>>) target_semaphore(%run_scoped3A : memref<!tpu.dma_semaphore, #tpu.memory_space<semaphore_mem>>)
      %dma_wait3A_289 = arith.constant 0 : i32
      %dma_wait3A_290 = tpu.memref_slice %arg35[%add3A_25, %dma_wait3A_289] : memref<10112x128xf32, #tpu.memory_space<vmem_shared>> -> memref<32x128xf32, #tpu.memory_space<vmem_shared>>
      %dma_wait3A_291 = arith.constant 0 : i32
      %dma_wait3A_292 = tpu.memref_slice %arg35[%add3A_25, %dma_wait3A_291] : memref<10112x128xf32, #tpu.memory_space<vmem_shared>> -> memref<32x128xf32, #tpu.memory_space<vmem_shared>>
      tpu.wait_dma2 semaphore(%run_scoped3A : memref<!tpu.dma_semaphore, #tpu.memory_space<semaphore_mem>>) src(%arg22 : memref<32x128xf32, #tpu.memory_space<vmem>>) dst(%dma_wait3A_292 : memref<32x128xf32, #tpu.memory_space<vmem_shared>>)
      tpu.yield
    }) : () -> ()
    %mul3A_26 = arith.constant 632 : i32
    %mul3A_27 = arith.muli %arg1, %mul3A_26 : i32
    %add3A_28 = arith.constant 160 : i32
    %add3A_29 = arith.addi %mul3A_27, %add3A_28 : i32
    "tpu.region"() ({
      %run_scoped3A = tpu.sem_alloc : memref<!tpu.dma_semaphore, #tpu.memory_space<semaphore_mem>>
      %dma_start3A_285 = arith.constant 0 : i32
      %dma_start3A_286 = tpu.memref_slice %arg35[%add3A_29, %dma_start3A_285] : memref<10112x128xf32, #tpu.memory_space<vmem_shared>> -> memref<32x128xf32, #tpu.memory_space<vmem_shared>>
      %dma_start3A_287 = arith.constant 0 : i32
      %dma_start3A_288 = tpu.memref_slice %arg35[%add3A_29, %dma_start3A_287] : memref<10112x128xf32, #tpu.memory_space<vmem_shared>> -> memref<32x128xf32, #tpu.memory_space<vmem_shared>>
      tpu.enqueue_dma source(%arg22 : memref<32x128xf32, #tpu.memory_space<vmem>>) target(%dma_start3A_288 : memref<32x128xf32, #tpu.memory_space<vmem_shared>>) target_semaphore(%run_scoped3A : memref<!tpu.dma_semaphore, #tpu.memory_space<semaphore_mem>>)
      %dma_wait3A_289 = arith.constant 0 : i32
      %dma_wait3A_290 = tpu.memref_slice %arg35[%add3A_29, %dma_wait3A_289] : memref<10112x128xf32, #tpu.memory_space<vmem_shared>> -> memref<32x128xf32, #tpu.memory_space<vmem_shared>>
      %dma_wait3A_291 = arith.constant 0 : i32
      %dma_wait3A_292 = tpu.memref_slice %arg35[%add3A_29, %dma_wait3A_291] : memref<10112x128xf32, #tpu.memory_space<vmem_shared>> -> memref<32x128xf32, #tpu.memory_space<vmem_shared>>
      tpu.wait_dma2 semaphore(%run_scoped3A : memref<!tpu.dma_semaphore, #tpu.memory_space<semaphore_mem>>) src(%arg22 : memref<32x128xf32, #tpu.memory_space<vmem>>) dst(%dma_wait3A_292 : memref<32x128xf32, #tpu.memory_space<vmem_shared>>)
      tpu.yield
    }) : () -> ()
    %mul3A_30 = arith.constant 632 : i32
    %mul3A_31 = arith.muli %arg1, %mul3A_30 : i32
    %add3A_32 = arith.constant 192 : i32
    %add3A_33 = arith.addi %mul3A_31, %add3A_32 : i32
    "tpu.region"() ({
      %run_scoped3A = tpu.sem_alloc : memref<!tpu.dma_semaphore, #tpu.memory_space<semaphore_mem>>
      %dma_start3A_285 = arith.constant 0 : i32
      %dma_start3A_286 = tpu.memref_slice %arg35[%add3A_33, %dma_start3A_285] : memref<10112x128xf32, #tpu.memory_space<vmem_shared>> -> memref<32x128xf32, #tpu.memory_space<vmem_shared>>
      %dma_start3A_287 = arith.constant 0 : i32
      %dma_start3A_288 = tpu.memref_slice %arg35[%add3A_33, %dma_start3A_287] : memref<10112x128xf32, #tpu.memory_space<vmem_shared>> -> memref<32x128xf32, #tpu.memory_space<vmem_shared>>
      tpu.enqueue_dma source(%arg22 : memref<32x128xf32, #tpu.memory_space<vmem>>) target(%dma_start3A_288 : memref<32x128xf32, #tpu.memory_space<vmem_shared>>) target_semaphore(%run_scoped3A : memref<!tpu.dma_semaphore, #tpu.memory_space<semaphore_mem>>)
      %dma_wait3A_289 = arith.constant 0 : i32
      %dma_wait3A_290 = tpu.memref_slice %arg35[%add3A_33, %dma_wait3A_289] : memref<10112x128xf32, #tpu.memory_space<vmem_shared>> -> memref<32x128xf32, #tpu.memory_space<vmem_shared>>
      %dma_wait3A_291 = arith.constant 0 : i32
      %dma_wait3A_292 = tpu.memref_slice %arg35[%add3A_33, %dma_wait3A_291] : memref<10112x128xf32, #tpu.memory_space<vmem_shared>> -> memref<32x128xf32, #tpu.memory_space<vmem_shared>>
      tpu.wait_dma2 semaphore(%run_scoped3A : memref<!tpu.dma_semaphore, #tpu.memory_space<semaphore_mem>>) src(%arg22 : memref<32x128xf32, #tpu.memory_space<vmem>>) dst(%dma_wait3A_292 : memref<32x128xf32, #tpu.memory_space<vmem_shared>>)
      tpu.yield
    }) : () -> ()
    %mul3A_34 = arith.constant 632 : i32
    %mul3A_35 = arith.muli %arg1, %mul3A_34 : i32
    %add3A_36 = arith.constant 224 : i32
    %add3A_37 = arith.addi %mul3A_35, %add3A_36 : i32
    "tpu.region"() ({
      %run_scoped3A = tpu.sem_alloc : memref<!tpu.dma_semaphore, #tpu.memory_space<semaphore_mem>>
      %dma_start3A_285 = arith.constant 0 : i32
      %dma_start3A_286 = tpu.memref_slice %arg35[%add3A_37, %dma_start3A_285] : memref<10112x128xf32, #tpu.memory_space<vmem_shared>> -> memref<32x128xf32, #tpu.memory_space<vmem_shared>>
      %dma_start3A_287 = arith.constant 0 : i32
      %dma_start3A_288 = tpu.memref_slice %arg35[%add3A_37, %dma_start3A_287] : memref<10112x128xf32, #tpu.memory_space<vmem_shared>> -> memref<32x128xf32, #tpu.memory_space<vmem_shared>>
      tpu.enqueue_dma source(%arg22 : memref<32x128xf32, #tpu.memory_space<vmem>>) target(%dma_start3A_288 : memref<32x128xf32, #tpu.memory_space<vmem_shared>>) target_semaphore(%run_scoped3A : memref<!tpu.dma_semaphore, #tpu.memory_space<semaphore_mem>>)
      %dma_wait3A_289 = arith.constant 0 : i32
      %dma_wait3A_290 = tpu.memref_slice %arg35[%add3A_37, %dma_wait3A_289] : memref<10112x128xf32, #tpu.memory_space<vmem_shared>> -> memref<32x128xf32, #tpu.memory_space<vmem_shared>>
      %dma_wait3A_291 = arith.constant 0 : i32
      %dma_wait3A_292 = tpu.memref_slice %arg35[%add3A_37, %dma_wait3A_291] : memref<10112x128xf32, #tpu.memory_space<vmem_shared>> -> memref<32x128xf32, #tpu.memory_space<vmem_shared>>
      tpu.wait_dma2 semaphore(%run_scoped3A : memref<!tpu.dma_semaphore, #tpu.memory_space<semaphore_mem>>) src(%arg22 : memref<32x128xf32, #tpu.memory_space<vmem>>) dst(%dma_wait3A_292 : memref<32x128xf32, #tpu.memory_space<vmem_shared>>)
      tpu.yield
    }) : () -> ()
    %mul3A_38 = arith.constant 632 : i32
    %mul3A_39 = arith.muli %arg1, %mul3A_38 : i32
    %add3A_40 = arith.constant 256 : i32
    %add3A_41 = arith.addi %mul3A_39, %add3A_40 : i32
    "tpu.region"() ({
      %run_scoped3A = tpu.sem_alloc : memref<!tpu.dma_semaphore, #tpu.memory_space<semaphore_mem>>
      %dma_start3A_285 = arith.constant 0 : i32
      %dma_start3A_286 = tpu.memref_slice %arg35[%add3A_41, %dma_start3A_285] : memref<10112x128xf32, #tpu.memory_space<vmem_shared>> -> memref<32x128xf32, #tpu.memory_space<vmem_shared>>
      %dma_start3A_287 = arith.constant 0 : i32
      %dma_start3A_288 = tpu.memref_slice %arg35[%add3A_41, %dma_start3A_287] : memref<10112x128xf32, #tpu.memory_space<vmem_shared>> -> memref<32x128xf32, #tpu.memory_space<vmem_shared>>
      tpu.enqueue_dma source(%arg22 : memref<32x128xf32, #tpu.memory_space<vmem>>) target(%dma_start3A_288 : memref<32x128xf32, #tpu.memory_space<vmem_shared>>) target_semaphore(%run_scoped3A : memref<!tpu.dma_semaphore, #tpu.memory_space<semaphore_mem>>)
      %dma_wait3A_289 = arith.constant 0 : i32
      %dma_wait3A_290 = tpu.memref_slice %arg35[%add3A_41, %dma_wait3A_289] : memref<10112x128xf32, #tpu.memory_space<vmem_shared>> -> memref<32x128xf32, #tpu.memory_space<vmem_shared>>
      %dma_wait3A_291 = arith.constant 0 : i32
      %dma_wait3A_292 = tpu.memref_slice %arg35[%add3A_41, %dma_wait3A_291] : memref<10112x128xf32, #tpu.memory_space<vmem_shared>> -> memref<32x128xf32, #tpu.memory_space<vmem_shared>>
      tpu.wait_dma2 semaphore(%run_scoped3A : memref<!tpu.dma_semaphore, #tpu.memory_space<semaphore_mem>>) src(%arg22 : memref<32x128xf32, #tpu.memory_space<vmem>>) dst(%dma_wait3A_292 : memref<32x128xf32, #tpu.memory_space<vmem_shared>>)
      tpu.yield
    }) : () -> ()
    %mul3A_42 = arith.constant 632 : i32
    %mul3A_43 = arith.muli %arg1, %mul3A_42 : i32
    %add3A_44 = arith.constant 288 : i32
    %add3A_45 = arith.addi %mul3A_43, %add3A_44 : i32
    "tpu.region"() ({
      %run_scoped3A = tpu.sem_alloc : memref<!tpu.dma_semaphore, #tpu.memory_space<semaphore_mem>>
      %dma_start3A_285 = arith.constant 0 : i32
      %dma_start3A_286 = tpu.memref_slice %arg35[%add3A_45, %dma_start3A_285] : memref<10112x128xf32, #tpu.memory_space<vmem_shared>> -> memref<32x128xf32, #tpu.memory_space<vmem_shared>>
      %dma_start3A_287 = arith.constant 0 : i32
      %dma_start3A_288 = tpu.memref_slice %arg35[%add3A_45, %dma_start3A_287] : memref<10112x128xf32, #tpu.memory_space<vmem_shared>> -> memref<32x128xf32, #tpu.memory_space<vmem_shared>>
      tpu.enqueue_dma source(%arg22 : memref<32x128xf32, #tpu.memory_space<vmem>>) target(%dma_start3A_288 : memref<32x128xf32, #tpu.memory_space<vmem_shared>>) target_semaphore(%run_scoped3A : memref<!tpu.dma_semaphore, #tpu.memory_space<semaphore_mem>>)
      %dma_wait3A_289 = arith.constant 0 : i32
      %dma_wait3A_290 = tpu.memref_slice %arg35[%add3A_45, %dma_wait3A_289] : memref<10112x128xf32, #tpu.memory_space<vmem_shared>> -> memref<32x128xf32, #tpu.memory_space<vmem_shared>>
      %dma_wait3A_291 = arith.constant 0 : i32
      %dma_wait3A_292 = tpu.memref_slice %arg35[%add3A_45, %dma_wait3A_291] : memref<10112x128xf32, #tpu.memory_space<vmem_shared>> -> memref<32x128xf32, #tpu.memory_space<vmem_shared>>
      tpu.wait_dma2 semaphore(%run_scoped3A : memref<!tpu.dma_semaphore, #tpu.memory_space<semaphore_mem>>) src(%arg22 : memref<32x128xf32, #tpu.memory_space<vmem>>) dst(%dma_wait3A_292 : memref<32x128xf32, #tpu.memory_space<vmem_shared>>)
      tpu.yield
    }) : () -> ()
    %mul3A_46 = arith.constant 632 : i32
    %mul3A_47 = arith.muli %arg1, %mul3A_46 : i32
    %add3A_48 = arith.constant 320 : i32
    %add3A_49 = arith.addi %mul3A_47, %add3A_48 : i32
    "tpu.region"() ({
      %run_scoped3A = tpu.sem_alloc : memref<!tpu.dma_semaphore, #tpu.memory_space<semaphore_mem>>
      %dma_start3A_285 = arith.constant 0 : i32
      %dma_start3A_286 = tpu.memref_slice %arg35[%add3A_49, %dma_start3A_285] : memref<10112x128xf32, #tpu.memory_space<vmem_shared>> -> memref<32x128xf32, #tpu.memory_space<vmem_shared>>
      %dma_start3A_287 = arith.constant 0 : i32
      %dma_start3A_288 = tpu.memref_slice %arg35[%add3A_49, %dma_start3A_287] : memref<10112x128xf32, #tpu.memory_space<vmem_shared>> -> memref<32x128xf32, #tpu.memory_space<vmem_shared>>
      tpu.enqueue_dma source(%arg22 : memref<32x128xf32, #tpu.memory_space<vmem>>) target(%dma_start3A_288 : memref<32x128xf32, #tpu.memory_space<vmem_shared>>) target_semaphore(%run_scoped3A : memref<!tpu.dma_semaphore, #tpu.memory_space<semaphore_mem>>)
      %dma_wait3A_289 = arith.constant 0 : i32
      %dma_wait3A_290 = tpu.memref_slice %arg35[%add3A_49, %dma_wait3A_289] : memref<10112x128xf32, #tpu.memory_space<vmem_shared>> -> memref<32x128xf32, #tpu.memory_space<vmem_shared>>
      %dma_wait3A_291 = arith.constant 0 : i32
      %dma_wait3A_292 = tpu.memref_slice %arg35[%add3A_49, %dma_wait3A_291] : memref<10112x128xf32, #tpu.memory_space<vmem_shared>> -> memref<32x128xf32, #tpu.memory_space<vmem_shared>>
      tpu.wait_dma2 semaphore(%run_scoped3A : memref<!tpu.dma_semaphore, #tpu.memory_space<semaphore_mem>>) src(%arg22 : memref<32x128xf32, #tpu.memory_space<vmem>>) dst(%dma_wait3A_292 : memref<32x128xf32, #tpu.memory_space<vmem_shared>>)
      tpu.yield
    }) : () -> ()
    %mul3A_50 = arith.constant 632 : i32
    %mul3A_51 = arith.muli %arg1, %mul3A_50 : i32
    %add3A_52 = arith.constant 352 : i32
    %add3A_53 = arith.addi %mul3A_51, %add3A_52 : i32
    "tpu.region"() ({
      %run_scoped3A = tpu.sem_alloc : memref<!tpu.dma_semaphore, #tpu.memory_space<semaphore_mem>>
      %dma_start3A_285 = arith.constant 0 : i32
      %dma_start3A_286 = tpu.memref_slice %arg35[%add3A_53, %dma_start3A_285] : memref<10112x128xf32, #tpu.memory_space<vmem_shared>> -> memref<32x128xf32, #tpu.memory_space<vmem_shared>>
      %dma_start3A_287 = arith.constant 0 : i32
      %dma_start3A_288 = tpu.memref_slice %arg35[%add3A_53, %dma_start3A_287] : memref<10112x128xf32, #tpu.memory_space<vmem_shared>> -> memref<32x128xf32, #tpu.memory_space<vmem_shared>>
      tpu.enqueue_dma source(%arg22 : memref<32x128xf32, #tpu.memory_space<vmem>>) target(%dma_start3A_288 : memref<32x128xf32, #tpu.memory_space<vmem_shared>>) target_semaphore(%run_scoped3A : memref<!tpu.dma_semaphore, #tpu.memory_space<semaphore_mem>>)
      %dma_wait3A_289 = arith.constant 0 : i32
      %dma_wait3A_290 = tpu.memref_slice %arg35[%add3A_53, %dma_wait3A_289] : memref<10112x128xf32, #tpu.memory_space<vmem_shared>> -> memref<32x128xf32, #tpu.memory_space<vmem_shared>>
      %dma_wait3A_291 = arith.constant 0 : i32
      %dma_wait3A_292 = tpu.memref_slice %arg35[%add3A_53, %dma_wait3A_291] : memref<10112x128xf32, #tpu.memory_space<vmem_shared>> -> memref<32x128xf32, #tpu.memory_space<vmem_shared>>
      tpu.wait_dma2 semaphore(%run_scoped3A : memref<!tpu.dma_semaphore, #tpu.memory_space<semaphore_mem>>) src(%arg22 : memref<32x128xf32, #tpu.memory_space<vmem>>) dst(%dma_wait3A_292 : memref<32x128xf32, #tpu.memory_space<vmem_shared>>)
      tpu.yield
    }) : () -> ()
    %mul3A_54 = arith.constant 632 : i32
    %mul3A_55 = arith.muli %arg1, %mul3A_54 : i32
    %add3A_56 = arith.constant 384 : i32
    %add3A_57 = arith.addi %mul3A_55, %add3A_56 : i32
    "tpu.region"() ({
      %run_scoped3A = tpu.sem_alloc : memref<!tpu.dma_semaphore, #tpu.memory_space<semaphore_mem>>
      %dma_start3A_285 = arith.constant 0 : i32
      %dma_start3A_286 = tpu.memref_slice %arg35[%add3A_57, %dma_start3A_285] : memref<10112x128xf32, #tpu.memory_space<vmem_shared>> -> memref<32x128xf32, #tpu.memory_space<vmem_shared>>
      %dma_start3A_287 = arith.constant 0 : i32
      %dma_start3A_288 = tpu.memref_slice %arg35[%add3A_57, %dma_start3A_287] : memref<10112x128xf32, #tpu.memory_space<vmem_shared>> -> memref<32x128xf32, #tpu.memory_space<vmem_shared>>
      tpu.enqueue_dma source(%arg22 : memref<32x128xf32, #tpu.memory_space<vmem>>) target(%dma_start3A_288 : memref<32x128xf32, #tpu.memory_space<vmem_shared>>) target_semaphore(%run_scoped3A : memref<!tpu.dma_semaphore, #tpu.memory_space<semaphore_mem>>)
      %dma_wait3A_289 = arith.constant 0 : i32
      %dma_wait3A_290 = tpu.memref_slice %arg35[%add3A_57, %dma_wait3A_289] : memref<10112x128xf32, #tpu.memory_space<vmem_shared>> -> memref<32x128xf32, #tpu.memory_space<vmem_shared>>
      %dma_wait3A_291 = arith.constant 0 : i32
      %dma_wait3A_292 = tpu.memref_slice %arg35[%add3A_57, %dma_wait3A_291] : memref<10112x128xf32, #tpu.memory_space<vmem_shared>> -> memref<32x128xf32, #tpu.memory_space<vmem_shared>>
      tpu.wait_dma2 semaphore(%run_scoped3A : memref<!tpu.dma_semaphore, #tpu.memory_space<semaphore_mem>>) src(%arg22 : memref<32x128xf32, #tpu.memory_space<vmem>>) dst(%dma_wait3A_292 : memref<32x128xf32, #tpu.memory_space<vmem_shared>>)
      tpu.yield
    }) : () -> ()
    %mul3A_58 = arith.constant 632 : i32
    %mul3A_59 = arith.muli %arg1, %mul3A_58 : i32
    %add3A_60 = arith.constant 416 : i32
    %add3A_61 = arith.addi %mul3A_59, %add3A_60 : i32
    "tpu.region"() ({
      %run_scoped3A = tpu.sem_alloc : memref<!tpu.dma_semaphore, #tpu.memory_space<semaphore_mem>>
      %dma_start3A_285 = arith.constant 0 : i32
      %dma_start3A_286 = tpu.memref_slice %arg35[%add3A_61, %dma_start3A_285] : memref<10112x128xf32, #tpu.memory_space<vmem_shared>> -> memref<32x128xf32, #tpu.memory_space<vmem_shared>>
      %dma_start3A_287 = arith.constant 0 : i32
      %dma_start3A_288 = tpu.memref_slice %arg35[%add3A_61, %dma_start3A_287] : memref<10112x128xf32, #tpu.memory_space<vmem_shared>> -> memref<32x128xf32, #tpu.memory_space<vmem_shared>>
      tpu.enqueue_dma source(%arg22 : memref<32x128xf32, #tpu.memory_space<vmem>>) target(%dma_start3A_288 : memref<32x128xf32, #tpu.memory_space<vmem_shared>>) target_semaphore(%run_scoped3A : memref<!tpu.dma_semaphore, #tpu.memory_space<semaphore_mem>>)
      %dma_wait3A_289 = arith.constant 0 : i32
      %dma_wait3A_290 = tpu.memref_slice %arg35[%add3A_61, %dma_wait3A_289] : memref<10112x128xf32, #tpu.memory_space<vmem_shared>> -> memref<32x128xf32, #tpu.memory_space<vmem_shared>>
      %dma_wait3A_291 = arith.constant 0 : i32
      %dma_wait3A_292 = tpu.memref_slice %arg35[%add3A_61, %dma_wait3A_291] : memref<10112x128xf32, #tpu.memory_space<vmem_shared>> -> memref<32x128xf32, #tpu.memory_space<vmem_shared>>
      tpu.wait_dma2 semaphore(%run_scoped3A : memref<!tpu.dma_semaphore, #tpu.memory_space<semaphore_mem>>) src(%arg22 : memref<32x128xf32, #tpu.memory_space<vmem>>) dst(%dma_wait3A_292 : memref<32x128xf32, #tpu.memory_space<vmem_shared>>)
      tpu.yield
    }) : () -> ()
    %mul3A_62 = arith.constant 632 : i32
    %mul3A_63 = arith.muli %arg1, %mul3A_62 : i32
    %add3A_64 = arith.constant 448 : i32
    %add3A_65 = arith.addi %mul3A_63, %add3A_64 : i32
    "tpu.region"() ({
      %run_scoped3A = tpu.sem_alloc : memref<!tpu.dma_semaphore, #tpu.memory_space<semaphore_mem>>
      %dma_start3A_285 = arith.constant 0 : i32
      %dma_start3A_286 = tpu.memref_slice %arg35[%add3A_65, %dma_start3A_285] : memref<10112x128xf32, #tpu.memory_space<vmem_shared>> -> memref<32x128xf32, #tpu.memory_space<vmem_shared>>
      %dma_start3A_287 = arith.constant 0 : i32
      %dma_start3A_288 = tpu.memref_slice %arg35[%add3A_65, %dma_start3A_287] : memref<10112x128xf32, #tpu.memory_space<vmem_shared>> -> memref<32x128xf32, #tpu.memory_space<vmem_shared>>
      tpu.enqueue_dma source(%arg22 : memref<32x128xf32, #tpu.memory_space<vmem>>) target(%dma_start3A_288 : memref<32x128xf32, #tpu.memory_space<vmem_shared>>) target_semaphore(%run_scoped3A : memref<!tpu.dma_semaphore, #tpu.memory_space<semaphore_mem>>)
      %dma_wait3A_289 = arith.constant 0 : i32
      %dma_wait3A_290 = tpu.memref_slice %arg35[%add3A_65, %dma_wait3A_289] : memref<10112x128xf32, #tpu.memory_space<vmem_shared>> -> memref<32x128xf32, #tpu.memory_space<vmem_shared>>
      %dma_wait3A_291 = arith.constant 0 : i32
      %dma_wait3A_292 = tpu.memref_slice %arg35[%add3A_65, %dma_wait3A_291] : memref<10112x128xf32, #tpu.memory_space<vmem_shared>> -> memref<32x128xf32, #tpu.memory_space<vmem_shared>>
      tpu.wait_dma2 semaphore(%run_scoped3A : memref<!tpu.dma_semaphore, #tpu.memory_space<semaphore_mem>>) src(%arg22 : memref<32x128xf32, #tpu.memory_space<vmem>>) dst(%dma_wait3A_292 : memref<32x128xf32, #tpu.memory_space<vmem_shared>>)
      tpu.yield
    }) : () -> ()
    %mul3A_66 = arith.constant 632 : i32
    %mul3A_67 = arith.muli %arg1, %mul3A_66 : i32
    %add3A_68 = arith.constant 480 : i32
    %add3A_69 = arith.addi %mul3A_67, %add3A_68 : i32
    "tpu.region"() ({
      %run_scoped3A = tpu.sem_alloc : memref<!tpu.dma_semaphore, #tpu.memory_space<semaphore_mem>>
      %dma_start3A_285 = arith.constant 0 : i32
      %dma_start3A_286 = tpu.memref_slice %arg35[%add3A_69, %dma_start3A_285] : memref<10112x128xf32, #tpu.memory_space<vmem_shared>> -> memref<32x128xf32, #tpu.memory_space<vmem_shared>>
      %dma_start3A_287 = arith.constant 0 : i32
      %dma_start3A_288 = tpu.memref_slice %arg35[%add3A_69, %dma_start3A_287] : memref<10112x128xf32, #tpu.memory_space<vmem_shared>> -> memref<32x128xf32, #tpu.memory_space<vmem_shared>>
      tpu.enqueue_dma source(%arg22 : memref<32x128xf32, #tpu.memory_space<vmem>>) target(%dma_start3A_288 : memref<32x128xf32, #tpu.memory_space<vmem_shared>>) target_semaphore(%run_scoped3A : memref<!tpu.dma_semaphore, #tpu.memory_space<semaphore_mem>>)
      %dma_wait3A_289 = arith.constant 0 : i32
      %dma_wait3A_290 = tpu.memref_slice %arg35[%add3A_69, %dma_wait3A_289] : memref<10112x128xf32, #tpu.memory_space<vmem_shared>> -> memref<32x128xf32, #tpu.memory_space<vmem_shared>>
      %dma_wait3A_291 = arith.constant 0 : i32
      %dma_wait3A_292 = tpu.memref_slice %arg35[%add3A_69, %dma_wait3A_291] : memref<10112x128xf32, #tpu.memory_space<vmem_shared>> -> memref<32x128xf32, #tpu.memory_space<vmem_shared>>
      tpu.wait_dma2 semaphore(%run_scoped3A : memref<!tpu.dma_semaphore, #tpu.memory_space<semaphore_mem>>) src(%arg22 : memref<32x128xf32, #tpu.memory_space<vmem>>) dst(%dma_wait3A_292 : memref<32x128xf32, #tpu.memory_space<vmem_shared>>)
      tpu.yield
    }) : () -> ()
    %mul3A_70 = arith.constant 632 : i32
    %mul3A_71 = arith.muli %arg1, %mul3A_70 : i32
    %add3A_72 = arith.constant 512 : i32
    %add3A_73 = arith.addi %mul3A_71, %add3A_72 : i32
    "tpu.region"() ({
      %run_scoped3A = tpu.sem_alloc : memref<!tpu.dma_semaphore, #tpu.memory_space<semaphore_mem>>
      %dma_start3A_285 = arith.constant 0 : i32
      %dma_start3A_286 = tpu.memref_slice %arg35[%add3A_73, %dma_start3A_285] : memref<10112x128xf32, #tpu.memory_space<vmem_shared>> -> memref<32x128xf32, #tpu.memory_space<vmem_shared>>
      %dma_start3A_287 = arith.constant 0 : i32
      %dma_start3A_288 = tpu.memref_slice %arg35[%add3A_73, %dma_start3A_287] : memref<10112x128xf32, #tpu.memory_space<vmem_shared>> -> memref<32x128xf32, #tpu.memory_space<vmem_shared>>
      tpu.enqueue_dma source(%arg22 : memref<32x128xf32, #tpu.memory_space<vmem>>) target(%dma_start3A_288 : memref<32x128xf32, #tpu.memory_space<vmem_shared>>) target_semaphore(%run_scoped3A : memref<!tpu.dma_semaphore, #tpu.memory_space<semaphore_mem>>)
      %dma_wait3A_289 = arith.constant 0 : i32
      %dma_wait3A_290 = tpu.memref_slice %arg35[%add3A_73, %dma_wait3A_289] : memref<10112x128xf32, #tpu.memory_space<vmem_shared>> -> memref<32x128xf32, #tpu.memory_space<vmem_shared>>
      %dma_wait3A_291 = arith.constant 0 : i32
      %dma_wait3A_292 = tpu.memref_slice %arg35[%add3A_73, %dma_wait3A_291] : memref<10112x128xf32, #tpu.memory_space<vmem_shared>> -> memref<32x128xf32, #tpu.memory_space<vmem_shared>>
      tpu.wait_dma2 semaphore(%run_scoped3A : memref<!tpu.dma_semaphore, #tpu.memory_space<semaphore_mem>>) src(%arg22 : memref<32x128xf32, #tpu.memory_space<vmem>>) dst(%dma_wait3A_292 : memref<32x128xf32, #tpu.memory_space<vmem_shared>>)
      tpu.yield
    }) : () -> ()
    %mul3A_74 = arith.constant 632 : i32
    %mul3A_75 = arith.muli %arg1, %mul3A_74 : i32
    %add3A_76 = arith.constant 544 : i32
    %add3A_77 = arith.addi %mul3A_75, %add3A_76 : i32
    "tpu.region"() ({
      %run_scoped3A = tpu.sem_alloc : memref<!tpu.dma_semaphore, #tpu.memory_space<semaphore_mem>>
      %dma_start3A_285 = arith.constant 0 : i32
      %dma_start3A_286 = tpu.memref_slice %arg35[%add3A_77, %dma_start3A_285] : memref<10112x128xf32, #tpu.memory_space<vmem_shared>> -> memref<32x128xf32, #tpu.memory_space<vmem_shared>>
      %dma_start3A_287 = arith.constant 0 : i32
      %dma_start3A_288 = tpu.memref_slice %arg35[%add3A_77, %dma_start3A_287] : memref<10112x128xf32, #tpu.memory_space<vmem_shared>> -> memref<32x128xf32, #tpu.memory_space<vmem_shared>>
      tpu.enqueue_dma source(%arg22 : memref<32x128xf32, #tpu.memory_space<vmem>>) target(%dma_start3A_288 : memref<32x128xf32, #tpu.memory_space<vmem_shared>>) target_semaphore(%run_scoped3A : memref<!tpu.dma_semaphore, #tpu.memory_space<semaphore_mem>>)
      %dma_wait3A_289 = arith.constant 0 : i32
      %dma_wait3A_290 = tpu.memref_slice %arg35[%add3A_77, %dma_wait3A_289] : memref<10112x128xf32, #tpu.memory_space<vmem_shared>> -> memref<32x128xf32, #tpu.memory_space<vmem_shared>>
      %dma_wait3A_291 = arith.constant 0 : i32
      %dma_wait3A_292 = tpu.memref_slice %arg35[%add3A_77, %dma_wait3A_291] : memref<10112x128xf32, #tpu.memory_space<vmem_shared>> -> memref<32x128xf32, #tpu.memory_space<vmem_shared>>
      tpu.wait_dma2 semaphore(%run_scoped3A : memref<!tpu.dma_semaphore, #tpu.memory_space<semaphore_mem>>) src(%arg22 : memref<32x128xf32, #tpu.memory_space<vmem>>) dst(%dma_wait3A_292 : memref<32x128xf32, #tpu.memory_space<vmem_shared>>)
      tpu.yield
    }) : () -> ()
    %mul3A_78 = arith.constant 632 : i32
    %mul3A_79 = arith.muli %arg1, %mul3A_78 : i32
    %add3A_80 = arith.constant 576 : i32
    %add3A_81 = arith.addi %mul3A_79, %add3A_80 : i32
    "tpu.region"() ({
      %run_scoped3A = tpu.sem_alloc : memref<!tpu.dma_semaphore, #tpu.memory_space<semaphore_mem>>
      %dma_start3A_285 = arith.constant 0 : i32
      %dma_start3A_286 = tpu.memref_slice %arg35[%add3A_81, %dma_start3A_285] : memref<10112x128xf32, #tpu.memory_space<vmem_shared>> -> memref<32x128xf32, #tpu.memory_space<vmem_shared>>
      %dma_start3A_287 = arith.constant 0 : i32
      %dma_start3A_288 = tpu.memref_slice %arg35[%add3A_81, %dma_start3A_287] : memref<10112x128xf32, #tpu.memory_space<vmem_shared>> -> memref<32x128xf32, #tpu.memory_space<vmem_shared>>
      tpu.enqueue_dma source(%arg22 : memref<32x128xf32, #tpu.memory_space<vmem>>) target(%dma_start3A_288 : memref<32x128xf32, #tpu.memory_space<vmem_shared>>) target_semaphore(%run_scoped3A : memref<!tpu.dma_semaphore, #tpu.memory_space<semaphore_mem>>)
      %dma_wait3A_289 = arith.constant 0 : i32
      %dma_wait3A_290 = tpu.memref_slice %arg35[%add3A_81, %dma_wait3A_289] : memref<10112x128xf32, #tpu.memory_space<vmem_shared>> -> memref<32x128xf32, #tpu.memory_space<vmem_shared>>
      %dma_wait3A_291 = arith.constant 0 : i32
      %dma_wait3A_292 = tpu.memref_slice %arg35[%add3A_81, %dma_wait3A_291] : memref<10112x128xf32, #tpu.memory_space<vmem_shared>> -> memref<32x128xf32, #tpu.memory_space<vmem_shared>>
      tpu.wait_dma2 semaphore(%run_scoped3A : memref<!tpu.dma_semaphore, #tpu.memory_space<semaphore_mem>>) src(%arg22 : memref<32x128xf32, #tpu.memory_space<vmem>>) dst(%dma_wait3A_292 : memref<32x128xf32, #tpu.memory_space<vmem_shared>>)
      tpu.yield
    }) : () -> ()
    %mul3A_82 = arith.constant 632 : i32
    %mul3A_83 = arith.muli %arg1, %mul3A_82 : i32
    %add3A_84 = arith.constant 632 : i32
    %add3A_85 = arith.addi %mul3A_83, %add3A_84 : i32
    %sub3A = arith.constant 24 : i32
    %sub3A_86 = arith.subi %add3A_85, %sub3A : i32
    "tpu.region"() ({
      %run_scoped3A = tpu.sem_alloc : memref<!tpu.dma_semaphore, #tpu.memory_space<semaphore_mem>>
      %dma_start3A_285 = arith.constant 0 : i32
      %dma_start3A_286 = arith.constant 0 : i32
      %dma_start3A_287 = tpu.memref_slice %arg22[%dma_start3A_285, %dma_start3A_286] : memref<32x128xf32, #tpu.memory_space<vmem>> -> memref<24x128xf32, #tpu.memory_space<vmem>>
      %dma_start3A_288 = arith.constant 0 : i32
      %dma_start3A_289 = tpu.memref_slice %arg35[%sub3A_86, %dma_start3A_288] : memref<10112x128xf32, #tpu.memory_space<vmem_shared>> -> memref<24x128xf32, #tpu.memory_space<vmem_shared>>
      %dma_start3A_290 = arith.constant 0 : i32
      %dma_start3A_291 = tpu.memref_slice %arg35[%sub3A_86, %dma_start3A_290] : memref<10112x128xf32, #tpu.memory_space<vmem_shared>> -> memref<24x128xf32, #tpu.memory_space<vmem_shared>>
      %dma_start3A_292 = arith.constant 0 : i32
      %dma_start3A_293 = arith.constant 0 : i32
      %dma_start3A_294 = tpu.memref_slice %arg22[%dma_start3A_292, %dma_start3A_293] : memref<32x128xf32, #tpu.memory_space<vmem>> -> memref<24x128xf32, #tpu.memory_space<vmem>>
      tpu.enqueue_dma source(%dma_start3A_294 : memref<24x128xf32, #tpu.memory_space<vmem>>) target(%dma_start3A_291 : memref<24x128xf32, #tpu.memory_space<vmem_shared>>) target_semaphore(%run_scoped3A : memref<!tpu.dma_semaphore, #tpu.memory_space<semaphore_mem>>)
      %dma_wait3A_295 = arith.constant 0 : i32
      %dma_wait3A_296 = arith.constant 0 : i32
      %dma_wait3A_297 = tpu.memref_slice %arg22[%dma_wait3A_295, %dma_wait3A_296] : memref<32x128xf32, #tpu.memory_space<vmem>> -> memref<24x128xf32, #tpu.memory_space<vmem>>
      %dma_wait3A_298 = arith.constant 0 : i32
      %dma_wait3A_299 = tpu.memref_slice %arg35[%sub3A_86, %dma_wait3A_298] : memref<10112x128xf32, #tpu.memory_space<vmem_shared>> -> memref<24x128xf32, #tpu.memory_space<vmem_shared>>
      %dma_wait3A_300 = arith.constant 0 : i32
      %dma_wait3A_301 = tpu.memref_slice %arg35[%sub3A_86, %dma_wait3A_300] : memref<10112x128xf32, #tpu.memory_space<vmem_shared>> -> memref<24x128xf32, #tpu.memory_space<vmem_shared>>
      %dma_wait3A_302 = arith.constant 0 : i32
      %dma_wait3A_303 = arith.constant 0 : i32
      %dma_wait3A_304 = tpu.memref_slice %arg22[%dma_wait3A_302, %dma_wait3A_303] : memref<32x128xf32, #tpu.memory_space<vmem>> -> memref<24x128xf32, #tpu.memory_space<vmem>>
      tpu.wait_dma2 semaphore(%run_scoped3A : memref<!tpu.dma_semaphore, #tpu.memory_space<semaphore_mem>>) src(%dma_wait3A_304 : memref<24x128xf32, #tpu.memory_space<vmem>>) dst(%dma_wait3A_301 : memref<24x128xf32, #tpu.memory_space<vmem_shared>>)
      tpu.yield
    }) : () -> ()
    %barrier3A = arith.constant 0 : index
    tpu.barrier barrier_id(%barrier3A)
    %get3A = arith.constant 0 : index
    %get3A_87 = tpu.vector_load %arg34[%get3A] {strides = array<i32>} : memref<16xi32, #tpu.memory_space<vmem>>, vector<16xi32>,
    %get3A_88 = arith.constant 0 : index
    %get3A_89 = tpu.vector_load %arg33[%get3A_88] {strides = array<i32>} : memref<16xf32, #tpu.memory_space<vmem>>, vector<16xf32>,
    %add3A_90 = arith.constant 0 : i32
    %add3A_91 = arith.addi %add3A_90, %add3A : i32
    %mul3A_92 = arith.constant 32 : i32
    %mul3A_93 = arith.muli %add3A_91, %mul3A_92 : i32
    "tpu.region"() ({
      %run_scoped3A = tpu.sem_alloc : memref<!tpu.dma_semaphore, #tpu.memory_space<semaphore_mem>>
      %dma_start3A_285 = arith.constant 0 : i32
      %dma_start3A_286 = tpu.memref_slice %arg2[%mul3A_93, %dma_start3A_285] : memref<323584x8xi32, #tpu.memory_space<hbm>> -> memref<32x8xi32, #tpu.memory_space<hbm>>
      %dma_start3A_287 = arith.constant 0 : i32
      %dma_start3A_288 = tpu.memref_slice %arg2[%mul3A_93, %dma_start3A_287] : memref<323584x8xi32, #tpu.memory_space<hbm>> -> memref<32x8xi32, #tpu.memory_space<hbm>>
      tpu.enqueue_dma source(%dma_start3A_288 : memref<32x8xi32, #tpu.memory_space<hbm>>) target(%arg12 : memref<32x8xi32, #tpu.memory_space<vmem>>) target_semaphore(%run_scoped3A : memref<!tpu.dma_semaphore, #tpu.memory_space<semaphore_mem>>)
      %dma_wait3A_289 = arith.constant 0 : i32
      %dma_wait3A_290 = tpu.memref_slice %arg2[%mul3A_93, %dma_wait3A_289] : memref<323584x8xi32, #tpu.memory_space<hbm>> -> memref<32x8xi32, #tpu.memory_space<hbm>>
      %dma_wait3A_291 = arith.constant 0 : i32
      %dma_wait3A_292 = tpu.memref_slice %arg2[%mul3A_93, %dma_wait3A_291] : memref<323584x8xi32, #tpu.memory_space<hbm>> -> memref<32x8xi32, #tpu.memory_space<hbm>>
      tpu.wait_dma2 semaphore(%run_scoped3A : memref<!tpu.dma_semaphore, #tpu.memory_space<semaphore_mem>>) src(%dma_wait3A_292 : memref<32x8xi32, #tpu.memory_space<hbm>>) dst(%arg12 : memref<32x8xi32, #tpu.memory_space<vmem>>)
      tpu.yield
    }) : () -> ()
    %add3A_94 = arith.constant 32 : i32
    %add3A_95 = arith.addi %add3A_94, %add3A : i32
    %mul3A_96 = arith.constant 32 : i32
    %mul3A_97 = arith.muli %add3A_95, %mul3A_96 : i32
    %dma_start3A = arith.constant 0 : i32
    %dma_start3A_98 = tpu.memref_slice %arg2[%mul3A_97, %dma_start3A] : memref<323584x8xi32, #tpu.memory_space<hbm>> -> memref<32x8xi32, #tpu.memory_space<hbm>>
    %dma_start3A_99 = arith.constant 0 : i32
    %dma_start3A_100 = tpu.memref_slice %arg2[%mul3A_97, %dma_start3A_99] : memref<323584x8xi32, #tpu.memory_space<hbm>> -> memref<32x8xi32, #tpu.memory_space<hbm>>
    tpu.enqueue_dma source(%dma_start3A_100 : memref<32x8xi32, #tpu.memory_space<hbm>>) target(%arg13 : memref<32x8xi32, #tpu.memory_space<vmem>>) target_semaphore(%arg37 : memref<!tpu.dma_semaphore, #tpu.memory_space<semaphore_mem>>)
    %iota3A = tpu.iota {dimensions = array<i32: 0>} : vector<16xi32>
    %add3A_101 = arith.constant 0 : i32
    %add3A_102 = vector.broadcast %add3A_101 : i32 to vector<16xi32>
    %add3A_103 = arith.addi %iota3A, %add3A_102 : vector<16xi32>
    %broadcast_in_dim3A = arith.constant 1 : i32
    %broadcast_in_dim3A_104 = vector.broadcast %broadcast_in_dim3A : i32 to vector<16xi32>
    %gather3A = tpu.vector_load_idx %arg12[%add3A_103, %broadcast_in_dim3A_104] : memref<32x8xi32, #tpu.memory_space<vmem>>[vector<16xi32>, vector<16xi32>], vector<16xi32>,
    %broadcast_in_dim3A_105 = arith.constant 2 : i32
    %broadcast_in_dim3A_106 = vector.broadcast %broadcast_in_dim3A_105 : i32 to vector<16xi32>
    %gather3A_107 = tpu.vector_load_idx %arg12[%add3A_103, %broadcast_in_dim3A_106] : memref<32x8xi32, #tpu.memory_space<vmem>>[vector<16xi32>, vector<16xi32>], vector<16xi32>,
    %broadcast_in_dim3A_108 = arith.constant 3 : i32
    %broadcast_in_dim3A_109 = vector.broadcast %broadcast_in_dim3A_108 : i32 to vector<16xi32>
    %gather3A_110 = tpu.vector_load_idx %arg12[%add3A_103, %broadcast_in_dim3A_109] : memref<32x8xi32, #tpu.memory_space<vmem>>[vector<16xi32>, vector<16xi32>], vector<16xi32>,
    %broadcast_in_dim3A_111 = arith.constant 4 : i32
    %broadcast_in_dim3A_112 = vector.broadcast %broadcast_in_dim3A_111 : i32 to vector<16xi32>
    %gather3A_113 = tpu.vector_load_idx %arg12[%add3A_103, %broadcast_in_dim3A_112] : memref<32x8xi32, #tpu.memory_space<vmem>>[vector<16xi32>, vector<16xi32>], vector<16xi32>,
    %broadcast_in_dim3A_114 = arith.constant 5 : i32
    %broadcast_in_dim3A_115 = vector.broadcast %broadcast_in_dim3A_114 : i32 to vector<16xi32>
    %gather3A_116 = tpu.vector_load_idx %arg12[%add3A_103, %broadcast_in_dim3A_115] : memref<32x8xi32, #tpu.memory_space<vmem>>[vector<16xi32>, vector<16xi32>], vector<16xi32>,
    %ge3A = arith.cmpi sge, %gather3A, %get3A_87 : vector<16xi32>
    %convert_element_type3A = arith.extui %ge3A : vector<16xi1> to vector<16xi32>
    %mul3A_117 = arith.constant 2 : i32
    %mul3A_118 = vector.broadcast %mul3A_117 : i32 to vector<16xi32>
    %mul3A_119 = arith.muli %mul3A_118, %convert_element_type3A : vector<16xi32>
    %ge3A_120 = arith.cmpi sge, %gather3A_110, %get3A_87 : vector<16xi32>
    %convert_element_type3A_121 = arith.extui %ge3A_120 : vector<16xi1> to vector<16xi32>
    %add3A_122 = arith.addi %mul3A_119, %convert_element_type3A_121 : vector<16xi32>
    %swap3A = arith.constant 0 : index
    %swap3A_123 = tpu.vector_load %arg14[%swap3A] {strides = array<i32>} : memref<32xi32, #tpu.memory_space<vmem>>, vector<16xi32>,
    tpu.vector_store %arg14[%swap3A], %gather3A_113 {strides = array<i32>} : memref<32xi32, #tpu.memory_space<vmem>>, vector<16xi32>,
    %swap3A_124 = arith.constant 0 : index
    %swap3A_125 = tpu.vector_load %arg16[%swap3A_124] {strides = array<i32>} : memref<32xi32, #tpu.memory_space<vmem>>, vector<16xi32>,
    tpu.vector_store %arg16[%swap3A_124], %gather3A_107 {strides = array<i32>} : memref<32xi32, #tpu.memory_space<vmem>>, vector<16xi32>,
    %swap3A_126 = arith.constant 0 : index
    %swap3A_127 = tpu.vector_load %arg18[%swap3A_126] {strides = array<i32>} : memref<32xi32, #tpu.memory_space<vmem>>, vector<16xi32>,
    tpu.vector_store %arg18[%swap3A_126], %gather3A_116 {strides = array<i32>} : memref<32xi32, #tpu.memory_space<vmem>>, vector<16xi32>,
    %swap3A_128 = arith.constant 0 : index
    %swap3A_129 = tpu.vector_load %arg20[%swap3A_128] {strides = array<i32>} : memref<32xi32, #tpu.memory_space<vmem>>, vector<16xi32>,
    tpu.vector_store %arg20[%swap3A_128], %add3A_122 {strides = array<i32>} : memref<32xi32, #tpu.memory_space<vmem>>, vector<16xi32>,
    %iota3A_130 = tpu.iota {dimensions = array<i32: 0>} : vector<16xi32>
    %add3A_131 = arith.constant 16 : i32
    %add3A_132 = vector.broadcast %add3A_131 : i32 to vector<16xi32>
    %add3A_133 = arith.addi %iota3A_130, %add3A_132 : vector<16xi32>
    %broadcast_in_dim3A_134 = arith.constant 1 : i32
    %broadcast_in_dim3A_135 = vector.broadcast %broadcast_in_dim3A_134 : i32 to vector<16xi32>
    %gather3A_136 = tpu.vector_load_idx %arg12[%add3A_133, %broadcast_in_dim3A_135] : memref<32x8xi32, #tpu.memory_space<vmem>>[vector<16xi32>, vector<16xi32>], vector<16xi32>,
    %broadcast_in_dim3A_137 = arith.constant 2 : i32
    %broadcast_in_dim3A_138 = vector.broadcast %broadcast_in_dim3A_137 : i32 to vector<16xi32>
    %gather3A_139 = tpu.vector_load_idx %arg12[%add3A_133, %broadcast_in_dim3A_138] : memref<32x8xi32, #tpu.memory_space<vmem>>[vector<16xi32>, vector<16xi32>], vector<16xi32>,
    %broadcast_in_dim3A_140 = arith.constant 3 : i32
    %broadcast_in_dim3A_141 = vector.broadcast %broadcast_in_dim3A_140 : i32 to vector<16xi32>
    %gather3A_142 = tpu.vector_load_idx %arg12[%add3A_133, %broadcast_in_dim3A_141] : memref<32x8xi32, #tpu.memory_space<vmem>>[vector<16xi32>, vector<16xi32>], vector<16xi32>,
    %broadcast_in_dim3A_143 = arith.constant 4 : i32
    %broadcast_in_dim3A_144 = vector.broadcast %broadcast_in_dim3A_143 : i32 to vector<16xi32>
    %gather3A_145 = tpu.vector_load_idx %arg12[%add3A_133, %broadcast_in_dim3A_144] : memref<32x8xi32, #tpu.memory_space<vmem>>[vector<16xi32>, vector<16xi32>], vector<16xi32>,
    %broadcast_in_dim3A_146 = arith.constant 5 : i32
    %broadcast_in_dim3A_147 = vector.broadcast %broadcast_in_dim3A_146 : i32 to vector<16xi32>
    %gather3A_148 = tpu.vector_load_idx %arg12[%add3A_133, %broadcast_in_dim3A_147] : memref<32x8xi32, #tpu.memory_space<vmem>>[vector<16xi32>, vector<16xi32>], vector<16xi32>,
    %ge3A_149 = arith.cmpi sge, %gather3A_136, %get3A_87 : vector<16xi32>
    %convert_element_type3A_150 = arith.extui %ge3A_149 : vector<16xi1> to vector<16xi32>
    %mul3A_151 = arith.constant 2 : i32
    %mul3A_152 = vector.broadcast %mul3A_151 : i32 to vector<16xi32>
    %mul3A_153 = arith.muli %mul3A_152, %convert_element_type3A_150 : vector<16xi32>
    %ge3A_154 = arith.cmpi sge, %gather3A_142, %get3A_87 : vector<16xi32>
    %convert_element_type3A_155 = arith.extui %ge3A_154 : vector<16xi1> to vector<16xi32>
    %add3A_156 = arith.addi %mul3A_153, %convert_element_type3A_155 : vector<16xi32>
    %swap3A_157 = arith.constant 16 : index
    %swap3A_158 = tpu.vector_load %arg14[%swap3A_157] {strides = array<i32>} : memref<32xi32, #tpu.memory_space<vmem>>, vector<16xi32>,
    tpu.vector_store %arg14[%swap3A_157], %gather3A_145 {strides = array<i32>} : memref<32xi32, #tpu.memory_space<vmem>>, vector<16xi32>,
    %swap3A_159 = arith.constant 16 : index
    %swap3A_160 = tpu.vector_load %arg16[%swap3A_159] {strides = array<i32>} : memref<32xi32, #tpu.memory_space<vmem>>, vector<16xi32>,
    tpu.vector_store %arg16[%swap3A_159], %gather3A_139 {strides = array<i32>} : memref<32xi32, #tpu.memory_space<vmem>>, vector<16xi32>,
    %swap3A_161 = arith.constant 16 : index
    %swap3A_162 = tpu.vector_load %arg18[%swap3A_161] {strides = array<i32>} : memref<32xi32, #tpu.memory_space<vmem>>, vector<16xi32>,
    tpu.vector_store %arg18[%swap3A_161], %gather3A_148 {strides = array<i32>} : memref<32xi32, #tpu.memory_space<vmem>>, vector<16xi32>,
    %swap3A_163 = arith.constant 16 : index
    %swap3A_164 = tpu.vector_load %arg20[%swap3A_163] {strides = array<i32>} : memref<32xi32, #tpu.memory_space<vmem>>, vector<16xi32>,
    tpu.vector_store %arg20[%swap3A_163], %add3A_156 {strides = array<i32>} : memref<32xi32, #tpu.memory_space<vmem>>, vector<16xi32>,
    %dma_start3A_165 = arith.constant 0 : i32
    %dma_start3A_166 = arith.constant 0 : i32
    %dma_start3A_167 = tpu.memref_slice %arg3[%dma_start3A_165, %dma_start3A_166] : memref<10000x128xf32, #tpu.memory_space<hbm>> -> memref<10000x128xf32, #tpu.memory_space<hbm>>
    tpu.enqueue_indirect_dma source(%dma_start3A_167 : memref<10000x128xf32, #tpu.memory_space<hbm>>) target(%arg22 : memref<32x128xf32, #tpu.memory_space<vmem>>) offsets(%arg14 : memref<32xi32, #tpu.memory_space<vmem>>) semaphore(%arg36 : memref<!tpu.dma_semaphore, #tpu.memory_space<semaphore_mem>>)
    %dma_start3A_168 = arith.constant 0 : i32
    %dma_start3A_169 = arith.constant 0 : i32
    %dma_start3A_170 = tpu.memref_slice %arg4[%dma_start3A_168, %dma_start3A_169] : memref<10005x128xf32, #tpu.memory_space<hbm>> -> memref<10005x128xf32, #tpu.memory_space<hbm>>
    tpu.enqueue_indirect_dma source(%dma_start3A_170 : memref<10005x128xf32, #tpu.memory_space<hbm>>) target(%arg24 : memref<32x128xf32, #tpu.memory_space<vmem>>) offsets(%arg16 : memref<32xi32, #tpu.memory_space<vmem>>) semaphore(%arg36 : memref<!tpu.dma_semaphore, #tpu.memory_space<semaphore_mem>>)
    %dma_start3A_171 = arith.constant 0 : i32
    %dma_start3A_172 = arith.constant 0 : i32
    %dma_start3A_173 = tpu.memref_slice %arg5[%dma_start3A_171, %dma_start3A_172] : memref<10000x128xf32, #tpu.memory_space<hbm>> -> memref<10000x128xf32, #tpu.memory_space<hbm>>
    tpu.enqueue_indirect_dma source(%dma_start3A_173 : memref<10000x128xf32, #tpu.memory_space<hbm>>) target(%arg26 : memref<32x128xf32, #tpu.memory_space<vmem>>) offsets(%arg14 : memref<32xi32, #tpu.memory_space<vmem>>) semaphore(%arg36 : memref<!tpu.dma_semaphore, #tpu.memory_space<semaphore_mem>>)
    %dma_start3A_174 = arith.constant 0 : i32
    %dma_start3A_175 = arith.constant 0 : i32
    %dma_start3A_176 = tpu.memref_slice %arg6[%dma_start3A_174, %dma_start3A_175] : memref<10000x128xf32, #tpu.memory_space<hbm>> -> memref<10000x128xf32, #tpu.memory_space<hbm>>
    tpu.enqueue_indirect_dma source(%dma_start3A_176 : memref<10000x128xf32, #tpu.memory_space<hbm>>) target(%arg28 : memref<32x128xf32, #tpu.memory_space<vmem>>) offsets(%arg16 : memref<32xi32, #tpu.memory_space<vmem>>) semaphore(%arg36 : memref<!tpu.dma_semaphore, #tpu.memory_space<semaphore_mem>>)
    %scan3A_177 = arith.constant 0 : i32
    %scan3A_178 = arith.constant 0 : i32
    %scan3A_179 = arith.constant 157 : i32
    %scan3A_180 = arith.addi %scan3A_178, %scan3A_179 : i32
    %scan3A_181 = arith.constant 1 : i32
    scf.for %scan3A_285 = %scan3A_178 to %scan3A_180 step %scan3A_181  : i32 {
      %mul3A_286 = arith.constant 2 : i32
      %mul3A_287 = arith.muli %mul3A_286, %scan3A_285 : i32
      %add3A_288 = arith.constant 0 : i32
      %add3A_289 = arith.addi %mul3A_287, %add3A_288 : i32
      %add3A_290 = arith.constant 1 : i32
      %add3A_291 = arith.addi %add3A_289, %add3A_290 : i32
      %mul3A_292 = arith.constant 32 : i32
      %mul3A_293 = arith.muli %add3A_291, %mul3A_292 : i32
      %add3A_294 = arith.addi %mul3A_293, %add3A : i32
      %mul3A_295 = arith.constant 32 : i32
      %mul3A_296 = arith.muli %add3A_294, %mul3A_295 : i32
      %dma_wait3A_297 = arith.constant 0 : i32
      %dma_wait3A_298 = tpu.memref_slice %arg2[%mul3A_296, %dma_wait3A_297] : memref<323584x8xi32, #tpu.memory_space<hbm>> -> memref<32x8xi32, #tpu.memory_space<hbm>>
      %dma_wait3A_299 = arith.constant 0 : i32
      %dma_wait3A_300 = tpu.memref_slice %arg2[%mul3A_296, %dma_wait3A_299] : memref<323584x8xi32, #tpu.memory_space<hbm>> -> memref<32x8xi32, #tpu.memory_space<hbm>>
      tpu.wait_dma2 semaphore(%arg37 : memref<!tpu.dma_semaphore, #tpu.memory_space<semaphore_mem>>) src(%dma_wait3A_300 : memref<32x8xi32, #tpu.memory_space<hbm>>) dst(%arg13 : memref<32x8xi32, #tpu.memory_space<vmem>>)
      %iota3A_301 = tpu.iota {dimensions = array<i32: 0>} : vector<16xi32>
      %add3A_302 = arith.constant 0 : i32
      %add3A_303 = vector.broadcast %add3A_302 : i32 to vector<16xi32>
      %add3A_304 = arith.addi %iota3A_301, %add3A_303 : vector<16xi32>
      %broadcast_in_dim3A_305 = arith.constant 1 : i32
      %broadcast_in_dim3A_306 = vector.broadcast %broadcast_in_dim3A_305 : i32 to vector<16xi32>
      %gather3A_307 = tpu.vector_load_idx %arg13[%add3A_304, %broadcast_in_dim3A_306] : memref<32x8xi32, #tpu.memory_space<vmem>>[vector<16xi32>, vector<16xi32>], vector<16xi32>,
      %broadcast_in_dim3A_308 = arith.constant 2 : i32
      %broadcast_in_dim3A_309 = vector.broadcast %broadcast_in_dim3A_308 : i32 to vector<16xi32>
      %gather3A_310 = tpu.vector_load_idx %arg13[%add3A_304, %broadcast_in_dim3A_309] : memref<32x8xi32, #tpu.memory_space<vmem>>[vector<16xi32>, vector<16xi32>], vector<16xi32>,
      %broadcast_in_dim3A_311 = arith.constant 3 : i32
      %broadcast_in_dim3A_312 = vector.broadcast %broadcast_in_dim3A_311 : i32 to vector<16xi32>
      %gather3A_313 = tpu.vector_load_idx %arg13[%add3A_304, %broadcast_in_dim3A_312] : memref<32x8xi32, #tpu.memory_space<vmem>>[vector<16xi32>, vector<16xi32>], vector<16xi32>,
      %broadcast_in_dim3A_314 = arith.constant 4 : i32
      %broadcast_in_dim3A_315 = vector.broadcast %broadcast_in_dim3A_314 : i32 to vector<16xi32>
      %gather3A_316 = tpu.vector_load_idx %arg13[%add3A_304, %broadcast_in_dim3A_315] : memref<32x8xi32, #tpu.memory_space<vmem>>[vector<16xi32>, vector<16xi32>], vector<16xi32>,
      %broadcast_in_dim3A_317 = arith.constant 5 : i32
      %broadcast_in_dim3A_318 = vector.broadcast %broadcast_in_dim3A_317 : i32 to vector<16xi32>
      %gather3A_319 = tpu.vector_load_idx %arg13[%add3A_304, %broadcast_in_dim3A_318] : memref<32x8xi32, #tpu.memory_space<vmem>>[vector<16xi32>, vector<16xi32>], vector<16xi32>,
      %ge3A_320 = arith.cmpi sge, %gather3A_307, %get3A_87 : vector<16xi32>
      %convert_element_type3A_321 = arith.extui %ge3A_320 : vector<16xi1> to vector<16xi32>
      %mul3A_322 = arith.constant 2 : i32
      %mul3A_323 = vector.broadcast %mul3A_322 : i32 to vector<16xi32>
      %mul3A_324 = arith.muli %mul3A_323, %convert_element_type3A_321 : vector<16xi32>
      %ge3A_325 = arith.cmpi sge, %gather3A_313, %get3A_87 : vector<16xi32>
      %convert_element_type3A_326 = arith.extui %ge3A_325 : vector<16xi1> to vector<16xi32>
      %add3A_327 = arith.addi %mul3A_324, %convert_element_type3A_326 : vector<16xi32>
      %swap3A_328 = arith.constant 0 : index
      %swap3A_329 = tpu.vector_load %arg15[%swap3A_328] {strides = array<i32>} : memref<32xi32, #tpu.memory_space<vmem>>, vector<16xi32>,
      tpu.vector_store %arg15[%swap3A_328], %gather3A_316 {strides = array<i32>} : memref<32xi32, #tpu.memory_space<vmem>>, vector<16xi32>,
      %swap3A_330 = arith.constant 0 : index
      %swap3A_331 = tpu.vector_load %arg17[%swap3A_330] {strides = array<i32>} : memref<32xi32, #tpu.memory_space<vmem>>, vector<16xi32>,
      tpu.vector_store %arg17[%swap3A_330], %gather3A_310 {strides = array<i32>} : memref<32xi32, #tpu.memory_space<vmem>>, vector<16xi32>,
      %swap3A_332 = arith.constant 0 : index
      %swap3A_333 = tpu.vector_load %arg19[%swap3A_332] {strides = array<i32>} : memref<32xi32, #tpu.memory_space<vmem>>, vector<16xi32>,
      tpu.vector_store %arg19[%swap3A_332], %gather3A_319 {strides = array<i32>} : memref<32xi32, #tpu.memory_space<vmem>>, vector<16xi32>,
      %swap3A_334 = arith.constant 0 : index
      %swap3A_335 = tpu.vector_load %arg21[%swap3A_334] {strides = array<i32>} : memref<32xi32, #tpu.memory_space<vmem>>, vector<16xi32>,
      tpu.vector_store %arg21[%swap3A_334], %add3A_327 {strides = array<i32>} : memref<32xi32, #tpu.memory_space<vmem>>, vector<16xi32>,
      %iota3A_336 = tpu.iota {dimensions = array<i32: 0>} : vector<16xi32>
      %add3A_337 = arith.constant 16 : i32
      %add3A_338 = vector.broadcast %add3A_337 : i32 to vector<16xi32>
      %add3A_339 = arith.addi %iota3A_336, %add3A_338 : vector<16xi32>
      %broadcast_in_dim3A_340 = arith.constant 1 : i32
      %broadcast_in_dim3A_341 = vector.broadcast %broadcast_in_dim3A_340 : i32 to vector<16xi32>
      %gather3A_342 = tpu.vector_load_idx %arg13[%add3A_339, %broadcast_in_dim3A_341] : memref<32x8xi32, #tpu.memory_space<vmem>>[vector<16xi32>, vector<16xi32>], vector<16xi32>,
      %broadcast_in_dim3A_343 = arith.constant 2 : i32
      %broadcast_in_dim3A_344 = vector.broadcast %broadcast_in_dim3A_343 : i32 to vector<16xi32>
      %gather3A_345 = tpu.vector_load_idx %arg13[%add3A_339, %broadcast_in_dim3A_344] : memref<32x8xi32, #tpu.memory_space<vmem>>[vector<16xi32>, vector<16xi32>], vector<16xi32>,
      %broadcast_in_dim3A_346 = arith.constant 3 : i32
      %broadcast_in_dim3A_347 = vector.broadcast %broadcast_in_dim3A_346 : i32 to vector<16xi32>
      %gather3A_348 = tpu.vector_load_idx %arg13[%add3A_339, %broadcast_in_dim3A_347] : memref<32x8xi32, #tpu.memory_space<vmem>>[vector<16xi32>, vector<16xi32>], vector<16xi32>,
      %broadcast_in_dim3A_349 = arith.constant 4 : i32
      %broadcast_in_dim3A_350 = vector.broadcast %broadcast_in_dim3A_349 : i32 to vector<16xi32>
      %gather3A_351 = tpu.vector_load_idx %arg13[%add3A_339, %broadcast_in_dim3A_350] : memref<32x8xi32, #tpu.memory_space<vmem>>[vector<16xi32>, vector<16xi32>], vector<16xi32>,
      %broadcast_in_dim3A_352 = arith.constant 5 : i32
      %broadcast_in_dim3A_353 = vector.broadcast %broadcast_in_dim3A_352 : i32 to vector<16xi32>
      %gather3A_354 = tpu.vector_load_idx %arg13[%add3A_339, %broadcast_in_dim3A_353] : memref<32x8xi32, #tpu.memory_space<vmem>>[vector<16xi32>, vector<16xi32>], vector<16xi32>,
      %ge3A_355 = arith.cmpi sge, %gather3A_342, %get3A_87 : vector<16xi32>
      %convert_element_type3A_356 = arith.extui %ge3A_355 : vector<16xi1> to vector<16xi32>
      %mul3A_357 = arith.constant 2 : i32
      %mul3A_358 = vector.broadcast %mul3A_357 : i32 to vector<16xi32>
      %mul3A_359 = arith.muli %mul3A_358, %convert_element_type3A_356 : vector<16xi32>
      %ge3A_360 = arith.cmpi sge, %gather3A_348, %get3A_87 : vector<16xi32>
      %convert_element_type3A_361 = arith.extui %ge3A_360 : vector<16xi1> to vector<16xi32>
      %add3A_362 = arith.addi %mul3A_359, %convert_element_type3A_361 : vector<16xi32>
      %swap3A_363 = arith.constant 16 : index
      %swap3A_364 = tpu.vector_load %arg15[%swap3A_363] {strides = array<i32>} : memref<32xi32, #tpu.memory_space<vmem>>, vector<16xi32>,
      tpu.vector_store %arg15[%swap3A_363], %gather3A_351 {strides = array<i32>} : memref<32xi32, #tpu.memory_space<vmem>>, vector<16xi32>,
      %swap3A_365 = arith.constant 16 : index
      %swap3A_366 = tpu.vector_load %arg17[%swap3A_365] {strides = array<i32>} : memref<32xi32, #tpu.memory_space<vmem>>, vector<16xi32>,
      tpu.vector_store %arg17[%swap3A_365], %gather3A_345 {strides = array<i32>} : memref<32xi32, #tpu.memory_space<vmem>>, vector<16xi32>,
      %swap3A_367 = arith.constant 16 : index
      %swap3A_368 = tpu.vector_load %arg19[%swap3A_367] {strides = array<i32>} : memref<32xi32, #tpu.memory_space<vmem>>, vector<16xi32>,
      tpu.vector_store %arg19[%swap3A_367], %gather3A_354 {strides = array<i32>} : memref<32xi32, #tpu.memory_space<vmem>>, vector<16xi32>,
      %swap3A_369 = arith.constant 16 : index
      %swap3A_370 = tpu.vector_load %arg21[%swap3A_369] {strides = array<i32>} : memref<32xi32, #tpu.memory_space<vmem>>, vector<16xi32>,
      tpu.vector_store %arg21[%swap3A_369], %add3A_362 {strides = array<i32>} : memref<32xi32, #tpu.memory_space<vmem>>, vector<16xi32>,
      %dma_start3A_371 = arith.constant 0 : i32
      %dma_start3A_372 = arith.constant 0 : i32
      %dma_start3A_373 = tpu.memref_slice %arg3[%dma_start3A_371, %dma_start3A_372] : memref<10000x128xf32, #tpu.memory_space<hbm>> -> memref<10000x128xf32, #tpu.memory_space<hbm>>
      tpu.enqueue_indirect_dma source(%dma_start3A_373 : memref<10000x128xf32, #tpu.memory_space<hbm>>) target(%arg23 : memref<32x128xf32, #tpu.memory_space<vmem>>) offsets(%arg15 : memref<32xi32, #tpu.memory_space<vmem>>) semaphore(%arg36 : memref<!tpu.dma_semaphore, #tpu.memory_space<semaphore_mem>>)
      %dma_start3A_374 = arith.constant 0 : i32
      %dma_start3A_375 = arith.constant 0 : i32
      %dma_start3A_376 = tpu.memref_slice %arg4[%dma_start3A_374, %dma_start3A_375] : memref<10005x128xf32, #tpu.memory_space<hbm>> -> memref<10005x128xf32, #tpu.memory_space<hbm>>
      tpu.enqueue_indirect_dma source(%dma_start3A_376 : memref<10005x128xf32, #tpu.memory_space<hbm>>) target(%arg25 : memref<32x128xf32, #tpu.memory_space<vmem>>) offsets(%arg17 : memref<32xi32, #tpu.memory_space<vmem>>) semaphore(%arg36 : memref<!tpu.dma_semaphore, #tpu.memory_space<semaphore_mem>>)
      %dma_start3A_377 = arith.constant 0 : i32
      %dma_start3A_378 = arith.constant 0 : i32
      %dma_start3A_379 = tpu.memref_slice %arg5[%dma_start3A_377, %dma_start3A_378] : memref<10000x128xf32, #tpu.memory_space<hbm>> -> memref<10000x128xf32, #tpu.memory_space<hbm>>
      tpu.enqueue_indirect_dma source(%dma_start3A_379 : memref<10000x128xf32, #tpu.memory_space<hbm>>) target(%arg27 : memref<32x128xf32, #tpu.memory_space<vmem>>) offsets(%arg15 : memref<32xi32, #tpu.memory_space<vmem>>) semaphore(%arg36 : memref<!tpu.dma_semaphore, #tpu.memory_space<semaphore_mem>>)
      %dma_start3A_380 = arith.constant 0 : i32
      %dma_start3A_381 = arith.constant 0 : i32
      %dma_start3A_382 = tpu.memref_slice %arg6[%dma_start3A_380, %dma_start3A_381] : memref<10000x128xf32, #tpu.memory_space<hbm>> -> memref<10000x128xf32, #tpu.memory_space<hbm>>
      tpu.enqueue_indirect_dma source(%dma_start3A_382 : memref<10000x128xf32, #tpu.memory_space<hbm>>) target(%arg29 : memref<32x128xf32, #tpu.memory_space<vmem>>) offsets(%arg17 : memref<32xi32, #tpu.memory_space<vmem>>) semaphore(%arg36 : memref<!tpu.dma_semaphore, #tpu.memory_space<semaphore_mem>>)
      %add3A_383 = arith.constant 2 : i32
      %add3A_384 = arith.addi %add3A_289, %add3A_383 : i32
      %mul3A_385 = arith.constant 32 : i32
      %mul3A_386 = arith.muli %add3A_384, %mul3A_385 : i32
      %add3A_387 = arith.addi %mul3A_386, %add3A : i32
      %mul3A_388 = arith.constant 32 : i32
      %mul3A_389 = arith.muli %add3A_387, %mul3A_388 : i32
      %dma_start3A_390 = arith.constant 0 : i32
      %dma_start3A_391 = tpu.memref_slice %arg2[%mul3A_389, %dma_start3A_390] : memref<323584x8xi32, #tpu.memory_space<hbm>> -> memref<32x8xi32, #tpu.memory_space<hbm>>
      %dma_start3A_392 = arith.constant 0 : i32
      %dma_start3A_393 = tpu.memref_slice %arg2[%mul3A_389, %dma_start3A_392] : memref<323584x8xi32, #tpu.memory_space<hbm>> -> memref<32x8xi32, #tpu.memory_space<hbm>>
      tpu.enqueue_dma source(%dma_start3A_393 : memref<32x8xi32, #tpu.memory_space<hbm>>) target(%arg12 : memref<32x8xi32, #tpu.memory_space<vmem>>) target_semaphore(%arg37 : memref<!tpu.dma_semaphore, #tpu.memory_space<semaphore_mem>>)
      %dma_wait3A_394 = arith.constant 0 : i32
      %dma_wait3A_395 = arith.constant 0 : i32
      %dma_wait3A_396 = tpu.memref_slice %arg3[%dma_wait3A_394, %dma_wait3A_395] : memref<10000x128xf32, #tpu.memory_space<hbm>> -> memref<10000x128xf32, #tpu.memory_space<hbm>>
      tpu.wait_indirect_dma semaphore(%arg36 : memref<!tpu.dma_semaphore, #tpu.memory_space<semaphore_mem>>) src(%dma_wait3A_396 : memref<10000x128xf32, #tpu.memory_space<hbm>>) dst(%arg22 : memref<32x128xf32, #tpu.memory_space<vmem>>)
      %dma_wait3A_397 = arith.constant 0 : i32
      %dma_wait3A_398 = arith.constant 0 : i32
      %dma_wait3A_399 = tpu.memref_slice %arg4[%dma_wait3A_397, %dma_wait3A_398] : memref<10005x128xf32, #tpu.memory_space<hbm>> -> memref<10005x128xf32, #tpu.memory_space<hbm>>
      tpu.wait_indirect_dma semaphore(%arg36 : memref<!tpu.dma_semaphore, #tpu.memory_space<semaphore_mem>>) src(%dma_wait3A_399 : memref<10005x128xf32, #tpu.memory_space<hbm>>) dst(%arg24 : memref<32x128xf32, #tpu.memory_space<vmem>>)
      %dma_wait3A_400 = arith.constant 0 : i32
      %dma_wait3A_401 = arith.constant 0 : i32
      %dma_wait3A_402 = tpu.memref_slice %arg5[%dma_wait3A_400, %dma_wait3A_401] : memref<10000x128xf32, #tpu.memory_space<hbm>> -> memref<10000x128xf32, #tpu.memory_space<hbm>>
      tpu.wait_indirect_dma semaphore(%arg36 : memref<!tpu.dma_semaphore, #tpu.memory_space<semaphore_mem>>) src(%dma_wait3A_402 : memref<10000x128xf32, #tpu.memory_space<hbm>>) dst(%arg26 : memref<32x128xf32, #tpu.memory_space<vmem>>)
      %dma_wait3A_403 = arith.constant 0 : i32
      %dma_wait3A_404 = arith.constant 0 : i32
      %dma_wait3A_405 = tpu.memref_slice %arg6[%dma_wait3A_403, %dma_wait3A_404] : memref<10000x128xf32, #tpu.memory_space<hbm>> -> memref<10000x128xf32, #tpu.memory_space<hbm>>
      tpu.wait_indirect_dma semaphore(%arg36 : memref<!tpu.dma_semaphore, #tpu.memory_space<semaphore_mem>>) src(%dma_wait3A_405 : memref<10000x128xf32, #tpu.memory_space<hbm>>) dst(%arg28 : memref<32x128xf32, #tpu.memory_space<vmem>>)
      %parallel_loop3A = arith.constant 0 : i32
      %parallel_loop3A_406 = arith.constant 32 : i32
      %parallel_loop3A_407 = arith.constant 1 : i32
      scf.for %parallel_loop3A_2137 = %parallel_loop3A to %parallel_loop3A_406 step %parallel_loop3A_407  : i32 {
        %parallel_loop3A_2138 = arith.constant 0 : i32
        %parallel_loop3A_2139 = vector.broadcast %parallel_loop3A_2138 : i32 to vector<16xi32>
        %parallel_loop3A_2140 = vector.broadcast %parallel_loop3A_2137 : i32 to vector<16xi32>
        %parallel_loop3A_2141 = arith.addi %parallel_loop3A_2139, %parallel_loop3A_2140 : vector<16xi32>
        %parallel_loop3A_2142 = tpu.vector_load_idx %arg20[%parallel_loop3A_2141] : memref<32xi32, #tpu.memory_space<vmem>>[vector<16xi32>], vector<16xi32>,
        %parallel_loop3A_2143 = tpu.iota {dimensions = array<i32: 0>} : vector<16xi32>
        %parallel_loop3A_2144 = arith.constant 0 : i32
        %parallel_loop3A_2145 = vector.broadcast %parallel_loop3A_2144 : i32 to vector<16xi32>
        %parallel_loop3A_2146 = arith.addi %parallel_loop3A_2143, %parallel_loop3A_2145 : vector<16xi32>
        %parallel_loop3A_2147 = tpu.vector_load_idx %arg31[%parallel_loop3A_2142, %parallel_loop3A_2146] : memref<4x32xf32, #tpu.memory_space<vmem>>[vector<16xi32>, vector<16xi32>], vector<16xf32>,
        %parallel_loop3A_2148 = arith.index_cast %parallel_loop3A_2137 : i32 to index
        %parallel_loop3A_2149 = arith.constant 0 : index
        %parallel_loop3A_2150 = tpu.vector_load %arg26[%parallel_loop3A_2148, %parallel_loop3A_2149] {strides = array<i32>} : memref<32x128xf32, #tpu.memory_space<vmem>>, vector<16xf32>,
        %parallel_loop3A_2151 = arith.index_cast %parallel_loop3A_2137 : i32 to index
        %parallel_loop3A_2152 = arith.constant 0 : index
        %parallel_loop3A_2153 = tpu.vector_load %arg28[%parallel_loop3A_2151, %parallel_loop3A_2152] {strides = array<i32>} : memref<32x128xf32, #tpu.memory_space<vmem>>, vector<16xf32>,
        %parallel_loop3A_2154 = arith.addf %parallel_loop3A_2150, %parallel_loop3A_2153 : vector<16xf32>
        %parallel_loop3A_2155 = arith.addf %parallel_loop3A_2154, %parallel_loop3A_2147 : vector<16xf32>
        %parallel_loop3A_2156 = arith.index_cast %parallel_loop3A_2137 : i32 to index
        %parallel_loop3A_2157 = arith.constant 32 : index
        %parallel_loop3A_2158 = tpu.vector_load %arg26[%parallel_loop3A_2156, %parallel_loop3A_2157] {strides = array<i32>} : memref<32x128xf32, #tpu.memory_space<vmem>>, vector<16xf32>,
        tpu.vector_store %arg26[%parallel_loop3A_2156, %parallel_loop3A_2157], %parallel_loop3A_2155 {strides = array<i32>} : memref<32x128xf32, #tpu.memory_space<vmem>>, vector<16xf32>,
        %parallel_loop3A_2159 = tpu.iota {dimensions = array<i32: 0>} : vector<16xi32>
        %parallel_loop3A_2160 = arith.constant 16 : i32
        %parallel_loop3A_2161 = vector.broadcast %parallel_loop3A_2160 : i32 to vector<16xi32>
        %parallel_loop3A_2162 = arith.addi %parallel_loop3A_2159, %parallel_loop3A_2161 : vector<16xi32>
        %parallel_loop3A_2163 = tpu.vector_load_idx %arg31[%parallel_loop3A_2142, %parallel_loop3A_2162] : memref<4x32xf32, #tpu.memory_space<vmem>>[vector<16xi32>, vector<16xi32>], vector<16xf32>,
        %parallel_loop3A_2164 = arith.index_cast %parallel_loop3A_2137 : i32 to index
        %parallel_loop3A_2165 = arith.constant 16 : index
        %parallel_loop3A_2166 = tpu.vector_load %arg26[%parallel_loop3A_2164, %parallel_loop3A_2165] {strides = array<i32>} : memref<32x128xf32, #tpu.memory_space<vmem>>, vector<16xf32>,
        %parallel_loop3A_2167 = arith.index_cast %parallel_loop3A_2137 : i32 to index
        %parallel_loop3A_2168 = arith.constant 16 : index
        %parallel_loop3A_2169 = tpu.vector_load %arg28[%parallel_loop3A_2167, %parallel_loop3A_2168] {strides = array<i32>} : memref<32x128xf32, #tpu.memory_space<vmem>>, vector<16xf32>,
        %parallel_loop3A_2170 = arith.addf %parallel_loop3A_2166, %parallel_loop3A_2169 : vector<16xf32>
        %parallel_loop3A_2171 = arith.addf %parallel_loop3A_2170, %parallel_loop3A_2163 : vector<16xf32>
        %parallel_loop3A_2172 = arith.index_cast %parallel_loop3A_2137 : i32 to index
        %parallel_loop3A_2173 = arith.constant 48 : index
        %parallel_loop3A_2174 = tpu.vector_load %arg26[%parallel_loop3A_2172, %parallel_loop3A_2173] {strides = array<i32>} : memref<32x128xf32, #tpu.memory_space<vmem>>, vector<16xf32>,
        tpu.vector_store %arg26[%parallel_loop3A_2172, %parallel_loop3A_2173], %parallel_loop3A_2171 {strides = array<i32>} : memref<32x128xf32, #tpu.memory_space<vmem>>, vector<16xf32>,
      } {sc.loop_unroll_factor = 4 : i64, sc.parallel_access}
      %iota3A_408 = tpu.iota {dimensions = array<i32: 0>} : vector<16xi32>
      %add3A_409 = arith.constant 0 : i32
      %add3A_410 = vector.broadcast %add3A_409 : i32 to vector<16xi32>
      %add3A_411 = arith.addi %iota3A_408, %add3A_410 : vector<16xi32>
      %broadcast_in_dim3A_412 = arith.constant 0.000000e+00 : f32
      %broadcast_in_dim3A_413 = vector.broadcast %broadcast_in_dim3A_412 : f32 to vector<16xf32>
      %broadcast_in_dim3A_414 = arith.constant 32 : i32
      %broadcast_in_dim3A_415 = vector.broadcast %broadcast_in_dim3A_414 : i32 to vector<16xi32>
      %gather3A_416 = tpu.vector_load_idx %arg26[%add3A_411, %broadcast_in_dim3A_415] : memref<32x128xf32, #tpu.memory_space<vmem>>[vector<16xi32>, vector<16xi32>], vector<16xf32>,
      %max3A = arith.constant 0.000000e+00 : f32
      %max3A_417 = vector.broadcast %max3A : f32 to vector<16xf32>
      %max3A_418 = arith.maximumf %gather3A_416, %max3A_417 : vector<16xf32>
      %get3A_419 = arith.constant 0 : i32
      %get3A_420 = arith.index_cast %get3A_419 : i32 to index
      %get3A_421 = arith.constant 0 : index
      %get3A_422 = tpu.vector_load %arg32[%get3A_420, %get3A_421] {strides = array<i32>} : memref<32x16xf32, #tpu.memory_space<vmem>>, vector<16xf32>,
      %mul3A_423 = arith.mulf %max3A_418, %get3A_422 : vector<16xf32>
      %add3A_424 = arith.addf %broadcast_in_dim3A_413, %mul3A_423 : vector<16xf32>
      %broadcast_in_dim3A_425 = arith.constant 33 : i32
      %broadcast_in_dim3A_426 = vector.broadcast %broadcast_in_dim3A_425 : i32 to vector<16xi32>
      %gather3A_427 = tpu.vector_load_idx %arg26[%add3A_411, %broadcast_in_dim3A_426] : memref<32x128xf32, #tpu.memory_space<vmem>>[vector<16xi32>, vector<16xi32>], vector<16xf32>,
      %max3A_428 = arith.constant 0.000000e+00 : f32
      %max3A_429 = vector.broadcast %max3A_428 : f32 to vector<16xf32>
      %max3A_430 = arith.maximumf %gather3A_427, %max3A_429 : vector<16xf32>
      %get3A_431 = arith.constant 1 : i32
      %get3A_432 = arith.index_cast %get3A_431 : i32 to index
      %get3A_433 = arith.constant 0 : index
      %get3A_434 = tpu.vector_load %arg32[%get3A_432, %get3A_433] {strides = array<i32>} : memref<32x16xf32, #tpu.memory_space<vmem>>, vector<16xf32>,
      %mul3A_435 = arith.mulf %max3A_430, %get3A_434 : vector<16xf32>
      %add3A_436 = arith.addf %add3A_424, %mul3A_435 : vector<16xf32>
      %broadcast_in_dim3A_437 = arith.constant 34 : i32
      %broadcast_in_dim3A_438 = vector.broadcast %broadcast_in_dim3A_437 : i32 to vector<16xi32>
      %gather3A_439 = tpu.vector_load_idx %arg26[%add3A_411, %broadcast_in_dim3A_438] : memref<32x128xf32, #tpu.memory_space<vmem>>[vector<16xi32>, vector<16xi32>], vector<16xf32>,
      %max3A_440 = arith.constant 0.000000e+00 : f32
      %max3A_441 = vector.broadcast %max3A_440 : f32 to vector<16xf32>
      %max3A_442 = arith.maximumf %gather3A_439, %max3A_441 : vector<16xf32>
      %get3A_443 = arith.constant 2 : i32
      %get3A_444 = arith.index_cast %get3A_443 : i32 to index
      %get3A_445 = arith.constant 0 : index
      %get3A_446 = tpu.vector_load %arg32[%get3A_444, %get3A_445] {strides = array<i32>} : memref<32x16xf32, #tpu.memory_space<vmem>>, vector<16xf32>,
      %mul3A_447 = arith.mulf %max3A_442, %get3A_446 : vector<16xf32>
      %add3A_448 = arith.addf %add3A_436, %mul3A_447 : vector<16xf32>
      %broadcast_in_dim3A_449 = arith.constant 35 : i32
      %broadcast_in_dim3A_450 = vector.broadcast %broadcast_in_dim3A_449 : i32 to vector<16xi32>
      %gather3A_451 = tpu.vector_load_idx %arg26[%add3A_411, %broadcast_in_dim3A_450] : memref<32x128xf32, #tpu.memory_space<vmem>>[vector<16xi32>, vector<16xi32>], vector<16xf32>,
      %max3A_452 = arith.constant 0.000000e+00 : f32
      %max3A_453 = vector.broadcast %max3A_452 : f32 to vector<16xf32>
      %max3A_454 = arith.maximumf %gather3A_451, %max3A_453 : vector<16xf32>
      %get3A_455 = arith.constant 3 : i32
      %get3A_456 = arith.index_cast %get3A_455 : i32 to index
      %get3A_457 = arith.constant 0 : index
      %get3A_458 = tpu.vector_load %arg32[%get3A_456, %get3A_457] {strides = array<i32>} : memref<32x16xf32, #tpu.memory_space<vmem>>, vector<16xf32>,
      %mul3A_459 = arith.mulf %max3A_454, %get3A_458 : vector<16xf32>
      %add3A_460 = arith.addf %add3A_448, %mul3A_459 : vector<16xf32>
      %broadcast_in_dim3A_461 = arith.constant 36 : i32
      %broadcast_in_dim3A_462 = vector.broadcast %broadcast_in_dim3A_461 : i32 to vector<16xi32>
      %gather3A_463 = tpu.vector_load_idx %arg26[%add3A_411, %broadcast_in_dim3A_462] : memref<32x128xf32, #tpu.memory_space<vmem>>[vector<16xi32>, vector<16xi32>], vector<16xf32>,
      %max3A_464 = arith.constant 0.000000e+00 : f32
      %max3A_465 = vector.broadcast %max3A_464 : f32 to vector<16xf32>
      %max3A_466 = arith.maximumf %gather3A_463, %max3A_465 : vector<16xf32>
      %get3A_467 = arith.constant 4 : i32
      %get3A_468 = arith.index_cast %get3A_467 : i32 to index
      %get3A_469 = arith.constant 0 : index
      %get3A_470 = tpu.vector_load %arg32[%get3A_468, %get3A_469] {strides = array<i32>} : memref<32x16xf32, #tpu.memory_space<vmem>>, vector<16xf32>,
      %mul3A_471 = arith.mulf %max3A_466, %get3A_470 : vector<16xf32>
      %add3A_472 = arith.addf %add3A_460, %mul3A_471 : vector<16xf32>
      %broadcast_in_dim3A_473 = arith.constant 37 : i32
      %broadcast_in_dim3A_474 = vector.broadcast %broadcast_in_dim3A_473 : i32 to vector<16xi32>
      %gather3A_475 = tpu.vector_load_idx %arg26[%add3A_411, %broadcast_in_dim3A_474] : memref<32x128xf32, #tpu.memory_space<vmem>>[vector<16xi32>, vector<16xi32>], vector<16xf32>,
      %max3A_476 = arith.constant 0.000000e+00 : f32
      %max3A_477 = vector.broadcast %max3A_476 : f32 to vector<16xf32>
      %max3A_478 = arith.maximumf %gather3A_475, %max3A_477 : vector<16xf32>
      %get3A_479 = arith.constant 5 : i32
      %get3A_480 = arith.index_cast %get3A_479 : i32 to index
      %get3A_481 = arith.constant 0 : index
      %get3A_482 = tpu.vector_load %arg32[%get3A_480, %get3A_481] {strides = array<i32>} : memref<32x16xf32, #tpu.memory_space<vmem>>, vector<16xf32>,
      %mul3A_483 = arith.mulf %max3A_478, %get3A_482 : vector<16xf32>
      %add3A_484 = arith.addf %add3A_472, %mul3A_483 : vector<16xf32>
      %broadcast_in_dim3A_485 = arith.constant 38 : i32
      %broadcast_in_dim3A_486 = vector.broadcast %broadcast_in_dim3A_485 : i32 to vector<16xi32>
      %gather3A_487 = tpu.vector_load_idx %arg26[%add3A_411, %broadcast_in_dim3A_486] : memref<32x128xf32, #tpu.memory_space<vmem>>[vector<16xi32>, vector<16xi32>], vector<16xf32>,
      %max3A_488 = arith.constant 0.000000e+00 : f32
      %max3A_489 = vector.broadcast %max3A_488 : f32 to vector<16xf32>
      %max3A_490 = arith.maximumf %gather3A_487, %max3A_489 : vector<16xf32>
      %get3A_491 = arith.constant 6 : i32
      %get3A_492 = arith.index_cast %get3A_491 : i32 to index
      %get3A_493 = arith.constant 0 : index
      %get3A_494 = tpu.vector_load %arg32[%get3A_492, %get3A_493] {strides = array<i32>} : memref<32x16xf32, #tpu.memory_space<vmem>>, vector<16xf32>,
      %mul3A_495 = arith.mulf %max3A_490, %get3A_494 : vector<16xf32>
      %add3A_496 = arith.addf %add3A_484, %mul3A_495 : vector<16xf32>
      %broadcast_in_dim3A_497 = arith.constant 39 : i32
      %broadcast_in_dim3A_498 = vector.broadcast %broadcast_in_dim3A_497 : i32 to vector<16xi32>
      %gather3A_499 = tpu.vector_load_idx %arg26[%add3A_411, %broadcast_in_dim3A_498] : memref<32x128xf32, #tpu.memory_space<vmem>>[vector<16xi32>, vector<16xi32>], vector<16xf32>,
      %max3A_500 = arith.constant 0.000000e+00 : f32
      %max3A_501 = vector.broadcast %max3A_500 : f32 to vector<16xf32>
      %max3A_502 = arith.maximumf %gather3A_499, %max3A_501 : vector<16xf32>
      %get3A_503 = arith.constant 7 : i32
      %get3A_504 = arith.index_cast %get3A_503 : i32 to index
      %get3A_505 = arith.constant 0 : index
      %get3A_506 = tpu.vector_load %arg32[%get3A_504, %get3A_505] {strides = array<i32>} : memref<32x16xf32, #tpu.memory_space<vmem>>, vector<16xf32>,
      %mul3A_507 = arith.mulf %max3A_502, %get3A_506 : vector<16xf32>
      %add3A_508 = arith.addf %add3A_496, %mul3A_507 : vector<16xf32>
      %broadcast_in_dim3A_509 = arith.constant 40 : i32
      %broadcast_in_dim3A_510 = vector.broadcast %broadcast_in_dim3A_509 : i32 to vector<16xi32>
      %gather3A_511 = tpu.vector_load_idx %arg26[%add3A_411, %broadcast_in_dim3A_510] : memref<32x128xf32, #tpu.memory_space<vmem>>[vector<16xi32>, vector<16xi32>], vector<16xf32>,
      %max3A_512 = arith.constant 0.000000e+00 : f32
      %max3A_513 = vector.broadcast %max3A_512 : f32 to vector<16xf32>
      %max3A_514 = arith.maximumf %gather3A_511, %max3A_513 : vector<16xf32>
      %get3A_515 = arith.constant 8 : i32
      %get3A_516 = arith.index_cast %get3A_515 : i32 to index
      %get3A_517 = arith.constant 0 : index
      %get3A_518 = tpu.vector_load %arg32[%get3A_516, %get3A_517] {strides = array<i32>} : memref<32x16xf32, #tpu.memory_space<vmem>>, vector<16xf32>,
      %mul3A_519 = arith.mulf %max3A_514, %get3A_518 : vector<16xf32>
      %add3A_520 = arith.addf %add3A_508, %mul3A_519 : vector<16xf32>
      %broadcast_in_dim3A_521 = arith.constant 41 : i32
      %broadcast_in_dim3A_522 = vector.broadcast %broadcast_in_dim3A_521 : i32 to vector<16xi32>
      %gather3A_523 = tpu.vector_load_idx %arg26[%add3A_411, %broadcast_in_dim3A_522] : memref<32x128xf32, #tpu.memory_space<vmem>>[vector<16xi32>, vector<16xi32>], vector<16xf32>,
      %max3A_524 = arith.constant 0.000000e+00 : f32
      %max3A_525 = vector.broadcast %max3A_524 : f32 to vector<16xf32>
      %max3A_526 = arith.maximumf %gather3A_523, %max3A_525 : vector<16xf32>
      %get3A_527 = arith.constant 9 : i32
      %get3A_528 = arith.index_cast %get3A_527 : i32 to index
      %get3A_529 = arith.constant 0 : index
      %get3A_530 = tpu.vector_load %arg32[%get3A_528, %get3A_529] {strides = array<i32>} : memref<32x16xf32, #tpu.memory_space<vmem>>, vector<16xf32>,
      %mul3A_531 = arith.mulf %max3A_526, %get3A_530 : vector<16xf32>
      %add3A_532 = arith.addf %add3A_520, %mul3A_531 : vector<16xf32>
      %broadcast_in_dim3A_533 = arith.constant 42 : i32
      %broadcast_in_dim3A_534 = vector.broadcast %broadcast_in_dim3A_533 : i32 to vector<16xi32>
      %gather3A_535 = tpu.vector_load_idx %arg26[%add3A_411, %broadcast_in_dim3A_534] : memref<32x128xf32, #tpu.memory_space<vmem>>[vector<16xi32>, vector<16xi32>], vector<16xf32>,
      %max3A_536 = arith.constant 0.000000e+00 : f32
      %max3A_537 = vector.broadcast %max3A_536 : f32 to vector<16xf32>
      %max3A_538 = arith.maximumf %gather3A_535, %max3A_537 : vector<16xf32>
      %get3A_539 = arith.constant 10 : i32
      %get3A_540 = arith.index_cast %get3A_539 : i32 to index
      %get3A_541 = arith.constant 0 : index
      %get3A_542 = tpu.vector_load %arg32[%get3A_540, %get3A_541] {strides = array<i32>} : memref<32x16xf32, #tpu.memory_space<vmem>>, vector<16xf32>,
      %mul3A_543 = arith.mulf %max3A_538, %get3A_542 : vector<16xf32>
      %add3A_544 = arith.addf %add3A_532, %mul3A_543 : vector<16xf32>
      %broadcast_in_dim3A_545 = arith.constant 43 : i32
      %broadcast_in_dim3A_546 = vector.broadcast %broadcast_in_dim3A_545 : i32 to vector<16xi32>
      %gather3A_547 = tpu.vector_load_idx %arg26[%add3A_411, %broadcast_in_dim3A_546] : memref<32x128xf32, #tpu.memory_space<vmem>>[vector<16xi32>, vector<16xi32>], vector<16xf32>,
      %max3A_548 = arith.constant 0.000000e+00 : f32
      %max3A_549 = vector.broadcast %max3A_548 : f32 to vector<16xf32>
      %max3A_550 = arith.maximumf %gather3A_547, %max3A_549 : vector<16xf32>
      %get3A_551 = arith.constant 11 : i32
      %get3A_552 = arith.index_cast %get3A_551 : i32 to index
      %get3A_553 = arith.constant 0 : index
      %get3A_554 = tpu.vector_load %arg32[%get3A_552, %get3A_553] {strides = array<i32>} : memref<32x16xf32, #tpu.memory_space<vmem>>, vector<16xf32>,
      %mul3A_555 = arith.mulf %max3A_550, %get3A_554 : vector<16xf32>
      %add3A_556 = arith.addf %add3A_544, %mul3A_555 : vector<16xf32>
      %broadcast_in_dim3A_557 = arith.constant 44 : i32
      %broadcast_in_dim3A_558 = vector.broadcast %broadcast_in_dim3A_557 : i32 to vector<16xi32>
      %gather3A_559 = tpu.vector_load_idx %arg26[%add3A_411, %broadcast_in_dim3A_558] : memref<32x128xf32, #tpu.memory_space<vmem>>[vector<16xi32>, vector<16xi32>], vector<16xf32>,
      %max3A_560 = arith.constant 0.000000e+00 : f32
      %max3A_561 = vector.broadcast %max3A_560 : f32 to vector<16xf32>
      %max3A_562 = arith.maximumf %gather3A_559, %max3A_561 : vector<16xf32>
      %get3A_563 = arith.constant 12 : i32
      %get3A_564 = arith.index_cast %get3A_563 : i32 to index
      %get3A_565 = arith.constant 0 : index
      %get3A_566 = tpu.vector_load %arg32[%get3A_564, %get3A_565] {strides = array<i32>} : memref<32x16xf32, #tpu.memory_space<vmem>>, vector<16xf32>,
      %mul3A_567 = arith.mulf %max3A_562, %get3A_566 : vector<16xf32>
      %add3A_568 = arith.addf %add3A_556, %mul3A_567 : vector<16xf32>
      %broadcast_in_dim3A_569 = arith.constant 45 : i32
      %broadcast_in_dim3A_570 = vector.broadcast %broadcast_in_dim3A_569 : i32 to vector<16xi32>
      %gather3A_571 = tpu.vector_load_idx %arg26[%add3A_411, %broadcast_in_dim3A_570] : memref<32x128xf32, #tpu.memory_space<vmem>>[vector<16xi32>, vector<16xi32>], vector<16xf32>,
      %max3A_572 = arith.constant 0.000000e+00 : f32
      %max3A_573 = vector.broadcast %max3A_572 : f32 to vector<16xf32>
      %max3A_574 = arith.maximumf %gather3A_571, %max3A_573 : vector<16xf32>
      %get3A_575 = arith.constant 13 : i32
      %get3A_576 = arith.index_cast %get3A_575 : i32 to index
      %get3A_577 = arith.constant 0 : index
      %get3A_578 = tpu.vector_load %arg32[%get3A_576, %get3A_577] {strides = array<i32>} : memref<32x16xf32, #tpu.memory_space<vmem>>, vector<16xf32>,
      %mul3A_579 = arith.mulf %max3A_574, %get3A_578 : vector<16xf32>
      %add3A_580 = arith.addf %add3A_568, %mul3A_579 : vector<16xf32>
      %broadcast_in_dim3A_581 = arith.constant 46 : i32
      %broadcast_in_dim3A_582 = vector.broadcast %broadcast_in_dim3A_581 : i32 to vector<16xi32>
      %gather3A_583 = tpu.vector_load_idx %arg26[%add3A_411, %broadcast_in_dim3A_582] : memref<32x128xf32, #tpu.memory_space<vmem>>[vector<16xi32>, vector<16xi32>], vector<16xf32>,
      %max3A_584 = arith.constant 0.000000e+00 : f32
      %max3A_585 = vector.broadcast %max3A_584 : f32 to vector<16xf32>
      %max3A_586 = arith.maximumf %gather3A_583, %max3A_585 : vector<16xf32>
      %get3A_587 = arith.constant 14 : i32
      %get3A_588 = arith.index_cast %get3A_587 : i32 to index
      %get3A_589 = arith.constant 0 : index
      %get3A_590 = tpu.vector_load %arg32[%get3A_588, %get3A_589] {strides = array<i32>} : memref<32x16xf32, #tpu.memory_space<vmem>>, vector<16xf32>,
      %mul3A_591 = arith.mulf %max3A_586, %get3A_590 : vector<16xf32>
      %add3A_592 = arith.addf %add3A_580, %mul3A_591 : vector<16xf32>
      %broadcast_in_dim3A_593 = arith.constant 47 : i32
      %broadcast_in_dim3A_594 = vector.broadcast %broadcast_in_dim3A_593 : i32 to vector<16xi32>
      %gather3A_595 = tpu.vector_load_idx %arg26[%add3A_411, %broadcast_in_dim3A_594] : memref<32x128xf32, #tpu.memory_space<vmem>>[vector<16xi32>, vector<16xi32>], vector<16xf32>,
      %max3A_596 = arith.constant 0.000000e+00 : f32
      %max3A_597 = vector.broadcast %max3A_596 : f32 to vector<16xf32>
      %max3A_598 = arith.maximumf %gather3A_595, %max3A_597 : vector<16xf32>
      %get3A_599 = arith.constant 15 : i32
      %get3A_600 = arith.index_cast %get3A_599 : i32 to index
      %get3A_601 = arith.constant 0 : index
      %get3A_602 = tpu.vector_load %arg32[%get3A_600, %get3A_601] {strides = array<i32>} : memref<32x16xf32, #tpu.memory_space<vmem>>, vector<16xf32>,
      %mul3A_603 = arith.mulf %max3A_598, %get3A_602 : vector<16xf32>
      %add3A_604 = arith.addf %add3A_592, %mul3A_603 : vector<16xf32>
      %broadcast_in_dim3A_605 = arith.constant 48 : i32
      %broadcast_in_dim3A_606 = vector.broadcast %broadcast_in_dim3A_605 : i32 to vector<16xi32>
      %gather3A_607 = tpu.vector_load_idx %arg26[%add3A_411, %broadcast_in_dim3A_606] : memref<32x128xf32, #tpu.memory_space<vmem>>[vector<16xi32>, vector<16xi32>], vector<16xf32>,
      %max3A_608 = arith.constant 0.000000e+00 : f32
      %max3A_609 = vector.broadcast %max3A_608 : f32 to vector<16xf32>
      %max3A_610 = arith.maximumf %gather3A_607, %max3A_609 : vector<16xf32>
      %get3A_611 = arith.constant 16 : i32
      %get3A_612 = arith.index_cast %get3A_611 : i32 to index
      %get3A_613 = arith.constant 0 : index
      %get3A_614 = tpu.vector_load %arg32[%get3A_612, %get3A_613] {strides = array<i32>} : memref<32x16xf32, #tpu.memory_space<vmem>>, vector<16xf32>,
      %mul3A_615 = arith.mulf %max3A_610, %get3A_614 : vector<16xf32>
      %add3A_616 = arith.addf %add3A_604, %mul3A_615 : vector<16xf32>
      %broadcast_in_dim3A_617 = arith.constant 49 : i32
      %broadcast_in_dim3A_618 = vector.broadcast %broadcast_in_dim3A_617 : i32 to vector<16xi32>
      %gather3A_619 = tpu.vector_load_idx %arg26[%add3A_411, %broadcast_in_dim3A_618] : memref<32x128xf32, #tpu.memory_space<vmem>>[vector<16xi32>, vector<16xi32>], vector<16xf32>,
      %max3A_620 = arith.constant 0.000000e+00 : f32
      %max3A_621 = vector.broadcast %max3A_620 : f32 to vector<16xf32>
      %max3A_622 = arith.maximumf %gather3A_619, %max3A_621 : vector<16xf32>
      %get3A_623 = arith.constant 17 : i32
      %get3A_624 = arith.index_cast %get3A_623 : i32 to index
      %get3A_625 = arith.constant 0 : index
      %get3A_626 = tpu.vector_load %arg32[%get3A_624, %get3A_625] {strides = array<i32>} : memref<32x16xf32, #tpu.memory_space<vmem>>, vector<16xf32>,
      %mul3A_627 = arith.mulf %max3A_622, %get3A_626 : vector<16xf32>
      %add3A_628 = arith.addf %add3A_616, %mul3A_627 : vector<16xf32>
      %broadcast_in_dim3A_629 = arith.constant 50 : i32
      %broadcast_in_dim3A_630 = vector.broadcast %broadcast_in_dim3A_629 : i32 to vector<16xi32>
      %gather3A_631 = tpu.vector_load_idx %arg26[%add3A_411, %broadcast_in_dim3A_630] : memref<32x128xf32, #tpu.memory_space<vmem>>[vector<16xi32>, vector<16xi32>], vector<16xf32>,
      %max3A_632 = arith.constant 0.000000e+00 : f32
      %max3A_633 = vector.broadcast %max3A_632 : f32 to vector<16xf32>
      %max3A_634 = arith.maximumf %gather3A_631, %max3A_633 : vector<16xf32>
      %get3A_635 = arith.constant 18 : i32
      %get3A_636 = arith.index_cast %get3A_635 : i32 to index
      %get3A_637 = arith.constant 0 : index
      %get3A_638 = tpu.vector_load %arg32[%get3A_636, %get3A_637] {strides = array<i32>} : memref<32x16xf32, #tpu.memory_space<vmem>>, vector<16xf32>,
      %mul3A_639 = arith.mulf %max3A_634, %get3A_638 : vector<16xf32>
      %add3A_640 = arith.addf %add3A_628, %mul3A_639 : vector<16xf32>
      %broadcast_in_dim3A_641 = arith.constant 51 : i32
      %broadcast_in_dim3A_642 = vector.broadcast %broadcast_in_dim3A_641 : i32 to vector<16xi32>
      %gather3A_643 = tpu.vector_load_idx %arg26[%add3A_411, %broadcast_in_dim3A_642] : memref<32x128xf32, #tpu.memory_space<vmem>>[vector<16xi32>, vector<16xi32>], vector<16xf32>,
      %max3A_644 = arith.constant 0.000000e+00 : f32
      %max3A_645 = vector.broadcast %max3A_644 : f32 to vector<16xf32>
      %max3A_646 = arith.maximumf %gather3A_643, %max3A_645 : vector<16xf32>
      %get3A_647 = arith.constant 19 : i32
      %get3A_648 = arith.index_cast %get3A_647 : i32 to index
      %get3A_649 = arith.constant 0 : index
      %get3A_650 = tpu.vector_load %arg32[%get3A_648, %get3A_649] {strides = array<i32>} : memref<32x16xf32, #tpu.memory_space<vmem>>, vector<16xf32>,
      %mul3A_651 = arith.mulf %max3A_646, %get3A_650 : vector<16xf32>
      %add3A_652 = arith.addf %add3A_640, %mul3A_651 : vector<16xf32>
      %broadcast_in_dim3A_653 = arith.constant 52 : i32
      %broadcast_in_dim3A_654 = vector.broadcast %broadcast_in_dim3A_653 : i32 to vector<16xi32>
      %gather3A_655 = tpu.vector_load_idx %arg26[%add3A_411, %broadcast_in_dim3A_654] : memref<32x128xf32, #tpu.memory_space<vmem>>[vector<16xi32>, vector<16xi32>], vector<16xf32>,
      %max3A_656 = arith.constant 0.000000e+00 : f32
      %max3A_657 = vector.broadcast %max3A_656 : f32 to vector<16xf32>
      %max3A_658 = arith.maximumf %gather3A_655, %max3A_657 : vector<16xf32>
      %get3A_659 = arith.constant 20 : i32
      %get3A_660 = arith.index_cast %get3A_659 : i32 to index
      %get3A_661 = arith.constant 0 : index
      %get3A_662 = tpu.vector_load %arg32[%get3A_660, %get3A_661] {strides = array<i32>} : memref<32x16xf32, #tpu.memory_space<vmem>>, vector<16xf32>,
      %mul3A_663 = arith.mulf %max3A_658, %get3A_662 : vector<16xf32>
      %add3A_664 = arith.addf %add3A_652, %mul3A_663 : vector<16xf32>
      %broadcast_in_dim3A_665 = arith.constant 53 : i32
      %broadcast_in_dim3A_666 = vector.broadcast %broadcast_in_dim3A_665 : i32 to vector<16xi32>
      %gather3A_667 = tpu.vector_load_idx %arg26[%add3A_411, %broadcast_in_dim3A_666] : memref<32x128xf32, #tpu.memory_space<vmem>>[vector<16xi32>, vector<16xi32>], vector<16xf32>,
      %max3A_668 = arith.constant 0.000000e+00 : f32
      %max3A_669 = vector.broadcast %max3A_668 : f32 to vector<16xf32>
      %max3A_670 = arith.maximumf %gather3A_667, %max3A_669 : vector<16xf32>
      %get3A_671 = arith.constant 21 : i32
      %get3A_672 = arith.index_cast %get3A_671 : i32 to index
      %get3A_673 = arith.constant 0 : index
      %get3A_674 = tpu.vector_load %arg32[%get3A_672, %get3A_673] {strides = array<i32>} : memref<32x16xf32, #tpu.memory_space<vmem>>, vector<16xf32>,
      %mul3A_675 = arith.mulf %max3A_670, %get3A_674 : vector<16xf32>
      %add3A_676 = arith.addf %add3A_664, %mul3A_675 : vector<16xf32>
      %broadcast_in_dim3A_677 = arith.constant 54 : i32
      %broadcast_in_dim3A_678 = vector.broadcast %broadcast_in_dim3A_677 : i32 to vector<16xi32>
      %gather3A_679 = tpu.vector_load_idx %arg26[%add3A_411, %broadcast_in_dim3A_678] : memref<32x128xf32, #tpu.memory_space<vmem>>[vector<16xi32>, vector<16xi32>], vector<16xf32>,
      %max3A_680 = arith.constant 0.000000e+00 : f32
      %max3A_681 = vector.broadcast %max3A_680 : f32 to vector<16xf32>
      %max3A_682 = arith.maximumf %gather3A_679, %max3A_681 : vector<16xf32>
      %get3A_683 = arith.constant 22 : i32
      %get3A_684 = arith.index_cast %get3A_683 : i32 to index
      %get3A_685 = arith.constant 0 : index
      %get3A_686 = tpu.vector_load %arg32[%get3A_684, %get3A_685] {strides = array<i32>} : memref<32x16xf32, #tpu.memory_space<vmem>>, vector<16xf32>,
      %mul3A_687 = arith.mulf %max3A_682, %get3A_686 : vector<16xf32>
      %add3A_688 = arith.addf %add3A_676, %mul3A_687 : vector<16xf32>
      %broadcast_in_dim3A_689 = arith.constant 55 : i32
      %broadcast_in_dim3A_690 = vector.broadcast %broadcast_in_dim3A_689 : i32 to vector<16xi32>
      %gather3A_691 = tpu.vector_load_idx %arg26[%add3A_411, %broadcast_in_dim3A_690] : memref<32x128xf32, #tpu.memory_space<vmem>>[vector<16xi32>, vector<16xi32>], vector<16xf32>,
      %max3A_692 = arith.constant 0.000000e+00 : f32
      %max3A_693 = vector.broadcast %max3A_692 : f32 to vector<16xf32>
      %max3A_694 = arith.maximumf %gather3A_691, %max3A_693 : vector<16xf32>
      %get3A_695 = arith.constant 23 : i32
      %get3A_696 = arith.index_cast %get3A_695 : i32 to index
      %get3A_697 = arith.constant 0 : index
      %get3A_698 = tpu.vector_load %arg32[%get3A_696, %get3A_697] {strides = array<i32>} : memref<32x16xf32, #tpu.memory_space<vmem>>, vector<16xf32>,
      %mul3A_699 = arith.mulf %max3A_694, %get3A_698 : vector<16xf32>
      %add3A_700 = arith.addf %add3A_688, %mul3A_699 : vector<16xf32>
      %broadcast_in_dim3A_701 = arith.constant 56 : i32
      %broadcast_in_dim3A_702 = vector.broadcast %broadcast_in_dim3A_701 : i32 to vector<16xi32>
      %gather3A_703 = tpu.vector_load_idx %arg26[%add3A_411, %broadcast_in_dim3A_702] : memref<32x128xf32, #tpu.memory_space<vmem>>[vector<16xi32>, vector<16xi32>], vector<16xf32>,
      %max3A_704 = arith.constant 0.000000e+00 : f32
      %max3A_705 = vector.broadcast %max3A_704 : f32 to vector<16xf32>
      %max3A_706 = arith.maximumf %gather3A_703, %max3A_705 : vector<16xf32>
      %get3A_707 = arith.constant 24 : i32
      %get3A_708 = arith.index_cast %get3A_707 : i32 to index
      %get3A_709 = arith.constant 0 : index
      %get3A_710 = tpu.vector_load %arg32[%get3A_708, %get3A_709] {strides = array<i32>} : memref<32x16xf32, #tpu.memory_space<vmem>>, vector<16xf32>,
      %mul3A_711 = arith.mulf %max3A_706, %get3A_710 : vector<16xf32>
      %add3A_712 = arith.addf %add3A_700, %mul3A_711 : vector<16xf32>
      %broadcast_in_dim3A_713 = arith.constant 57 : i32
      %broadcast_in_dim3A_714 = vector.broadcast %broadcast_in_dim3A_713 : i32 to vector<16xi32>
      %gather3A_715 = tpu.vector_load_idx %arg26[%add3A_411, %broadcast_in_dim3A_714] : memref<32x128xf32, #tpu.memory_space<vmem>>[vector<16xi32>, vector<16xi32>], vector<16xf32>,
      %max3A_716 = arith.constant 0.000000e+00 : f32
      %max3A_717 = vector.broadcast %max3A_716 : f32 to vector<16xf32>
      %max3A_718 = arith.maximumf %gather3A_715, %max3A_717 : vector<16xf32>
      %get3A_719 = arith.constant 25 : i32
      %get3A_720 = arith.index_cast %get3A_719 : i32 to index
      %get3A_721 = arith.constant 0 : index
      %get3A_722 = tpu.vector_load %arg32[%get3A_720, %get3A_721] {strides = array<i32>} : memref<32x16xf32, #tpu.memory_space<vmem>>, vector<16xf32>,
      %mul3A_723 = arith.mulf %max3A_718, %get3A_722 : vector<16xf32>
      %add3A_724 = arith.addf %add3A_712, %mul3A_723 : vector<16xf32>
      %broadcast_in_dim3A_725 = arith.constant 58 : i32
      %broadcast_in_dim3A_726 = vector.broadcast %broadcast_in_dim3A_725 : i32 to vector<16xi32>
      %gather3A_727 = tpu.vector_load_idx %arg26[%add3A_411, %broadcast_in_dim3A_726] : memref<32x128xf32, #tpu.memory_space<vmem>>[vector<16xi32>, vector<16xi32>], vector<16xf32>,
      %max3A_728 = arith.constant 0.000000e+00 : f32
      %max3A_729 = vector.broadcast %max3A_728 : f32 to vector<16xf32>
      %max3A_730 = arith.maximumf %gather3A_727, %max3A_729 : vector<16xf32>
      %get3A_731 = arith.constant 26 : i32
      %get3A_732 = arith.index_cast %get3A_731 : i32 to index
      %get3A_733 = arith.constant 0 : index
      %get3A_734 = tpu.vector_load %arg32[%get3A_732, %get3A_733] {strides = array<i32>} : memref<32x16xf32, #tpu.memory_space<vmem>>, vector<16xf32>,
      %mul3A_735 = arith.mulf %max3A_730, %get3A_734 : vector<16xf32>
      %add3A_736 = arith.addf %add3A_724, %mul3A_735 : vector<16xf32>
      %broadcast_in_dim3A_737 = arith.constant 59 : i32
      %broadcast_in_dim3A_738 = vector.broadcast %broadcast_in_dim3A_737 : i32 to vector<16xi32>
      %gather3A_739 = tpu.vector_load_idx %arg26[%add3A_411, %broadcast_in_dim3A_738] : memref<32x128xf32, #tpu.memory_space<vmem>>[vector<16xi32>, vector<16xi32>], vector<16xf32>,
      %max3A_740 = arith.constant 0.000000e+00 : f32
      %max3A_741 = vector.broadcast %max3A_740 : f32 to vector<16xf32>
      %max3A_742 = arith.maximumf %gather3A_739, %max3A_741 : vector<16xf32>
      %get3A_743 = arith.constant 27 : i32
      %get3A_744 = arith.index_cast %get3A_743 : i32 to index
      %get3A_745 = arith.constant 0 : index
      %get3A_746 = tpu.vector_load %arg32[%get3A_744, %get3A_745] {strides = array<i32>} : memref<32x16xf32, #tpu.memory_space<vmem>>, vector<16xf32>,
      %mul3A_747 = arith.mulf %max3A_742, %get3A_746 : vector<16xf32>
      %add3A_748 = arith.addf %add3A_736, %mul3A_747 : vector<16xf32>
      %broadcast_in_dim3A_749 = arith.constant 60 : i32
      %broadcast_in_dim3A_750 = vector.broadcast %broadcast_in_dim3A_749 : i32 to vector<16xi32>
      %gather3A_751 = tpu.vector_load_idx %arg26[%add3A_411, %broadcast_in_dim3A_750] : memref<32x128xf32, #tpu.memory_space<vmem>>[vector<16xi32>, vector<16xi32>], vector<16xf32>,
      %max3A_752 = arith.constant 0.000000e+00 : f32
      %max3A_753 = vector.broadcast %max3A_752 : f32 to vector<16xf32>
      %max3A_754 = arith.maximumf %gather3A_751, %max3A_753 : vector<16xf32>
      %get3A_755 = arith.constant 28 : i32
      %get3A_756 = arith.index_cast %get3A_755 : i32 to index
      %get3A_757 = arith.constant 0 : index
      %get3A_758 = tpu.vector_load %arg32[%get3A_756, %get3A_757] {strides = array<i32>} : memref<32x16xf32, #tpu.memory_space<vmem>>, vector<16xf32>,
      %mul3A_759 = arith.mulf %max3A_754, %get3A_758 : vector<16xf32>
      %add3A_760 = arith.addf %add3A_748, %mul3A_759 : vector<16xf32>
      %broadcast_in_dim3A_761 = arith.constant 61 : i32
      %broadcast_in_dim3A_762 = vector.broadcast %broadcast_in_dim3A_761 : i32 to vector<16xi32>
      %gather3A_763 = tpu.vector_load_idx %arg26[%add3A_411, %broadcast_in_dim3A_762] : memref<32x128xf32, #tpu.memory_space<vmem>>[vector<16xi32>, vector<16xi32>], vector<16xf32>,
      %max3A_764 = arith.constant 0.000000e+00 : f32
      %max3A_765 = vector.broadcast %max3A_764 : f32 to vector<16xf32>
      %max3A_766 = arith.maximumf %gather3A_763, %max3A_765 : vector<16xf32>
      %get3A_767 = arith.constant 29 : i32
      %get3A_768 = arith.index_cast %get3A_767 : i32 to index
      %get3A_769 = arith.constant 0 : index
      %get3A_770 = tpu.vector_load %arg32[%get3A_768, %get3A_769] {strides = array<i32>} : memref<32x16xf32, #tpu.memory_space<vmem>>, vector<16xf32>,
      %mul3A_771 = arith.mulf %max3A_766, %get3A_770 : vector<16xf32>
      %add3A_772 = arith.addf %add3A_760, %mul3A_771 : vector<16xf32>
      %broadcast_in_dim3A_773 = arith.constant 62 : i32
      %broadcast_in_dim3A_774 = vector.broadcast %broadcast_in_dim3A_773 : i32 to vector<16xi32>
      %gather3A_775 = tpu.vector_load_idx %arg26[%add3A_411, %broadcast_in_dim3A_774] : memref<32x128xf32, #tpu.memory_space<vmem>>[vector<16xi32>, vector<16xi32>], vector<16xf32>,
      %max3A_776 = arith.constant 0.000000e+00 : f32
      %max3A_777 = vector.broadcast %max3A_776 : f32 to vector<16xf32>
      %max3A_778 = arith.maximumf %gather3A_775, %max3A_777 : vector<16xf32>
      %get3A_779 = arith.constant 30 : i32
      %get3A_780 = arith.index_cast %get3A_779 : i32 to index
      %get3A_781 = arith.constant 0 : index
      %get3A_782 = tpu.vector_load %arg32[%get3A_780, %get3A_781] {strides = array<i32>} : memref<32x16xf32, #tpu.memory_space<vmem>>, vector<16xf32>,
      %mul3A_783 = arith.mulf %max3A_778, %get3A_782 : vector<16xf32>
      %add3A_784 = arith.addf %add3A_772, %mul3A_783 : vector<16xf32>
      %broadcast_in_dim3A_785 = arith.constant 63 : i32
      %broadcast_in_dim3A_786 = vector.broadcast %broadcast_in_dim3A_785 : i32 to vector<16xi32>
      %gather3A_787 = tpu.vector_load_idx %arg26[%add3A_411, %broadcast_in_dim3A_786] : memref<32x128xf32, #tpu.memory_space<vmem>>[vector<16xi32>, vector<16xi32>], vector<16xf32>,
      %max3A_788 = arith.constant 0.000000e+00 : f32
      %max3A_789 = vector.broadcast %max3A_788 : f32 to vector<16xf32>
      %max3A_790 = arith.maximumf %gather3A_787, %max3A_789 : vector<16xf32>
      %get3A_791 = arith.constant 31 : i32
      %get3A_792 = arith.index_cast %get3A_791 : i32 to index
      %get3A_793 = arith.constant 0 : index
      %get3A_794 = tpu.vector_load %arg32[%get3A_792, %get3A_793] {strides = array<i32>} : memref<32x16xf32, #tpu.memory_space<vmem>>, vector<16xf32>,
      %mul3A_795 = arith.mulf %max3A_790, %get3A_794 : vector<16xf32>
      %add3A_796 = arith.addf %add3A_784, %mul3A_795 : vector<16xf32>
      %add3A_797 = arith.addf %add3A_796, %get3A_89 : vector<16xf32>
      %neg3A = arith.constant 0.000000e+00 : f32
      %neg3A_798 = vector.broadcast %neg3A : f32 to vector<16xf32>
      %neg3A_799 = arith.subf %neg3A_798, %add3A_797 : vector<16xf32>
      %exp3A = math.exp %neg3A_799 : vector<16xf32>
      %add3A_800 = arith.constant 1.000000e+00 : f32
      %add3A_801 = vector.broadcast %add3A_800 : f32 to vector<16xf32>
      %add3A_802 = arith.addf %add3A_801, %exp3A : vector<16xf32>
      %div3A = arith.constant 1.000000e+00 : f32
      %div3A_803 = vector.broadcast %div3A : f32 to vector<16xf32>
      %div3A_804 = arith.divf %div3A_803, %add3A_802 : vector<16xf32>
      tpu.vector_store_idx %arg30[%add3A_411], %div3A_804 : memref<32xf32, #tpu.memory_space<vmem>>[vector<16xi32>], vector<16xf32>,
      %iota3A_805 = tpu.iota {dimensions = array<i32: 0>} : vector<16xi32>
      %add3A_806 = arith.constant 16 : i32
      %add3A_807 = vector.broadcast %add3A_806 : i32 to vector<16xi32>
      %add3A_808 = arith.addi %iota3A_805, %add3A_807 : vector<16xi32>
      %broadcast_in_dim3A_809 = arith.constant 0.000000e+00 : f32
      %broadcast_in_dim3A_810 = vector.broadcast %broadcast_in_dim3A_809 : f32 to vector<16xf32>
      %broadcast_in_dim3A_811 = arith.constant 32 : i32
      %broadcast_in_dim3A_812 = vector.broadcast %broadcast_in_dim3A_811 : i32 to vector<16xi32>
      %gather3A_813 = tpu.vector_load_idx %arg26[%add3A_808, %broadcast_in_dim3A_812] : memref<32x128xf32, #tpu.memory_space<vmem>>[vector<16xi32>, vector<16xi32>], vector<16xf32>,
      %max3A_814 = arith.constant 0.000000e+00 : f32
      %max3A_815 = vector.broadcast %max3A_814 : f32 to vector<16xf32>
      %max3A_816 = arith.maximumf %gather3A_813, %max3A_815 : vector<16xf32>
      %get3A_817 = arith.constant 0 : i32
      %get3A_818 = arith.index_cast %get3A_817 : i32 to index
      %get3A_819 = arith.constant 0 : index
      %get3A_820 = tpu.vector_load %arg32[%get3A_818, %get3A_819] {strides = array<i32>} : memref<32x16xf32, #tpu.memory_space<vmem>>, vector<16xf32>,
      %mul3A_821 = arith.mulf %max3A_816, %get3A_820 : vector<16xf32>
      %add3A_822 = arith.addf %broadcast_in_dim3A_810, %mul3A_821 : vector<16xf32>
      %broadcast_in_dim3A_823 = arith.constant 33 : i32
      %broadcast_in_dim3A_824 = vector.broadcast %broadcast_in_dim3A_823 : i32 to vector<16xi32>
      %gather3A_825 = tpu.vector_load_idx %arg26[%add3A_808, %broadcast_in_dim3A_824] : memref<32x128xf32, #tpu.memory_space<vmem>>[vector<16xi32>, vector<16xi32>], vector<16xf32>,
      %max3A_826 = arith.constant 0.000000e+00 : f32
      %max3A_827 = vector.broadcast %max3A_826 : f32 to vector<16xf32>
      %max3A_828 = arith.maximumf %gather3A_825, %max3A_827 : vector<16xf32>
      %get3A_829 = arith.constant 1 : i32
      %get3A_830 = arith.index_cast %get3A_829 : i32 to index
      %get3A_831 = arith.constant 0 : index
      %get3A_832 = tpu.vector_load %arg32[%get3A_830, %get3A_831] {strides = array<i32>} : memref<32x16xf32, #tpu.memory_space<vmem>>, vector<16xf32>,
      %mul3A_833 = arith.mulf %max3A_828, %get3A_832 : vector<16xf32>
      %add3A_834 = arith.addf %add3A_822, %mul3A_833 : vector<16xf32>
      %broadcast_in_dim3A_835 = arith.constant 34 : i32
      %broadcast_in_dim3A_836 = vector.broadcast %broadcast_in_dim3A_835 : i32 to vector<16xi32>
      %gather3A_837 = tpu.vector_load_idx %arg26[%add3A_808, %broadcast_in_dim3A_836] : memref<32x128xf32, #tpu.memory_space<vmem>>[vector<16xi32>, vector<16xi32>], vector<16xf32>,
      %max3A_838 = arith.constant 0.000000e+00 : f32
      %max3A_839 = vector.broadcast %max3A_838 : f32 to vector<16xf32>
      %max3A_840 = arith.maximumf %gather3A_837, %max3A_839 : vector<16xf32>
      %get3A_841 = arith.constant 2 : i32
      %get3A_842 = arith.index_cast %get3A_841 : i32 to index
      %get3A_843 = arith.constant 0 : index
      %get3A_844 = tpu.vector_load %arg32[%get3A_842, %get3A_843] {strides = array<i32>} : memref<32x16xf32, #tpu.memory_space<vmem>>, vector<16xf32>,
      %mul3A_845 = arith.mulf %max3A_840, %get3A_844 : vector<16xf32>
      %add3A_846 = arith.addf %add3A_834, %mul3A_845 : vector<16xf32>
      %broadcast_in_dim3A_847 = arith.constant 35 : i32
      %broadcast_in_dim3A_848 = vector.broadcast %broadcast_in_dim3A_847 : i32 to vector<16xi32>
      %gather3A_849 = tpu.vector_load_idx %arg26[%add3A_808, %broadcast_in_dim3A_848] : memref<32x128xf32, #tpu.memory_space<vmem>>[vector<16xi32>, vector<16xi32>], vector<16xf32>,
      %max3A_850 = arith.constant 0.000000e+00 : f32
      %max3A_851 = vector.broadcast %max3A_850 : f32 to vector<16xf32>
      %max3A_852 = arith.maximumf %gather3A_849, %max3A_851 : vector<16xf32>
      %get3A_853 = arith.constant 3 : i32
      %get3A_854 = arith.index_cast %get3A_853 : i32 to index
      %get3A_855 = arith.constant 0 : index
      %get3A_856 = tpu.vector_load %arg32[%get3A_854, %get3A_855] {strides = array<i32>} : memref<32x16xf32, #tpu.memory_space<vmem>>, vector<16xf32>,
      %mul3A_857 = arith.mulf %max3A_852, %get3A_856 : vector<16xf32>
      %add3A_858 = arith.addf %add3A_846, %mul3A_857 : vector<16xf32>
      %broadcast_in_dim3A_859 = arith.constant 36 : i32
      %broadcast_in_dim3A_860 = vector.broadcast %broadcast_in_dim3A_859 : i32 to vector<16xi32>
      %gather3A_861 = tpu.vector_load_idx %arg26[%add3A_808, %broadcast_in_dim3A_860] : memref<32x128xf32, #tpu.memory_space<vmem>>[vector<16xi32>, vector<16xi32>], vector<16xf32>,
      %max3A_862 = arith.constant 0.000000e+00 : f32
      %max3A_863 = vector.broadcast %max3A_862 : f32 to vector<16xf32>
      %max3A_864 = arith.maximumf %gather3A_861, %max3A_863 : vector<16xf32>
      %get3A_865 = arith.constant 4 : i32
      %get3A_866 = arith.index_cast %get3A_865 : i32 to index
      %get3A_867 = arith.constant 0 : index
      %get3A_868 = tpu.vector_load %arg32[%get3A_866, %get3A_867] {strides = array<i32>} : memref<32x16xf32, #tpu.memory_space<vmem>>, vector<16xf32>,
      %mul3A_869 = arith.mulf %max3A_864, %get3A_868 : vector<16xf32>
      %add3A_870 = arith.addf %add3A_858, %mul3A_869 : vector<16xf32>
      %broadcast_in_dim3A_871 = arith.constant 37 : i32
      %broadcast_in_dim3A_872 = vector.broadcast %broadcast_in_dim3A_871 : i32 to vector<16xi32>
      %gather3A_873 = tpu.vector_load_idx %arg26[%add3A_808, %broadcast_in_dim3A_872] : memref<32x128xf32, #tpu.memory_space<vmem>>[vector<16xi32>, vector<16xi32>], vector<16xf32>,
      %max3A_874 = arith.constant 0.000000e+00 : f32
      %max3A_875 = vector.broadcast %max3A_874 : f32 to vector<16xf32>
      %max3A_876 = arith.maximumf %gather3A_873, %max3A_875 : vector<16xf32>
      %get3A_877 = arith.constant 5 : i32
      %get3A_878 = arith.index_cast %get3A_877 : i32 to index
      %get3A_879 = arith.constant 0 : index
      %get3A_880 = tpu.vector_load %arg32[%get3A_878, %get3A_879] {strides = array<i32>} : memref<32x16xf32, #tpu.memory_space<vmem>>, vector<16xf32>,
      %mul3A_881 = arith.mulf %max3A_876, %get3A_880 : vector<16xf32>
      %add3A_882 = arith.addf %add3A_870, %mul3A_881 : vector<16xf32>
      %broadcast_in_dim3A_883 = arith.constant 38 : i32
      %broadcast_in_dim3A_884 = vector.broadcast %broadcast_in_dim3A_883 : i32 to vector<16xi32>
      %gather3A_885 = tpu.vector_load_idx %arg26[%add3A_808, %broadcast_in_dim3A_884] : memref<32x128xf32, #tpu.memory_space<vmem>>[vector<16xi32>, vector<16xi32>], vector<16xf32>,
      %max3A_886 = arith.constant 0.000000e+00 : f32
      %max3A_887 = vector.broadcast %max3A_886 : f32 to vector<16xf32>
      %max3A_888 = arith.maximumf %gather3A_885, %max3A_887 : vector<16xf32>
      %get3A_889 = arith.constant 6 : i32
      %get3A_890 = arith.index_cast %get3A_889 : i32 to index
      %get3A_891 = arith.constant 0 : index
      %get3A_892 = tpu.vector_load %arg32[%get3A_890, %get3A_891] {strides = array<i32>} : memref<32x16xf32, #tpu.memory_space<vmem>>, vector<16xf32>,
      %mul3A_893 = arith.mulf %max3A_888, %get3A_892 : vector<16xf32>
      %add3A_894 = arith.addf %add3A_882, %mul3A_893 : vector<16xf32>
      %broadcast_in_dim3A_895 = arith.constant 39 : i32
      %broadcast_in_dim3A_896 = vector.broadcast %broadcast_in_dim3A_895 : i32 to vector<16xi32>
      %gather3A_897 = tpu.vector_load_idx %arg26[%add3A_808, %broadcast_in_dim3A_896] : memref<32x128xf32, #tpu.memory_space<vmem>>[vector<16xi32>, vector<16xi32>], vector<16xf32>,
      %max3A_898 = arith.constant 0.000000e+00 : f32
      %max3A_899 = vector.broadcast %max3A_898 : f32 to vector<16xf32>
      %max3A_900 = arith.maximumf %gather3A_897, %max3A_899 : vector<16xf32>
      %get3A_901 = arith.constant 7 : i32
      %get3A_902 = arith.index_cast %get3A_901 : i32 to index
      %get3A_903 = arith.constant 0 : index
      %get3A_904 = tpu.vector_load %arg32[%get3A_902, %get3A_903] {strides = array<i32>} : memref<32x16xf32, #tpu.memory_space<vmem>>, vector<16xf32>,
      %mul3A_905 = arith.mulf %max3A_900, %get3A_904 : vector<16xf32>
      %add3A_906 = arith.addf %add3A_894, %mul3A_905 : vector<16xf32>
      %broadcast_in_dim3A_907 = arith.constant 40 : i32
      %broadcast_in_dim3A_908 = vector.broadcast %broadcast_in_dim3A_907 : i32 to vector<16xi32>
      %gather3A_909 = tpu.vector_load_idx %arg26[%add3A_808, %broadcast_in_dim3A_908] : memref<32x128xf32, #tpu.memory_space<vmem>>[vector<16xi32>, vector<16xi32>], vector<16xf32>,
      %max3A_910 = arith.constant 0.000000e+00 : f32
      %max3A_911 = vector.broadcast %max3A_910 : f32 to vector<16xf32>
      %max3A_912 = arith.maximumf %gather3A_909, %max3A_911 : vector<16xf32>
      %get3A_913 = arith.constant 8 : i32
      %get3A_914 = arith.index_cast %get3A_913 : i32 to index
      %get3A_915 = arith.constant 0 : index
      %get3A_916 = tpu.vector_load %arg32[%get3A_914, %get3A_915] {strides = array<i32>} : memref<32x16xf32, #tpu.memory_space<vmem>>, vector<16xf32>,
      %mul3A_917 = arith.mulf %max3A_912, %get3A_916 : vector<16xf32>
      %add3A_918 = arith.addf %add3A_906, %mul3A_917 : vector<16xf32>
      %broadcast_in_dim3A_919 = arith.constant 41 : i32
      %broadcast_in_dim3A_920 = vector.broadcast %broadcast_in_dim3A_919 : i32 to vector<16xi32>
      %gather3A_921 = tpu.vector_load_idx %arg26[%add3A_808, %broadcast_in_dim3A_920] : memref<32x128xf32, #tpu.memory_space<vmem>>[vector<16xi32>, vector<16xi32>], vector<16xf32>,
      %max3A_922 = arith.constant 0.000000e+00 : f32
      %max3A_923 = vector.broadcast %max3A_922 : f32 to vector<16xf32>
      %max3A_924 = arith.maximumf %gather3A_921, %max3A_923 : vector<16xf32>
      %get3A_925 = arith.constant 9 : i32
      %get3A_926 = arith.index_cast %get3A_925 : i32 to index
      %get3A_927 = arith.constant 0 : index
      %get3A_928 = tpu.vector_load %arg32[%get3A_926, %get3A_927] {strides = array<i32>} : memref<32x16xf32, #tpu.memory_space<vmem>>, vector<16xf32>,
      %mul3A_929 = arith.mulf %max3A_924, %get3A_928 : vector<16xf32>
      %add3A_930 = arith.addf %add3A_918, %mul3A_929 : vector<16xf32>
      %broadcast_in_dim3A_931 = arith.constant 42 : i32
      %broadcast_in_dim3A_932 = vector.broadcast %broadcast_in_dim3A_931 : i32 to vector<16xi32>
      %gather3A_933 = tpu.vector_load_idx %arg26[%add3A_808, %broadcast_in_dim3A_932] : memref<32x128xf32, #tpu.memory_space<vmem>>[vector<16xi32>, vector<16xi32>], vector<16xf32>,
      %max3A_934 = arith.constant 0.000000e+00 : f32
      %max3A_935 = vector.broadcast %max3A_934 : f32 to vector<16xf32>
      %max3A_936 = arith.maximumf %gather3A_933, %max3A_935 : vector<16xf32>
      %get3A_937 = arith.constant 10 : i32
      %get3A_938 = arith.index_cast %get3A_937 : i32 to index
      %get3A_939 = arith.constant 0 : index
      %get3A_940 = tpu.vector_load %arg32[%get3A_938, %get3A_939] {strides = array<i32>} : memref<32x16xf32, #tpu.memory_space<vmem>>, vector<16xf32>,
      %mul3A_941 = arith.mulf %max3A_936, %get3A_940 : vector<16xf32>
      %add3A_942 = arith.addf %add3A_930, %mul3A_941 : vector<16xf32>
      %broadcast_in_dim3A_943 = arith.constant 43 : i32
      %broadcast_in_dim3A_944 = vector.broadcast %broadcast_in_dim3A_943 : i32 to vector<16xi32>
      %gather3A_945 = tpu.vector_load_idx %arg26[%add3A_808, %broadcast_in_dim3A_944] : memref<32x128xf32, #tpu.memory_space<vmem>>[vector<16xi32>, vector<16xi32>], vector<16xf32>,
      %max3A_946 = arith.constant 0.000000e+00 : f32
      %max3A_947 = vector.broadcast %max3A_946 : f32 to vector<16xf32>
      %max3A_948 = arith.maximumf %gather3A_945, %max3A_947 : vector<16xf32>
      %get3A_949 = arith.constant 11 : i32
      %get3A_950 = arith.index_cast %get3A_949 : i32 to index
      %get3A_951 = arith.constant 0 : index
      %get3A_952 = tpu.vector_load %arg32[%get3A_950, %get3A_951] {strides = array<i32>} : memref<32x16xf32, #tpu.memory_space<vmem>>, vector<16xf32>,
      %mul3A_953 = arith.mulf %max3A_948, %get3A_952 : vector<16xf32>
      %add3A_954 = arith.addf %add3A_942, %mul3A_953 : vector<16xf32>
      %broadcast_in_dim3A_955 = arith.constant 44 : i32
      %broadcast_in_dim3A_956 = vector.broadcast %broadcast_in_dim3A_955 : i32 to vector<16xi32>
      %gather3A_957 = tpu.vector_load_idx %arg26[%add3A_808, %broadcast_in_dim3A_956] : memref<32x128xf32, #tpu.memory_space<vmem>>[vector<16xi32>, vector<16xi32>], vector<16xf32>,
      %max3A_958 = arith.constant 0.000000e+00 : f32
      %max3A_959 = vector.broadcast %max3A_958 : f32 to vector<16xf32>
      %max3A_960 = arith.maximumf %gather3A_957, %max3A_959 : vector<16xf32>
      %get3A_961 = arith.constant 12 : i32
      %get3A_962 = arith.index_cast %get3A_961 : i32 to index
      %get3A_963 = arith.constant 0 : index
      %get3A_964 = tpu.vector_load %arg32[%get3A_962, %get3A_963] {strides = array<i32>} : memref<32x16xf32, #tpu.memory_space<vmem>>, vector<16xf32>,
      %mul3A_965 = arith.mulf %max3A_960, %get3A_964 : vector<16xf32>
      %add3A_966 = arith.addf %add3A_954, %mul3A_965 : vector<16xf32>
      %broadcast_in_dim3A_967 = arith.constant 45 : i32
      %broadcast_in_dim3A_968 = vector.broadcast %broadcast_in_dim3A_967 : i32 to vector<16xi32>
      %gather3A_969 = tpu.vector_load_idx %arg26[%add3A_808, %broadcast_in_dim3A_968] : memref<32x128xf32, #tpu.memory_space<vmem>>[vector<16xi32>, vector<16xi32>], vector<16xf32>,
      %max3A_970 = arith.constant 0.000000e+00 : f32
      %max3A_971 = vector.broadcast %max3A_970 : f32 to vector<16xf32>
      %max3A_972 = arith.maximumf %gather3A_969, %max3A_971 : vector<16xf32>
      %get3A_973 = arith.constant 13 : i32
      %get3A_974 = arith.index_cast %get3A_973 : i32 to index
      %get3A_975 = arith.constant 0 : index
      %get3A_976 = tpu.vector_load %arg32[%get3A_974, %get3A_975] {strides = array<i32>} : memref<32x16xf32, #tpu.memory_space<vmem>>, vector<16xf32>,
      %mul3A_977 = arith.mulf %max3A_972, %get3A_976 : vector<16xf32>
      %add3A_978 = arith.addf %add3A_966, %mul3A_977 : vector<16xf32>
      %broadcast_in_dim3A_979 = arith.constant 46 : i32
      %broadcast_in_dim3A_980 = vector.broadcast %broadcast_in_dim3A_979 : i32 to vector<16xi32>
      %gather3A_981 = tpu.vector_load_idx %arg26[%add3A_808, %broadcast_in_dim3A_980] : memref<32x128xf32, #tpu.memory_space<vmem>>[vector<16xi32>, vector<16xi32>], vector<16xf32>,
      %max3A_982 = arith.constant 0.000000e+00 : f32
      %max3A_983 = vector.broadcast %max3A_982 : f32 to vector<16xf32>
      %max3A_984 = arith.maximumf %gather3A_981, %max3A_983 : vector<16xf32>
      %get3A_985 = arith.constant 14 : i32
      %get3A_986 = arith.index_cast %get3A_985 : i32 to index
      %get3A_987 = arith.constant 0 : index
      %get3A_988 = tpu.vector_load %arg32[%get3A_986, %get3A_987] {strides = array<i32>} : memref<32x16xf32, #tpu.memory_space<vmem>>, vector<16xf32>,
      %mul3A_989 = arith.mulf %max3A_984, %get3A_988 : vector<16xf32>
      %add3A_990 = arith.addf %add3A_978, %mul3A_989 : vector<16xf32>
      %broadcast_in_dim3A_991 = arith.constant 47 : i32
      %broadcast_in_dim3A_992 = vector.broadcast %broadcast_in_dim3A_991 : i32 to vector<16xi32>
      %gather3A_993 = tpu.vector_load_idx %arg26[%add3A_808, %broadcast_in_dim3A_992] : memref<32x128xf32, #tpu.memory_space<vmem>>[vector<16xi32>, vector<16xi32>], vector<16xf32>,
      %max3A_994 = arith.constant 0.000000e+00 : f32
      %max3A_995 = vector.broadcast %max3A_994 : f32 to vector<16xf32>
      %max3A_996 = arith.maximumf %gather3A_993, %max3A_995 : vector<16xf32>
      %get3A_997 = arith.constant 15 : i32
      %get3A_998 = arith.index_cast %get3A_997 : i32 to index
      %get3A_999 = arith.constant 0 : index
      %get3A_1000 = tpu.vector_load %arg32[%get3A_998, %get3A_999] {strides = array<i32>} : memref<32x16xf32, #tpu.memory_space<vmem>>, vector<16xf32>,
      %mul3A_1001 = arith.mulf %max3A_996, %get3A_1000 : vector<16xf32>
      %add3A_1002 = arith.addf %add3A_990, %mul3A_1001 : vector<16xf32>
      %broadcast_in_dim3A_1003 = arith.constant 48 : i32
      %broadcast_in_dim3A_1004 = vector.broadcast %broadcast_in_dim3A_1003 : i32 to vector<16xi32>
      %gather3A_1005 = tpu.vector_load_idx %arg26[%add3A_808, %broadcast_in_dim3A_1004] : memref<32x128xf32, #tpu.memory_space<vmem>>[vector<16xi32>, vector<16xi32>], vector<16xf32>,
      %max3A_1006 = arith.constant 0.000000e+00 : f32
      %max3A_1007 = vector.broadcast %max3A_1006 : f32 to vector<16xf32>
      %max3A_1008 = arith.maximumf %gather3A_1005, %max3A_1007 : vector<16xf32>
      %get3A_1009 = arith.constant 16 : i32
      %get3A_1010 = arith.index_cast %get3A_1009 : i32 to index
      %get3A_1011 = arith.constant 0 : index
      %get3A_1012 = tpu.vector_load %arg32[%get3A_1010, %get3A_1011] {strides = array<i32>} : memref<32x16xf32, #tpu.memory_space<vmem>>, vector<16xf32>,
      %mul3A_1013 = arith.mulf %max3A_1008, %get3A_1012 : vector<16xf32>
      %add3A_1014 = arith.addf %add3A_1002, %mul3A_1013 : vector<16xf32>
      %broadcast_in_dim3A_1015 = arith.constant 49 : i32
      %broadcast_in_dim3A_1016 = vector.broadcast %broadcast_in_dim3A_1015 : i32 to vector<16xi32>
      %gather3A_1017 = tpu.vector_load_idx %arg26[%add3A_808, %broadcast_in_dim3A_1016] : memref<32x128xf32, #tpu.memory_space<vmem>>[vector<16xi32>, vector<16xi32>], vector<16xf32>,
      %max3A_1018 = arith.constant 0.000000e+00 : f32
      %max3A_1019 = vector.broadcast %max3A_1018 : f32 to vector<16xf32>
      %max3A_1020 = arith.maximumf %gather3A_1017, %max3A_1019 : vector<16xf32>
      %get3A_1021 = arith.constant 17 : i32
      %get3A_1022 = arith.index_cast %get3A_1021 : i32 to index
      %get3A_1023 = arith.constant 0 : index
      %get3A_1024 = tpu.vector_load %arg32[%get3A_1022, %get3A_1023] {strides = array<i32>} : memref<32x16xf32, #tpu.memory_space<vmem>>, vector<16xf32>,
      %mul3A_1025 = arith.mulf %max3A_1020, %get3A_1024 : vector<16xf32>
      %add3A_1026 = arith.addf %add3A_1014, %mul3A_1025 : vector<16xf32>
      %broadcast_in_dim3A_1027 = arith.constant 50 : i32
      %broadcast_in_dim3A_1028 = vector.broadcast %broadcast_in_dim3A_1027 : i32 to vector<16xi32>
      %gather3A_1029 = tpu.vector_load_idx %arg26[%add3A_808, %broadcast_in_dim3A_1028] : memref<32x128xf32, #tpu.memory_space<vmem>>[vector<16xi32>, vector<16xi32>], vector<16xf32>,
      %max3A_1030 = arith.constant 0.000000e+00 : f32
      %max3A_1031 = vector.broadcast %max3A_1030 : f32 to vector<16xf32>
      %max3A_1032 = arith.maximumf %gather3A_1029, %max3A_1031 : vector<16xf32>
      %get3A_1033 = arith.constant 18 : i32
      %get3A_1034 = arith.index_cast %get3A_1033 : i32 to index
      %get3A_1035 = arith.constant 0 : index
      %get3A_1036 = tpu.vector_load %arg32[%get3A_1034, %get3A_1035] {strides = array<i32>} : memref<32x16xf32, #tpu.memory_space<vmem>>, vector<16xf32>,
      %mul3A_1037 = arith.mulf %max3A_1032, %get3A_1036 : vector<16xf32>
      %add3A_1038 = arith.addf %add3A_1026, %mul3A_1037 : vector<16xf32>
      %broadcast_in_dim3A_1039 = arith.constant 51 : i32
      %broadcast_in_dim3A_1040 = vector.broadcast %broadcast_in_dim3A_1039 : i32 to vector<16xi32>
      %gather3A_1041 = tpu.vector_load_idx %arg26[%add3A_808, %broadcast_in_dim3A_1040] : memref<32x128xf32, #tpu.memory_space<vmem>>[vector<16xi32>, vector<16xi32>], vector<16xf32>,
      %max3A_1042 = arith.constant 0.000000e+00 : f32
      %max3A_1043 = vector.broadcast %max3A_1042 : f32 to vector<16xf32>
      %max3A_1044 = arith.maximumf %gather3A_1041, %max3A_1043 : vector<16xf32>
      %get3A_1045 = arith.constant 19 : i32
      %get3A_1046 = arith.index_cast %get3A_1045 : i32 to index
      %get3A_1047 = arith.constant 0 : index
      %get3A_1048 = tpu.vector_load %arg32[%get3A_1046, %get3A_1047] {strides = array<i32>} : memref<32x16xf32, #tpu.memory_space<vmem>>, vector<16xf32>,
      %mul3A_1049 = arith.mulf %max3A_1044, %get3A_1048 : vector<16xf32>
      %add3A_1050 = arith.addf %add3A_1038, %mul3A_1049 : vector<16xf32>
      %broadcast_in_dim3A_1051 = arith.constant 52 : i32
      %broadcast_in_dim3A_1052 = vector.broadcast %broadcast_in_dim3A_1051 : i32 to vector<16xi32>
      %gather3A_1053 = tpu.vector_load_idx %arg26[%add3A_808, %broadcast_in_dim3A_1052] : memref<32x128xf32, #tpu.memory_space<vmem>>[vector<16xi32>, vector<16xi32>], vector<16xf32>,
      %max3A_1054 = arith.constant 0.000000e+00 : f32
      %max3A_1055 = vector.broadcast %max3A_1054 : f32 to vector<16xf32>
      %max3A_1056 = arith.maximumf %gather3A_1053, %max3A_1055 : vector<16xf32>
      %get3A_1057 = arith.constant 20 : i32
      %get3A_1058 = arith.index_cast %get3A_1057 : i32 to index
      %get3A_1059 = arith.constant 0 : index
      %get3A_1060 = tpu.vector_load %arg32[%get3A_1058, %get3A_1059] {strides = array<i32>} : memref<32x16xf32, #tpu.memory_space<vmem>>, vector<16xf32>,
      %mul3A_1061 = arith.mulf %max3A_1056, %get3A_1060 : vector<16xf32>
      %add3A_1062 = arith.addf %add3A_1050, %mul3A_1061 : vector<16xf32>
      %broadcast_in_dim3A_1063 = arith.constant 53 : i32
      %broadcast_in_dim3A_1064 = vector.broadcast %broadcast_in_dim3A_1063 : i32 to vector<16xi32>
      %gather3A_1065 = tpu.vector_load_idx %arg26[%add3A_808, %broadcast_in_dim3A_1064] : memref<32x128xf32, #tpu.memory_space<vmem>>[vector<16xi32>, vector<16xi32>], vector<16xf32>,
      %max3A_1066 = arith.constant 0.000000e+00 : f32
      %max3A_1067 = vector.broadcast %max3A_1066 : f32 to vector<16xf32>
      %max3A_1068 = arith.maximumf %gather3A_1065, %max3A_1067 : vector<16xf32>
      %get3A_1069 = arith.constant 21 : i32
      %get3A_1070 = arith.index_cast %get3A_1069 : i32 to index
      %get3A_1071 = arith.constant 0 : index
      %get3A_1072 = tpu.vector_load %arg32[%get3A_1070, %get3A_1071] {strides = array<i32>} : memref<32x16xf32, #tpu.memory_space<vmem>>, vector<16xf32>,
      %mul3A_1073 = arith.mulf %max3A_1068, %get3A_1072 : vector<16xf32>
      %add3A_1074 = arith.addf %add3A_1062, %mul3A_1073 : vector<16xf32>
      %broadcast_in_dim3A_1075 = arith.constant 54 : i32
      %broadcast_in_dim3A_1076 = vector.broadcast %broadcast_in_dim3A_1075 : i32 to vector<16xi32>
      %gather3A_1077 = tpu.vector_load_idx %arg26[%add3A_808, %broadcast_in_dim3A_1076] : memref<32x128xf32, #tpu.memory_space<vmem>>[vector<16xi32>, vector<16xi32>], vector<16xf32>,
      %max3A_1078 = arith.constant 0.000000e+00 : f32
      %max3A_1079 = vector.broadcast %max3A_1078 : f32 to vector<16xf32>
      %max3A_1080 = arith.maximumf %gather3A_1077, %max3A_1079 : vector<16xf32>
      %get3A_1081 = arith.constant 22 : i32
      %get3A_1082 = arith.index_cast %get3A_1081 : i32 to index
      %get3A_1083 = arith.constant 0 : index
      %get3A_1084 = tpu.vector_load %arg32[%get3A_1082, %get3A_1083] {strides = array<i32>} : memref<32x16xf32, #tpu.memory_space<vmem>>, vector<16xf32>,
      %mul3A_1085 = arith.mulf %max3A_1080, %get3A_1084 : vector<16xf32>
      %add3A_1086 = arith.addf %add3A_1074, %mul3A_1085 : vector<16xf32>
      %broadcast_in_dim3A_1087 = arith.constant 55 : i32
      %broadcast_in_dim3A_1088 = vector.broadcast %broadcast_in_dim3A_1087 : i32 to vector<16xi32>
      %gather3A_1089 = tpu.vector_load_idx %arg26[%add3A_808, %broadcast_in_dim3A_1088] : memref<32x128xf32, #tpu.memory_space<vmem>>[vector<16xi32>, vector<16xi32>], vector<16xf32>,
      %max3A_1090 = arith.constant 0.000000e+00 : f32
      %max3A_1091 = vector.broadcast %max3A_1090 : f32 to vector<16xf32>
      %max3A_1092 = arith.maximumf %gather3A_1089, %max3A_1091 : vector<16xf32>
      %get3A_1093 = arith.constant 23 : i32
      %get3A_1094 = arith.index_cast %get3A_1093 : i32 to index
      %get3A_1095 = arith.constant 0 : index
      %get3A_1096 = tpu.vector_load %arg32[%get3A_1094, %get3A_1095] {strides = array<i32>} : memref<32x16xf32, #tpu.memory_space<vmem>>, vector<16xf32>,
      %mul3A_1097 = arith.mulf %max3A_1092, %get3A_1096 : vector<16xf32>
      %add3A_1098 = arith.addf %add3A_1086, %mul3A_1097 : vector<16xf32>
      %broadcast_in_dim3A_1099 = arith.constant 56 : i32
      %broadcast_in_dim3A_1100 = vector.broadcast %broadcast_in_dim3A_1099 : i32 to vector<16xi32>
      %gather3A_1101 = tpu.vector_load_idx %arg26[%add3A_808, %broadcast_in_dim3A_1100] : memref<32x128xf32, #tpu.memory_space<vmem>>[vector<16xi32>, vector<16xi32>], vector<16xf32>,
      %max3A_1102 = arith.constant 0.000000e+00 : f32
      %max3A_1103 = vector.broadcast %max3A_1102 : f32 to vector<16xf32>
      %max3A_1104 = arith.maximumf %gather3A_1101, %max3A_1103 : vector<16xf32>
      %get3A_1105 = arith.constant 24 : i32
      %get3A_1106 = arith.index_cast %get3A_1105 : i32 to index
      %get3A_1107 = arith.constant 0 : index
      %get3A_1108 = tpu.vector_load %arg32[%get3A_1106, %get3A_1107] {strides = array<i32>} : memref<32x16xf32, #tpu.memory_space<vmem>>, vector<16xf32>,
      %mul3A_1109 = arith.mulf %max3A_1104, %get3A_1108 : vector<16xf32>
      %add3A_1110 = arith.addf %add3A_1098, %mul3A_1109 : vector<16xf32>
      %broadcast_in_dim3A_1111 = arith.constant 57 : i32
      %broadcast_in_dim3A_1112 = vector.broadcast %broadcast_in_dim3A_1111 : i32 to vector<16xi32>
      %gather3A_1113 = tpu.vector_load_idx %arg26[%add3A_808, %broadcast_in_dim3A_1112] : memref<32x128xf32, #tpu.memory_space<vmem>>[vector<16xi32>, vector<16xi32>], vector<16xf32>,
      %max3A_1114 = arith.constant 0.000000e+00 : f32
      %max3A_1115 = vector.broadcast %max3A_1114 : f32 to vector<16xf32>
      %max3A_1116 = arith.maximumf %gather3A_1113, %max3A_1115 : vector<16xf32>
      %get3A_1117 = arith.constant 25 : i32
      %get3A_1118 = arith.index_cast %get3A_1117 : i32 to index
      %get3A_1119 = arith.constant 0 : index
      %get3A_1120 = tpu.vector_load %arg32[%get3A_1118, %get3A_1119] {strides = array<i32>} : memref<32x16xf32, #tpu.memory_space<vmem>>, vector<16xf32>,
      %mul3A_1121 = arith.mulf %max3A_1116, %get3A_1120 : vector<16xf32>
      %add3A_1122 = arith.addf %add3A_1110, %mul3A_1121 : vector<16xf32>
      %broadcast_in_dim3A_1123 = arith.constant 58 : i32
      %broadcast_in_dim3A_1124 = vector.broadcast %broadcast_in_dim3A_1123 : i32 to vector<16xi32>
      %gather3A_1125 = tpu.vector_load_idx %arg26[%add3A_808, %broadcast_in_dim3A_1124] : memref<32x128xf32, #tpu.memory_space<vmem>>[vector<16xi32>, vector<16xi32>], vector<16xf32>,
      %max3A_1126 = arith.constant 0.000000e+00 : f32
      %max3A_1127 = vector.broadcast %max3A_1126 : f32 to vector<16xf32>
      %max3A_1128 = arith.maximumf %gather3A_1125, %max3A_1127 : vector<16xf32>
      %get3A_1129 = arith.constant 26 : i32
      %get3A_1130 = arith.index_cast %get3A_1129 : i32 to index
      %get3A_1131 = arith.constant 0 : index
      %get3A_1132 = tpu.vector_load %arg32[%get3A_1130, %get3A_1131] {strides = array<i32>} : memref<32x16xf32, #tpu.memory_space<vmem>>, vector<16xf32>,
      %mul3A_1133 = arith.mulf %max3A_1128, %get3A_1132 : vector<16xf32>
      %add3A_1134 = arith.addf %add3A_1122, %mul3A_1133 : vector<16xf32>
      %broadcast_in_dim3A_1135 = arith.constant 59 : i32
      %broadcast_in_dim3A_1136 = vector.broadcast %broadcast_in_dim3A_1135 : i32 to vector<16xi32>
      %gather3A_1137 = tpu.vector_load_idx %arg26[%add3A_808, %broadcast_in_dim3A_1136] : memref<32x128xf32, #tpu.memory_space<vmem>>[vector<16xi32>, vector<16xi32>], vector<16xf32>,
      %max3A_1138 = arith.constant 0.000000e+00 : f32
      %max3A_1139 = vector.broadcast %max3A_1138 : f32 to vector<16xf32>
      %max3A_1140 = arith.maximumf %gather3A_1137, %max3A_1139 : vector<16xf32>
      %get3A_1141 = arith.constant 27 : i32
      %get3A_1142 = arith.index_cast %get3A_1141 : i32 to index
      %get3A_1143 = arith.constant 0 : index
      %get3A_1144 = tpu.vector_load %arg32[%get3A_1142, %get3A_1143] {strides = array<i32>} : memref<32x16xf32, #tpu.memory_space<vmem>>, vector<16xf32>,
      %mul3A_1145 = arith.mulf %max3A_1140, %get3A_1144 : vector<16xf32>
      %add3A_1146 = arith.addf %add3A_1134, %mul3A_1145 : vector<16xf32>
      %broadcast_in_dim3A_1147 = arith.constant 60 : i32
      %broadcast_in_dim3A_1148 = vector.broadcast %broadcast_in_dim3A_1147 : i32 to vector<16xi32>
      %gather3A_1149 = tpu.vector_load_idx %arg26[%add3A_808, %broadcast_in_dim3A_1148] : memref<32x128xf32, #tpu.memory_space<vmem>>[vector<16xi32>, vector<16xi32>], vector<16xf32>,
      %max3A_1150 = arith.constant 0.000000e+00 : f32
      %max3A_1151 = vector.broadcast %max3A_1150 : f32 to vector<16xf32>
      %max3A_1152 = arith.maximumf %gather3A_1149, %max3A_1151 : vector<16xf32>
      %get3A_1153 = arith.constant 28 : i32
      %get3A_1154 = arith.index_cast %get3A_1153 : i32 to index
      %get3A_1155 = arith.constant 0 : index
      %get3A_1156 = tpu.vector_load %arg32[%get3A_1154, %get3A_1155] {strides = array<i32>} : memref<32x16xf32, #tpu.memory_space<vmem>>, vector<16xf32>,
      %mul3A_1157 = arith.mulf %max3A_1152, %get3A_1156 : vector<16xf32>
      %add3A_1158 = arith.addf %add3A_1146, %mul3A_1157 : vector<16xf32>
      %broadcast_in_dim3A_1159 = arith.constant 61 : i32
      %broadcast_in_dim3A_1160 = vector.broadcast %broadcast_in_dim3A_1159 : i32 to vector<16xi32>
      %gather3A_1161 = tpu.vector_load_idx %arg26[%add3A_808, %broadcast_in_dim3A_1160] : memref<32x128xf32, #tpu.memory_space<vmem>>[vector<16xi32>, vector<16xi32>], vector<16xf32>,
      %max3A_1162 = arith.constant 0.000000e+00 : f32
      %max3A_1163 = vector.broadcast %max3A_1162 : f32 to vector<16xf32>
      %max3A_1164 = arith.maximumf %gather3A_1161, %max3A_1163 : vector<16xf32>
      %get3A_1165 = arith.constant 29 : i32
      %get3A_1166 = arith.index_cast %get3A_1165 : i32 to index
      %get3A_1167 = arith.constant 0 : index
      %get3A_1168 = tpu.vector_load %arg32[%get3A_1166, %get3A_1167] {strides = array<i32>} : memref<32x16xf32, #tpu.memory_space<vmem>>, vector<16xf32>,
      %mul3A_1169 = arith.mulf %max3A_1164, %get3A_1168 : vector<16xf32>
      %add3A_1170 = arith.addf %add3A_1158, %mul3A_1169 : vector<16xf32>
      %broadcast_in_dim3A_1171 = arith.constant 62 : i32
      %broadcast_in_dim3A_1172 = vector.broadcast %broadcast_in_dim3A_1171 : i32 to vector<16xi32>
      %gather3A_1173 = tpu.vector_load_idx %arg26[%add3A_808, %broadcast_in_dim3A_1172] : memref<32x128xf32, #tpu.memory_space<vmem>>[vector<16xi32>, vector<16xi32>], vector<16xf32>,
      %max3A_1174 = arith.constant 0.000000e+00 : f32
      %max3A_1175 = vector.broadcast %max3A_1174 : f32 to vector<16xf32>
      %max3A_1176 = arith.maximumf %gather3A_1173, %max3A_1175 : vector<16xf32>
      %get3A_1177 = arith.constant 30 : i32
      %get3A_1178 = arith.index_cast %get3A_1177 : i32 to index
      %get3A_1179 = arith.constant 0 : index
      %get3A_1180 = tpu.vector_load %arg32[%get3A_1178, %get3A_1179] {strides = array<i32>} : memref<32x16xf32, #tpu.memory_space<vmem>>, vector<16xf32>,
      %mul3A_1181 = arith.mulf %max3A_1176, %get3A_1180 : vector<16xf32>
      %add3A_1182 = arith.addf %add3A_1170, %mul3A_1181 : vector<16xf32>
      %broadcast_in_dim3A_1183 = arith.constant 63 : i32
      %broadcast_in_dim3A_1184 = vector.broadcast %broadcast_in_dim3A_1183 : i32 to vector<16xi32>
      %gather3A_1185 = tpu.vector_load_idx %arg26[%add3A_808, %broadcast_in_dim3A_1184] : memref<32x128xf32, #tpu.memory_space<vmem>>[vector<16xi32>, vector<16xi32>], vector<16xf32>,
      %max3A_1186 = arith.constant 0.000000e+00 : f32
      %max3A_1187 = vector.broadcast %max3A_1186 : f32 to vector<16xf32>
      %max3A_1188 = arith.maximumf %gather3A_1185, %max3A_1187 : vector<16xf32>
      %get3A_1189 = arith.constant 31 : i32
      %get3A_1190 = arith.index_cast %get3A_1189 : i32 to index
      %get3A_1191 = arith.constant 0 : index
      %get3A_1192 = tpu.vector_load %arg32[%get3A_1190, %get3A_1191] {strides = array<i32>} : memref<32x16xf32, #tpu.memory_space<vmem>>, vector<16xf32>,
      %mul3A_1193 = arith.mulf %max3A_1188, %get3A_1192 : vector<16xf32>
      %add3A_1194 = arith.addf %add3A_1182, %mul3A_1193 : vector<16xf32>
      %add3A_1195 = arith.addf %add3A_1194, %get3A_89 : vector<16xf32>
      %neg3A_1196 = arith.constant 0.000000e+00 : f32
      %neg3A_1197 = vector.broadcast %neg3A_1196 : f32 to vector<16xf32>
      %neg3A_1198 = arith.subf %neg3A_1197, %add3A_1195 : vector<16xf32>
      %exp3A_1199 = math.exp %neg3A_1198 : vector<16xf32>
      %add3A_1200 = arith.constant 1.000000e+00 : f32
      %add3A_1201 = vector.broadcast %add3A_1200 : f32 to vector<16xf32>
      %add3A_1202 = arith.addf %add3A_1201, %exp3A_1199 : vector<16xf32>
      %div3A_1203 = arith.constant 1.000000e+00 : f32
      %div3A_1204 = vector.broadcast %div3A_1203 : f32 to vector<16xf32>
      %div3A_1205 = arith.divf %div3A_1204, %add3A_1202 : vector<16xf32>
      tpu.vector_store_idx %arg30[%add3A_808], %div3A_1205 : memref<32xf32, #tpu.memory_space<vmem>>[vector<16xi32>], vector<16xf32>,
      %parallel_loop3A_1206 = arith.constant 0 : i32
      %parallel_loop3A_1207 = arith.constant 32 : i32
      %parallel_loop3A_1208 = arith.constant 1 : i32
      scf.for %parallel_loop3A_2137 = %parallel_loop3A_1206 to %parallel_loop3A_1207 step %parallel_loop3A_1208  : i32 {
        %parallel_loop3A_2138 = arith.constant 0 : i32
        %parallel_loop3A_2139 = vector.broadcast %parallel_loop3A_2138 : i32 to vector<16xi32>
        %parallel_loop3A_2140 = vector.broadcast %parallel_loop3A_2137 : i32 to vector<16xi32>
        %parallel_loop3A_2141 = arith.addi %parallel_loop3A_2139, %parallel_loop3A_2140 : vector<16xi32>
        %parallel_loop3A_2142 = tpu.vector_load_idx %arg30[%parallel_loop3A_2141] : memref<32xf32, #tpu.memory_space<vmem>>[vector<16xi32>], vector<16xf32>,
        %parallel_loop3A_2143 = arith.index_cast %parallel_loop3A_2137 : i32 to index
        %parallel_loop3A_2144 = arith.constant 0 : index
        %parallel_loop3A_2145 = tpu.vector_load %arg22[%parallel_loop3A_2143, %parallel_loop3A_2144] {strides = array<i32>} : memref<32x128xf32, #tpu.memory_space<vmem>>, vector<16xf32>,
        %parallel_loop3A_2146 = arith.index_cast %parallel_loop3A_2137 : i32 to index
        %parallel_loop3A_2147 = arith.constant 0 : index
        %parallel_loop3A_2148 = tpu.vector_load %arg24[%parallel_loop3A_2146, %parallel_loop3A_2147] {strides = array<i32>} : memref<32x128xf32, #tpu.memory_space<vmem>>, vector<16xf32>,
        %parallel_loop3A_2149 = arith.addf %parallel_loop3A_2145, %parallel_loop3A_2148 : vector<16xf32>
        %parallel_loop3A_2150 = arith.mulf %parallel_loop3A_2142, %parallel_loop3A_2149 : vector<16xf32>
        %parallel_loop3A_2151 = arith.index_cast %parallel_loop3A_2137 : i32 to index
        %parallel_loop3A_2152 = arith.constant 0 : index
        %parallel_loop3A_2153 = tpu.vector_load %arg24[%parallel_loop3A_2151, %parallel_loop3A_2152] {strides = array<i32>} : memref<32x128xf32, #tpu.memory_space<vmem>>, vector<16xf32>,
        tpu.vector_store %arg24[%parallel_loop3A_2151, %parallel_loop3A_2152], %parallel_loop3A_2150 {strides = array<i32>} : memref<32x128xf32, #tpu.memory_space<vmem>>, vector<16xf32>,
        %parallel_loop3A_2154 = arith.index_cast %parallel_loop3A_2137 : i32 to index
        %parallel_loop3A_2155 = arith.constant 16 : index
        %parallel_loop3A_2156 = tpu.vector_load %arg22[%parallel_loop3A_2154, %parallel_loop3A_2155] {strides = array<i32>} : memref<32x128xf32, #tpu.memory_space<vmem>>, vector<16xf32>,
        %parallel_loop3A_2157 = arith.index_cast %parallel_loop3A_2137 : i32 to index
        %parallel_loop3A_2158 = arith.constant 16 : index
        %parallel_loop3A_2159 = tpu.vector_load %arg24[%parallel_loop3A_2157, %parallel_loop3A_2158] {strides = array<i32>} : memref<32x128xf32, #tpu.memory_space<vmem>>, vector<16xf32>,
        %parallel_loop3A_2160 = arith.addf %parallel_loop3A_2156, %parallel_loop3A_2159 : vector<16xf32>
        %parallel_loop3A_2161 = arith.mulf %parallel_loop3A_2142, %parallel_loop3A_2160 : vector<16xf32>
        %parallel_loop3A_2162 = arith.index_cast %parallel_loop3A_2137 : i32 to index
        %parallel_loop3A_2163 = arith.constant 16 : index
        %parallel_loop3A_2164 = tpu.vector_load %arg24[%parallel_loop3A_2162, %parallel_loop3A_2163] {strides = array<i32>} : memref<32x128xf32, #tpu.memory_space<vmem>>, vector<16xf32>,
        tpu.vector_store %arg24[%parallel_loop3A_2162, %parallel_loop3A_2163], %parallel_loop3A_2161 {strides = array<i32>} : memref<32x128xf32, #tpu.memory_space<vmem>>, vector<16xf32>,
        %parallel_loop3A_2165 = arith.index_cast %parallel_loop3A_2137 : i32 to index
        %parallel_loop3A_2166 = arith.constant 32 : index
        %parallel_loop3A_2167 = tpu.vector_load %arg22[%parallel_loop3A_2165, %parallel_loop3A_2166] {strides = array<i32>} : memref<32x128xf32, #tpu.memory_space<vmem>>, vector<16xf32>,
        %parallel_loop3A_2168 = arith.index_cast %parallel_loop3A_2137 : i32 to index
        %parallel_loop3A_2169 = arith.constant 32 : index
        %parallel_loop3A_2170 = tpu.vector_load %arg24[%parallel_loop3A_2168, %parallel_loop3A_2169] {strides = array<i32>} : memref<32x128xf32, #tpu.memory_space<vmem>>, vector<16xf32>,
        %parallel_loop3A_2171 = arith.addf %parallel_loop3A_2167, %parallel_loop3A_2170 : vector<16xf32>
        %parallel_loop3A_2172 = arith.mulf %parallel_loop3A_2142, %parallel_loop3A_2171 : vector<16xf32>
        %parallel_loop3A_2173 = arith.index_cast %parallel_loop3A_2137 : i32 to index
        %parallel_loop3A_2174 = arith.constant 32 : index
        %parallel_loop3A_2175 = tpu.vector_load %arg24[%parallel_loop3A_2173, %parallel_loop3A_2174] {strides = array<i32>} : memref<32x128xf32, #tpu.memory_space<vmem>>, vector<16xf32>,
        tpu.vector_store %arg24[%parallel_loop3A_2173, %parallel_loop3A_2174], %parallel_loop3A_2172 {strides = array<i32>} : memref<32x128xf32, #tpu.memory_space<vmem>>, vector<16xf32>,
        %parallel_loop3A_2176 = arith.index_cast %parallel_loop3A_2137 : i32 to index
        %parallel_loop3A_2177 = arith.constant 48 : index
        %parallel_loop3A_2178 = tpu.vector_load %arg22[%parallel_loop3A_2176, %parallel_loop3A_2177] {strides = array<i32>} : memref<32x128xf32, #tpu.memory_space<vmem>>, vector<16xf32>,
        %parallel_loop3A_2179 = arith.index_cast %parallel_loop3A_2137 : i32 to index
        %parallel_loop3A_2180 = arith.constant 48 : index
        %parallel_loop3A_2181 = tpu.vector_load %arg24[%parallel_loop3A_2179, %parallel_loop3A_2180] {strides = array<i32>} : memref<32x128xf32, #tpu.memory_space<vmem>>, vector<16xf32>,
        %parallel_loop3A_2182 = arith.addf %parallel_loop3A_2178, %parallel_loop3A_2181 : vector<16xf32>
        %parallel_loop3A_2183 = arith.mulf %parallel_loop3A_2142, %parallel_loop3A_2182 : vector<16xf32>
        %parallel_loop3A_2184 = arith.index_cast %parallel_loop3A_2137 : i32 to index
        %parallel_loop3A_2185 = arith.constant 48 : index
        %parallel_loop3A_2186 = tpu.vector_load %arg24[%parallel_loop3A_2184, %parallel_loop3A_2185] {strides = array<i32>} : memref<32x128xf32, #tpu.memory_space<vmem>>, vector<16xf32>,
        tpu.vector_store %arg24[%parallel_loop3A_2184, %parallel_loop3A_2185], %parallel_loop3A_2183 {strides = array<i32>} : memref<32x128xf32, #tpu.memory_space<vmem>>, vector<16xf32>,
        %parallel_loop3A_2187 = arith.index_cast %parallel_loop3A_2137 : i32 to index
        %parallel_loop3A_2188 = arith.constant 64 : index
        %parallel_loop3A_2189 = tpu.vector_load %arg22[%parallel_loop3A_2187, %parallel_loop3A_2188] {strides = array<i32>} : memref<32x128xf32, #tpu.memory_space<vmem>>, vector<16xf32>,
        %parallel_loop3A_2190 = arith.index_cast %parallel_loop3A_2137 : i32 to index
        %parallel_loop3A_2191 = arith.constant 64 : index
        %parallel_loop3A_2192 = tpu.vector_load %arg24[%parallel_loop3A_2190, %parallel_loop3A_2191] {strides = array<i32>} : memref<32x128xf32, #tpu.memory_space<vmem>>, vector<16xf32>,
        %parallel_loop3A_2193 = arith.addf %parallel_loop3A_2189, %parallel_loop3A_2192 : vector<16xf32>
        %parallel_loop3A_2194 = arith.mulf %parallel_loop3A_2142, %parallel_loop3A_2193 : vector<16xf32>
        %parallel_loop3A_2195 = arith.index_cast %parallel_loop3A_2137 : i32 to index
        %parallel_loop3A_2196 = arith.constant 64 : index
        %parallel_loop3A_2197 = tpu.vector_load %arg24[%parallel_loop3A_2195, %parallel_loop3A_2196] {strides = array<i32>} : memref<32x128xf32, #tpu.memory_space<vmem>>, vector<16xf32>,
        tpu.vector_store %arg24[%parallel_loop3A_2195, %parallel_loop3A_2196], %parallel_loop3A_2194 {strides = array<i32>} : memref<32x128xf32, #tpu.memory_space<vmem>>, vector<16xf32>,
        %parallel_loop3A_2198 = arith.index_cast %parallel_loop3A_2137 : i32 to index
        %parallel_loop3A_2199 = arith.constant 80 : index
        %parallel_loop3A_2200 = tpu.vector_load %arg22[%parallel_loop3A_2198, %parallel_loop3A_2199] {strides = array<i32>} : memref<32x128xf32, #tpu.memory_space<vmem>>, vector<16xf32>,
        %parallel_loop3A_2201 = arith.index_cast %parallel_loop3A_2137 : i32 to index
        %parallel_loop3A_2202 = arith.constant 80 : index
        %parallel_loop3A_2203 = tpu.vector_load %arg24[%parallel_loop3A_2201, %parallel_loop3A_2202] {strides = array<i32>} : memref<32x128xf32, #tpu.memory_space<vmem>>, vector<16xf32>,
        %parallel_loop3A_2204 = arith.addf %parallel_loop3A_2200, %parallel_loop3A_2203 : vector<16xf32>
        %parallel_loop3A_2205 = arith.mulf %parallel_loop3A_2142, %parallel_loop3A_2204 : vector<16xf32>
        %parallel_loop3A_2206 = arith.index_cast %parallel_loop3A_2137 : i32 to index
        %parallel_loop3A_2207 = arith.constant 80 : index
        %parallel_loop3A_2208 = tpu.vector_load %arg24[%parallel_loop3A_2206, %parallel_loop3A_2207] {strides = array<i32>} : memref<32x128xf32, #tpu.memory_space<vmem>>, vector<16xf32>,
        tpu.vector_store %arg24[%parallel_loop3A_2206, %parallel_loop3A_2207], %parallel_loop3A_2205 {strides = array<i32>} : memref<32x128xf32, #tpu.memory_space<vmem>>, vector<16xf32>,
        %parallel_loop3A_2209 = arith.index_cast %parallel_loop3A_2137 : i32 to index
        %parallel_loop3A_2210 = arith.constant 96 : index
        %parallel_loop3A_2211 = tpu.vector_load %arg22[%parallel_loop3A_2209, %parallel_loop3A_2210] {strides = array<i32>} : memref<32x128xf32, #tpu.memory_space<vmem>>, vector<16xf32>,
        %parallel_loop3A_2212 = arith.index_cast %parallel_loop3A_2137 : i32 to index
        %parallel_loop3A_2213 = arith.constant 96 : index
        %parallel_loop3A_2214 = tpu.vector_load %arg24[%parallel_loop3A_2212, %parallel_loop3A_2213] {strides = array<i32>} : memref<32x128xf32, #tpu.memory_space<vmem>>, vector<16xf32>,
        %parallel_loop3A_2215 = arith.addf %parallel_loop3A_2211, %parallel_loop3A_2214 : vector<16xf32>
        %parallel_loop3A_2216 = arith.mulf %parallel_loop3A_2142, %parallel_loop3A_2215 : vector<16xf32>
        %parallel_loop3A_2217 = arith.index_cast %parallel_loop3A_2137 : i32 to index
        %parallel_loop3A_2218 = arith.constant 96 : index
        %parallel_loop3A_2219 = tpu.vector_load %arg24[%parallel_loop3A_2217, %parallel_loop3A_2218] {strides = array<i32>} : memref<32x128xf32, #tpu.memory_space<vmem>>, vector<16xf32>,
        tpu.vector_store %arg24[%parallel_loop3A_2217, %parallel_loop3A_2218], %parallel_loop3A_2216 {strides = array<i32>} : memref<32x128xf32, #tpu.memory_space<vmem>>, vector<16xf32>,
        %parallel_loop3A_2220 = arith.index_cast %parallel_loop3A_2137 : i32 to index
        %parallel_loop3A_2221 = arith.constant 112 : index
        %parallel_loop3A_2222 = tpu.vector_load %arg22[%parallel_loop3A_2220, %parallel_loop3A_2221] {strides = array<i32>} : memref<32x128xf32, #tpu.memory_space<vmem>>, vector<16xf32>,
        %parallel_loop3A_2223 = arith.index_cast %parallel_loop3A_2137 : i32 to index
        %parallel_loop3A_2224 = arith.constant 112 : index
        %parallel_loop3A_2225 = tpu.vector_load %arg24[%parallel_loop3A_2223, %parallel_loop3A_2224] {strides = array<i32>} : memref<32x128xf32, #tpu.memory_space<vmem>>, vector<16xf32>,
        %parallel_loop3A_2226 = arith.addf %parallel_loop3A_2222, %parallel_loop3A_2225 : vector<16xf32>
        %parallel_loop3A_2227 = arith.mulf %parallel_loop3A_2142, %parallel_loop3A_2226 : vector<16xf32>
        %parallel_loop3A_2228 = arith.index_cast %parallel_loop3A_2137 : i32 to index
        %parallel_loop3A_2229 = arith.constant 112 : index
        %parallel_loop3A_2230 = tpu.vector_load %arg24[%parallel_loop3A_2228, %parallel_loop3A_2229] {strides = array<i32>} : memref<32x128xf32, #tpu.memory_space<vmem>>, vector<16xf32>,
        tpu.vector_store %arg24[%parallel_loop3A_2228, %parallel_loop3A_2229], %parallel_loop3A_2227 {strides = array<i32>} : memref<32x128xf32, #tpu.memory_space<vmem>>, vector<16xf32>,
      } {sc.loop_unroll_factor = 4 : i64, sc.parallel_access}
      "tpu.region"() ({
        %run_scoped3A = tpu.sem_alloc : memref<!tpu.dma_semaphore, #tpu.memory_space<semaphore_mem>>
        %dma_start3A_2137 = arith.constant 0 : i32
        %dma_start3A_2138 = arith.constant 0 : i32
        %dma_start3A_2139 = tpu.memref_slice %arg35[%dma_start3A_2137, %dma_start3A_2138] : memref<10112x128xf32, #tpu.memory_space<vmem_shared>> -> memref<10112x128xf32, #tpu.memory_space<vmem_shared>>
        tpu.enqueue_indirect_dma source(%arg24 : memref<32x128xf32, #tpu.memory_space<vmem>>) target(%dma_start3A_2139 : memref<10112x128xf32, #tpu.memory_space<vmem_shared>>) offsets(%arg18 : memref<32xi32, #tpu.memory_space<vmem>>) semaphore(%run_scoped3A : memref<!tpu.dma_semaphore, #tpu.memory_space<semaphore_mem>>) {add = true}
        %dma_wait3A_2140 = arith.constant 0 : i32
        %dma_wait3A_2141 = arith.constant 0 : i32
        %dma_wait3A_2142 = tpu.memref_slice %arg35[%dma_wait3A_2140, %dma_wait3A_2141] : memref<10112x128xf32, #tpu.memory_space<vmem_shared>> -> memref<10112x128xf32, #tpu.memory_space<vmem_shared>>
        tpu.wait_indirect_dma semaphore(%run_scoped3A : memref<!tpu.dma_semaphore, #tpu.memory_space<semaphore_mem>>) src(%arg24 : memref<32x128xf32, #tpu.memory_space<vmem>>) dst(%dma_wait3A_2142 : memref<10112x128xf32, #tpu.memory_space<vmem_shared>>)
        tpu.yield
      }) : () -> ()
      %mul3A_1209 = arith.constant 2 : i32
      %mul3A_1210 = arith.muli %mul3A_1209, %scan3A_285 : i32
      %add3A_1211 = arith.constant 1 : i32
      %add3A_1212 = arith.addi %mul3A_1210, %add3A_1211 : i32
      %add3A_1213 = arith.constant 1 : i32
      %add3A_1214 = arith.addi %add3A_1212, %add3A_1213 : i32
      %mul3A_1215 = arith.constant 32 : i32
      %mul3A_1216 = arith.muli %add3A_1214, %mul3A_1215 : i32
      %add3A_1217 = arith.addi %mul3A_1216, %add3A : i32
      %mul3A_1218 = arith.constant 32 : i32
      %mul3A_1219 = arith.muli %add3A_1217, %mul3A_1218 : i32
      %dma_wait3A_1220 = arith.constant 0 : i32
      %dma_wait3A_1221 = tpu.memref_slice %arg2[%mul3A_1219, %dma_wait3A_1220] : memref<323584x8xi32, #tpu.memory_space<hbm>> -> memref<32x8xi32, #tpu.memory_space<hbm>>
      %dma_wait3A_1222 = arith.constant 0 : i32
      %dma_wait3A_1223 = tpu.memref_slice %arg2[%mul3A_1219, %dma_wait3A_1222] : memref<323584x8xi32, #tpu.memory_space<hbm>> -> memref<32x8xi32, #tpu.memory_space<hbm>>
      tpu.wait_dma2 semaphore(%arg37 : memref<!tpu.dma_semaphore, #tpu.memory_space<semaphore_mem>>) src(%dma_wait3A_1223 : memref<32x8xi32, #tpu.memory_space<hbm>>) dst(%arg12 : memref<32x8xi32, #tpu.memory_space<vmem>>)
      %iota3A_1224 = tpu.iota {dimensions = array<i32: 0>} : vector<16xi32>
      %add3A_1225 = arith.constant 0 : i32
      %add3A_1226 = vector.broadcast %add3A_1225 : i32 to vector<16xi32>
      %add3A_1227 = arith.addi %iota3A_1224, %add3A_1226 : vector<16xi32>
      %broadcast_in_dim3A_1228 = arith.constant 1 : i32
      %broadcast_in_dim3A_1229 = vector.broadcast %broadcast_in_dim3A_1228 : i32 to vector<16xi32>
      %gather3A_1230 = tpu.vector_load_idx %arg12[%add3A_1227, %broadcast_in_dim3A_1229] : memref<32x8xi32, #tpu.memory_space<vmem>>[vector<16xi32>, vector<16xi32>], vector<16xi32>,
      %broadcast_in_dim3A_1231 = arith.constant 2 : i32
      %broadcast_in_dim3A_1232 = vector.broadcast %broadcast_in_dim3A_1231 : i32 to vector<16xi32>
      %gather3A_1233 = tpu.vector_load_idx %arg12[%add3A_1227, %broadcast_in_dim3A_1232] : memref<32x8xi32, #tpu.memory_space<vmem>>[vector<16xi32>, vector<16xi32>], vector<16xi32>,
      %broadcast_in_dim3A_1234 = arith.constant 3 : i32
      %broadcast_in_dim3A_1235 = vector.broadcast %broadcast_in_dim3A_1234 : i32 to vector<16xi32>
      %gather3A_1236 = tpu.vector_load_idx %arg12[%add3A_1227, %broadcast_in_dim3A_1235] : memref<32x8xi32, #tpu.memory_space<vmem>>[vector<16xi32>, vector<16xi32>], vector<16xi32>,
      %broadcast_in_dim3A_1237 = arith.constant 4 : i32
      %broadcast_in_dim3A_1238 = vector.broadcast %broadcast_in_dim3A_1237 : i32 to vector<16xi32>
      %gather3A_1239 = tpu.vector_load_idx %arg12[%add3A_1227, %broadcast_in_dim3A_1238] : memref<32x8xi32, #tpu.memory_space<vmem>>[vector<16xi32>, vector<16xi32>], vector<16xi32>,
      %broadcast_in_dim3A_1240 = arith.constant 5 : i32
      %broadcast_in_dim3A_1241 = vector.broadcast %broadcast_in_dim3A_1240 : i32 to vector<16xi32>
      %gather3A_1242 = tpu.vector_load_idx %arg12[%add3A_1227, %broadcast_in_dim3A_1241] : memref<32x8xi32, #tpu.memory_space<vmem>>[vector<16xi32>, vector<16xi32>], vector<16xi32>,
      %ge3A_1243 = arith.cmpi sge, %gather3A_1230, %get3A_87 : vector<16xi32>
      %convert_element_type3A_1244 = arith.extui %ge3A_1243 : vector<16xi1> to vector<16xi32>
      %mul3A_1245 = arith.constant 2 : i32
      %mul3A_1246 = vector.broadcast %mul3A_1245 : i32 to vector<16xi32>
      %mul3A_1247 = arith.muli %mul3A_1246, %convert_element_type3A_1244 : vector<16xi32>
      %ge3A_1248 = arith.cmpi sge, %gather3A_1236, %get3A_87 : vector<16xi32>
      %convert_element_type3A_1249 = arith.extui %ge3A_1248 : vector<16xi1> to vector<16xi32>
      %add3A_1250 = arith.addi %mul3A_1247, %convert_element_type3A_1249 : vector<16xi32>
      %swap3A_1251 = arith.constant 0 : index
      %swap3A_1252 = tpu.vector_load %arg14[%swap3A_1251] {strides = array<i32>} : memref<32xi32, #tpu.memory_space<vmem>>, vector<16xi32>,
      tpu.vector_store %arg14[%swap3A_1251], %gather3A_1239 {strides = array<i32>} : memref<32xi32, #tpu.memory_space<vmem>>, vector<16xi32>,
      %swap3A_1253 = arith.constant 0 : index
      %swap3A_1254 = tpu.vector_load %arg16[%swap3A_1253] {strides = array<i32>} : memref<32xi32, #tpu.memory_space<vmem>>, vector<16xi32>,
      tpu.vector_store %arg16[%swap3A_1253], %gather3A_1233 {strides = array<i32>} : memref<32xi32, #tpu.memory_space<vmem>>, vector<16xi32>,
      %swap3A_1255 = arith.constant 0 : index
      %swap3A_1256 = tpu.vector_load %arg18[%swap3A_1255] {strides = array<i32>} : memref<32xi32, #tpu.memory_space<vmem>>, vector<16xi32>,
      tpu.vector_store %arg18[%swap3A_1255], %gather3A_1242 {strides = array<i32>} : memref<32xi32, #tpu.memory_space<vmem>>, vector<16xi32>,
      %swap3A_1257 = arith.constant 0 : index
      %swap3A_1258 = tpu.vector_load %arg20[%swap3A_1257] {strides = array<i32>} : memref<32xi32, #tpu.memory_space<vmem>>, vector<16xi32>,
      tpu.vector_store %arg20[%swap3A_1257], %add3A_1250 {strides = array<i32>} : memref<32xi32, #tpu.memory_space<vmem>>, vector<16xi32>,
      %iota3A_1259 = tpu.iota {dimensions = array<i32: 0>} : vector<16xi32>
      %add3A_1260 = arith.constant 16 : i32
      %add3A_1261 = vector.broadcast %add3A_1260 : i32 to vector<16xi32>
      %add3A_1262 = arith.addi %iota3A_1259, %add3A_1261 : vector<16xi32>
      %broadcast_in_dim3A_1263 = arith.constant 1 : i32
      %broadcast_in_dim3A_1264 = vector.broadcast %broadcast_in_dim3A_1263 : i32 to vector<16xi32>
      %gather3A_1265 = tpu.vector_load_idx %arg12[%add3A_1262, %broadcast_in_dim3A_1264] : memref<32x8xi32, #tpu.memory_space<vmem>>[vector<16xi32>, vector<16xi32>], vector<16xi32>,
      %broadcast_in_dim3A_1266 = arith.constant 2 : i32
      %broadcast_in_dim3A_1267 = vector.broadcast %broadcast_in_dim3A_1266 : i32 to vector<16xi32>
      %gather3A_1268 = tpu.vector_load_idx %arg12[%add3A_1262, %broadcast_in_dim3A_1267] : memref<32x8xi32, #tpu.memory_space<vmem>>[vector<16xi32>, vector<16xi32>], vector<16xi32>,
      %broadcast_in_dim3A_1269 = arith.constant 3 : i32
      %broadcast_in_dim3A_1270 = vector.broadcast %broadcast_in_dim3A_1269 : i32 to vector<16xi32>
      %gather3A_1271 = tpu.vector_load_idx %arg12[%add3A_1262, %broadcast_in_dim3A_1270] : memref<32x8xi32, #tpu.memory_space<vmem>>[vector<16xi32>, vector<16xi32>], vector<16xi32>,
      %broadcast_in_dim3A_1272 = arith.constant 4 : i32
      %broadcast_in_dim3A_1273 = vector.broadcast %broadcast_in_dim3A_1272 : i32 to vector<16xi32>
      %gather3A_1274 = tpu.vector_load_idx %arg12[%add3A_1262, %broadcast_in_dim3A_1273] : memref<32x8xi32, #tpu.memory_space<vmem>>[vector<16xi32>, vector<16xi32>], vector<16xi32>,
      %broadcast_in_dim3A_1275 = arith.constant 5 : i32
      %broadcast_in_dim3A_1276 = vector.broadcast %broadcast_in_dim3A_1275 : i32 to vector<16xi32>
      %gather3A_1277 = tpu.vector_load_idx %arg12[%add3A_1262, %broadcast_in_dim3A_1276] : memref<32x8xi32, #tpu.memory_space<vmem>>[vector<16xi32>, vector<16xi32>], vector<16xi32>,
      %ge3A_1278 = arith.cmpi sge, %gather3A_1265, %get3A_87 : vector<16xi32>
      %convert_element_type3A_1279 = arith.extui %ge3A_1278 : vector<16xi1> to vector<16xi32>
      %mul3A_1280 = arith.constant 2 : i32
      %mul3A_1281 = vector.broadcast %mul3A_1280 : i32 to vector<16xi32>
      %mul3A_1282 = arith.muli %mul3A_1281, %convert_element_type3A_1279 : vector<16xi32>
      %ge3A_1283 = arith.cmpi sge, %gather3A_1271, %get3A_87 : vector<16xi32>
      %convert_element_type3A_1284 = arith.extui %ge3A_1283 : vector<16xi1> to vector<16xi32>
      %add3A_1285 = arith.addi %mul3A_1282, %convert_element_type3A_1284 : vector<16xi32>
      %swap3A_1286 = arith.constant 16 : index
      %swap3A_1287 = tpu.vector_load %arg14[%swap3A_1286] {strides = array<i32>} : memref<32xi32, #tpu.memory_space<vmem>>, vector<16xi32>,
      tpu.vector_store %arg14[%swap3A_1286], %gather3A_1274 {strides = array<i32>} : memref<32xi32, #tpu.memory_space<vmem>>, vector<16xi32>,
      %swap3A_1288 = arith.constant 16 : index
      %swap3A_1289 = tpu.vector_load %arg16[%swap3A_1288] {strides = array<i32>} : memref<32xi32, #tpu.memory_space<vmem>>, vector<16xi32>,
      tpu.vector_store %arg16[%swap3A_1288], %gather3A_1268 {strides = array<i32>} : memref<32xi32, #tpu.memory_space<vmem>>, vector<16xi32>,
      %swap3A_1290 = arith.constant 16 : index
      %swap3A_1291 = tpu.vector_load %arg18[%swap3A_1290] {strides = array<i32>} : memref<32xi32, #tpu.memory_space<vmem>>, vector<16xi32>,
      tpu.vector_store %arg18[%swap3A_1290], %gather3A_1277 {strides = array<i32>} : memref<32xi32, #tpu.memory_space<vmem>>, vector<16xi32>,
      %swap3A_1292 = arith.constant 16 : index
      %swap3A_1293 = tpu.vector_load %arg20[%swap3A_1292] {strides = array<i32>} : memref<32xi32, #tpu.memory_space<vmem>>, vector<16xi32>,
      tpu.vector_store %arg20[%swap3A_1292], %add3A_1285 {strides = array<i32>} : memref<32xi32, #tpu.memory_space<vmem>>, vector<16xi32>,
      %dma_start3A_1294 = arith.constant 0 : i32
      %dma_start3A_1295 = arith.constant 0 : i32
      %dma_start3A_1296 = tpu.memref_slice %arg3[%dma_start3A_1294, %dma_start3A_1295] : memref<10000x128xf32, #tpu.memory_space<hbm>> -> memref<10000x128xf32, #tpu.memory_space<hbm>>
      tpu.enqueue_indirect_dma source(%dma_start3A_1296 : memref<10000x128xf32, #tpu.memory_space<hbm>>) target(%arg22 : memref<32x128xf32, #tpu.memory_space<vmem>>) offsets(%arg14 : memref<32xi32, #tpu.memory_space<vmem>>) semaphore(%arg36 : memref<!tpu.dma_semaphore, #tpu.memory_space<semaphore_mem>>)
      %dma_start3A_1297 = arith.constant 0 : i32
      %dma_start3A_1298 = arith.constant 0 : i32
      %dma_start3A_1299 = tpu.memref_slice %arg4[%dma_start3A_1297, %dma_start3A_1298] : memref<10005x128xf32, #tpu.memory_space<hbm>> -> memref<10005x128xf32, #tpu.memory_space<hbm>>
      tpu.enqueue_indirect_dma source(%dma_start3A_1299 : memref<10005x128xf32, #tpu.memory_space<hbm>>) target(%arg24 : memref<32x128xf32, #tpu.memory_space<vmem>>) offsets(%arg16 : memref<32xi32, #tpu.memory_space<vmem>>) semaphore(%arg36 : memref<!tpu.dma_semaphore, #tpu.memory_space<semaphore_mem>>)
      %dma_start3A_1300 = arith.constant 0 : i32
      %dma_start3A_1301 = arith.constant 0 : i32
      %dma_start3A_1302 = tpu.memref_slice %arg5[%dma_start3A_1300, %dma_start3A_1301] : memref<10000x128xf32, #tpu.memory_space<hbm>> -> memref<10000x128xf32, #tpu.memory_space<hbm>>
      tpu.enqueue_indirect_dma source(%dma_start3A_1302 : memref<10000x128xf32, #tpu.memory_space<hbm>>) target(%arg26 : memref<32x128xf32, #tpu.memory_space<vmem>>) offsets(%arg14 : memref<32xi32, #tpu.memory_space<vmem>>) semaphore(%arg36 : memref<!tpu.dma_semaphore, #tpu.memory_space<semaphore_mem>>)
      %dma_start3A_1303 = arith.constant 0 : i32
      %dma_start3A_1304 = arith.constant 0 : i32
      %dma_start3A_1305 = tpu.memref_slice %arg6[%dma_start3A_1303, %dma_start3A_1304] : memref<10000x128xf32, #tpu.memory_space<hbm>> -> memref<10000x128xf32, #tpu.memory_space<hbm>>
      tpu.enqueue_indirect_dma source(%dma_start3A_1305 : memref<10000x128xf32, #tpu.memory_space<hbm>>) target(%arg28 : memref<32x128xf32, #tpu.memory_space<vmem>>) offsets(%arg16 : memref<32xi32, #tpu.memory_space<vmem>>) semaphore(%arg36 : memref<!tpu.dma_semaphore, #tpu.memory_space<semaphore_mem>>)
      %add3A_1306 = arith.constant 2 : i32
      %add3A_1307 = arith.addi %add3A_1212, %add3A_1306 : i32
      %mul3A_1308 = arith.constant 32 : i32
      %mul3A_1309 = arith.muli %add3A_1307, %mul3A_1308 : i32
      %add3A_1310 = arith.addi %mul3A_1309, %add3A : i32
      %mul3A_1311 = arith.constant 32 : i32
      %mul3A_1312 = arith.muli %add3A_1310, %mul3A_1311 : i32
      %dma_start3A_1313 = arith.constant 0 : i32
      %dma_start3A_1314 = tpu.memref_slice %arg2[%mul3A_1312, %dma_start3A_1313] : memref<323584x8xi32, #tpu.memory_space<hbm>> -> memref<32x8xi32, #tpu.memory_space<hbm>>
      %dma_start3A_1315 = arith.constant 0 : i32
      %dma_start3A_1316 = tpu.memref_slice %arg2[%mul3A_1312, %dma_start3A_1315] : memref<323584x8xi32, #tpu.memory_space<hbm>> -> memref<32x8xi32, #tpu.memory_space<hbm>>
      tpu.enqueue_dma source(%dma_start3A_1316 : memref<32x8xi32, #tpu.memory_space<hbm>>) target(%arg13 : memref<32x8xi32, #tpu.memory_space<vmem>>) target_semaphore(%arg37 : memref<!tpu.dma_semaphore, #tpu.memory_space<semaphore_mem>>)
      %dma_wait3A_1317 = arith.constant 0 : i32
      %dma_wait3A_1318 = arith.constant 0 : i32
      %dma_wait3A_1319 = tpu.memref_slice %arg3[%dma_wait3A_1317, %dma_wait3A_1318] : memref<10000x128xf32, #tpu.memory_space<hbm>> -> memref<10000x128xf32, #tpu.memory_space<hbm>>
      tpu.wait_indirect_dma semaphore(%arg36 : memref<!tpu.dma_semaphore, #tpu.memory_space<semaphore_mem>>) src(%dma_wait3A_1319 : memref<10000x128xf32, #tpu.memory_space<hbm>>) dst(%arg23 : memref<32x128xf32, #tpu.memory_space<vmem>>)
      %dma_wait3A_1320 = arith.constant 0 : i32
      %dma_wait3A_1321 = arith.constant 0 : i32
      %dma_wait3A_1322 = tpu.memref_slice %arg4[%dma_wait3A_1320, %dma_wait3A_1321] : memref<10005x128xf32, #tpu.memory_space<hbm>> -> memref<10005x128xf32, #tpu.memory_space<hbm>>
      tpu.wait_indirect_dma semaphore(%arg36 : memref<!tpu.dma_semaphore, #tpu.memory_space<semaphore_mem>>) src(%dma_wait3A_1322 : memref<10005x128xf32, #tpu.memory_space<hbm>>) dst(%arg25 : memref<32x128xf32, #tpu.memory_space<vmem>>)
      %dma_wait3A_1323 = arith.constant 0 : i32
      %dma_wait3A_1324 = arith.constant 0 : i32
      %dma_wait3A_1325 = tpu.memref_slice %arg5[%dma_wait3A_1323, %dma_wait3A_1324] : memref<10000x128xf32, #tpu.memory_space<hbm>> -> memref<10000x128xf32, #tpu.memory_space<hbm>>
      tpu.wait_indirect_dma semaphore(%arg36 : memref<!tpu.dma_semaphore, #tpu.memory_space<semaphore_mem>>) src(%dma_wait3A_1325 : memref<10000x128xf32, #tpu.memory_space<hbm>>) dst(%arg27 : memref<32x128xf32, #tpu.memory_space<vmem>>)
      %dma_wait3A_1326 = arith.constant 0 : i32
      %dma_wait3A_1327 = arith.constant 0 : i32
      %dma_wait3A_1328 = tpu.memref_slice %arg6[%dma_wait3A_1326, %dma_wait3A_1327] : memref<10000x128xf32, #tpu.memory_space<hbm>> -> memref<10000x128xf32, #tpu.memory_space<hbm>>
      tpu.wait_indirect_dma semaphore(%arg36 : memref<!tpu.dma_semaphore, #tpu.memory_space<semaphore_mem>>) src(%dma_wait3A_1328 : memref<10000x128xf32, #tpu.memory_space<hbm>>) dst(%arg29 : memref<32x128xf32, #tpu.memory_space<vmem>>)
      %parallel_loop3A_1329 = arith.constant 0 : i32
      %parallel_loop3A_1330 = arith.constant 32 : i32
      %parallel_loop3A_1331 = arith.constant 1 : i32
      scf.for %parallel_loop3A_2137 = %parallel_loop3A_1329 to %parallel_loop3A_1330 step %parallel_loop3A_1331  : i32 {
        %parallel_loop3A_2138 = arith.constant 0 : i32
        %parallel_loop3A_2139 = vector.broadcast %parallel_loop3A_2138 : i32 to vector<16xi32>
        %parallel_loop3A_2140 = vector.broadcast %parallel_loop3A_2137 : i32 to vector<16xi32>
        %parallel_loop3A_2141 = arith.addi %parallel_loop3A_2139, %parallel_loop3A_2140 : vector<16xi32>
        %parallel_loop3A_2142 = tpu.vector_load_idx %arg21[%parallel_loop3A_2141] : memref<32xi32, #tpu.memory_space<vmem>>[vector<16xi32>], vector<16xi32>,
        %parallel_loop3A_2143 = tpu.iota {dimensions = array<i32: 0>} : vector<16xi32>
        %parallel_loop3A_2144 = arith.constant 0 : i32
        %parallel_loop3A_2145 = vector.broadcast %parallel_loop3A_2144 : i32 to vector<16xi32>
        %parallel_loop3A_2146 = arith.addi %parallel_loop3A_2143, %parallel_loop3A_2145 : vector<16xi32>
        %parallel_loop3A_2147 = tpu.vector_load_idx %arg31[%parallel_loop3A_2142, %parallel_loop3A_2146] : memref<4x32xf32, #tpu.memory_space<vmem>>[vector<16xi32>, vector<16xi32>], vector<16xf32>,
        %parallel_loop3A_2148 = arith.index_cast %parallel_loop3A_2137 : i32 to index
        %parallel_loop3A_2149 = arith.constant 0 : index
        %parallel_loop3A_2150 = tpu.vector_load %arg27[%parallel_loop3A_2148, %parallel_loop3A_2149] {strides = array<i32>} : memref<32x128xf32, #tpu.memory_space<vmem>>, vector<16xf32>,
        %parallel_loop3A_2151 = arith.index_cast %parallel_loop3A_2137 : i32 to index
        %parallel_loop3A_2152 = arith.constant 0 : index
        %parallel_loop3A_2153 = tpu.vector_load %arg29[%parallel_loop3A_2151, %parallel_loop3A_2152] {strides = array<i32>} : memref<32x128xf32, #tpu.memory_space<vmem>>, vector<16xf32>,
        %parallel_loop3A_2154 = arith.addf %parallel_loop3A_2150, %parallel_loop3A_2153 : vector<16xf32>
        %parallel_loop3A_2155 = arith.addf %parallel_loop3A_2154, %parallel_loop3A_2147 : vector<16xf32>
        %parallel_loop3A_2156 = arith.index_cast %parallel_loop3A_2137 : i32 to index
        %parallel_loop3A_2157 = arith.constant 32 : index
        %parallel_loop3A_2158 = tpu.vector_load %arg27[%parallel_loop3A_2156, %parallel_loop3A_2157] {strides = array<i32>} : memref<32x128xf32, #tpu.memory_space<vmem>>, vector<16xf32>,
        tpu.vector_store %arg27[%parallel_loop3A_2156, %parallel_loop3A_2157], %parallel_loop3A_2155 {strides = array<i32>} : memref<32x128xf32, #tpu.memory_space<vmem>>, vector<16xf32>,
        %parallel_loop3A_2159 = tpu.iota {dimensions = array<i32: 0>} : vector<16xi32>
        %parallel_loop3A_2160 = arith.constant 16 : i32
        %parallel_loop3A_2161 = vector.broadcast %parallel_loop3A_2160 : i32 to vector<16xi32>
        %parallel_loop3A_2162 = arith.addi %parallel_loop3A_2159, %parallel_loop3A_2161 : vector<16xi32>
        %parallel_loop3A_2163 = tpu.vector_load_idx %arg31[%parallel_loop3A_2142, %parallel_loop3A_2162] : memref<4x32xf32, #tpu.memory_space<vmem>>[vector<16xi32>, vector<16xi32>], vector<16xf32>,
        %parallel_loop3A_2164 = arith.index_cast %parallel_loop3A_2137 : i32 to index
        %parallel_loop3A_2165 = arith.constant 16 : index
        %parallel_loop3A_2166 = tpu.vector_load %arg27[%parallel_loop3A_2164, %parallel_loop3A_2165] {strides = array<i32>} : memref<32x128xf32, #tpu.memory_space<vmem>>, vector<16xf32>,
        %parallel_loop3A_2167 = arith.index_cast %parallel_loop3A_2137 : i32 to index
        %parallel_loop3A_2168 = arith.constant 16 : index
        %parallel_loop3A_2169 = tpu.vector_load %arg29[%parallel_loop3A_2167, %parallel_loop3A_2168] {strides = array<i32>} : memref<32x128xf32, #tpu.memory_space<vmem>>, vector<16xf32>,
        %parallel_loop3A_2170 = arith.addf %parallel_loop3A_2166, %parallel_loop3A_2169 : vector<16xf32>
        %parallel_loop3A_2171 = arith.addf %parallel_loop3A_2170, %parallel_loop3A_2163 : vector<16xf32>
        %parallel_loop3A_2172 = arith.index_cast %parallel_loop3A_2137 : i32 to index
        %parallel_loop3A_2173 = arith.constant 48 : index
        %parallel_loop3A_2174 = tpu.vector_load %arg27[%parallel_loop3A_2172, %parallel_loop3A_2173] {strides = array<i32>} : memref<32x128xf32, #tpu.memory_space<vmem>>, vector<16xf32>,
        tpu.vector_store %arg27[%parallel_loop3A_2172, %parallel_loop3A_2173], %parallel_loop3A_2171 {strides = array<i32>} : memref<32x128xf32, #tpu.memory_space<vmem>>, vector<16xf32>,
      } {sc.loop_unroll_factor = 4 : i64, sc.parallel_access}
      %iota3A_1332 = tpu.iota {dimensions = array<i32: 0>} : vector<16xi32>
      %add3A_1333 = arith.constant 0 : i32
      %add3A_1334 = vector.broadcast %add3A_1333 : i32 to vector<16xi32>
      %add3A_1335 = arith.addi %iota3A_1332, %add3A_1334 : vector<16xi32>
      %broadcast_in_dim3A_1336 = arith.constant 0.000000e+00 : f32
      %broadcast_in_dim3A_1337 = vector.broadcast %broadcast_in_dim3A_1336 : f32 to vector<16xf32>
      %broadcast_in_dim3A_1338 = arith.constant 32 : i32
      %broadcast_in_dim3A_1339 = vector.broadcast %broadcast_in_dim3A_1338 : i32 to vector<16xi32>
      %gather3A_1340 = tpu.vector_load_idx %arg27[%add3A_1335, %broadcast_in_dim3A_1339] : memref<32x128xf32, #tpu.memory_space<vmem>>[vector<16xi32>, vector<16xi32>], vector<16xf32>,
      %max3A_1341 = arith.constant 0.000000e+00 : f32
      %max3A_1342 = vector.broadcast %max3A_1341 : f32 to vector<16xf32>
      %max3A_1343 = arith.maximumf %gather3A_1340, %max3A_1342 : vector<16xf32>
      %get3A_1344 = arith.constant 0 : i32
      %get3A_1345 = arith.index_cast %get3A_1344 : i32 to index
      %get3A_1346 = arith.constant 0 : index
      %get3A_1347 = tpu.vector_load %arg32[%get3A_1345, %get3A_1346] {strides = array<i32>} : memref<32x16xf32, #tpu.memory_space<vmem>>, vector<16xf32>,
      %mul3A_1348 = arith.mulf %max3A_1343, %get3A_1347 : vector<16xf32>
      %add3A_1349 = arith.addf %broadcast_in_dim3A_1337, %mul3A_1348 : vector<16xf32>
      %broadcast_in_dim3A_1350 = arith.constant 33 : i32
      %broadcast_in_dim3A_1351 = vector.broadcast %broadcast_in_dim3A_1350 : i32 to vector<16xi32>
      %gather3A_1352 = tpu.vector_load_idx %arg27[%add3A_1335, %broadcast_in_dim3A_1351] : memref<32x128xf32, #tpu.memory_space<vmem>>[vector<16xi32>, vector<16xi32>], vector<16xf32>,
      %max3A_1353 = arith.constant 0.000000e+00 : f32
      %max3A_1354 = vector.broadcast %max3A_1353 : f32 to vector<16xf32>
      %max3A_1355 = arith.maximumf %gather3A_1352, %max3A_1354 : vector<16xf32>
      %get3A_1356 = arith.constant 1 : i32
      %get3A_1357 = arith.index_cast %get3A_1356 : i32 to index
      %get3A_1358 = arith.constant 0 : index
      %get3A_1359 = tpu.vector_load %arg32[%get3A_1357, %get3A_1358] {strides = array<i32>} : memref<32x16xf32, #tpu.memory_space<vmem>>, vector<16xf32>,
      %mul3A_1360 = arith.mulf %max3A_1355, %get3A_1359 : vector<16xf32>
      %add3A_1361 = arith.addf %add3A_1349, %mul3A_1360 : vector<16xf32>
      %broadcast_in_dim3A_1362 = arith.constant 34 : i32
      %broadcast_in_dim3A_1363 = vector.broadcast %broadcast_in_dim3A_1362 : i32 to vector<16xi32>
      %gather3A_1364 = tpu.vector_load_idx %arg27[%add3A_1335, %broadcast_in_dim3A_1363] : memref<32x128xf32, #tpu.memory_space<vmem>>[vector<16xi32>, vector<16xi32>], vector<16xf32>,
      %max3A_1365 = arith.constant 0.000000e+00 : f32
      %max3A_1366 = vector.broadcast %max3A_1365 : f32 to vector<16xf32>
      %max3A_1367 = arith.maximumf %gather3A_1364, %max3A_1366 : vector<16xf32>
      %get3A_1368 = arith.constant 2 : i32
      %get3A_1369 = arith.index_cast %get3A_1368 : i32 to index
      %get3A_1370 = arith.constant 0 : index
      %get3A_1371 = tpu.vector_load %arg32[%get3A_1369, %get3A_1370] {strides = array<i32>} : memref<32x16xf32, #tpu.memory_space<vmem>>, vector<16xf32>,
      %mul3A_1372 = arith.mulf %max3A_1367, %get3A_1371 : vector<16xf32>
      %add3A_1373 = arith.addf %add3A_1361, %mul3A_1372 : vector<16xf32>
      %broadcast_in_dim3A_1374 = arith.constant 35 : i32
      %broadcast_in_dim3A_1375 = vector.broadcast %broadcast_in_dim3A_1374 : i32 to vector<16xi32>
      %gather3A_1376 = tpu.vector_load_idx %arg27[%add3A_1335, %broadcast_in_dim3A_1375] : memref<32x128xf32, #tpu.memory_space<vmem>>[vector<16xi32>, vector<16xi32>], vector<16xf32>,
      %max3A_1377 = arith.constant 0.000000e+00 : f32
      %max3A_1378 = vector.broadcast %max3A_1377 : f32 to vector<16xf32>
      %max3A_1379 = arith.maximumf %gather3A_1376, %max3A_1378 : vector<16xf32>
      %get3A_1380 = arith.constant 3 : i32
      %get3A_1381 = arith.index_cast %get3A_1380 : i32 to index
      %get3A_1382 = arith.constant 0 : index
      %get3A_1383 = tpu.vector_load %arg32[%get3A_1381, %get3A_1382] {strides = array<i32>} : memref<32x16xf32, #tpu.memory_space<vmem>>, vector<16xf32>,
      %mul3A_1384 = arith.mulf %max3A_1379, %get3A_1383 : vector<16xf32>
      %add3A_1385 = arith.addf %add3A_1373, %mul3A_1384 : vector<16xf32>
      %broadcast_in_dim3A_1386 = arith.constant 36 : i32
      %broadcast_in_dim3A_1387 = vector.broadcast %broadcast_in_dim3A_1386 : i32 to vector<16xi32>
      %gather3A_1388 = tpu.vector_load_idx %arg27[%add3A_1335, %broadcast_in_dim3A_1387] : memref<32x128xf32, #tpu.memory_space<vmem>>[vector<16xi32>, vector<16xi32>], vector<16xf32>,
      %max3A_1389 = arith.constant 0.000000e+00 : f32
      %max3A_1390 = vector.broadcast %max3A_1389 : f32 to vector<16xf32>
      %max3A_1391 = arith.maximumf %gather3A_1388, %max3A_1390 : vector<16xf32>
      %get3A_1392 = arith.constant 4 : i32
      %get3A_1393 = arith.index_cast %get3A_1392 : i32 to index
      %get3A_1394 = arith.constant 0 : index
      %get3A_1395 = tpu.vector_load %arg32[%get3A_1393, %get3A_1394] {strides = array<i32>} : memref<32x16xf32, #tpu.memory_space<vmem>>, vector<16xf32>,
      %mul3A_1396 = arith.mulf %max3A_1391, %get3A_1395 : vector<16xf32>
      %add3A_1397 = arith.addf %add3A_1385, %mul3A_1396 : vector<16xf32>
      %broadcast_in_dim3A_1398 = arith.constant 37 : i32
      %broadcast_in_dim3A_1399 = vector.broadcast %broadcast_in_dim3A_1398 : i32 to vector<16xi32>
      %gather3A_1400 = tpu.vector_load_idx %arg27[%add3A_1335, %broadcast_in_dim3A_1399] : memref<32x128xf32, #tpu.memory_space<vmem>>[vector<16xi32>, vector<16xi32>], vector<16xf32>,
      %max3A_1401 = arith.constant 0.000000e+00 : f32
      %max3A_1402 = vector.broadcast %max3A_1401 : f32 to vector<16xf32>
      %max3A_1403 = arith.maximumf %gather3A_1400, %max3A_1402 : vector<16xf32>
      %get3A_1404 = arith.constant 5 : i32
      %get3A_1405 = arith.index_cast %get3A_1404 : i32 to index
      %get3A_1406 = arith.constant 0 : index
      %get3A_1407 = tpu.vector_load %arg32[%get3A_1405, %get3A_1406] {strides = array<i32>} : memref<32x16xf32, #tpu.memory_space<vmem>>, vector<16xf32>,
      %mul3A_1408 = arith.mulf %max3A_1403, %get3A_1407 : vector<16xf32>
      %add3A_1409 = arith.addf %add3A_1397, %mul3A_1408 : vector<16xf32>
      %broadcast_in_dim3A_1410 = arith.constant 38 : i32
      %broadcast_in_dim3A_1411 = vector.broadcast %broadcast_in_dim3A_1410 : i32 to vector<16xi32>
      %gather3A_1412 = tpu.vector_load_idx %arg27[%add3A_1335, %broadcast_in_dim3A_1411] : memref<32x128xf32, #tpu.memory_space<vmem>>[vector<16xi32>, vector<16xi32>], vector<16xf32>,
      %max3A_1413 = arith.constant 0.000000e+00 : f32
      %max3A_1414 = vector.broadcast %max3A_1413 : f32 to vector<16xf32>
      %max3A_1415 = arith.maximumf %gather3A_1412, %max3A_1414 : vector<16xf32>
      %get3A_1416 = arith.constant 6 : i32
      %get3A_1417 = arith.index_cast %get3A_1416 : i32 to index
      %get3A_1418 = arith.constant 0 : index
      %get3A_1419 = tpu.vector_load %arg32[%get3A_1417, %get3A_1418] {strides = array<i32>} : memref<32x16xf32, #tpu.memory_space<vmem>>, vector<16xf32>,
      %mul3A_1420 = arith.mulf %max3A_1415, %get3A_1419 : vector<16xf32>
      %add3A_1421 = arith.addf %add3A_1409, %mul3A_1420 : vector<16xf32>
      %broadcast_in_dim3A_1422 = arith.constant 39 : i32
      %broadcast_in_dim3A_1423 = vector.broadcast %broadcast_in_dim3A_1422 : i32 to vector<16xi32>
      %gather3A_1424 = tpu.vector_load_idx %arg27[%add3A_1335, %broadcast_in_dim3A_1423] : memref<32x128xf32, #tpu.memory_space<vmem>>[vector<16xi32>, vector<16xi32>], vector<16xf32>,
      %max3A_1425 = arith.constant 0.000000e+00 : f32
      %max3A_1426 = vector.broadcast %max3A_1425 : f32 to vector<16xf32>
      %max3A_1427 = arith.maximumf %gather3A_1424, %max3A_1426 : vector<16xf32>
      %get3A_1428 = arith.constant 7 : i32
      %get3A_1429 = arith.index_cast %get3A_1428 : i32 to index
      %get3A_1430 = arith.constant 0 : index
      %get3A_1431 = tpu.vector_load %arg32[%get3A_1429, %get3A_1430] {strides = array<i32>} : memref<32x16xf32, #tpu.memory_space<vmem>>, vector<16xf32>,
      %mul3A_1432 = arith.mulf %max3A_1427, %get3A_1431 : vector<16xf32>
      %add3A_1433 = arith.addf %add3A_1421, %mul3A_1432 : vector<16xf32>
      %broadcast_in_dim3A_1434 = arith.constant 40 : i32
      %broadcast_in_dim3A_1435 = vector.broadcast %broadcast_in_dim3A_1434 : i32 to vector<16xi32>
      %gather3A_1436 = tpu.vector_load_idx %arg27[%add3A_1335, %broadcast_in_dim3A_1435] : memref<32x128xf32, #tpu.memory_space<vmem>>[vector<16xi32>, vector<16xi32>], vector<16xf32>,
      %max3A_1437 = arith.constant 0.000000e+00 : f32
      %max3A_1438 = vector.broadcast %max3A_1437 : f32 to vector<16xf32>
      %max3A_1439 = arith.maximumf %gather3A_1436, %max3A_1438 : vector<16xf32>
      %get3A_1440 = arith.constant 8 : i32
      %get3A_1441 = arith.index_cast %get3A_1440 : i32 to index
      %get3A_1442 = arith.constant 0 : index
      %get3A_1443 = tpu.vector_load %arg32[%get3A_1441, %get3A_1442] {strides = array<i32>} : memref<32x16xf32, #tpu.memory_space<vmem>>, vector<16xf32>,
      %mul3A_1444 = arith.mulf %max3A_1439, %get3A_1443 : vector<16xf32>
      %add3A_1445 = arith.addf %add3A_1433, %mul3A_1444 : vector<16xf32>
      %broadcast_in_dim3A_1446 = arith.constant 41 : i32
      %broadcast_in_dim3A_1447 = vector.broadcast %broadcast_in_dim3A_1446 : i32 to vector<16xi32>
      %gather3A_1448 = tpu.vector_load_idx %arg27[%add3A_1335, %broadcast_in_dim3A_1447] : memref<32x128xf32, #tpu.memory_space<vmem>>[vector<16xi32>, vector<16xi32>], vector<16xf32>,
      %max3A_1449 = arith.constant 0.000000e+00 : f32
      %max3A_1450 = vector.broadcast %max3A_1449 : f32 to vector<16xf32>
      %max3A_1451 = arith.maximumf %gather3A_1448, %max3A_1450 : vector<16xf32>
      %get3A_1452 = arith.constant 9 : i32
      %get3A_1453 = arith.index_cast %get3A_1452 : i32 to index
      %get3A_1454 = arith.constant 0 : index
      %get3A_1455 = tpu.vector_load %arg32[%get3A_1453, %get3A_1454] {strides = array<i32>} : memref<32x16xf32, #tpu.memory_space<vmem>>, vector<16xf32>,
      %mul3A_1456 = arith.mulf %max3A_1451, %get3A_1455 : vector<16xf32>
      %add3A_1457 = arith.addf %add3A_1445, %mul3A_1456 : vector<16xf32>
      %broadcast_in_dim3A_1458 = arith.constant 42 : i32
      %broadcast_in_dim3A_1459 = vector.broadcast %broadcast_in_dim3A_1458 : i32 to vector<16xi32>
      %gather3A_1460 = tpu.vector_load_idx %arg27[%add3A_1335, %broadcast_in_dim3A_1459] : memref<32x128xf32, #tpu.memory_space<vmem>>[vector<16xi32>, vector<16xi32>], vector<16xf32>,
      %max3A_1461 = arith.constant 0.000000e+00 : f32
      %max3A_1462 = vector.broadcast %max3A_1461 : f32 to vector<16xf32>
      %max3A_1463 = arith.maximumf %gather3A_1460, %max3A_1462 : vector<16xf32>
      %get3A_1464 = arith.constant 10 : i32
      %get3A_1465 = arith.index_cast %get3A_1464 : i32 to index
      %get3A_1466 = arith.constant 0 : index
      %get3A_1467 = tpu.vector_load %arg32[%get3A_1465, %get3A_1466] {strides = array<i32>} : memref<32x16xf32, #tpu.memory_space<vmem>>, vector<16xf32>,
      %mul3A_1468 = arith.mulf %max3A_1463, %get3A_1467 : vector<16xf32>
      %add3A_1469 = arith.addf %add3A_1457, %mul3A_1468 : vector<16xf32>
      %broadcast_in_dim3A_1470 = arith.constant 43 : i32
      %broadcast_in_dim3A_1471 = vector.broadcast %broadcast_in_dim3A_1470 : i32 to vector<16xi32>
      %gather3A_1472 = tpu.vector_load_idx %arg27[%add3A_1335, %broadcast_in_dim3A_1471] : memref<32x128xf32, #tpu.memory_space<vmem>>[vector<16xi32>, vector<16xi32>], vector<16xf32>,
      %max3A_1473 = arith.constant 0.000000e+00 : f32
      %max3A_1474 = vector.broadcast %max3A_1473 : f32 to vector<16xf32>
      %max3A_1475 = arith.maximumf %gather3A_1472, %max3A_1474 : vector<16xf32>
      %get3A_1476 = arith.constant 11 : i32
      %get3A_1477 = arith.index_cast %get3A_1476 : i32 to index
      %get3A_1478 = arith.constant 0 : index
      %get3A_1479 = tpu.vector_load %arg32[%get3A_1477, %get3A_1478] {strides = array<i32>} : memref<32x16xf32, #tpu.memory_space<vmem>>, vector<16xf32>,
      %mul3A_1480 = arith.mulf %max3A_1475, %get3A_1479 : vector<16xf32>
      %add3A_1481 = arith.addf %add3A_1469, %mul3A_1480 : vector<16xf32>
      %broadcast_in_dim3A_1482 = arith.constant 44 : i32
      %broadcast_in_dim3A_1483 = vector.broadcast %broadcast_in_dim3A_1482 : i32 to vector<16xi32>
      %gather3A_1484 = tpu.vector_load_idx %arg27[%add3A_1335, %broadcast_in_dim3A_1483] : memref<32x128xf32, #tpu.memory_space<vmem>>[vector<16xi32>, vector<16xi32>], vector<16xf32>,
      %max3A_1485 = arith.constant 0.000000e+00 : f32
      %max3A_1486 = vector.broadcast %max3A_1485 : f32 to vector<16xf32>
      %max3A_1487 = arith.maximumf %gather3A_1484, %max3A_1486 : vector<16xf32>
      %get3A_1488 = arith.constant 12 : i32
      %get3A_1489 = arith.index_cast %get3A_1488 : i32 to index
      %get3A_1490 = arith.constant 0 : index
      %get3A_1491 = tpu.vector_load %arg32[%get3A_1489, %get3A_1490] {strides = array<i32>} : memref<32x16xf32, #tpu.memory_space<vmem>>, vector<16xf32>,
      %mul3A_1492 = arith.mulf %max3A_1487, %get3A_1491 : vector<16xf32>
      %add3A_1493 = arith.addf %add3A_1481, %mul3A_1492 : vector<16xf32>
      %broadcast_in_dim3A_1494 = arith.constant 45 : i32
      %broadcast_in_dim3A_1495 = vector.broadcast %broadcast_in_dim3A_1494 : i32 to vector<16xi32>
      %gather3A_1496 = tpu.vector_load_idx %arg27[%add3A_1335, %broadcast_in_dim3A_1495] : memref<32x128xf32, #tpu.memory_space<vmem>>[vector<16xi32>, vector<16xi32>], vector<16xf32>,
      %max3A_1497 = arith.constant 0.000000e+00 : f32
      %max3A_1498 = vector.broadcast %max3A_1497 : f32 to vector<16xf32>
      %max3A_1499 = arith.maximumf %gather3A_1496, %max3A_1498 : vector<16xf32>
      %get3A_1500 = arith.constant 13 : i32
      %get3A_1501 = arith.index_cast %get3A_1500 : i32 to index
      %get3A_1502 = arith.constant 0 : index
      %get3A_1503 = tpu.vector_load %arg32[%get3A_1501, %get3A_1502] {strides = array<i32>} : memref<32x16xf32, #tpu.memory_space<vmem>>, vector<16xf32>,
      %mul3A_1504 = arith.mulf %max3A_1499, %get3A_1503 : vector<16xf32>
      %add3A_1505 = arith.addf %add3A_1493, %mul3A_1504 : vector<16xf32>
      %broadcast_in_dim3A_1506 = arith.constant 46 : i32
      %broadcast_in_dim3A_1507 = vector.broadcast %broadcast_in_dim3A_1506 : i32 to vector<16xi32>
      %gather3A_1508 = tpu.vector_load_idx %arg27[%add3A_1335, %broadcast_in_dim3A_1507] : memref<32x128xf32, #tpu.memory_space<vmem>>[vector<16xi32>, vector<16xi32>], vector<16xf32>,
      %max3A_1509 = arith.constant 0.000000e+00 : f32
      %max3A_1510 = vector.broadcast %max3A_1509 : f32 to vector<16xf32>
      %max3A_1511 = arith.maximumf %gather3A_1508, %max3A_1510 : vector<16xf32>
      %get3A_1512 = arith.constant 14 : i32
      %get3A_1513 = arith.index_cast %get3A_1512 : i32 to index
      %get3A_1514 = arith.constant 0 : index
      %get3A_1515 = tpu.vector_load %arg32[%get3A_1513, %get3A_1514] {strides = array<i32>} : memref<32x16xf32, #tpu.memory_space<vmem>>, vector<16xf32>,
      %mul3A_1516 = arith.mulf %max3A_1511, %get3A_1515 : vector<16xf32>
      %add3A_1517 = arith.addf %add3A_1505, %mul3A_1516 : vector<16xf32>
      %broadcast_in_dim3A_1518 = arith.constant 47 : i32
      %broadcast_in_dim3A_1519 = vector.broadcast %broadcast_in_dim3A_1518 : i32 to vector<16xi32>
      %gather3A_1520 = tpu.vector_load_idx %arg27[%add3A_1335, %broadcast_in_dim3A_1519] : memref<32x128xf32, #tpu.memory_space<vmem>>[vector<16xi32>, vector<16xi32>], vector<16xf32>,
      %max3A_1521 = arith.constant 0.000000e+00 : f32
      %max3A_1522 = vector.broadcast %max3A_1521 : f32 to vector<16xf32>
      %max3A_1523 = arith.maximumf %gather3A_1520, %max3A_1522 : vector<16xf32>
      %get3A_1524 = arith.constant 15 : i32
      %get3A_1525 = arith.index_cast %get3A_1524 : i32 to index
      %get3A_1526 = arith.constant 0 : index
      %get3A_1527 = tpu.vector_load %arg32[%get3A_1525, %get3A_1526] {strides = array<i32>} : memref<32x16xf32, #tpu.memory_space<vmem>>, vector<16xf32>,
      %mul3A_1528 = arith.mulf %max3A_1523, %get3A_1527 : vector<16xf32>
      %add3A_1529 = arith.addf %add3A_1517, %mul3A_1528 : vector<16xf32>
      %broadcast_in_dim3A_1530 = arith.constant 48 : i32
      %broadcast_in_dim3A_1531 = vector.broadcast %broadcast_in_dim3A_1530 : i32 to vector<16xi32>
      %gather3A_1532 = tpu.vector_load_idx %arg27[%add3A_1335, %broadcast_in_dim3A_1531] : memref<32x128xf32, #tpu.memory_space<vmem>>[vector<16xi32>, vector<16xi32>], vector<16xf32>,
      %max3A_1533 = arith.constant 0.000000e+00 : f32
      %max3A_1534 = vector.broadcast %max3A_1533 : f32 to vector<16xf32>
      %max3A_1535 = arith.maximumf %gather3A_1532, %max3A_1534 : vector<16xf32>
      %get3A_1536 = arith.constant 16 : i32
      %get3A_1537 = arith.index_cast %get3A_1536 : i32 to index
      %get3A_1538 = arith.constant 0 : index
      %get3A_1539 = tpu.vector_load %arg32[%get3A_1537, %get3A_1538] {strides = array<i32>} : memref<32x16xf32, #tpu.memory_space<vmem>>, vector<16xf32>,
      %mul3A_1540 = arith.mulf %max3A_1535, %get3A_1539 : vector<16xf32>
      %add3A_1541 = arith.addf %add3A_1529, %mul3A_1540 : vector<16xf32>
      %broadcast_in_dim3A_1542 = arith.constant 49 : i32
      %broadcast_in_dim3A_1543 = vector.broadcast %broadcast_in_dim3A_1542 : i32 to vector<16xi32>
      %gather3A_1544 = tpu.vector_load_idx %arg27[%add3A_1335, %broadcast_in_dim3A_1543] : memref<32x128xf32, #tpu.memory_space<vmem>>[vector<16xi32>, vector<16xi32>], vector<16xf32>,
      %max3A_1545 = arith.constant 0.000000e+00 : f32
      %max3A_1546 = vector.broadcast %max3A_1545 : f32 to vector<16xf32>
      %max3A_1547 = arith.maximumf %gather3A_1544, %max3A_1546 : vector<16xf32>
      %get3A_1548 = arith.constant 17 : i32
      %get3A_1549 = arith.index_cast %get3A_1548 : i32 to index
      %get3A_1550 = arith.constant 0 : index
      %get3A_1551 = tpu.vector_load %arg32[%get3A_1549, %get3A_1550] {strides = array<i32>} : memref<32x16xf32, #tpu.memory_space<vmem>>, vector<16xf32>,
      %mul3A_1552 = arith.mulf %max3A_1547, %get3A_1551 : vector<16xf32>
      %add3A_1553 = arith.addf %add3A_1541, %mul3A_1552 : vector<16xf32>
      %broadcast_in_dim3A_1554 = arith.constant 50 : i32
      %broadcast_in_dim3A_1555 = vector.broadcast %broadcast_in_dim3A_1554 : i32 to vector<16xi32>
      %gather3A_1556 = tpu.vector_load_idx %arg27[%add3A_1335, %broadcast_in_dim3A_1555] : memref<32x128xf32, #tpu.memory_space<vmem>>[vector<16xi32>, vector<16xi32>], vector<16xf32>,
      %max3A_1557 = arith.constant 0.000000e+00 : f32
      %max3A_1558 = vector.broadcast %max3A_1557 : f32 to vector<16xf32>
      %max3A_1559 = arith.maximumf %gather3A_1556, %max3A_1558 : vector<16xf32>
      %get3A_1560 = arith.constant 18 : i32
      %get3A_1561 = arith.index_cast %get3A_1560 : i32 to index
      %get3A_1562 = arith.constant 0 : index
      %get3A_1563 = tpu.vector_load %arg32[%get3A_1561, %get3A_1562] {strides = array<i32>} : memref<32x16xf32, #tpu.memory_space<vmem>>, vector<16xf32>,
      %mul3A_1564 = arith.mulf %max3A_1559, %get3A_1563 : vector<16xf32>
      %add3A_1565 = arith.addf %add3A_1553, %mul3A_1564 : vector<16xf32>
      %broadcast_in_dim3A_1566 = arith.constant 51 : i32
      %broadcast_in_dim3A_1567 = vector.broadcast %broadcast_in_dim3A_1566 : i32 to vector<16xi32>
      %gather3A_1568 = tpu.vector_load_idx %arg27[%add3A_1335, %broadcast_in_dim3A_1567] : memref<32x128xf32, #tpu.memory_space<vmem>>[vector<16xi32>, vector<16xi32>], vector<16xf32>,
      %max3A_1569 = arith.constant 0.000000e+00 : f32
      %max3A_1570 = vector.broadcast %max3A_1569 : f32 to vector<16xf32>
      %max3A_1571 = arith.maximumf %gather3A_1568, %max3A_1570 : vector<16xf32>
      %get3A_1572 = arith.constant 19 : i32
      %get3A_1573 = arith.index_cast %get3A_1572 : i32 to index
      %get3A_1574 = arith.constant 0 : index
      %get3A_1575 = tpu.vector_load %arg32[%get3A_1573, %get3A_1574] {strides = array<i32>} : memref<32x16xf32, #tpu.memory_space<vmem>>, vector<16xf32>,
      %mul3A_1576 = arith.mulf %max3A_1571, %get3A_1575 : vector<16xf32>
      %add3A_1577 = arith.addf %add3A_1565, %mul3A_1576 : vector<16xf32>
      %broadcast_in_dim3A_1578 = arith.constant 52 : i32
      %broadcast_in_dim3A_1579 = vector.broadcast %broadcast_in_dim3A_1578 : i32 to vector<16xi32>
      %gather3A_1580 = tpu.vector_load_idx %arg27[%add3A_1335, %broadcast_in_dim3A_1579] : memref<32x128xf32, #tpu.memory_space<vmem>>[vector<16xi32>, vector<16xi32>], vector<16xf32>,
      %max3A_1581 = arith.constant 0.000000e+00 : f32
      %max3A_1582 = vector.broadcast %max3A_1581 : f32 to vector<16xf32>
      %max3A_1583 = arith.maximumf %gather3A_1580, %max3A_1582 : vector<16xf32>
      %get3A_1584 = arith.constant 20 : i32
      %get3A_1585 = arith.index_cast %get3A_1584 : i32 to index
      %get3A_1586 = arith.constant 0 : index
      %get3A_1587 = tpu.vector_load %arg32[%get3A_1585, %get3A_1586] {strides = array<i32>} : memref<32x16xf32, #tpu.memory_space<vmem>>, vector<16xf32>,
      %mul3A_1588 = arith.mulf %max3A_1583, %get3A_1587 : vector<16xf32>
      %add3A_1589 = arith.addf %add3A_1577, %mul3A_1588 : vector<16xf32>
      %broadcast_in_dim3A_1590 = arith.constant 53 : i32
      %broadcast_in_dim3A_1591 = vector.broadcast %broadcast_in_dim3A_1590 : i32 to vector<16xi32>
      %gather3A_1592 = tpu.vector_load_idx %arg27[%add3A_1335, %broadcast_in_dim3A_1591] : memref<32x128xf32, #tpu.memory_space<vmem>>[vector<16xi32>, vector<16xi32>], vector<16xf32>,
      %max3A_1593 = arith.constant 0.000000e+00 : f32
      %max3A_1594 = vector.broadcast %max3A_1593 : f32 to vector<16xf32>
      %max3A_1595 = arith.maximumf %gather3A_1592, %max3A_1594 : vector<16xf32>
      %get3A_1596 = arith.constant 21 : i32
      %get3A_1597 = arith.index_cast %get3A_1596 : i32 to index
      %get3A_1598 = arith.constant 0 : index
      %get3A_1599 = tpu.vector_load %arg32[%get3A_1597, %get3A_1598] {strides = array<i32>} : memref<32x16xf32, #tpu.memory_space<vmem>>, vector<16xf32>,
      %mul3A_1600 = arith.mulf %max3A_1595, %get3A_1599 : vector<16xf32>
      %add3A_1601 = arith.addf %add3A_1589, %mul3A_1600 : vector<16xf32>
      %broadcast_in_dim3A_1602 = arith.constant 54 : i32
      %broadcast_in_dim3A_1603 = vector.broadcast %broadcast_in_dim3A_1602 : i32 to vector<16xi32>
      %gather3A_1604 = tpu.vector_load_idx %arg27[%add3A_1335, %broadcast_in_dim3A_1603] : memref<32x128xf32, #tpu.memory_space<vmem>>[vector<16xi32>, vector<16xi32>], vector<16xf32>,
      %max3A_1605 = arith.constant 0.000000e+00 : f32
      %max3A_1606 = vector.broadcast %max3A_1605 : f32 to vector<16xf32>
      %max3A_1607 = arith.maximumf %gather3A_1604, %max3A_1606 : vector<16xf32>
      %get3A_1608 = arith.constant 22 : i32
      %get3A_1609 = arith.index_cast %get3A_1608 : i32 to index
      %get3A_1610 = arith.constant 0 : index
      %get3A_1611 = tpu.vector_load %arg32[%get3A_1609, %get3A_1610] {strides = array<i32>} : memref<32x16xf32, #tpu.memory_space<vmem>>, vector<16xf32>,
      %mul3A_1612 = arith.mulf %max3A_1607, %get3A_1611 : vector<16xf32>
      %add3A_1613 = arith.addf %add3A_1601, %mul3A_1612 : vector<16xf32>
      %broadcast_in_dim3A_1614 = arith.constant 55 : i32
      %broadcast_in_dim3A_1615 = vector.broadcast %broadcast_in_dim3A_1614 : i32 to vector<16xi32>
      %gather3A_1616 = tpu.vector_load_idx %arg27[%add3A_1335, %broadcast_in_dim3A_1615] : memref<32x128xf32, #tpu.memory_space<vmem>>[vector<16xi32>, vector<16xi32>], vector<16xf32>,
      %max3A_1617 = arith.constant 0.000000e+00 : f32
      %max3A_1618 = vector.broadcast %max3A_1617 : f32 to vector<16xf32>
      %max3A_1619 = arith.maximumf %gather3A_1616, %max3A_1618 : vector<16xf32>
      %get3A_1620 = arith.constant 23 : i32
      %get3A_1621 = arith.index_cast %get3A_1620 : i32 to index
      %get3A_1622 = arith.constant 0 : index
      %get3A_1623 = tpu.vector_load %arg32[%get3A_1621, %get3A_1622] {strides = array<i32>} : memref<32x16xf32, #tpu.memory_space<vmem>>, vector<16xf32>,
      %mul3A_1624 = arith.mulf %max3A_1619, %get3A_1623 : vector<16xf32>
      %add3A_1625 = arith.addf %add3A_1613, %mul3A_1624 : vector<16xf32>
      %broadcast_in_dim3A_1626 = arith.constant 56 : i32
      %broadcast_in_dim3A_1627 = vector.broadcast %broadcast_in_dim3A_1626 : i32 to vector<16xi32>
      %gather3A_1628 = tpu.vector_load_idx %arg27[%add3A_1335, %broadcast_in_dim3A_1627] : memref<32x128xf32, #tpu.memory_space<vmem>>[vector<16xi32>, vector<16xi32>], vector<16xf32>,
      %max3A_1629 = arith.constant 0.000000e+00 : f32
      %max3A_1630 = vector.broadcast %max3A_1629 : f32 to vector<16xf32>
      %max3A_1631 = arith.maximumf %gather3A_1628, %max3A_1630 : vector<16xf32>
      %get3A_1632 = arith.constant 24 : i32
      %get3A_1633 = arith.index_cast %get3A_1632 : i32 to index
      %get3A_1634 = arith.constant 0 : index
      %get3A_1635 = tpu.vector_load %arg32[%get3A_1633, %get3A_1634] {strides = array<i32>} : memref<32x16xf32, #tpu.memory_space<vmem>>, vector<16xf32>,
      %mul3A_1636 = arith.mulf %max3A_1631, %get3A_1635 : vector<16xf32>
      %add3A_1637 = arith.addf %add3A_1625, %mul3A_1636 : vector<16xf32>
      %broadcast_in_dim3A_1638 = arith.constant 57 : i32
      %broadcast_in_dim3A_1639 = vector.broadcast %broadcast_in_dim3A_1638 : i32 to vector<16xi32>
      %gather3A_1640 = tpu.vector_load_idx %arg27[%add3A_1335, %broadcast_in_dim3A_1639] : memref<32x128xf32, #tpu.memory_space<vmem>>[vector<16xi32>, vector<16xi32>], vector<16xf32>,
      %max3A_1641 = arith.constant 0.000000e+00 : f32
      %max3A_1642 = vector.broadcast %max3A_1641 : f32 to vector<16xf32>
      %max3A_1643 = arith.maximumf %gather3A_1640, %max3A_1642 : vector<16xf32>
      %get3A_1644 = arith.constant 25 : i32
      %get3A_1645 = arith.index_cast %get3A_1644 : i32 to index
      %get3A_1646 = arith.constant 0 : index
      %get3A_1647 = tpu.vector_load %arg32[%get3A_1645, %get3A_1646] {strides = array<i32>} : memref<32x16xf32, #tpu.memory_space<vmem>>, vector<16xf32>,
      %mul3A_1648 = arith.mulf %max3A_1643, %get3A_1647 : vector<16xf32>
      %add3A_1649 = arith.addf %add3A_1637, %mul3A_1648 : vector<16xf32>
      %broadcast_in_dim3A_1650 = arith.constant 58 : i32
      %broadcast_in_dim3A_1651 = vector.broadcast %broadcast_in_dim3A_1650 : i32 to vector<16xi32>
      %gather3A_1652 = tpu.vector_load_idx %arg27[%add3A_1335, %broadcast_in_dim3A_1651] : memref<32x128xf32, #tpu.memory_space<vmem>>[vector<16xi32>, vector<16xi32>], vector<16xf32>,
      %max3A_1653 = arith.constant 0.000000e+00 : f32
      %max3A_1654 = vector.broadcast %max3A_1653 : f32 to vector<16xf32>
      %max3A_1655 = arith.maximumf %gather3A_1652, %max3A_1654 : vector<16xf32>
      %get3A_1656 = arith.constant 26 : i32
      %get3A_1657 = arith.index_cast %get3A_1656 : i32 to index
      %get3A_1658 = arith.constant 0 : index
      %get3A_1659 = tpu.vector_load %arg32[%get3A_1657, %get3A_1658] {strides = array<i32>} : memref<32x16xf32, #tpu.memory_space<vmem>>, vector<16xf32>,
      %mul3A_1660 = arith.mulf %max3A_1655, %get3A_1659 : vector<16xf32>
      %add3A_1661 = arith.addf %add3A_1649, %mul3A_1660 : vector<16xf32>
      %broadcast_in_dim3A_1662 = arith.constant 59 : i32
      %broadcast_in_dim3A_1663 = vector.broadcast %broadcast_in_dim3A_1662 : i32 to vector<16xi32>
      %gather3A_1664 = tpu.vector_load_idx %arg27[%add3A_1335, %broadcast_in_dim3A_1663] : memref<32x128xf32, #tpu.memory_space<vmem>>[vector<16xi32>, vector<16xi32>], vector<16xf32>,
      %max3A_1665 = arith.constant 0.000000e+00 : f32
      %max3A_1666 = vector.broadcast %max3A_1665 : f32 to vector<16xf32>
      %max3A_1667 = arith.maximumf %gather3A_1664, %max3A_1666 : vector<16xf32>
      %get3A_1668 = arith.constant 27 : i32
      %get3A_1669 = arith.index_cast %get3A_1668 : i32 to index
      %get3A_1670 = arith.constant 0 : index
      %get3A_1671 = tpu.vector_load %arg32[%get3A_1669, %get3A_1670] {strides = array<i32>} : memref<32x16xf32, #tpu.memory_space<vmem>>, vector<16xf32>,
      %mul3A_1672 = arith.mulf %max3A_1667, %get3A_1671 : vector<16xf32>
      %add3A_1673 = arith.addf %add3A_1661, %mul3A_1672 : vector<16xf32>
      %broadcast_in_dim3A_1674 = arith.constant 60 : i32
      %broadcast_in_dim3A_1675 = vector.broadcast %broadcast_in_dim3A_1674 : i32 to vector<16xi32>
      %gather3A_1676 = tpu.vector_load_idx %arg27[%add3A_1335, %broadcast_in_dim3A_1675] : memref<32x128xf32, #tpu.memory_space<vmem>>[vector<16xi32>, vector<16xi32>], vector<16xf32>,
      %max3A_1677 = arith.constant 0.000000e+00 : f32
      %max3A_1678 = vector.broadcast %max3A_1677 : f32 to vector<16xf32>
      %max3A_1679 = arith.maximumf %gather3A_1676, %max3A_1678 : vector<16xf32>
      %get3A_1680 = arith.constant 28 : i32
      %get3A_1681 = arith.index_cast %get3A_1680 : i32 to index
      %get3A_1682 = arith.constant 0 : index
      %get3A_1683 = tpu.vector_load %arg32[%get3A_1681, %get3A_1682] {strides = array<i32>} : memref<32x16xf32, #tpu.memory_space<vmem>>, vector<16xf32>,
      %mul3A_1684 = arith.mulf %max3A_1679, %get3A_1683 : vector<16xf32>
      %add3A_1685 = arith.addf %add3A_1673, %mul3A_1684 : vector<16xf32>
      %broadcast_in_dim3A_1686 = arith.constant 61 : i32
      %broadcast_in_dim3A_1687 = vector.broadcast %broadcast_in_dim3A_1686 : i32 to vector<16xi32>
      %gather3A_1688 = tpu.vector_load_idx %arg27[%add3A_1335, %broadcast_in_dim3A_1687] : memref<32x128xf32, #tpu.memory_space<vmem>>[vector<16xi32>, vector<16xi32>], vector<16xf32>,
      %max3A_1689 = arith.constant 0.000000e+00 : f32
      %max3A_1690 = vector.broadcast %max3A_1689 : f32 to vector<16xf32>
      %max3A_1691 = arith.maximumf %gather3A_1688, %max3A_1690 : vector<16xf32>
      %get3A_1692 = arith.constant 29 : i32
      %get3A_1693 = arith.index_cast %get3A_1692 : i32 to index
      %get3A_1694 = arith.constant 0 : index
      %get3A_1695 = tpu.vector_load %arg32[%get3A_1693, %get3A_1694] {strides = array<i32>} : memref<32x16xf32, #tpu.memory_space<vmem>>, vector<16xf32>,
      %mul3A_1696 = arith.mulf %max3A_1691, %get3A_1695 : vector<16xf32>
      %add3A_1697 = arith.addf %add3A_1685, %mul3A_1696 : vector<16xf32>
      %broadcast_in_dim3A_1698 = arith.constant 62 : i32
      %broadcast_in_dim3A_1699 = vector.broadcast %broadcast_in_dim3A_1698 : i32 to vector<16xi32>
      %gather3A_1700 = tpu.vector_load_idx %arg27[%add3A_1335, %broadcast_in_dim3A_1699] : memref<32x128xf32, #tpu.memory_space<vmem>>[vector<16xi32>, vector<16xi32>], vector<16xf32>,
      %max3A_1701 = arith.constant 0.000000e+00 : f32
      %max3A_1702 = vector.broadcast %max3A_1701 : f32 to vector<16xf32>
      %max3A_1703 = arith.maximumf %gather3A_1700, %max3A_1702 : vector<16xf32>
      %get3A_1704 = arith.constant 30 : i32
      %get3A_1705 = arith.index_cast %get3A_1704 : i32 to index
      %get3A_1706 = arith.constant 0 : index
      %get3A_1707 = tpu.vector_load %arg32[%get3A_1705, %get3A_1706] {strides = array<i32>} : memref<32x16xf32, #tpu.memory_space<vmem>>, vector<16xf32>,
      %mul3A_1708 = arith.mulf %max3A_1703, %get3A_1707 : vector<16xf32>
      %add3A_1709 = arith.addf %add3A_1697, %mul3A_1708 : vector<16xf32>
      %broadcast_in_dim3A_1710 = arith.constant 63 : i32
      %broadcast_in_dim3A_1711 = vector.broadcast %broadcast_in_dim3A_1710 : i32 to vector<16xi32>
      %gather3A_1712 = tpu.vector_load_idx %arg27[%add3A_1335, %broadcast_in_dim3A_1711] : memref<32x128xf32, #tpu.memory_space<vmem>>[vector<16xi32>, vector<16xi32>], vector<16xf32>,
      %max3A_1713 = arith.constant 0.000000e+00 : f32
      %max3A_1714 = vector.broadcast %max3A_1713 : f32 to vector<16xf32>
      %max3A_1715 = arith.maximumf %gather3A_1712, %max3A_1714 : vector<16xf32>
      %get3A_1716 = arith.constant 31 : i32
      %get3A_1717 = arith.index_cast %get3A_1716 : i32 to index
      %get3A_1718 = arith.constant 0 : index
      %get3A_1719 = tpu.vector_load %arg32[%get3A_1717, %get3A_1718] {strides = array<i32>} : memref<32x16xf32, #tpu.memory_space<vmem>>, vector<16xf32>,
      %mul3A_1720 = arith.mulf %max3A_1715, %get3A_1719 : vector<16xf32>
      %add3A_1721 = arith.addf %add3A_1709, %mul3A_1720 : vector<16xf32>
      %add3A_1722 = arith.addf %add3A_1721, %get3A_89 : vector<16xf32>
      %neg3A_1723 = arith.constant 0.000000e+00 : f32
      %neg3A_1724 = vector.broadcast %neg3A_1723 : f32 to vector<16xf32>
      %neg3A_1725 = arith.subf %neg3A_1724, %add3A_1722 : vector<16xf32>
      %exp3A_1726 = math.exp %neg3A_1725 : vector<16xf32>
      %add3A_1727 = arith.constant 1.000000e+00 : f32
      %add3A_1728 = vector.broadcast %add3A_1727 : f32 to vector<16xf32>
      %add3A_1729 = arith.addf %add3A_1728, %exp3A_1726 : vector<16xf32>
      %div3A_1730 = arith.constant 1.000000e+00 : f32
      %div3A_1731 = vector.broadcast %div3A_1730 : f32 to vector<16xf32>
      %div3A_1732 = arith.divf %div3A_1731, %add3A_1729 : vector<16xf32>
      tpu.vector_store_idx %arg30[%add3A_1335], %div3A_1732 : memref<32xf32, #tpu.memory_space<vmem>>[vector<16xi32>], vector<16xf32>,
      %iota3A_1733 = tpu.iota {dimensions = array<i32: 0>} : vector<16xi32>
      %add3A_1734 = arith.constant 16 : i32
      %add3A_1735 = vector.broadcast %add3A_1734 : i32 to vector<16xi32>
      %add3A_1736 = arith.addi %iota3A_1733, %add3A_1735 : vector<16xi32>
      %broadcast_in_dim3A_1737 = arith.constant 0.000000e+00 : f32
      %broadcast_in_dim3A_1738 = vector.broadcast %broadcast_in_dim3A_1737 : f32 to vector<16xf32>
      %broadcast_in_dim3A_1739 = arith.constant 32 : i32
      %broadcast_in_dim3A_1740 = vector.broadcast %broadcast_in_dim3A_1739 : i32 to vector<16xi32>
      %gather3A_1741 = tpu.vector_load_idx %arg27[%add3A_1736, %broadcast_in_dim3A_1740] : memref<32x128xf32, #tpu.memory_space<vmem>>[vector<16xi32>, vector<16xi32>], vector<16xf32>,
      %max3A_1742 = arith.constant 0.000000e+00 : f32
      %max3A_1743 = vector.broadcast %max3A_1742 : f32 to vector<16xf32>
      %max3A_1744 = arith.maximumf %gather3A_1741, %max3A_1743 : vector<16xf32>
      %get3A_1745 = arith.constant 0 : i32
      %get3A_1746 = arith.index_cast %get3A_1745 : i32 to index
      %get3A_1747 = arith.constant 0 : index
      %get3A_1748 = tpu.vector_load %arg32[%get3A_1746, %get3A_1747] {strides = array<i32>} : memref<32x16xf32, #tpu.memory_space<vmem>>, vector<16xf32>,
      %mul3A_1749 = arith.mulf %max3A_1744, %get3A_1748 : vector<16xf32>
      %add3A_1750 = arith.addf %broadcast_in_dim3A_1738, %mul3A_1749 : vector<16xf32>
      %broadcast_in_dim3A_1751 = arith.constant 33 : i32
      %broadcast_in_dim3A_1752 = vector.broadcast %broadcast_in_dim3A_1751 : i32 to vector<16xi32>
      %gather3A_1753 = tpu.vector_load_idx %arg27[%add3A_1736, %broadcast_in_dim3A_1752] : memref<32x128xf32, #tpu.memory_space<vmem>>[vector<16xi32>, vector<16xi32>], vector<16xf32>,
      %max3A_1754 = arith.constant 0.000000e+00 : f32
      %max3A_1755 = vector.broadcast %max3A_1754 : f32 to vector<16xf32>
      %max3A_1756 = arith.maximumf %gather3A_1753, %max3A_1755 : vector<16xf32>
      %get3A_1757 = arith.constant 1 : i32
      %get3A_1758 = arith.index_cast %get3A_1757 : i32 to index
      %get3A_1759 = arith.constant 0 : index
      %get3A_1760 = tpu.vector_load %arg32[%get3A_1758, %get3A_1759] {strides = array<i32>} : memref<32x16xf32, #tpu.memory_space<vmem>>, vector<16xf32>,
      %mul3A_1761 = arith.mulf %max3A_1756, %get3A_1760 : vector<16xf32>
      %add3A_1762 = arith.addf %add3A_1750, %mul3A_1761 : vector<16xf32>
      %broadcast_in_dim3A_1763 = arith.constant 34 : i32
      %broadcast_in_dim3A_1764 = vector.broadcast %broadcast_in_dim3A_1763 : i32 to vector<16xi32>
      %gather3A_1765 = tpu.vector_load_idx %arg27[%add3A_1736, %broadcast_in_dim3A_1764] : memref<32x128xf32, #tpu.memory_space<vmem>>[vector<16xi32>, vector<16xi32>], vector<16xf32>,
      %max3A_1766 = arith.constant 0.000000e+00 : f32
      %max3A_1767 = vector.broadcast %max3A_1766 : f32 to vector<16xf32>
      %max3A_1768 = arith.maximumf %gather3A_1765, %max3A_1767 : vector<16xf32>
      %get3A_1769 = arith.constant 2 : i32
      %get3A_1770 = arith.index_cast %get3A_1769 : i32 to index
      %get3A_1771 = arith.constant 0 : index
      %get3A_1772 = tpu.vector_load %arg32[%get3A_1770, %get3A_1771] {strides = array<i32>} : memref<32x16xf32, #tpu.memory_space<vmem>>, vector<16xf32>,
      %mul3A_1773 = arith.mulf %max3A_1768, %get3A_1772 : vector<16xf32>
      %add3A_1774 = arith.addf %add3A_1762, %mul3A_1773 : vector<16xf32>
      %broadcast_in_dim3A_1775 = arith.constant 35 : i32
      %broadcast_in_dim3A_1776 = vector.broadcast %broadcast_in_dim3A_1775 : i32 to vector<16xi32>
      %gather3A_1777 = tpu.vector_load_idx %arg27[%add3A_1736, %broadcast_in_dim3A_1776] : memref<32x128xf32, #tpu.memory_space<vmem>>[vector<16xi32>, vector<16xi32>], vector<16xf32>,
      %max3A_1778 = arith.constant 0.000000e+00 : f32
      %max3A_1779 = vector.broadcast %max3A_1778 : f32 to vector<16xf32>
      %max3A_1780 = arith.maximumf %gather3A_1777, %max3A_1779 : vector<16xf32>
      %get3A_1781 = arith.constant 3 : i32
      %get3A_1782 = arith.index_cast %get3A_1781 : i32 to index
      %get3A_1783 = arith.constant 0 : index
      %get3A_1784 = tpu.vector_load %arg32[%get3A_1782, %get3A_1783] {strides = array<i32>} : memref<32x16xf32, #tpu.memory_space<vmem>>, vector<16xf32>,
      %mul3A_1785 = arith.mulf %max3A_1780, %get3A_1784 : vector<16xf32>
      %add3A_1786 = arith.addf %add3A_1774, %mul3A_1785 : vector<16xf32>
      %broadcast_in_dim3A_1787 = arith.constant 36 : i32
      %broadcast_in_dim3A_1788 = vector.broadcast %broadcast_in_dim3A_1787 : i32 to vector<16xi32>
      %gather3A_1789 = tpu.vector_load_idx %arg27[%add3A_1736, %broadcast_in_dim3A_1788] : memref<32x128xf32, #tpu.memory_space<vmem>>[vector<16xi32>, vector<16xi32>], vector<16xf32>,
      %max3A_1790 = arith.constant 0.000000e+00 : f32
      %max3A_1791 = vector.broadcast %max3A_1790 : f32 to vector<16xf32>
      %max3A_1792 = arith.maximumf %gather3A_1789, %max3A_1791 : vector<16xf32>
      %get3A_1793 = arith.constant 4 : i32
      %get3A_1794 = arith.index_cast %get3A_1793 : i32 to index
      %get3A_1795 = arith.constant 0 : index
      %get3A_1796 = tpu.vector_load %arg32[%get3A_1794, %get3A_1795] {strides = array<i32>} : memref<32x16xf32, #tpu.memory_space<vmem>>, vector<16xf32>,
      %mul3A_1797 = arith.mulf %max3A_1792, %get3A_1796 : vector<16xf32>
      %add3A_1798 = arith.addf %add3A_1786, %mul3A_1797 : vector<16xf32>
      %broadcast_in_dim3A_1799 = arith.constant 37 : i32
      %broadcast_in_dim3A_1800 = vector.broadcast %broadcast_in_dim3A_1799 : i32 to vector<16xi32>
      %gather3A_1801 = tpu.vector_load_idx %arg27[%add3A_1736, %broadcast_in_dim3A_1800] : memref<32x128xf32, #tpu.memory_space<vmem>>[vector<16xi32>, vector<16xi32>], vector<16xf32>,
      %max3A_1802 = arith.constant 0.000000e+00 : f32
      %max3A_1803 = vector.broadcast %max3A_1802 : f32 to vector<16xf32>
      %max3A_1804 = arith.maximumf %gather3A_1801, %max3A_1803 : vector<16xf32>
      %get3A_1805 = arith.constant 5 : i32
      %get3A_1806 = arith.index_cast %get3A_1805 : i32 to index
      %get3A_1807 = arith.constant 0 : index
      %get3A_1808 = tpu.vector_load %arg32[%get3A_1806, %get3A_1807] {strides = array<i32>} : memref<32x16xf32, #tpu.memory_space<vmem>>, vector<16xf32>,
      %mul3A_1809 = arith.mulf %max3A_1804, %get3A_1808 : vector<16xf32>
      %add3A_1810 = arith.addf %add3A_1798, %mul3A_1809 : vector<16xf32>
      %broadcast_in_dim3A_1811 = arith.constant 38 : i32
      %broadcast_in_dim3A_1812 = vector.broadcast %broadcast_in_dim3A_1811 : i32 to vector<16xi32>
      %gather3A_1813 = tpu.vector_load_idx %arg27[%add3A_1736, %broadcast_in_dim3A_1812] : memref<32x128xf32, #tpu.memory_space<vmem>>[vector<16xi32>, vector<16xi32>], vector<16xf32>,
      %max3A_1814 = arith.constant 0.000000e+00 : f32
      %max3A_1815 = vector.broadcast %max3A_1814 : f32 to vector<16xf32>
      %max3A_1816 = arith.maximumf %gather3A_1813, %max3A_1815 : vector<16xf32>
      %get3A_1817 = arith.constant 6 : i32
      %get3A_1818 = arith.index_cast %get3A_1817 : i32 to index
      %get3A_1819 = arith.constant 0 : index
      %get3A_1820 = tpu.vector_load %arg32[%get3A_1818, %get3A_1819] {strides = array<i32>} : memref<32x16xf32, #tpu.memory_space<vmem>>, vector<16xf32>,
      %mul3A_1821 = arith.mulf %max3A_1816, %get3A_1820 : vector<16xf32>
      %add3A_1822 = arith.addf %add3A_1810, %mul3A_1821 : vector<16xf32>
      %broadcast_in_dim3A_1823 = arith.constant 39 : i32
      %broadcast_in_dim3A_1824 = vector.broadcast %broadcast_in_dim3A_1823 : i32 to vector<16xi32>
      %gather3A_1825 = tpu.vector_load_idx %arg27[%add3A_1736, %broadcast_in_dim3A_1824] : memref<32x128xf32, #tpu.memory_space<vmem>>[vector<16xi32>, vector<16xi32>], vector<16xf32>,
      %max3A_1826 = arith.constant 0.000000e+00 : f32
      %max3A_1827 = vector.broadcast %max3A_1826 : f32 to vector<16xf32>
      %max3A_1828 = arith.maximumf %gather3A_1825, %max3A_1827 : vector<16xf32>
      %get3A_1829 = arith.constant 7 : i32
      %get3A_1830 = arith.index_cast %get3A_1829 : i32 to index
      %get3A_1831 = arith.constant 0 : index
      %get3A_1832 = tpu.vector_load %arg32[%get3A_1830, %get3A_1831] {strides = array<i32>} : memref<32x16xf32, #tpu.memory_space<vmem>>, vector<16xf32>,
      %mul3A_1833 = arith.mulf %max3A_1828, %get3A_1832 : vector<16xf32>
      %add3A_1834 = arith.addf %add3A_1822, %mul3A_1833 : vector<16xf32>
      %broadcast_in_dim3A_1835 = arith.constant 40 : i32
      %broadcast_in_dim3A_1836 = vector.broadcast %broadcast_in_dim3A_1835 : i32 to vector<16xi32>
      %gather3A_1837 = tpu.vector_load_idx %arg27[%add3A_1736, %broadcast_in_dim3A_1836] : memref<32x128xf32, #tpu.memory_space<vmem>>[vector<16xi32>, vector<16xi32>], vector<16xf32>,
      %max3A_1838 = arith.constant 0.000000e+00 : f32
      %max3A_1839 = vector.broadcast %max3A_1838 : f32 to vector<16xf32>
      %max3A_1840 = arith.maximumf %gather3A_1837, %max3A_1839 : vector<16xf32>
      %get3A_1841 = arith.constant 8 : i32
      %get3A_1842 = arith.index_cast %get3A_1841 : i32 to index
      %get3A_1843 = arith.constant 0 : index
      %get3A_1844 = tpu.vector_load %arg32[%get3A_1842, %get3A_1843] {strides = array<i32>} : memref<32x16xf32, #tpu.memory_space<vmem>>, vector<16xf32>,
      %mul3A_1845 = arith.mulf %max3A_1840, %get3A_1844 : vector<16xf32>
      %add3A_1846 = arith.addf %add3A_1834, %mul3A_1845 : vector<16xf32>
      %broadcast_in_dim3A_1847 = arith.constant 41 : i32
      %broadcast_in_dim3A_1848 = vector.broadcast %broadcast_in_dim3A_1847 : i32 to vector<16xi32>
      %gather3A_1849 = tpu.vector_load_idx %arg27[%add3A_1736, %broadcast_in_dim3A_1848] : memref<32x128xf32, #tpu.memory_space<vmem>>[vector<16xi32>, vector<16xi32>], vector<16xf32>,
      %max3A_1850 = arith.constant 0.000000e+00 : f32
      %max3A_1851 = vector.broadcast %max3A_1850 : f32 to vector<16xf32>
      %max3A_1852 = arith.maximumf %gather3A_1849, %max3A_1851 : vector<16xf32>
      %get3A_1853 = arith.constant 9 : i32
      %get3A_1854 = arith.index_cast %get3A_1853 : i32 to index
      %get3A_1855 = arith.constant 0 : index
      %get3A_1856 = tpu.vector_load %arg32[%get3A_1854, %get3A_1855] {strides = array<i32>} : memref<32x16xf32, #tpu.memory_space<vmem>>, vector<16xf32>,
      %mul3A_1857 = arith.mulf %max3A_1852, %get3A_1856 : vector<16xf32>
      %add3A_1858 = arith.addf %add3A_1846, %mul3A_1857 : vector<16xf32>
      %broadcast_in_dim3A_1859 = arith.constant 42 : i32
      %broadcast_in_dim3A_1860 = vector.broadcast %broadcast_in_dim3A_1859 : i32 to vector<16xi32>
      %gather3A_1861 = tpu.vector_load_idx %arg27[%add3A_1736, %broadcast_in_dim3A_1860] : memref<32x128xf32, #tpu.memory_space<vmem>>[vector<16xi32>, vector<16xi32>], vector<16xf32>,
      %max3A_1862 = arith.constant 0.000000e+00 : f32
      %max3A_1863 = vector.broadcast %max3A_1862 : f32 to vector<16xf32>
      %max3A_1864 = arith.maximumf %gather3A_1861, %max3A_1863 : vector<16xf32>
      %get3A_1865 = arith.constant 10 : i32
      %get3A_1866 = arith.index_cast %get3A_1865 : i32 to index
      %get3A_1867 = arith.constant 0 : index
      %get3A_1868 = tpu.vector_load %arg32[%get3A_1866, %get3A_1867] {strides = array<i32>} : memref<32x16xf32, #tpu.memory_space<vmem>>, vector<16xf32>,
      %mul3A_1869 = arith.mulf %max3A_1864, %get3A_1868 : vector<16xf32>
      %add3A_1870 = arith.addf %add3A_1858, %mul3A_1869 : vector<16xf32>
      %broadcast_in_dim3A_1871 = arith.constant 43 : i32
      %broadcast_in_dim3A_1872 = vector.broadcast %broadcast_in_dim3A_1871 : i32 to vector<16xi32>
      %gather3A_1873 = tpu.vector_load_idx %arg27[%add3A_1736, %broadcast_in_dim3A_1872] : memref<32x128xf32, #tpu.memory_space<vmem>>[vector<16xi32>, vector<16xi32>], vector<16xf32>,
      %max3A_1874 = arith.constant 0.000000e+00 : f32
      %max3A_1875 = vector.broadcast %max3A_1874 : f32 to vector<16xf32>
      %max3A_1876 = arith.maximumf %gather3A_1873, %max3A_1875 : vector<16xf32>
      %get3A_1877 = arith.constant 11 : i32
      %get3A_1878 = arith.index_cast %get3A_1877 : i32 to index
      %get3A_1879 = arith.constant 0 : index
      %get3A_1880 = tpu.vector_load %arg32[%get3A_1878, %get3A_1879] {strides = array<i32>} : memref<32x16xf32, #tpu.memory_space<vmem>>, vector<16xf32>,
      %mul3A_1881 = arith.mulf %max3A_1876, %get3A_1880 : vector<16xf32>
      %add3A_1882 = arith.addf %add3A_1870, %mul3A_1881 : vector<16xf32>
      %broadcast_in_dim3A_1883 = arith.constant 44 : i32
      %broadcast_in_dim3A_1884 = vector.broadcast %broadcast_in_dim3A_1883 : i32 to vector<16xi32>
      %gather3A_1885 = tpu.vector_load_idx %arg27[%add3A_1736, %broadcast_in_dim3A_1884] : memref<32x128xf32, #tpu.memory_space<vmem>>[vector<16xi32>, vector<16xi32>], vector<16xf32>,
      %max3A_1886 = arith.constant 0.000000e+00 : f32
      %max3A_1887 = vector.broadcast %max3A_1886 : f32 to vector<16xf32>
      %max3A_1888 = arith.maximumf %gather3A_1885, %max3A_1887 : vector<16xf32>
      %get3A_1889 = arith.constant 12 : i32
      %get3A_1890 = arith.index_cast %get3A_1889 : i32 to index
      %get3A_1891 = arith.constant 0 : index
      %get3A_1892 = tpu.vector_load %arg32[%get3A_1890, %get3A_1891] {strides = array<i32>} : memref<32x16xf32, #tpu.memory_space<vmem>>, vector<16xf32>,
      %mul3A_1893 = arith.mulf %max3A_1888, %get3A_1892 : vector<16xf32>
      %add3A_1894 = arith.addf %add3A_1882, %mul3A_1893 : vector<16xf32>
      %broadcast_in_dim3A_1895 = arith.constant 45 : i32
      %broadcast_in_dim3A_1896 = vector.broadcast %broadcast_in_dim3A_1895 : i32 to vector<16xi32>
      %gather3A_1897 = tpu.vector_load_idx %arg27[%add3A_1736, %broadcast_in_dim3A_1896] : memref<32x128xf32, #tpu.memory_space<vmem>>[vector<16xi32>, vector<16xi32>], vector<16xf32>,
      %max3A_1898 = arith.constant 0.000000e+00 : f32
      %max3A_1899 = vector.broadcast %max3A_1898 : f32 to vector<16xf32>
      %max3A_1900 = arith.maximumf %gather3A_1897, %max3A_1899 : vector<16xf32>
      %get3A_1901 = arith.constant 13 : i32
      %get3A_1902 = arith.index_cast %get3A_1901 : i32 to index
      %get3A_1903 = arith.constant 0 : index
      %get3A_1904 = tpu.vector_load %arg32[%get3A_1902, %get3A_1903] {strides = array<i32>} : memref<32x16xf32, #tpu.memory_space<vmem>>, vector<16xf32>,
      %mul3A_1905 = arith.mulf %max3A_1900, %get3A_1904 : vector<16xf32>
      %add3A_1906 = arith.addf %add3A_1894, %mul3A_1905 : vector<16xf32>
      %broadcast_in_dim3A_1907 = arith.constant 46 : i32
      %broadcast_in_dim3A_1908 = vector.broadcast %broadcast_in_dim3A_1907 : i32 to vector<16xi32>
      %gather3A_1909 = tpu.vector_load_idx %arg27[%add3A_1736, %broadcast_in_dim3A_1908] : memref<32x128xf32, #tpu.memory_space<vmem>>[vector<16xi32>, vector<16xi32>], vector<16xf32>,
      %max3A_1910 = arith.constant 0.000000e+00 : f32
      %max3A_1911 = vector.broadcast %max3A_1910 : f32 to vector<16xf32>
      %max3A_1912 = arith.maximumf %gather3A_1909, %max3A_1911 : vector<16xf32>
      %get3A_1913 = arith.constant 14 : i32
      %get3A_1914 = arith.index_cast %get3A_1913 : i32 to index
      %get3A_1915 = arith.constant 0 : index
      %get3A_1916 = tpu.vector_load %arg32[%get3A_1914, %get3A_1915] {strides = array<i32>} : memref<32x16xf32, #tpu.memory_space<vmem>>, vector<16xf32>,
      %mul3A_1917 = arith.mulf %max3A_1912, %get3A_1916 : vector<16xf32>
      %add3A_1918 = arith.addf %add3A_1906, %mul3A_1917 : vector<16xf32>
      %broadcast_in_dim3A_1919 = arith.constant 47 : i32
      %broadcast_in_dim3A_1920 = vector.broadcast %broadcast_in_dim3A_1919 : i32 to vector<16xi32>
      %gather3A_1921 = tpu.vector_load_idx %arg27[%add3A_1736, %broadcast_in_dim3A_1920] : memref<32x128xf32, #tpu.memory_space<vmem>>[vector<16xi32>, vector<16xi32>], vector<16xf32>,
      %max3A_1922 = arith.constant 0.000000e+00 : f32
      %max3A_1923 = vector.broadcast %max3A_1922 : f32 to vector<16xf32>
      %max3A_1924 = arith.maximumf %gather3A_1921, %max3A_1923 : vector<16xf32>
      %get3A_1925 = arith.constant 15 : i32
      %get3A_1926 = arith.index_cast %get3A_1925 : i32 to index
      %get3A_1927 = arith.constant 0 : index
      %get3A_1928 = tpu.vector_load %arg32[%get3A_1926, %get3A_1927] {strides = array<i32>} : memref<32x16xf32, #tpu.memory_space<vmem>>, vector<16xf32>,
      %mul3A_1929 = arith.mulf %max3A_1924, %get3A_1928 : vector<16xf32>
      %add3A_1930 = arith.addf %add3A_1918, %mul3A_1929 : vector<16xf32>
      %broadcast_in_dim3A_1931 = arith.constant 48 : i32
      %broadcast_in_dim3A_1932 = vector.broadcast %broadcast_in_dim3A_1931 : i32 to vector<16xi32>
      %gather3A_1933 = tpu.vector_load_idx %arg27[%add3A_1736, %broadcast_in_dim3A_1932] : memref<32x128xf32, #tpu.memory_space<vmem>>[vector<16xi32>, vector<16xi32>], vector<16xf32>,
      %max3A_1934 = arith.constant 0.000000e+00 : f32
      %max3A_1935 = vector.broadcast %max3A_1934 : f32 to vector<16xf32>
      %max3A_1936 = arith.maximumf %gather3A_1933, %max3A_1935 : vector<16xf32>
      %get3A_1937 = arith.constant 16 : i32
      %get3A_1938 = arith.index_cast %get3A_1937 : i32 to index
      %get3A_1939 = arith.constant 0 : index
      %get3A_1940 = tpu.vector_load %arg32[%get3A_1938, %get3A_1939] {strides = array<i32>} : memref<32x16xf32, #tpu.memory_space<vmem>>, vector<16xf32>,
      %mul3A_1941 = arith.mulf %max3A_1936, %get3A_1940 : vector<16xf32>
      %add3A_1942 = arith.addf %add3A_1930, %mul3A_1941 : vector<16xf32>
      %broadcast_in_dim3A_1943 = arith.constant 49 : i32
      %broadcast_in_dim3A_1944 = vector.broadcast %broadcast_in_dim3A_1943 : i32 to vector<16xi32>
      %gather3A_1945 = tpu.vector_load_idx %arg27[%add3A_1736, %broadcast_in_dim3A_1944] : memref<32x128xf32, #tpu.memory_space<vmem>>[vector<16xi32>, vector<16xi32>], vector<16xf32>,
      %max3A_1946 = arith.constant 0.000000e+00 : f32
      %max3A_1947 = vector.broadcast %max3A_1946 : f32 to vector<16xf32>
      %max3A_1948 = arith.maximumf %gather3A_1945, %max3A_1947 : vector<16xf32>
      %get3A_1949 = arith.constant 17 : i32
      %get3A_1950 = arith.index_cast %get3A_1949 : i32 to index
      %get3A_1951 = arith.constant 0 : index
      %get3A_1952 = tpu.vector_load %arg32[%get3A_1950, %get3A_1951] {strides = array<i32>} : memref<32x16xf32, #tpu.memory_space<vmem>>, vector<16xf32>,
      %mul3A_1953 = arith.mulf %max3A_1948, %get3A_1952 : vector<16xf32>
      %add3A_1954 = arith.addf %add3A_1942, %mul3A_1953 : vector<16xf32>
      %broadcast_in_dim3A_1955 = arith.constant 50 : i32
      %broadcast_in_dim3A_1956 = vector.broadcast %broadcast_in_dim3A_1955 : i32 to vector<16xi32>
      %gather3A_1957 = tpu.vector_load_idx %arg27[%add3A_1736, %broadcast_in_dim3A_1956] : memref<32x128xf32, #tpu.memory_space<vmem>>[vector<16xi32>, vector<16xi32>], vector<16xf32>,
      %max3A_1958 = arith.constant 0.000000e+00 : f32
      %max3A_1959 = vector.broadcast %max3A_1958 : f32 to vector<16xf32>
      %max3A_1960 = arith.maximumf %gather3A_1957, %max3A_1959 : vector<16xf32>
      %get3A_1961 = arith.constant 18 : i32
      %get3A_1962 = arith.index_cast %get3A_1961 : i32 to index
      %get3A_1963 = arith.constant 0 : index
      %get3A_1964 = tpu.vector_load %arg32[%get3A_1962, %get3A_1963] {strides = array<i32>} : memref<32x16xf32, #tpu.memory_space<vmem>>, vector<16xf32>,
      %mul3A_1965 = arith.mulf %max3A_1960, %get3A_1964 : vector<16xf32>
      %add3A_1966 = arith.addf %add3A_1954, %mul3A_1965 : vector<16xf32>
      %broadcast_in_dim3A_1967 = arith.constant 51 : i32
      %broadcast_in_dim3A_1968 = vector.broadcast %broadcast_in_dim3A_1967 : i32 to vector<16xi32>
      %gather3A_1969 = tpu.vector_load_idx %arg27[%add3A_1736, %broadcast_in_dim3A_1968] : memref<32x128xf32, #tpu.memory_space<vmem>>[vector<16xi32>, vector<16xi32>], vector<16xf32>,
      %max3A_1970 = arith.constant 0.000000e+00 : f32
      %max3A_1971 = vector.broadcast %max3A_1970 : f32 to vector<16xf32>
      %max3A_1972 = arith.maximumf %gather3A_1969, %max3A_1971 : vector<16xf32>
      %get3A_1973 = arith.constant 19 : i32
      %get3A_1974 = arith.index_cast %get3A_1973 : i32 to index
      %get3A_1975 = arith.constant 0 : index
      %get3A_1976 = tpu.vector_load %arg32[%get3A_1974, %get3A_1975] {strides = array<i32>} : memref<32x16xf32, #tpu.memory_space<vmem>>, vector<16xf32>,
      %mul3A_1977 = arith.mulf %max3A_1972, %get3A_1976 : vector<16xf32>
      %add3A_1978 = arith.addf %add3A_1966, %mul3A_1977 : vector<16xf32>
      %broadcast_in_dim3A_1979 = arith.constant 52 : i32
      %broadcast_in_dim3A_1980 = vector.broadcast %broadcast_in_dim3A_1979 : i32 to vector<16xi32>
      %gather3A_1981 = tpu.vector_load_idx %arg27[%add3A_1736, %broadcast_in_dim3A_1980] : memref<32x128xf32, #tpu.memory_space<vmem>>[vector<16xi32>, vector<16xi32>], vector<16xf32>,
      %max3A_1982 = arith.constant 0.000000e+00 : f32
      %max3A_1983 = vector.broadcast %max3A_1982 : f32 to vector<16xf32>
      %max3A_1984 = arith.maximumf %gather3A_1981, %max3A_1983 : vector<16xf32>
      %get3A_1985 = arith.constant 20 : i32
      %get3A_1986 = arith.index_cast %get3A_1985 : i32 to index
      %get3A_1987 = arith.constant 0 : index
      %get3A_1988 = tpu.vector_load %arg32[%get3A_1986, %get3A_1987] {strides = array<i32>} : memref<32x16xf32, #tpu.memory_space<vmem>>, vector<16xf32>,
      %mul3A_1989 = arith.mulf %max3A_1984, %get3A_1988 : vector<16xf32>
      %add3A_1990 = arith.addf %add3A_1978, %mul3A_1989 : vector<16xf32>
      %broadcast_in_dim3A_1991 = arith.constant 53 : i32
      %broadcast_in_dim3A_1992 = vector.broadcast %broadcast_in_dim3A_1991 : i32 to vector<16xi32>
      %gather3A_1993 = tpu.vector_load_idx %arg27[%add3A_1736, %broadcast_in_dim3A_1992] : memref<32x128xf32, #tpu.memory_space<vmem>>[vector<16xi32>, vector<16xi32>], vector<16xf32>,
      %max3A_1994 = arith.constant 0.000000e+00 : f32
      %max3A_1995 = vector.broadcast %max3A_1994 : f32 to vector<16xf32>
      %max3A_1996 = arith.maximumf %gather3A_1993, %max3A_1995 : vector<16xf32>
      %get3A_1997 = arith.constant 21 : i32
      %get3A_1998 = arith.index_cast %get3A_1997 : i32 to index
      %get3A_1999 = arith.constant 0 : index
      %get3A_2000 = tpu.vector_load %arg32[%get3A_1998, %get3A_1999] {strides = array<i32>} : memref<32x16xf32, #tpu.memory_space<vmem>>, vector<16xf32>,
      %mul3A_2001 = arith.mulf %max3A_1996, %get3A_2000 : vector<16xf32>
      %add3A_2002 = arith.addf %add3A_1990, %mul3A_2001 : vector<16xf32>
      %broadcast_in_dim3A_2003 = arith.constant 54 : i32
      %broadcast_in_dim3A_2004 = vector.broadcast %broadcast_in_dim3A_2003 : i32 to vector<16xi32>
      %gather3A_2005 = tpu.vector_load_idx %arg27[%add3A_1736, %broadcast_in_dim3A_2004] : memref<32x128xf32, #tpu.memory_space<vmem>>[vector<16xi32>, vector<16xi32>], vector<16xf32>,
      %max3A_2006 = arith.constant 0.000000e+00 : f32
      %max3A_2007 = vector.broadcast %max3A_2006 : f32 to vector<16xf32>
      %max3A_2008 = arith.maximumf %gather3A_2005, %max3A_2007 : vector<16xf32>
      %get3A_2009 = arith.constant 22 : i32
      %get3A_2010 = arith.index_cast %get3A_2009 : i32 to index
      %get3A_2011 = arith.constant 0 : index
      %get3A_2012 = tpu.vector_load %arg32[%get3A_2010, %get3A_2011] {strides = array<i32>} : memref<32x16xf32, #tpu.memory_space<vmem>>, vector<16xf32>,
      %mul3A_2013 = arith.mulf %max3A_2008, %get3A_2012 : vector<16xf32>
      %add3A_2014 = arith.addf %add3A_2002, %mul3A_2013 : vector<16xf32>
      %broadcast_in_dim3A_2015 = arith.constant 55 : i32
      %broadcast_in_dim3A_2016 = vector.broadcast %broadcast_in_dim3A_2015 : i32 to vector<16xi32>
      %gather3A_2017 = tpu.vector_load_idx %arg27[%add3A_1736, %broadcast_in_dim3A_2016] : memref<32x128xf32, #tpu.memory_space<vmem>>[vector<16xi32>, vector<16xi32>], vector<16xf32>,
      %max3A_2018 = arith.constant 0.000000e+00 : f32
      %max3A_2019 = vector.broadcast %max3A_2018 : f32 to vector<16xf32>
      %max3A_2020 = arith.maximumf %gather3A_2017, %max3A_2019 : vector<16xf32>
      %get3A_2021 = arith.constant 23 : i32
      %get3A_2022 = arith.index_cast %get3A_2021 : i32 to index
      %get3A_2023 = arith.constant 0 : index
      %get3A_2024 = tpu.vector_load %arg32[%get3A_2022, %get3A_2023] {strides = array<i32>} : memref<32x16xf32, #tpu.memory_space<vmem>>, vector<16xf32>,
      %mul3A_2025 = arith.mulf %max3A_2020, %get3A_2024 : vector<16xf32>
      %add3A_2026 = arith.addf %add3A_2014, %mul3A_2025 : vector<16xf32>
      %broadcast_in_dim3A_2027 = arith.constant 56 : i32
      %broadcast_in_dim3A_2028 = vector.broadcast %broadcast_in_dim3A_2027 : i32 to vector<16xi32>
      %gather3A_2029 = tpu.vector_load_idx %arg27[%add3A_1736, %broadcast_in_dim3A_2028] : memref<32x128xf32, #tpu.memory_space<vmem>>[vector<16xi32>, vector<16xi32>], vector<16xf32>,
      %max3A_2030 = arith.constant 0.000000e+00 : f32
      %max3A_2031 = vector.broadcast %max3A_2030 : f32 to vector<16xf32>
      %max3A_2032 = arith.maximumf %gather3A_2029, %max3A_2031 : vector<16xf32>
      %get3A_2033 = arith.constant 24 : i32
      %get3A_2034 = arith.index_cast %get3A_2033 : i32 to index
      %get3A_2035 = arith.constant 0 : index
      %get3A_2036 = tpu.vector_load %arg32[%get3A_2034, %get3A_2035] {strides = array<i32>} : memref<32x16xf32, #tpu.memory_space<vmem>>, vector<16xf32>,
      %mul3A_2037 = arith.mulf %max3A_2032, %get3A_2036 : vector<16xf32>
      %add3A_2038 = arith.addf %add3A_2026, %mul3A_2037 : vector<16xf32>
      %broadcast_in_dim3A_2039 = arith.constant 57 : i32
      %broadcast_in_dim3A_2040 = vector.broadcast %broadcast_in_dim3A_2039 : i32 to vector<16xi32>
      %gather3A_2041 = tpu.vector_load_idx %arg27[%add3A_1736, %broadcast_in_dim3A_2040] : memref<32x128xf32, #tpu.memory_space<vmem>>[vector<16xi32>, vector<16xi32>], vector<16xf32>,
      %max3A_2042 = arith.constant 0.000000e+00 : f32
      %max3A_2043 = vector.broadcast %max3A_2042 : f32 to vector<16xf32>
      %max3A_2044 = arith.maximumf %gather3A_2041, %max3A_2043 : vector<16xf32>
      %get3A_2045 = arith.constant 25 : i32
      %get3A_2046 = arith.index_cast %get3A_2045 : i32 to index
      %get3A_2047 = arith.constant 0 : index
      %get3A_2048 = tpu.vector_load %arg32[%get3A_2046, %get3A_2047] {strides = array<i32>} : memref<32x16xf32, #tpu.memory_space<vmem>>, vector<16xf32>,
      %mul3A_2049 = arith.mulf %max3A_2044, %get3A_2048 : vector<16xf32>
      %add3A_2050 = arith.addf %add3A_2038, %mul3A_2049 : vector<16xf32>
      %broadcast_in_dim3A_2051 = arith.constant 58 : i32
      %broadcast_in_dim3A_2052 = vector.broadcast %broadcast_in_dim3A_2051 : i32 to vector<16xi32>
      %gather3A_2053 = tpu.vector_load_idx %arg27[%add3A_1736, %broadcast_in_dim3A_2052] : memref<32x128xf32, #tpu.memory_space<vmem>>[vector<16xi32>, vector<16xi32>], vector<16xf32>,
      %max3A_2054 = arith.constant 0.000000e+00 : f32
      %max3A_2055 = vector.broadcast %max3A_2054 : f32 to vector<16xf32>
      %max3A_2056 = arith.maximumf %gather3A_2053, %max3A_2055 : vector<16xf32>
      %get3A_2057 = arith.constant 26 : i32
      %get3A_2058 = arith.index_cast %get3A_2057 : i32 to index
      %get3A_2059 = arith.constant 0 : index
      %get3A_2060 = tpu.vector_load %arg32[%get3A_2058, %get3A_2059] {strides = array<i32>} : memref<32x16xf32, #tpu.memory_space<vmem>>, vector<16xf32>,
      %mul3A_2061 = arith.mulf %max3A_2056, %get3A_2060 : vector<16xf32>
      %add3A_2062 = arith.addf %add3A_2050, %mul3A_2061 : vector<16xf32>
      %broadcast_in_dim3A_2063 = arith.constant 59 : i32
      %broadcast_in_dim3A_2064 = vector.broadcast %broadcast_in_dim3A_2063 : i32 to vector<16xi32>
      %gather3A_2065 = tpu.vector_load_idx %arg27[%add3A_1736, %broadcast_in_dim3A_2064] : memref<32x128xf32, #tpu.memory_space<vmem>>[vector<16xi32>, vector<16xi32>], vector<16xf32>,
      %max3A_2066 = arith.constant 0.000000e+00 : f32
      %max3A_2067 = vector.broadcast %max3A_2066 : f32 to vector<16xf32>
      %max3A_2068 = arith.maximumf %gather3A_2065, %max3A_2067 : vector<16xf32>
      %get3A_2069 = arith.constant 27 : i32
      %get3A_2070 = arith.index_cast %get3A_2069 : i32 to index
      %get3A_2071 = arith.constant 0 : index
      %get3A_2072 = tpu.vector_load %arg32[%get3A_2070, %get3A_2071] {strides = array<i32>} : memref<32x16xf32, #tpu.memory_space<vmem>>, vector<16xf32>,
      %mul3A_2073 = arith.mulf %max3A_2068, %get3A_2072 : vector<16xf32>
      %add3A_2074 = arith.addf %add3A_2062, %mul3A_2073 : vector<16xf32>
      %broadcast_in_dim3A_2075 = arith.constant 60 : i32
      %broadcast_in_dim3A_2076 = vector.broadcast %broadcast_in_dim3A_2075 : i32 to vector<16xi32>
      %gather3A_2077 = tpu.vector_load_idx %arg27[%add3A_1736, %broadcast_in_dim3A_2076] : memref<32x128xf32, #tpu.memory_space<vmem>>[vector<16xi32>, vector<16xi32>], vector<16xf32>,
      %max3A_2078 = arith.constant 0.000000e+00 : f32
      %max3A_2079 = vector.broadcast %max3A_2078 : f32 to vector<16xf32>
      %max3A_2080 = arith.maximumf %gather3A_2077, %max3A_2079 : vector<16xf32>
      %get3A_2081 = arith.constant 28 : i32
      %get3A_2082 = arith.index_cast %get3A_2081 : i32 to index
      %get3A_2083 = arith.constant 0 : index
      %get3A_2084 = tpu.vector_load %arg32[%get3A_2082, %get3A_2083] {strides = array<i32>} : memref<32x16xf32, #tpu.memory_space<vmem>>, vector<16xf32>,
      %mul3A_2085 = arith.mulf %max3A_2080, %get3A_2084 : vector<16xf32>
      %add3A_2086 = arith.addf %add3A_2074, %mul3A_2085 : vector<16xf32>
      %broadcast_in_dim3A_2087 = arith.constant 61 : i32
      %broadcast_in_dim3A_2088 = vector.broadcast %broadcast_in_dim3A_2087 : i32 to vector<16xi32>
      %gather3A_2089 = tpu.vector_load_idx %arg27[%add3A_1736, %broadcast_in_dim3A_2088] : memref<32x128xf32, #tpu.memory_space<vmem>>[vector<16xi32>, vector<16xi32>], vector<16xf32>,
      %max3A_2090 = arith.constant 0.000000e+00 : f32
      %max3A_2091 = vector.broadcast %max3A_2090 : f32 to vector<16xf32>
      %max3A_2092 = arith.maximumf %gather3A_2089, %max3A_2091 : vector<16xf32>
      %get3A_2093 = arith.constant 29 : i32
      %get3A_2094 = arith.index_cast %get3A_2093 : i32 to index
      %get3A_2095 = arith.constant 0 : index
      %get3A_2096 = tpu.vector_load %arg32[%get3A_2094, %get3A_2095] {strides = array<i32>} : memref<32x16xf32, #tpu.memory_space<vmem>>, vector<16xf32>,
      %mul3A_2097 = arith.mulf %max3A_2092, %get3A_2096 : vector<16xf32>
      %add3A_2098 = arith.addf %add3A_2086, %mul3A_2097 : vector<16xf32>
      %broadcast_in_dim3A_2099 = arith.constant 62 : i32
      %broadcast_in_dim3A_2100 = vector.broadcast %broadcast_in_dim3A_2099 : i32 to vector<16xi32>
      %gather3A_2101 = tpu.vector_load_idx %arg27[%add3A_1736, %broadcast_in_dim3A_2100] : memref<32x128xf32, #tpu.memory_space<vmem>>[vector<16xi32>, vector<16xi32>], vector<16xf32>,
      %max3A_2102 = arith.constant 0.000000e+00 : f32
      %max3A_2103 = vector.broadcast %max3A_2102 : f32 to vector<16xf32>
      %max3A_2104 = arith.maximumf %gather3A_2101, %max3A_2103 : vector<16xf32>
      %get3A_2105 = arith.constant 30 : i32
      %get3A_2106 = arith.index_cast %get3A_2105 : i32 to index
      %get3A_2107 = arith.constant 0 : index
      %get3A_2108 = tpu.vector_load %arg32[%get3A_2106, %get3A_2107] {strides = array<i32>} : memref<32x16xf32, #tpu.memory_space<vmem>>, vector<16xf32>,
      %mul3A_2109 = arith.mulf %max3A_2104, %get3A_2108 : vector<16xf32>
      %add3A_2110 = arith.addf %add3A_2098, %mul3A_2109 : vector<16xf32>
      %broadcast_in_dim3A_2111 = arith.constant 63 : i32
      %broadcast_in_dim3A_2112 = vector.broadcast %broadcast_in_dim3A_2111 : i32 to vector<16xi32>
      %gather3A_2113 = tpu.vector_load_idx %arg27[%add3A_1736, %broadcast_in_dim3A_2112] : memref<32x128xf32, #tpu.memory_space<vmem>>[vector<16xi32>, vector<16xi32>], vector<16xf32>,
      %max3A_2114 = arith.constant 0.000000e+00 : f32
      %max3A_2115 = vector.broadcast %max3A_2114 : f32 to vector<16xf32>
      %max3A_2116 = arith.maximumf %gather3A_2113, %max3A_2115 : vector<16xf32>
      %get3A_2117 = arith.constant 31 : i32
      %get3A_2118 = arith.index_cast %get3A_2117 : i32 to index
      %get3A_2119 = arith.constant 0 : index
      %get3A_2120 = tpu.vector_load %arg32[%get3A_2118, %get3A_2119] {strides = array<i32>} : memref<32x16xf32, #tpu.memory_space<vmem>>, vector<16xf32>,
      %mul3A_2121 = arith.mulf %max3A_2116, %get3A_2120 : vector<16xf32>
      %add3A_2122 = arith.addf %add3A_2110, %mul3A_2121 : vector<16xf32>
      %add3A_2123 = arith.addf %add3A_2122, %get3A_89 : vector<16xf32>
      %neg3A_2124 = arith.constant 0.000000e+00 : f32
      %neg3A_2125 = vector.broadcast %neg3A_2124 : f32 to vector<16xf32>
      %neg3A_2126 = arith.subf %neg3A_2125, %add3A_2123 : vector<16xf32>
      %exp3A_2127 = math.exp %neg3A_2126 : vector<16xf32>
      %add3A_2128 = arith.constant 1.000000e+00 : f32
      %add3A_2129 = vector.broadcast %add3A_2128 : f32 to vector<16xf32>
      %add3A_2130 = arith.addf %add3A_2129, %exp3A_2127 : vector<16xf32>
      %div3A_2131 = arith.constant 1.000000e+00 : f32
      %div3A_2132 = vector.broadcast %div3A_2131 : f32 to vector<16xf32>
      %div3A_2133 = arith.divf %div3A_2132, %add3A_2130 : vector<16xf32>
      tpu.vector_store_idx %arg30[%add3A_1736], %div3A_2133 : memref<32xf32, #tpu.memory_space<vmem>>[vector<16xi32>], vector<16xf32>,
      %parallel_loop3A_2134 = arith.constant 0 : i32
      %parallel_loop3A_2135 = arith.constant 32 : i32
      %parallel_loop3A_2136 = arith.constant 1 : i32
      scf.for %parallel_loop3A_2137 = %parallel_loop3A_2134 to %parallel_loop3A_2135 step %parallel_loop3A_2136  : i32 {
        %parallel_loop3A_2138 = arith.constant 0 : i32
        %parallel_loop3A_2139 = vector.broadcast %parallel_loop3A_2138 : i32 to vector<16xi32>
        %parallel_loop3A_2140 = vector.broadcast %parallel_loop3A_2137 : i32 to vector<16xi32>
        %parallel_loop3A_2141 = arith.addi %parallel_loop3A_2139, %parallel_loop3A_2140 : vector<16xi32>
        %parallel_loop3A_2142 = tpu.vector_load_idx %arg30[%parallel_loop3A_2141] : memref<32xf32, #tpu.memory_space<vmem>>[vector<16xi32>], vector<16xf32>,
        %parallel_loop3A_2143 = arith.index_cast %parallel_loop3A_2137 : i32 to index
        %parallel_loop3A_2144 = arith.constant 0 : index
        %parallel_loop3A_2145 = tpu.vector_load %arg23[%parallel_loop3A_2143, %parallel_loop3A_2144] {strides = array<i32>} : memref<32x128xf32, #tpu.memory_space<vmem>>, vector<16xf32>,
        %parallel_loop3A_2146 = arith.index_cast %parallel_loop3A_2137 : i32 to index
        %parallel_loop3A_2147 = arith.constant 0 : index
        %parallel_loop3A_2148 = tpu.vector_load %arg25[%parallel_loop3A_2146, %parallel_loop3A_2147] {strides = array<i32>} : memref<32x128xf32, #tpu.memory_space<vmem>>, vector<16xf32>,
        %parallel_loop3A_2149 = arith.addf %parallel_loop3A_2145, %parallel_loop3A_2148 : vector<16xf32>
        %parallel_loop3A_2150 = arith.mulf %parallel_loop3A_2142, %parallel_loop3A_2149 : vector<16xf32>
        %parallel_loop3A_2151 = arith.index_cast %parallel_loop3A_2137 : i32 to index
        %parallel_loop3A_2152 = arith.constant 0 : index
        %parallel_loop3A_2153 = tpu.vector_load %arg25[%parallel_loop3A_2151, %parallel_loop3A_2152] {strides = array<i32>} : memref<32x128xf32, #tpu.memory_space<vmem>>, vector<16xf32>,
        tpu.vector_store %arg25[%parallel_loop3A_2151, %parallel_loop3A_2152], %parallel_loop3A_2150 {strides = array<i32>} : memref<32x128xf32, #tpu.memory_space<vmem>>, vector<16xf32>,
        %parallel_loop3A_2154 = arith.index_cast %parallel_loop3A_2137 : i32 to index
        %parallel_loop3A_2155 = arith.constant 16 : index
        %parallel_loop3A_2156 = tpu.vector_load %arg23[%parallel_loop3A_2154, %parallel_loop3A_2155] {strides = array<i32>} : memref<32x128xf32, #tpu.memory_space<vmem>>, vector<16xf32>,
        %parallel_loop3A_2157 = arith.index_cast %parallel_loop3A_2137 : i32 to index
        %parallel_loop3A_2158 = arith.constant 16 : index
        %parallel_loop3A_2159 = tpu.vector_load %arg25[%parallel_loop3A_2157, %parallel_loop3A_2158] {strides = array<i32>} : memref<32x128xf32, #tpu.memory_space<vmem>>, vector<16xf32>,
        %parallel_loop3A_2160 = arith.addf %parallel_loop3A_2156, %parallel_loop3A_2159 : vector<16xf32>
        %parallel_loop3A_2161 = arith.mulf %parallel_loop3A_2142, %parallel_loop3A_2160 : vector<16xf32>
        %parallel_loop3A_2162 = arith.index_cast %parallel_loop3A_2137 : i32 to index
        %parallel_loop3A_2163 = arith.constant 16 : index
        %parallel_loop3A_2164 = tpu.vector_load %arg25[%parallel_loop3A_2162, %parallel_loop3A_2163] {strides = array<i32>} : memref<32x128xf32, #tpu.memory_space<vmem>>, vector<16xf32>,
        tpu.vector_store %arg25[%parallel_loop3A_2162, %parallel_loop3A_2163], %parallel_loop3A_2161 {strides = array<i32>} : memref<32x128xf32, #tpu.memory_space<vmem>>, vector<16xf32>,
        %parallel_loop3A_2165 = arith.index_cast %parallel_loop3A_2137 : i32 to index
        %parallel_loop3A_2166 = arith.constant 32 : index
        %parallel_loop3A_2167 = tpu.vector_load %arg23[%parallel_loop3A_2165, %parallel_loop3A_2166] {strides = array<i32>} : memref<32x128xf32, #tpu.memory_space<vmem>>, vector<16xf32>,
        %parallel_loop3A_2168 = arith.index_cast %parallel_loop3A_2137 : i32 to index
        %parallel_loop3A_2169 = arith.constant 32 : index
        %parallel_loop3A_2170 = tpu.vector_load %arg25[%parallel_loop3A_2168, %parallel_loop3A_2169] {strides = array<i32>} : memref<32x128xf32, #tpu.memory_space<vmem>>, vector<16xf32>,
        %parallel_loop3A_2171 = arith.addf %parallel_loop3A_2167, %parallel_loop3A_2170 : vector<16xf32>
        %parallel_loop3A_2172 = arith.mulf %parallel_loop3A_2142, %parallel_loop3A_2171 : vector<16xf32>
        %parallel_loop3A_2173 = arith.index_cast %parallel_loop3A_2137 : i32 to index
        %parallel_loop3A_2174 = arith.constant 32 : index
        %parallel_loop3A_2175 = tpu.vector_load %arg25[%parallel_loop3A_2173, %parallel_loop3A_2174] {strides = array<i32>} : memref<32x128xf32, #tpu.memory_space<vmem>>, vector<16xf32>,
        tpu.vector_store %arg25[%parallel_loop3A_2173, %parallel_loop3A_2174], %parallel_loop3A_2172 {strides = array<i32>} : memref<32x128xf32, #tpu.memory_space<vmem>>, vector<16xf32>,
        %parallel_loop3A_2176 = arith.index_cast %parallel_loop3A_2137 : i32 to index
        %parallel_loop3A_2177 = arith.constant 48 : index
        %parallel_loop3A_2178 = tpu.vector_load %arg23[%parallel_loop3A_2176, %parallel_loop3A_2177] {strides = array<i32>} : memref<32x128xf32, #tpu.memory_space<vmem>>, vector<16xf32>,
        %parallel_loop3A_2179 = arith.index_cast %parallel_loop3A_2137 : i32 to index
        %parallel_loop3A_2180 = arith.constant 48 : index
        %parallel_loop3A_2181 = tpu.vector_load %arg25[%parallel_loop3A_2179, %parallel_loop3A_2180] {strides = array<i32>} : memref<32x128xf32, #tpu.memory_space<vmem>>, vector<16xf32>,
        %parallel_loop3A_2182 = arith.addf %parallel_loop3A_2178, %parallel_loop3A_2181 : vector<16xf32>
        %parallel_loop3A_2183 = arith.mulf %parallel_loop3A_2142, %parallel_loop3A_2182 : vector<16xf32>
        %parallel_loop3A_2184 = arith.index_cast %parallel_loop3A_2137 : i32 to index
        %parallel_loop3A_2185 = arith.constant 48 : index
        %parallel_loop3A_2186 = tpu.vector_load %arg25[%parallel_loop3A_2184, %parallel_loop3A_2185] {strides = array<i32>} : memref<32x128xf32, #tpu.memory_space<vmem>>, vector<16xf32>,
        tpu.vector_store %arg25[%parallel_loop3A_2184, %parallel_loop3A_2185], %parallel_loop3A_2183 {strides = array<i32>} : memref<32x128xf32, #tpu.memory_space<vmem>>, vector<16xf32>,
        %parallel_loop3A_2187 = arith.index_cast %parallel_loop3A_2137 : i32 to index
        %parallel_loop3A_2188 = arith.constant 64 : index
        %parallel_loop3A_2189 = tpu.vector_load %arg23[%parallel_loop3A_2187, %parallel_loop3A_2188] {strides = array<i32>} : memref<32x128xf32, #tpu.memory_space<vmem>>, vector<16xf32>,
        %parallel_loop3A_2190 = arith.index_cast %parallel_loop3A_2137 : i32 to index
        %parallel_loop3A_2191 = arith.constant 64 : index
        %parallel_loop3A_2192 = tpu.vector_load %arg25[%parallel_loop3A_2190, %parallel_loop3A_2191] {strides = array<i32>} : memref<32x128xf32, #tpu.memory_space<vmem>>, vector<16xf32>,
        %parallel_loop3A_2193 = arith.addf %parallel_loop3A_2189, %parallel_loop3A_2192 : vector<16xf32>
        %parallel_loop3A_2194 = arith.mulf %parallel_loop3A_2142, %parallel_loop3A_2193 : vector<16xf32>
        %parallel_loop3A_2195 = arith.index_cast %parallel_loop3A_2137 : i32 to index
        %parallel_loop3A_2196 = arith.constant 64 : index
        %parallel_loop3A_2197 = tpu.vector_load %arg25[%parallel_loop3A_2195, %parallel_loop3A_2196] {strides = array<i32>} : memref<32x128xf32, #tpu.memory_space<vmem>>, vector<16xf32>,
        tpu.vector_store %arg25[%parallel_loop3A_2195, %parallel_loop3A_2196], %parallel_loop3A_2194 {strides = array<i32>} : memref<32x128xf32, #tpu.memory_space<vmem>>, vector<16xf32>,
        %parallel_loop3A_2198 = arith.index_cast %parallel_loop3A_2137 : i32 to index
        %parallel_loop3A_2199 = arith.constant 80 : index
        %parallel_loop3A_2200 = tpu.vector_load %arg23[%parallel_loop3A_2198, %parallel_loop3A_2199] {strides = array<i32>} : memref<32x128xf32, #tpu.memory_space<vmem>>, vector<16xf32>,
        %parallel_loop3A_2201 = arith.index_cast %parallel_loop3A_2137 : i32 to index
        %parallel_loop3A_2202 = arith.constant 80 : index
        %parallel_loop3A_2203 = tpu.vector_load %arg25[%parallel_loop3A_2201, %parallel_loop3A_2202] {strides = array<i32>} : memref<32x128xf32, #tpu.memory_space<vmem>>, vector<16xf32>,
        %parallel_loop3A_2204 = arith.addf %parallel_loop3A_2200, %parallel_loop3A_2203 : vector<16xf32>
        %parallel_loop3A_2205 = arith.mulf %parallel_loop3A_2142, %parallel_loop3A_2204 : vector<16xf32>
        %parallel_loop3A_2206 = arith.index_cast %parallel_loop3A_2137 : i32 to index
        %parallel_loop3A_2207 = arith.constant 80 : index
        %parallel_loop3A_2208 = tpu.vector_load %arg25[%parallel_loop3A_2206, %parallel_loop3A_2207] {strides = array<i32>} : memref<32x128xf32, #tpu.memory_space<vmem>>, vector<16xf32>,
        tpu.vector_store %arg25[%parallel_loop3A_2206, %parallel_loop3A_2207], %parallel_loop3A_2205 {strides = array<i32>} : memref<32x128xf32, #tpu.memory_space<vmem>>, vector<16xf32>,
        %parallel_loop3A_2209 = arith.index_cast %parallel_loop3A_2137 : i32 to index
        %parallel_loop3A_2210 = arith.constant 96 : index
        %parallel_loop3A_2211 = tpu.vector_load %arg23[%parallel_loop3A_2209, %parallel_loop3A_2210] {strides = array<i32>} : memref<32x128xf32, #tpu.memory_space<vmem>>, vector<16xf32>,
        %parallel_loop3A_2212 = arith.index_cast %parallel_loop3A_2137 : i32 to index
        %parallel_loop3A_2213 = arith.constant 96 : index
        %parallel_loop3A_2214 = tpu.vector_load %arg25[%parallel_loop3A_2212, %parallel_loop3A_2213] {strides = array<i32>} : memref<32x128xf32, #tpu.memory_space<vmem>>, vector<16xf32>,
        %parallel_loop3A_2215 = arith.addf %parallel_loop3A_2211, %parallel_loop3A_2214 : vector<16xf32>
        %parallel_loop3A_2216 = arith.mulf %parallel_loop3A_2142, %parallel_loop3A_2215 : vector<16xf32>
        %parallel_loop3A_2217 = arith.index_cast %parallel_loop3A_2137 : i32 to index
        %parallel_loop3A_2218 = arith.constant 96 : index
        %parallel_loop3A_2219 = tpu.vector_load %arg25[%parallel_loop3A_2217, %parallel_loop3A_2218] {strides = array<i32>} : memref<32x128xf32, #tpu.memory_space<vmem>>, vector<16xf32>,
        tpu.vector_store %arg25[%parallel_loop3A_2217, %parallel_loop3A_2218], %parallel_loop3A_2216 {strides = array<i32>} : memref<32x128xf32, #tpu.memory_space<vmem>>, vector<16xf32>,
        %parallel_loop3A_2220 = arith.index_cast %parallel_loop3A_2137 : i32 to index
        %parallel_loop3A_2221 = arith.constant 112 : index
        %parallel_loop3A_2222 = tpu.vector_load %arg23[%parallel_loop3A_2220, %parallel_loop3A_2221] {strides = array<i32>} : memref<32x128xf32, #tpu.memory_space<vmem>>, vector<16xf32>,
        %parallel_loop3A_2223 = arith.index_cast %parallel_loop3A_2137 : i32 to index
        %parallel_loop3A_2224 = arith.constant 112 : index
        %parallel_loop3A_2225 = tpu.vector_load %arg25[%parallel_loop3A_2223, %parallel_loop3A_2224] {strides = array<i32>} : memref<32x128xf32, #tpu.memory_space<vmem>>, vector<16xf32>,
        %parallel_loop3A_2226 = arith.addf %parallel_loop3A_2222, %parallel_loop3A_2225 : vector<16xf32>
        %parallel_loop3A_2227 = arith.mulf %parallel_loop3A_2142, %parallel_loop3A_2226 : vector<16xf32>
        %parallel_loop3A_2228 = arith.index_cast %parallel_loop3A_2137 : i32 to index
        %parallel_loop3A_2229 = arith.constant 112 : index
        %parallel_loop3A_2230 = tpu.vector_load %arg25[%parallel_loop3A_2228, %parallel_loop3A_2229] {strides = array<i32>} : memref<32x128xf32, #tpu.memory_space<vmem>>, vector<16xf32>,
        tpu.vector_store %arg25[%parallel_loop3A_2228, %parallel_loop3A_2229], %parallel_loop3A_2227 {strides = array<i32>} : memref<32x128xf32, #tpu.memory_space<vmem>>, vector<16xf32>,
      } {sc.loop_unroll_factor = 4 : i64, sc.parallel_access}
      "tpu.region"() ({
        %run_scoped3A = tpu.sem_alloc : memref<!tpu.dma_semaphore, #tpu.memory_space<semaphore_mem>>
        %dma_start3A_2137 = arith.constant 0 : i32
        %dma_start3A_2138 = arith.constant 0 : i32
        %dma_start3A_2139 = tpu.memref_slice %arg35[%dma_start3A_2137, %dma_start3A_2138] : memref<10112x128xf32, #tpu.memory_space<vmem_shared>> -> memref<10112x128xf32, #tpu.memory_space<vmem_shared>>
        tpu.enqueue_indirect_dma source(%arg25 : memref<32x128xf32, #tpu.memory_space<vmem>>) target(%dma_start3A_2139 : memref<10112x128xf32, #tpu.memory_space<vmem_shared>>) offsets(%arg19 : memref<32xi32, #tpu.memory_space<vmem>>) semaphore(%run_scoped3A : memref<!tpu.dma_semaphore, #tpu.memory_space<semaphore_mem>>) {add = true}
        %dma_wait3A_2140 = arith.constant 0 : i32
        %dma_wait3A_2141 = arith.constant 0 : i32
        %dma_wait3A_2142 = tpu.memref_slice %arg35[%dma_wait3A_2140, %dma_wait3A_2141] : memref<10112x128xf32, #tpu.memory_space<vmem_shared>> -> memref<10112x128xf32, #tpu.memory_space<vmem_shared>>
        tpu.wait_indirect_dma semaphore(%run_scoped3A : memref<!tpu.dma_semaphore, #tpu.memory_space<semaphore_mem>>) src(%arg25 : memref<32x128xf32, #tpu.memory_space<vmem>>) dst(%dma_wait3A_2142 : memref<10112x128xf32, #tpu.memory_space<vmem_shared>>)
        tpu.yield
      }) : () -> ()
    }
    %scan3A_182 = arith.constant 157 : i32
    %add3A_183 = arith.constant 10080 : i32
    %add3A_184 = arith.addi %add3A_183, %add3A : i32
    %mul3A_185 = arith.constant 32 : i32
    %mul3A_186 = arith.muli %add3A_184, %mul3A_185 : i32
    %dma_wait3A = arith.constant 0 : i32
    %dma_wait3A_187 = tpu.memref_slice %arg2[%mul3A_186, %dma_wait3A] : memref<323584x8xi32, #tpu.memory_space<hbm>> -> memref<32x8xi32, #tpu.memory_space<hbm>>
    %dma_wait3A_188 = arith.constant 0 : i32
    %dma_wait3A_189 = tpu.memref_slice %arg2[%mul3A_186, %dma_wait3A_188] : memref<323584x8xi32, #tpu.memory_space<hbm>> -> memref<32x8xi32, #tpu.memory_space<hbm>>
    tpu.wait_dma2 semaphore(%arg37 : memref<!tpu.dma_semaphore, #tpu.memory_space<semaphore_mem>>) src(%dma_wait3A_189 : memref<32x8xi32, #tpu.memory_space<hbm>>) dst(%arg13 : memref<32x8xi32, #tpu.memory_space<vmem>>)
    %dma_wait3A_190 = arith.constant 0 : i32
    %dma_wait3A_191 = arith.constant 0 : i32
    %dma_wait3A_192 = tpu.memref_slice %arg3[%dma_wait3A_190, %dma_wait3A_191] : memref<10000x128xf32, #tpu.memory_space<hbm>> -> memref<10000x128xf32, #tpu.memory_space<hbm>>
    tpu.wait_indirect_dma semaphore(%arg36 : memref<!tpu.dma_semaphore, #tpu.memory_space<semaphore_mem>>) src(%dma_wait3A_192 : memref<10000x128xf32, #tpu.memory_space<hbm>>) dst(%arg22 : memref<32x128xf32, #tpu.memory_space<vmem>>)
    %dma_wait3A_193 = arith.constant 0 : i32
    %dma_wait3A_194 = arith.constant 0 : i32
    %dma_wait3A_195 = tpu.memref_slice %arg4[%dma_wait3A_193, %dma_wait3A_194] : memref<10005x128xf32, #tpu.memory_space<hbm>> -> memref<10005x128xf32, #tpu.memory_space<hbm>>
    tpu.wait_indirect_dma semaphore(%arg36 : memref<!tpu.dma_semaphore, #tpu.memory_space<semaphore_mem>>) src(%dma_wait3A_195 : memref<10005x128xf32, #tpu.memory_space<hbm>>) dst(%arg24 : memref<32x128xf32, #tpu.memory_space<vmem>>)
    %dma_wait3A_196 = arith.constant 0 : i32
    %dma_wait3A_197 = arith.constant 0 : i32
    %dma_wait3A_198 = tpu.memref_slice %arg5[%dma_wait3A_196, %dma_wait3A_197] : memref<10000x128xf32, #tpu.memory_space<hbm>> -> memref<10000x128xf32, #tpu.memory_space<hbm>>
    tpu.wait_indirect_dma semaphore(%arg36 : memref<!tpu.dma_semaphore, #tpu.memory_space<semaphore_mem>>) src(%dma_wait3A_198 : memref<10000x128xf32, #tpu.memory_space<hbm>>) dst(%arg26 : memref<32x128xf32, #tpu.memory_space<vmem>>)
    %dma_wait3A_199 = arith.constant 0 : i32
    %dma_wait3A_200 = arith.constant 0 : i32
    %dma_wait3A_201 = tpu.memref_slice %arg6[%dma_wait3A_199, %dma_wait3A_200] : memref<10000x128xf32, #tpu.memory_space<hbm>> -> memref<10000x128xf32, #tpu.memory_space<hbm>>
    tpu.wait_indirect_dma semaphore(%arg36 : memref<!tpu.dma_semaphore, #tpu.memory_space<semaphore_mem>>) src(%dma_wait3A_201 : memref<10000x128xf32, #tpu.memory_space<hbm>>) dst(%arg28 : memref<32x128xf32, #tpu.memory_space<vmem>>)
    %barrier3A_202 = arith.constant 0 : index
    tpu.barrier barrier_id(%barrier3A_202)
    %mul3A_203 = arith.constant 632 : i32
    %mul3A_204 = arith.muli %arg1, %mul3A_203 : i32
    %add3A_205 = arith.constant 0 : i32
    %add3A_206 = arith.addi %mul3A_204, %add3A_205 : i32
    "tpu.region"() ({
      %run_scoped3A = tpu.sem_alloc : memref<!tpu.dma_semaphore, #tpu.memory_space<semaphore_mem>>
      %dma_start3A_285 = arith.constant 0 : i32
      %dma_start3A_286 = tpu.memref_slice %arg11[%arg0, %add3A_206, %dma_start3A_285] : memref<2x10112x128xf32, #tpu.memory_space<hbm>> -> memref<1x32x128xf32, #tpu.memory_space<hbm>>
      %dma_start3A_287 = tpu.memref_squeeze %dma_start3A_286 : memref<1x32x128xf32, #tpu.memory_space<hbm>> -> memref<32x128xf32, #tpu.memory_space<hbm>>
      %dma_start3A_288 = arith.constant 0 : i32
      %dma_start3A_289 = tpu.memref_slice %arg35[%add3A_206, %dma_start3A_288] : memref<10112x128xf32, #tpu.memory_space<vmem_shared>> -> memref<32x128xf32, #tpu.memory_space<vmem_shared>>
      tpu.enqueue_dma source(%dma_start3A_289 : memref<32x128xf32, #tpu.memory_space<vmem_shared>>) target(%dma_start3A_287 : memref<32x128xf32, #tpu.memory_space<hbm>>) target_semaphore(%run_scoped3A : memref<!tpu.dma_semaphore, #tpu.memory_space<semaphore_mem>>)
      %dma_wait3A_290 = arith.constant 0 : i32
      %dma_wait3A_291 = tpu.memref_slice %arg11[%arg0, %add3A_206, %dma_wait3A_290] : memref<2x10112x128xf32, #tpu.memory_space<hbm>> -> memref<1x32x128xf32, #tpu.memory_space<hbm>>
      %dma_wait3A_292 = tpu.memref_squeeze %dma_wait3A_291 : memref<1x32x128xf32, #tpu.memory_space<hbm>> -> memref<32x128xf32, #tpu.memory_space<hbm>>
      %dma_wait3A_293 = arith.constant 0 : i32
      %dma_wait3A_294 = tpu.memref_slice %arg35[%add3A_206, %dma_wait3A_293] : memref<10112x128xf32, #tpu.memory_space<vmem_shared>> -> memref<32x128xf32, #tpu.memory_space<vmem_shared>>
      tpu.wait_dma2 semaphore(%run_scoped3A : memref<!tpu.dma_semaphore, #tpu.memory_space<semaphore_mem>>) src(%dma_wait3A_294 : memref<32x128xf32, #tpu.memory_space<vmem_shared>>) dst(%dma_wait3A_292 : memref<32x128xf32, #tpu.memory_space<hbm>>)
      tpu.yield
    }) : () -> ()
    %mul3A_207 = arith.constant 632 : i32
    %mul3A_208 = arith.muli %arg1, %mul3A_207 : i32
    %add3A_209 = arith.constant 32 : i32
    %add3A_210 = arith.addi %mul3A_208, %add3A_209 : i32
    "tpu.region"() ({
      %run_scoped3A = tpu.sem_alloc : memref<!tpu.dma_semaphore, #tpu.memory_space<semaphore_mem>>
      %dma_start3A_285 = arith.constant 0 : i32
      %dma_start3A_286 = tpu.memref_slice %arg11[%arg0, %add3A_210, %dma_start3A_285] : memref<2x10112x128xf32, #tpu.memory_space<hbm>> -> memref<1x32x128xf32, #tpu.memory_space<hbm>>
      %dma_start3A_287 = tpu.memref_squeeze %dma_start3A_286 : memref<1x32x128xf32, #tpu.memory_space<hbm>> -> memref<32x128xf32, #tpu.memory_space<hbm>>
      %dma_start3A_288 = arith.constant 0 : i32
      %dma_start3A_289 = tpu.memref_slice %arg35[%add3A_210, %dma_start3A_288] : memref<10112x128xf32, #tpu.memory_space<vmem_shared>> -> memref<32x128xf32, #tpu.memory_space<vmem_shared>>
      tpu.enqueue_dma source(%dma_start3A_289 : memref<32x128xf32, #tpu.memory_space<vmem_shared>>) target(%dma_start3A_287 : memref<32x128xf32, #tpu.memory_space<hbm>>) target_semaphore(%run_scoped3A : memref<!tpu.dma_semaphore, #tpu.memory_space<semaphore_mem>>)
      %dma_wait3A_290 = arith.constant 0 : i32
      %dma_wait3A_291 = tpu.memref_slice %arg11[%arg0, %add3A_210, %dma_wait3A_290] : memref<2x10112x128xf32, #tpu.memory_space<hbm>> -> memref<1x32x128xf32, #tpu.memory_space<hbm>>
      %dma_wait3A_292 = tpu.memref_squeeze %dma_wait3A_291 : memref<1x32x128xf32, #tpu.memory_space<hbm>> -> memref<32x128xf32, #tpu.memory_space<hbm>>
      %dma_wait3A_293 = arith.constant 0 : i32
      %dma_wait3A_294 = tpu.memref_slice %arg35[%add3A_210, %dma_wait3A_293] : memref<10112x128xf32, #tpu.memory_space<vmem_shared>> -> memref<32x128xf32, #tpu.memory_space<vmem_shared>>
      tpu.wait_dma2 semaphore(%run_scoped3A : memref<!tpu.dma_semaphore, #tpu.memory_space<semaphore_mem>>) src(%dma_wait3A_294 : memref<32x128xf32, #tpu.memory_space<vmem_shared>>) dst(%dma_wait3A_292 : memref<32x128xf32, #tpu.memory_space<hbm>>)
      tpu.yield
    }) : () -> ()
    %mul3A_211 = arith.constant 632 : i32
    %mul3A_212 = arith.muli %arg1, %mul3A_211 : i32
    %add3A_213 = arith.constant 64 : i32
    %add3A_214 = arith.addi %mul3A_212, %add3A_213 : i32
    "tpu.region"() ({
      %run_scoped3A = tpu.sem_alloc : memref<!tpu.dma_semaphore, #tpu.memory_space<semaphore_mem>>
      %dma_start3A_285 = arith.constant 0 : i32
      %dma_start3A_286 = tpu.memref_slice %arg11[%arg0, %add3A_214, %dma_start3A_285] : memref<2x10112x128xf32, #tpu.memory_space<hbm>> -> memref<1x32x128xf32, #tpu.memory_space<hbm>>
      %dma_start3A_287 = tpu.memref_squeeze %dma_start3A_286 : memref<1x32x128xf32, #tpu.memory_space<hbm>> -> memref<32x128xf32, #tpu.memory_space<hbm>>
      %dma_start3A_288 = arith.constant 0 : i32
      %dma_start3A_289 = tpu.memref_slice %arg35[%add3A_214, %dma_start3A_288] : memref<10112x128xf32, #tpu.memory_space<vmem_shared>> -> memref<32x128xf32, #tpu.memory_space<vmem_shared>>
      tpu.enqueue_dma source(%dma_start3A_289 : memref<32x128xf32, #tpu.memory_space<vmem_shared>>) target(%dma_start3A_287 : memref<32x128xf32, #tpu.memory_space<hbm>>) target_semaphore(%run_scoped3A : memref<!tpu.dma_semaphore, #tpu.memory_space<semaphore_mem>>)
      %dma_wait3A_290 = arith.constant 0 : i32
      %dma_wait3A_291 = tpu.memref_slice %arg11[%arg0, %add3A_214, %dma_wait3A_290] : memref<2x10112x128xf32, #tpu.memory_space<hbm>> -> memref<1x32x128xf32, #tpu.memory_space<hbm>>
      %dma_wait3A_292 = tpu.memref_squeeze %dma_wait3A_291 : memref<1x32x128xf32, #tpu.memory_space<hbm>> -> memref<32x128xf32, #tpu.memory_space<hbm>>
      %dma_wait3A_293 = arith.constant 0 : i32
      %dma_wait3A_294 = tpu.memref_slice %arg35[%add3A_214, %dma_wait3A_293] : memref<10112x128xf32, #tpu.memory_space<vmem_shared>> -> memref<32x128xf32, #tpu.memory_space<vmem_shared>>
      tpu.wait_dma2 semaphore(%run_scoped3A : memref<!tpu.dma_semaphore, #tpu.memory_space<semaphore_mem>>) src(%dma_wait3A_294 : memref<32x128xf32, #tpu.memory_space<vmem_shared>>) dst(%dma_wait3A_292 : memref<32x128xf32, #tpu.memory_space<hbm>>)
      tpu.yield
    }) : () -> ()
    %mul3A_215 = arith.constant 632 : i32
    %mul3A_216 = arith.muli %arg1, %mul3A_215 : i32
    %add3A_217 = arith.constant 96 : i32
    %add3A_218 = arith.addi %mul3A_216, %add3A_217 : i32
    "tpu.region"() ({
      %run_scoped3A = tpu.sem_alloc : memref<!tpu.dma_semaphore, #tpu.memory_space<semaphore_mem>>
      %dma_start3A_285 = arith.constant 0 : i32
      %dma_start3A_286 = tpu.memref_slice %arg11[%arg0, %add3A_218, %dma_start3A_285] : memref<2x10112x128xf32, #tpu.memory_space<hbm>> -> memref<1x32x128xf32, #tpu.memory_space<hbm>>
      %dma_start3A_287 = tpu.memref_squeeze %dma_start3A_286 : memref<1x32x128xf32, #tpu.memory_space<hbm>> -> memref<32x128xf32, #tpu.memory_space<hbm>>
      %dma_start3A_288 = arith.constant 0 : i32
      %dma_start3A_289 = tpu.memref_slice %arg35[%add3A_218, %dma_start3A_288] : memref<10112x128xf32, #tpu.memory_space<vmem_shared>> -> memref<32x128xf32, #tpu.memory_space<vmem_shared>>
      tpu.enqueue_dma source(%dma_start3A_289 : memref<32x128xf32, #tpu.memory_space<vmem_shared>>) target(%dma_start3A_287 : memref<32x128xf32, #tpu.memory_space<hbm>>) target_semaphore(%run_scoped3A : memref<!tpu.dma_semaphore, #tpu.memory_space<semaphore_mem>>)
      %dma_wait3A_290 = arith.constant 0 : i32
      %dma_wait3A_291 = tpu.memref_slice %arg11[%arg0, %add3A_218, %dma_wait3A_290] : memref<2x10112x128xf32, #tpu.memory_space<hbm>> -> memref<1x32x128xf32, #tpu.memory_space<hbm>>
      %dma_wait3A_292 = tpu.memref_squeeze %dma_wait3A_291 : memref<1x32x128xf32, #tpu.memory_space<hbm>> -> memref<32x128xf32, #tpu.memory_space<hbm>>
      %dma_wait3A_293 = arith.constant 0 : i32
      %dma_wait3A_294 = tpu.memref_slice %arg35[%add3A_218, %dma_wait3A_293] : memref<10112x128xf32, #tpu.memory_space<vmem_shared>> -> memref<32x128xf32, #tpu.memory_space<vmem_shared>>
      tpu.wait_dma2 semaphore(%run_scoped3A : memref<!tpu.dma_semaphore, #tpu.memory_space<semaphore_mem>>) src(%dma_wait3A_294 : memref<32x128xf32, #tpu.memory_space<vmem_shared>>) dst(%dma_wait3A_292 : memref<32x128xf32, #tpu.memory_space<hbm>>)
      tpu.yield
    }) : () -> ()
    %mul3A_219 = arith.constant 632 : i32
    %mul3A_220 = arith.muli %arg1, %mul3A_219 : i32
    %add3A_221 = arith.constant 128 : i32
    %add3A_222 = arith.addi %mul3A_220, %add3A_221 : i32
    "tpu.region"() ({
      %run_scoped3A = tpu.sem_alloc : memref<!tpu.dma_semaphore, #tpu.memory_space<semaphore_mem>>
      %dma_start3A_285 = arith.constant 0 : i32
      %dma_start3A_286 = tpu.memref_slice %arg11[%arg0, %add3A_222, %dma_start3A_285] : memref<2x10112x128xf32, #tpu.memory_space<hbm>> -> memref<1x32x128xf32, #tpu.memory_space<hbm>>
      %dma_start3A_287 = tpu.memref_squeeze %dma_start3A_286 : memref<1x32x128xf32, #tpu.memory_space<hbm>> -> memref<32x128xf32, #tpu.memory_space<hbm>>
      %dma_start3A_288 = arith.constant 0 : i32
      %dma_start3A_289 = tpu.memref_slice %arg35[%add3A_222, %dma_start3A_288] : memref<10112x128xf32, #tpu.memory_space<vmem_shared>> -> memref<32x128xf32, #tpu.memory_space<vmem_shared>>
      tpu.enqueue_dma source(%dma_start3A_289 : memref<32x128xf32, #tpu.memory_space<vmem_shared>>) target(%dma_start3A_287 : memref<32x128xf32, #tpu.memory_space<hbm>>) target_semaphore(%run_scoped3A : memref<!tpu.dma_semaphore, #tpu.memory_space<semaphore_mem>>)
      %dma_wait3A_290 = arith.constant 0 : i32
      %dma_wait3A_291 = tpu.memref_slice %arg11[%arg0, %add3A_222, %dma_wait3A_290] : memref<2x10112x128xf32, #tpu.memory_space<hbm>> -> memref<1x32x128xf32, #tpu.memory_space<hbm>>
      %dma_wait3A_292 = tpu.memref_squeeze %dma_wait3A_291 : memref<1x32x128xf32, #tpu.memory_space<hbm>> -> memref<32x128xf32, #tpu.memory_space<hbm>>
      %dma_wait3A_293 = arith.constant 0 : i32
      %dma_wait3A_294 = tpu.memref_slice %arg35[%add3A_222, %dma_wait3A_293] : memref<10112x128xf32, #tpu.memory_space<vmem_shared>> -> memref<32x128xf32, #tpu.memory_space<vmem_shared>>
      tpu.wait_dma2 semaphore(%run_scoped3A : memref<!tpu.dma_semaphore, #tpu.memory_space<semaphore_mem>>) src(%dma_wait3A_294 : memref<32x128xf32, #tpu.memory_space<vmem_shared>>) dst(%dma_wait3A_292 : memref<32x128xf32, #tpu.memory_space<hbm>>)
      tpu.yield
    }) : () -> ()
    %mul3A_223 = arith.constant 632 : i32
    %mul3A_224 = arith.muli %arg1, %mul3A_223 : i32
    %add3A_225 = arith.constant 160 : i32
    %add3A_226 = arith.addi %mul3A_224, %add3A_225 : i32
    "tpu.region"() ({
      %run_scoped3A = tpu.sem_alloc : memref<!tpu.dma_semaphore, #tpu.memory_space<semaphore_mem>>
      %dma_start3A_285 = arith.constant 0 : i32
      %dma_start3A_286 = tpu.memref_slice %arg11[%arg0, %add3A_226, %dma_start3A_285] : memref<2x10112x128xf32, #tpu.memory_space<hbm>> -> memref<1x32x128xf32, #tpu.memory_space<hbm>>
      %dma_start3A_287 = tpu.memref_squeeze %dma_start3A_286 : memref<1x32x128xf32, #tpu.memory_space<hbm>> -> memref<32x128xf32, #tpu.memory_space<hbm>>
      %dma_start3A_288 = arith.constant 0 : i32
      %dma_start3A_289 = tpu.memref_slice %arg35[%add3A_226, %dma_start3A_288] : memref<10112x128xf32, #tpu.memory_space<vmem_shared>> -> memref<32x128xf32, #tpu.memory_space<vmem_shared>>
      tpu.enqueue_dma source(%dma_start3A_289 : memref<32x128xf32, #tpu.memory_space<vmem_shared>>) target(%dma_start3A_287 : memref<32x128xf32, #tpu.memory_space<hbm>>) target_semaphore(%run_scoped3A : memref<!tpu.dma_semaphore, #tpu.memory_space<semaphore_mem>>)
      %dma_wait3A_290 = arith.constant 0 : i32
      %dma_wait3A_291 = tpu.memref_slice %arg11[%arg0, %add3A_226, %dma_wait3A_290] : memref<2x10112x128xf32, #tpu.memory_space<hbm>> -> memref<1x32x128xf32, #tpu.memory_space<hbm>>
      %dma_wait3A_292 = tpu.memref_squeeze %dma_wait3A_291 : memref<1x32x128xf32, #tpu.memory_space<hbm>> -> memref<32x128xf32, #tpu.memory_space<hbm>>
      %dma_wait3A_293 = arith.constant 0 : i32
      %dma_wait3A_294 = tpu.memref_slice %arg35[%add3A_226, %dma_wait3A_293] : memref<10112x128xf32, #tpu.memory_space<vmem_shared>> -> memref<32x128xf32, #tpu.memory_space<vmem_shared>>
      tpu.wait_dma2 semaphore(%run_scoped3A : memref<!tpu.dma_semaphore, #tpu.memory_space<semaphore_mem>>) src(%dma_wait3A_294 : memref<32x128xf32, #tpu.memory_space<vmem_shared>>) dst(%dma_wait3A_292 : memref<32x128xf32, #tpu.memory_space<hbm>>)
      tpu.yield
    }) : () -> ()
    %mul3A_227 = arith.constant 632 : i32
    %mul3A_228 = arith.muli %arg1, %mul3A_227 : i32
    %add3A_229 = arith.constant 192 : i32
    %add3A_230 = arith.addi %mul3A_228, %add3A_229 : i32
    "tpu.region"() ({
      %run_scoped3A = tpu.sem_alloc : memref<!tpu.dma_semaphore, #tpu.memory_space<semaphore_mem>>
      %dma_start3A_285 = arith.constant 0 : i32
      %dma_start3A_286 = tpu.memref_slice %arg11[%arg0, %add3A_230, %dma_start3A_285] : memref<2x10112x128xf32, #tpu.memory_space<hbm>> -> memref<1x32x128xf32, #tpu.memory_space<hbm>>
      %dma_start3A_287 = tpu.memref_squeeze %dma_start3A_286 : memref<1x32x128xf32, #tpu.memory_space<hbm>> -> memref<32x128xf32, #tpu.memory_space<hbm>>
      %dma_start3A_288 = arith.constant 0 : i32
      %dma_start3A_289 = tpu.memref_slice %arg35[%add3A_230, %dma_start3A_288] : memref<10112x128xf32, #tpu.memory_space<vmem_shared>> -> memref<32x128xf32, #tpu.memory_space<vmem_shared>>
      tpu.enqueue_dma source(%dma_start3A_289 : memref<32x128xf32, #tpu.memory_space<vmem_shared>>) target(%dma_start3A_287 : memref<32x128xf32, #tpu.memory_space<hbm>>) target_semaphore(%run_scoped3A : memref<!tpu.dma_semaphore, #tpu.memory_space<semaphore_mem>>)
      %dma_wait3A_290 = arith.constant 0 : i32
      %dma_wait3A_291 = tpu.memref_slice %arg11[%arg0, %add3A_230, %dma_wait3A_290] : memref<2x10112x128xf32, #tpu.memory_space<hbm>> -> memref<1x32x128xf32, #tpu.memory_space<hbm>>
      %dma_wait3A_292 = tpu.memref_squeeze %dma_wait3A_291 : memref<1x32x128xf32, #tpu.memory_space<hbm>> -> memref<32x128xf32, #tpu.memory_space<hbm>>
      %dma_wait3A_293 = arith.constant 0 : i32
      %dma_wait3A_294 = tpu.memref_slice %arg35[%add3A_230, %dma_wait3A_293] : memref<10112x128xf32, #tpu.memory_space<vmem_shared>> -> memref<32x128xf32, #tpu.memory_space<vmem_shared>>
      tpu.wait_dma2 semaphore(%run_scoped3A : memref<!tpu.dma_semaphore, #tpu.memory_space<semaphore_mem>>) src(%dma_wait3A_294 : memref<32x128xf32, #tpu.memory_space<vmem_shared>>) dst(%dma_wait3A_292 : memref<32x128xf32, #tpu.memory_space<hbm>>)
      tpu.yield
    }) : () -> ()
    %mul3A_231 = arith.constant 632 : i32
    %mul3A_232 = arith.muli %arg1, %mul3A_231 : i32
    %add3A_233 = arith.constant 224 : i32
    %add3A_234 = arith.addi %mul3A_232, %add3A_233 : i32
    "tpu.region"() ({
      %run_scoped3A = tpu.sem_alloc : memref<!tpu.dma_semaphore, #tpu.memory_space<semaphore_mem>>
      %dma_start3A_285 = arith.constant 0 : i32
      %dma_start3A_286 = tpu.memref_slice %arg11[%arg0, %add3A_234, %dma_start3A_285] : memref<2x10112x128xf32, #tpu.memory_space<hbm>> -> memref<1x32x128xf32, #tpu.memory_space<hbm>>
      %dma_start3A_287 = tpu.memref_squeeze %dma_start3A_286 : memref<1x32x128xf32, #tpu.memory_space<hbm>> -> memref<32x128xf32, #tpu.memory_space<hbm>>
      %dma_start3A_288 = arith.constant 0 : i32
      %dma_start3A_289 = tpu.memref_slice %arg35[%add3A_234, %dma_start3A_288] : memref<10112x128xf32, #tpu.memory_space<vmem_shared>> -> memref<32x128xf32, #tpu.memory_space<vmem_shared>>
      tpu.enqueue_dma source(%dma_start3A_289 : memref<32x128xf32, #tpu.memory_space<vmem_shared>>) target(%dma_start3A_287 : memref<32x128xf32, #tpu.memory_space<hbm>>) target_semaphore(%run_scoped3A : memref<!tpu.dma_semaphore, #tpu.memory_space<semaphore_mem>>)
      %dma_wait3A_290 = arith.constant 0 : i32
      %dma_wait3A_291 = tpu.memref_slice %arg11[%arg0, %add3A_234, %dma_wait3A_290] : memref<2x10112x128xf32, #tpu.memory_space<hbm>> -> memref<1x32x128xf32, #tpu.memory_space<hbm>>
      %dma_wait3A_292 = tpu.memref_squeeze %dma_wait3A_291 : memref<1x32x128xf32, #tpu.memory_space<hbm>> -> memref<32x128xf32, #tpu.memory_space<hbm>>
      %dma_wait3A_293 = arith.constant 0 : i32
      %dma_wait3A_294 = tpu.memref_slice %arg35[%add3A_234, %dma_wait3A_293] : memref<10112x128xf32, #tpu.memory_space<vmem_shared>> -> memref<32x128xf32, #tpu.memory_space<vmem_shared>>
      tpu.wait_dma2 semaphore(%run_scoped3A : memref<!tpu.dma_semaphore, #tpu.memory_space<semaphore_mem>>) src(%dma_wait3A_294 : memref<32x128xf32, #tpu.memory_space<vmem_shared>>) dst(%dma_wait3A_292 : memref<32x128xf32, #tpu.memory_space<hbm>>)
      tpu.yield
    }) : () -> ()
    %mul3A_235 = arith.constant 632 : i32
    %mul3A_236 = arith.muli %arg1, %mul3A_235 : i32
    %add3A_237 = arith.constant 256 : i32
    %add3A_238 = arith.addi %mul3A_236, %add3A_237 : i32
    "tpu.region"() ({
      %run_scoped3A = tpu.sem_alloc : memref<!tpu.dma_semaphore, #tpu.memory_space<semaphore_mem>>
      %dma_start3A_285 = arith.constant 0 : i32
      %dma_start3A_286 = tpu.memref_slice %arg11[%arg0, %add3A_238, %dma_start3A_285] : memref<2x10112x128xf32, #tpu.memory_space<hbm>> -> memref<1x32x128xf32, #tpu.memory_space<hbm>>
      %dma_start3A_287 = tpu.memref_squeeze %dma_start3A_286 : memref<1x32x128xf32, #tpu.memory_space<hbm>> -> memref<32x128xf32, #tpu.memory_space<hbm>>
      %dma_start3A_288 = arith.constant 0 : i32
      %dma_start3A_289 = tpu.memref_slice %arg35[%add3A_238, %dma_start3A_288] : memref<10112x128xf32, #tpu.memory_space<vmem_shared>> -> memref<32x128xf32, #tpu.memory_space<vmem_shared>>
      tpu.enqueue_dma source(%dma_start3A_289 : memref<32x128xf32, #tpu.memory_space<vmem_shared>>) target(%dma_start3A_287 : memref<32x128xf32, #tpu.memory_space<hbm>>) target_semaphore(%run_scoped3A : memref<!tpu.dma_semaphore, #tpu.memory_space<semaphore_mem>>)
      %dma_wait3A_290 = arith.constant 0 : i32
      %dma_wait3A_291 = tpu.memref_slice %arg11[%arg0, %add3A_238, %dma_wait3A_290] : memref<2x10112x128xf32, #tpu.memory_space<hbm>> -> memref<1x32x128xf32, #tpu.memory_space<hbm>>
      %dma_wait3A_292 = tpu.memref_squeeze %dma_wait3A_291 : memref<1x32x128xf32, #tpu.memory_space<hbm>> -> memref<32x128xf32, #tpu.memory_space<hbm>>
      %dma_wait3A_293 = arith.constant 0 : i32
      %dma_wait3A_294 = tpu.memref_slice %arg35[%add3A_238, %dma_wait3A_293] : memref<10112x128xf32, #tpu.memory_space<vmem_shared>> -> memref<32x128xf32, #tpu.memory_space<vmem_shared>>
      tpu.wait_dma2 semaphore(%run_scoped3A : memref<!tpu.dma_semaphore, #tpu.memory_space<semaphore_mem>>) src(%dma_wait3A_294 : memref<32x128xf32, #tpu.memory_space<vmem_shared>>) dst(%dma_wait3A_292 : memref<32x128xf32, #tpu.memory_space<hbm>>)
      tpu.yield
    }) : () -> ()
    %mul3A_239 = arith.constant 632 : i32
    %mul3A_240 = arith.muli %arg1, %mul3A_239 : i32
    %add3A_241 = arith.constant 288 : i32
    %add3A_242 = arith.addi %mul3A_240, %add3A_241 : i32
    "tpu.region"() ({
      %run_scoped3A = tpu.sem_alloc : memref<!tpu.dma_semaphore, #tpu.memory_space<semaphore_mem>>
      %dma_start3A_285 = arith.constant 0 : i32
      %dma_start3A_286 = tpu.memref_slice %arg11[%arg0, %add3A_242, %dma_start3A_285] : memref<2x10112x128xf32, #tpu.memory_space<hbm>> -> memref<1x32x128xf32, #tpu.memory_space<hbm>>
      %dma_start3A_287 = tpu.memref_squeeze %dma_start3A_286 : memref<1x32x128xf32, #tpu.memory_space<hbm>> -> memref<32x128xf32, #tpu.memory_space<hbm>>
      %dma_start3A_288 = arith.constant 0 : i32
      %dma_start3A_289 = tpu.memref_slice %arg35[%add3A_242, %dma_start3A_288] : memref<10112x128xf32, #tpu.memory_space<vmem_shared>> -> memref<32x128xf32, #tpu.memory_space<vmem_shared>>
      tpu.enqueue_dma source(%dma_start3A_289 : memref<32x128xf32, #tpu.memory_space<vmem_shared>>) target(%dma_start3A_287 : memref<32x128xf32, #tpu.memory_space<hbm>>) target_semaphore(%run_scoped3A : memref<!tpu.dma_semaphore, #tpu.memory_space<semaphore_mem>>)
      %dma_wait3A_290 = arith.constant 0 : i32
      %dma_wait3A_291 = tpu.memref_slice %arg11[%arg0, %add3A_242, %dma_wait3A_290] : memref<2x10112x128xf32, #tpu.memory_space<hbm>> -> memref<1x32x128xf32, #tpu.memory_space<hbm>>
      %dma_wait3A_292 = tpu.memref_squeeze %dma_wait3A_291 : memref<1x32x128xf32, #tpu.memory_space<hbm>> -> memref<32x128xf32, #tpu.memory_space<hbm>>
      %dma_wait3A_293 = arith.constant 0 : i32
      %dma_wait3A_294 = tpu.memref_slice %arg35[%add3A_242, %dma_wait3A_293] : memref<10112x128xf32, #tpu.memory_space<vmem_shared>> -> memref<32x128xf32, #tpu.memory_space<vmem_shared>>
      tpu.wait_dma2 semaphore(%run_scoped3A : memref<!tpu.dma_semaphore, #tpu.memory_space<semaphore_mem>>) src(%dma_wait3A_294 : memref<32x128xf32, #tpu.memory_space<vmem_shared>>) dst(%dma_wait3A_292 : memref<32x128xf32, #tpu.memory_space<hbm>>)
      tpu.yield
    }) : () -> ()
    %mul3A_243 = arith.constant 632 : i32
    %mul3A_244 = arith.muli %arg1, %mul3A_243 : i32
    %add3A_245 = arith.constant 320 : i32
    %add3A_246 = arith.addi %mul3A_244, %add3A_245 : i32
    "tpu.region"() ({
      %run_scoped3A = tpu.sem_alloc : memref<!tpu.dma_semaphore, #tpu.memory_space<semaphore_mem>>
      %dma_start3A_285 = arith.constant 0 : i32
      %dma_start3A_286 = tpu.memref_slice %arg11[%arg0, %add3A_246, %dma_start3A_285] : memref<2x10112x128xf32, #tpu.memory_space<hbm>> -> memref<1x32x128xf32, #tpu.memory_space<hbm>>
      %dma_start3A_287 = tpu.memref_squeeze %dma_start3A_286 : memref<1x32x128xf32, #tpu.memory_space<hbm>> -> memref<32x128xf32, #tpu.memory_space<hbm>>
      %dma_start3A_288 = arith.constant 0 : i32
      %dma_start3A_289 = tpu.memref_slice %arg35[%add3A_246, %dma_start3A_288] : memref<10112x128xf32, #tpu.memory_space<vmem_shared>> -> memref<32x128xf32, #tpu.memory_space<vmem_shared>>
      tpu.enqueue_dma source(%dma_start3A_289 : memref<32x128xf32, #tpu.memory_space<vmem_shared>>) target(%dma_start3A_287 : memref<32x128xf32, #tpu.memory_space<hbm>>) target_semaphore(%run_scoped3A : memref<!tpu.dma_semaphore, #tpu.memory_space<semaphore_mem>>)
      %dma_wait3A_290 = arith.constant 0 : i32
      %dma_wait3A_291 = tpu.memref_slice %arg11[%arg0, %add3A_246, %dma_wait3A_290] : memref<2x10112x128xf32, #tpu.memory_space<hbm>> -> memref<1x32x128xf32, #tpu.memory_space<hbm>>
      %dma_wait3A_292 = tpu.memref_squeeze %dma_wait3A_291 : memref<1x32x128xf32, #tpu.memory_space<hbm>> -> memref<32x128xf32, #tpu.memory_space<hbm>>
      %dma_wait3A_293 = arith.constant 0 : i32
      %dma_wait3A_294 = tpu.memref_slice %arg35[%add3A_246, %dma_wait3A_293] : memref<10112x128xf32, #tpu.memory_space<vmem_shared>> -> memref<32x128xf32, #tpu.memory_space<vmem_shared>>
      tpu.wait_dma2 semaphore(%run_scoped3A : memref<!tpu.dma_semaphore, #tpu.memory_space<semaphore_mem>>) src(%dma_wait3A_294 : memref<32x128xf32, #tpu.memory_space<vmem_shared>>) dst(%dma_wait3A_292 : memref<32x128xf32, #tpu.memory_space<hbm>>)
      tpu.yield
    }) : () -> ()
    %mul3A_247 = arith.constant 632 : i32
    %mul3A_248 = arith.muli %arg1, %mul3A_247 : i32
    %add3A_249 = arith.constant 352 : i32
    %add3A_250 = arith.addi %mul3A_248, %add3A_249 : i32
    "tpu.region"() ({
      %run_scoped3A = tpu.sem_alloc : memref<!tpu.dma_semaphore, #tpu.memory_space<semaphore_mem>>
      %dma_start3A_285 = arith.constant 0 : i32
      %dma_start3A_286 = tpu.memref_slice %arg11[%arg0, %add3A_250, %dma_start3A_285] : memref<2x10112x128xf32, #tpu.memory_space<hbm>> -> memref<1x32x128xf32, #tpu.memory_space<hbm>>
      %dma_start3A_287 = tpu.memref_squeeze %dma_start3A_286 : memref<1x32x128xf32, #tpu.memory_space<hbm>> -> memref<32x128xf32, #tpu.memory_space<hbm>>
      %dma_start3A_288 = arith.constant 0 : i32
      %dma_start3A_289 = tpu.memref_slice %arg35[%add3A_250, %dma_start3A_288] : memref<10112x128xf32, #tpu.memory_space<vmem_shared>> -> memref<32x128xf32, #tpu.memory_space<vmem_shared>>
      tpu.enqueue_dma source(%dma_start3A_289 : memref<32x128xf32, #tpu.memory_space<vmem_shared>>) target(%dma_start3A_287 : memref<32x128xf32, #tpu.memory_space<hbm>>) target_semaphore(%run_scoped3A : memref<!tpu.dma_semaphore, #tpu.memory_space<semaphore_mem>>)
      %dma_wait3A_290 = arith.constant 0 : i32
      %dma_wait3A_291 = tpu.memref_slice %arg11[%arg0, %add3A_250, %dma_wait3A_290] : memref<2x10112x128xf32, #tpu.memory_space<hbm>> -> memref<1x32x128xf32, #tpu.memory_space<hbm>>
      %dma_wait3A_292 = tpu.memref_squeeze %dma_wait3A_291 : memref<1x32x128xf32, #tpu.memory_space<hbm>> -> memref<32x128xf32, #tpu.memory_space<hbm>>
      %dma_wait3A_293 = arith.constant 0 : i32
      %dma_wait3A_294 = tpu.memref_slice %arg35[%add3A_250, %dma_wait3A_293] : memref<10112x128xf32, #tpu.memory_space<vmem_shared>> -> memref<32x128xf32, #tpu.memory_space<vmem_shared>>
      tpu.wait_dma2 semaphore(%run_scoped3A : memref<!tpu.dma_semaphore, #tpu.memory_space<semaphore_mem>>) src(%dma_wait3A_294 : memref<32x128xf32, #tpu.memory_space<vmem_shared>>) dst(%dma_wait3A_292 : memref<32x128xf32, #tpu.memory_space<hbm>>)
      tpu.yield
    }) : () -> ()
    %mul3A_251 = arith.constant 632 : i32
    %mul3A_252 = arith.muli %arg1, %mul3A_251 : i32
    %add3A_253 = arith.constant 384 : i32
    %add3A_254 = arith.addi %mul3A_252, %add3A_253 : i32
    "tpu.region"() ({
      %run_scoped3A = tpu.sem_alloc : memref<!tpu.dma_semaphore, #tpu.memory_space<semaphore_mem>>
      %dma_start3A_285 = arith.constant 0 : i32
      %dma_start3A_286 = tpu.memref_slice %arg11[%arg0, %add3A_254, %dma_start3A_285] : memref<2x10112x128xf32, #tpu.memory_space<hbm>> -> memref<1x32x128xf32, #tpu.memory_space<hbm>>
      %dma_start3A_287 = tpu.memref_squeeze %dma_start3A_286 : memref<1x32x128xf32, #tpu.memory_space<hbm>> -> memref<32x128xf32, #tpu.memory_space<hbm>>
      %dma_start3A_288 = arith.constant 0 : i32
      %dma_start3A_289 = tpu.memref_slice %arg35[%add3A_254, %dma_start3A_288] : memref<10112x128xf32, #tpu.memory_space<vmem_shared>> -> memref<32x128xf32, #tpu.memory_space<vmem_shared>>
      tpu.enqueue_dma source(%dma_start3A_289 : memref<32x128xf32, #tpu.memory_space<vmem_shared>>) target(%dma_start3A_287 : memref<32x128xf32, #tpu.memory_space<hbm>>) target_semaphore(%run_scoped3A : memref<!tpu.dma_semaphore, #tpu.memory_space<semaphore_mem>>)
      %dma_wait3A_290 = arith.constant 0 : i32
      %dma_wait3A_291 = tpu.memref_slice %arg11[%arg0, %add3A_254, %dma_wait3A_290] : memref<2x10112x128xf32, #tpu.memory_space<hbm>> -> memref<1x32x128xf32, #tpu.memory_space<hbm>>
      %dma_wait3A_292 = tpu.memref_squeeze %dma_wait3A_291 : memref<1x32x128xf32, #tpu.memory_space<hbm>> -> memref<32x128xf32, #tpu.memory_space<hbm>>
      %dma_wait3A_293 = arith.constant 0 : i32
      %dma_wait3A_294 = tpu.memref_slice %arg35[%add3A_254, %dma_wait3A_293] : memref<10112x128xf32, #tpu.memory_space<vmem_shared>> -> memref<32x128xf32, #tpu.memory_space<vmem_shared>>
      tpu.wait_dma2 semaphore(%run_scoped3A : memref<!tpu.dma_semaphore, #tpu.memory_space<semaphore_mem>>) src(%dma_wait3A_294 : memref<32x128xf32, #tpu.memory_space<vmem_shared>>) dst(%dma_wait3A_292 : memref<32x128xf32, #tpu.memory_space<hbm>>)
      tpu.yield
    }) : () -> ()
    %mul3A_255 = arith.constant 632 : i32
    %mul3A_256 = arith.muli %arg1, %mul3A_255 : i32
    %add3A_257 = arith.constant 416 : i32
    %add3A_258 = arith.addi %mul3A_256, %add3A_257 : i32
    "tpu.region"() ({
      %run_scoped3A = tpu.sem_alloc : memref<!tpu.dma_semaphore, #tpu.memory_space<semaphore_mem>>
      %dma_start3A_285 = arith.constant 0 : i32
      %dma_start3A_286 = tpu.memref_slice %arg11[%arg0, %add3A_258, %dma_start3A_285] : memref<2x10112x128xf32, #tpu.memory_space<hbm>> -> memref<1x32x128xf32, #tpu.memory_space<hbm>>
      %dma_start3A_287 = tpu.memref_squeeze %dma_start3A_286 : memref<1x32x128xf32, #tpu.memory_space<hbm>> -> memref<32x128xf32, #tpu.memory_space<hbm>>
      %dma_start3A_288 = arith.constant 0 : i32
      %dma_start3A_289 = tpu.memref_slice %arg35[%add3A_258, %dma_start3A_288] : memref<10112x128xf32, #tpu.memory_space<vmem_shared>> -> memref<32x128xf32, #tpu.memory_space<vmem_shared>>
      tpu.enqueue_dma source(%dma_start3A_289 : memref<32x128xf32, #tpu.memory_space<vmem_shared>>) target(%dma_start3A_287 : memref<32x128xf32, #tpu.memory_space<hbm>>) target_semaphore(%run_scoped3A : memref<!tpu.dma_semaphore, #tpu.memory_space<semaphore_mem>>)
      %dma_wait3A_290 = arith.constant 0 : i32
      %dma_wait3A_291 = tpu.memref_slice %arg11[%arg0, %add3A_258, %dma_wait3A_290] : memref<2x10112x128xf32, #tpu.memory_space<hbm>> -> memref<1x32x128xf32, #tpu.memory_space<hbm>>
      %dma_wait3A_292 = tpu.memref_squeeze %dma_wait3A_291 : memref<1x32x128xf32, #tpu.memory_space<hbm>> -> memref<32x128xf32, #tpu.memory_space<hbm>>
      %dma_wait3A_293 = arith.constant 0 : i32
      %dma_wait3A_294 = tpu.memref_slice %arg35[%add3A_258, %dma_wait3A_293] : memref<10112x128xf32, #tpu.memory_space<vmem_shared>> -> memref<32x128xf32, #tpu.memory_space<vmem_shared>>
      tpu.wait_dma2 semaphore(%run_scoped3A : memref<!tpu.dma_semaphore, #tpu.memory_space<semaphore_mem>>) src(%dma_wait3A_294 : memref<32x128xf32, #tpu.memory_space<vmem_shared>>) dst(%dma_wait3A_292 : memref<32x128xf32, #tpu.memory_space<hbm>>)
      tpu.yield
    }) : () -> ()
    %mul3A_259 = arith.constant 632 : i32
    %mul3A_260 = arith.muli %arg1, %mul3A_259 : i32
    %add3A_261 = arith.constant 448 : i32
    %add3A_262 = arith.addi %mul3A_260, %add3A_261 : i32
    "tpu.region"() ({
      %run_scoped3A = tpu.sem_alloc : memref<!tpu.dma_semaphore, #tpu.memory_space<semaphore_mem>>
      %dma_start3A_285 = arith.constant 0 : i32
      %dma_start3A_286 = tpu.memref_slice %arg11[%arg0, %add3A_262, %dma_start3A_285] : memref<2x10112x128xf32, #tpu.memory_space<hbm>> -> memref<1x32x128xf32, #tpu.memory_space<hbm>>
      %dma_start3A_287 = tpu.memref_squeeze %dma_start3A_286 : memref<1x32x128xf32, #tpu.memory_space<hbm>> -> memref<32x128xf32, #tpu.memory_space<hbm>>
      %dma_start3A_288 = arith.constant 0 : i32
      %dma_start3A_289 = tpu.memref_slice %arg35[%add3A_262, %dma_start3A_288] : memref<10112x128xf32, #tpu.memory_space<vmem_shared>> -> memref<32x128xf32, #tpu.memory_space<vmem_shared>>
      tpu.enqueue_dma source(%dma_start3A_289 : memref<32x128xf32, #tpu.memory_space<vmem_shared>>) target(%dma_start3A_287 : memref<32x128xf32, #tpu.memory_space<hbm>>) target_semaphore(%run_scoped3A : memref<!tpu.dma_semaphore, #tpu.memory_space<semaphore_mem>>)
      %dma_wait3A_290 = arith.constant 0 : i32
      %dma_wait3A_291 = tpu.memref_slice %arg11[%arg0, %add3A_262, %dma_wait3A_290] : memref<2x10112x128xf32, #tpu.memory_space<hbm>> -> memref<1x32x128xf32, #tpu.memory_space<hbm>>
      %dma_wait3A_292 = tpu.memref_squeeze %dma_wait3A_291 : memref<1x32x128xf32, #tpu.memory_space<hbm>> -> memref<32x128xf32, #tpu.memory_space<hbm>>
      %dma_wait3A_293 = arith.constant 0 : i32
      %dma_wait3A_294 = tpu.memref_slice %arg35[%add3A_262, %dma_wait3A_293] : memref<10112x128xf32, #tpu.memory_space<vmem_shared>> -> memref<32x128xf32, #tpu.memory_space<vmem_shared>>
      tpu.wait_dma2 semaphore(%run_scoped3A : memref<!tpu.dma_semaphore, #tpu.memory_space<semaphore_mem>>) src(%dma_wait3A_294 : memref<32x128xf32, #tpu.memory_space<vmem_shared>>) dst(%dma_wait3A_292 : memref<32x128xf32, #tpu.memory_space<hbm>>)
      tpu.yield
    }) : () -> ()
    %mul3A_263 = arith.constant 632 : i32
    %mul3A_264 = arith.muli %arg1, %mul3A_263 : i32
    %add3A_265 = arith.constant 480 : i32
    %add3A_266 = arith.addi %mul3A_264, %add3A_265 : i32
    "tpu.region"() ({
      %run_scoped3A = tpu.sem_alloc : memref<!tpu.dma_semaphore, #tpu.memory_space<semaphore_mem>>
      %dma_start3A_285 = arith.constant 0 : i32
      %dma_start3A_286 = tpu.memref_slice %arg11[%arg0, %add3A_266, %dma_start3A_285] : memref<2x10112x128xf32, #tpu.memory_space<hbm>> -> memref<1x32x128xf32, #tpu.memory_space<hbm>>
      %dma_start3A_287 = tpu.memref_squeeze %dma_start3A_286 : memref<1x32x128xf32, #tpu.memory_space<hbm>> -> memref<32x128xf32, #tpu.memory_space<hbm>>
      %dma_start3A_288 = arith.constant 0 : i32
      %dma_start3A_289 = tpu.memref_slice %arg35[%add3A_266, %dma_start3A_288] : memref<10112x128xf32, #tpu.memory_space<vmem_shared>> -> memref<32x128xf32, #tpu.memory_space<vmem_shared>>
      tpu.enqueue_dma source(%dma_start3A_289 : memref<32x128xf32, #tpu.memory_space<vmem_shared>>) target(%dma_start3A_287 : memref<32x128xf32, #tpu.memory_space<hbm>>) target_semaphore(%run_scoped3A : memref<!tpu.dma_semaphore, #tpu.memory_space<semaphore_mem>>)
      %dma_wait3A_290 = arith.constant 0 : i32
      %dma_wait3A_291 = tpu.memref_slice %arg11[%arg0, %add3A_266, %dma_wait3A_290] : memref<2x10112x128xf32, #tpu.memory_space<hbm>> -> memref<1x32x128xf32, #tpu.memory_space<hbm>>
      %dma_wait3A_292 = tpu.memref_squeeze %dma_wait3A_291 : memref<1x32x128xf32, #tpu.memory_space<hbm>> -> memref<32x128xf32, #tpu.memory_space<hbm>>
      %dma_wait3A_293 = arith.constant 0 : i32
      %dma_wait3A_294 = tpu.memref_slice %arg35[%add3A_266, %dma_wait3A_293] : memref<10112x128xf32, #tpu.memory_space<vmem_shared>> -> memref<32x128xf32, #tpu.memory_space<vmem_shared>>
      tpu.wait_dma2 semaphore(%run_scoped3A : memref<!tpu.dma_semaphore, #tpu.memory_space<semaphore_mem>>) src(%dma_wait3A_294 : memref<32x128xf32, #tpu.memory_space<vmem_shared>>) dst(%dma_wait3A_292 : memref<32x128xf32, #tpu.memory_space<hbm>>)
      tpu.yield
    }) : () -> ()
    %mul3A_267 = arith.constant 632 : i32
    %mul3A_268 = arith.muli %arg1, %mul3A_267 : i32
    %add3A_269 = arith.constant 512 : i32
    %add3A_270 = arith.addi %mul3A_268, %add3A_269 : i32
    "tpu.region"() ({
      %run_scoped3A = tpu.sem_alloc : memref<!tpu.dma_semaphore, #tpu.memory_space<semaphore_mem>>
      %dma_start3A_285 = arith.constant 0 : i32
      %dma_start3A_286 = tpu.memref_slice %arg11[%arg0, %add3A_270, %dma_start3A_285] : memref<2x10112x128xf32, #tpu.memory_space<hbm>> -> memref<1x32x128xf32, #tpu.memory_space<hbm>>
      %dma_start3A_287 = tpu.memref_squeeze %dma_start3A_286 : memref<1x32x128xf32, #tpu.memory_space<hbm>> -> memref<32x128xf32, #tpu.memory_space<hbm>>
      %dma_start3A_288 = arith.constant 0 : i32
      %dma_start3A_289 = tpu.memref_slice %arg35[%add3A_270, %dma_start3A_288] : memref<10112x128xf32, #tpu.memory_space<vmem_shared>> -> memref<32x128xf32, #tpu.memory_space<vmem_shared>>
      tpu.enqueue_dma source(%dma_start3A_289 : memref<32x128xf32, #tpu.memory_space<vmem_shared>>) target(%dma_start3A_287 : memref<32x128xf32, #tpu.memory_space<hbm>>) target_semaphore(%run_scoped3A : memref<!tpu.dma_semaphore, #tpu.memory_space<semaphore_mem>>)
      %dma_wait3A_290 = arith.constant 0 : i32
      %dma_wait3A_291 = tpu.memref_slice %arg11[%arg0, %add3A_270, %dma_wait3A_290] : memref<2x10112x128xf32, #tpu.memory_space<hbm>> -> memref<1x32x128xf32, #tpu.memory_space<hbm>>
      %dma_wait3A_292 = tpu.memref_squeeze %dma_wait3A_291 : memref<1x32x128xf32, #tpu.memory_space<hbm>> -> memref<32x128xf32, #tpu.memory_space<hbm>>
      %dma_wait3A_293 = arith.constant 0 : i32
      %dma_wait3A_294 = tpu.memref_slice %arg35[%add3A_270, %dma_wait3A_293] : memref<10112x128xf32, #tpu.memory_space<vmem_shared>> -> memref<32x128xf32, #tpu.memory_space<vmem_shared>>
      tpu.wait_dma2 semaphore(%run_scoped3A : memref<!tpu.dma_semaphore, #tpu.memory_space<semaphore_mem>>) src(%dma_wait3A_294 : memref<32x128xf32, #tpu.memory_space<vmem_shared>>) dst(%dma_wait3A_292 : memref<32x128xf32, #tpu.memory_space<hbm>>)
      tpu.yield
    }) : () -> ()
    %mul3A_271 = arith.constant 632 : i32
    %mul3A_272 = arith.muli %arg1, %mul3A_271 : i32
    %add3A_273 = arith.constant 544 : i32
    %add3A_274 = arith.addi %mul3A_272, %add3A_273 : i32
    "tpu.region"() ({
      %run_scoped3A = tpu.sem_alloc : memref<!tpu.dma_semaphore, #tpu.memory_space<semaphore_mem>>
      %dma_start3A_285 = arith.constant 0 : i32
      %dma_start3A_286 = tpu.memref_slice %arg11[%arg0, %add3A_274, %dma_start3A_285] : memref<2x10112x128xf32, #tpu.memory_space<hbm>> -> memref<1x32x128xf32, #tpu.memory_space<hbm>>
      %dma_start3A_287 = tpu.memref_squeeze %dma_start3A_286 : memref<1x32x128xf32, #tpu.memory_space<hbm>> -> memref<32x128xf32, #tpu.memory_space<hbm>>
      %dma_start3A_288 = arith.constant 0 : i32
      %dma_start3A_289 = tpu.memref_slice %arg35[%add3A_274, %dma_start3A_288] : memref<10112x128xf32, #tpu.memory_space<vmem_shared>> -> memref<32x128xf32, #tpu.memory_space<vmem_shared>>
      tpu.enqueue_dma source(%dma_start3A_289 : memref<32x128xf32, #tpu.memory_space<vmem_shared>>) target(%dma_start3A_287 : memref<32x128xf32, #tpu.memory_space<hbm>>) target_semaphore(%run_scoped3A : memref<!tpu.dma_semaphore, #tpu.memory_space<semaphore_mem>>)
      %dma_wait3A_290 = arith.constant 0 : i32
      %dma_wait3A_291 = tpu.memref_slice %arg11[%arg0, %add3A_274, %dma_wait3A_290] : memref<2x10112x128xf32, #tpu.memory_space<hbm>> -> memref<1x32x128xf32, #tpu.memory_space<hbm>>
      %dma_wait3A_292 = tpu.memref_squeeze %dma_wait3A_291 : memref<1x32x128xf32, #tpu.memory_space<hbm>> -> memref<32x128xf32, #tpu.memory_space<hbm>>
      %dma_wait3A_293 = arith.constant 0 : i32
      %dma_wait3A_294 = tpu.memref_slice %arg35[%add3A_274, %dma_wait3A_293] : memref<10112x128xf32, #tpu.memory_space<vmem_shared>> -> memref<32x128xf32, #tpu.memory_space<vmem_shared>>
      tpu.wait_dma2 semaphore(%run_scoped3A : memref<!tpu.dma_semaphore, #tpu.memory_space<semaphore_mem>>) src(%dma_wait3A_294 : memref<32x128xf32, #tpu.memory_space<vmem_shared>>) dst(%dma_wait3A_292 : memref<32x128xf32, #tpu.memory_space<hbm>>)
      tpu.yield
    }) : () -> ()
    %mul3A_275 = arith.constant 632 : i32
    %mul3A_276 = arith.muli %arg1, %mul3A_275 : i32
    %add3A_277 = arith.constant 576 : i32
    %add3A_278 = arith.addi %mul3A_276, %add3A_277 : i32
    "tpu.region"() ({
      %run_scoped3A = tpu.sem_alloc : memref<!tpu.dma_semaphore, #tpu.memory_space<semaphore_mem>>
      %dma_start3A_285 = arith.constant 0 : i32
      %dma_start3A_286 = tpu.memref_slice %arg11[%arg0, %add3A_278, %dma_start3A_285] : memref<2x10112x128xf32, #tpu.memory_space<hbm>> -> memref<1x32x128xf32, #tpu.memory_space<hbm>>
      %dma_start3A_287 = tpu.memref_squeeze %dma_start3A_286 : memref<1x32x128xf32, #tpu.memory_space<hbm>> -> memref<32x128xf32, #tpu.memory_space<hbm>>
      %dma_start3A_288 = arith.constant 0 : i32
      %dma_start3A_289 = tpu.memref_slice %arg35[%add3A_278, %dma_start3A_288] : memref<10112x128xf32, #tpu.memory_space<vmem_shared>> -> memref<32x128xf32, #tpu.memory_space<vmem_shared>>
      tpu.enqueue_dma source(%dma_start3A_289 : memref<32x128xf32, #tpu.memory_space<vmem_shared>>) target(%dma_start3A_287 : memref<32x128xf32, #tpu.memory_space<hbm>>) target_semaphore(%run_scoped3A : memref<!tpu.dma_semaphore, #tpu.memory_space<semaphore_mem>>)
      %dma_wait3A_290 = arith.constant 0 : i32
      %dma_wait3A_291 = tpu.memref_slice %arg11[%arg0, %add3A_278, %dma_wait3A_290] : memref<2x10112x128xf32, #tpu.memory_space<hbm>> -> memref<1x32x128xf32, #tpu.memory_space<hbm>>
      %dma_wait3A_292 = tpu.memref_squeeze %dma_wait3A_291 : memref<1x32x128xf32, #tpu.memory_space<hbm>> -> memref<32x128xf32, #tpu.memory_space<hbm>>
      %dma_wait3A_293 = arith.constant 0 : i32
      %dma_wait3A_294 = tpu.memref_slice %arg35[%add3A_278, %dma_wait3A_293] : memref<10112x128xf32, #tpu.memory_space<vmem_shared>> -> memref<32x128xf32, #tpu.memory_space<vmem_shared>>
      tpu.wait_dma2 semaphore(%run_scoped3A : memref<!tpu.dma_semaphore, #tpu.memory_space<semaphore_mem>>) src(%dma_wait3A_294 : memref<32x128xf32, #tpu.memory_space<vmem_shared>>) dst(%dma_wait3A_292 : memref<32x128xf32, #tpu.memory_space<hbm>>)
      tpu.yield
    }) : () -> ()
    %mul3A_279 = arith.constant 632 : i32
    %mul3A_280 = arith.muli %arg1, %mul3A_279 : i32
    %add3A_281 = arith.constant 632 : i32
    %add3A_282 = arith.addi %mul3A_280, %add3A_281 : i32
    %sub3A_283 = arith.constant 24 : i32
    %sub3A_284 = arith.subi %add3A_282, %sub3A_283 : i32
    "tpu.region"() ({
      %run_scoped3A = tpu.sem_alloc : memref<!tpu.dma_semaphore, #tpu.memory_space<semaphore_mem>>
      %dma_start3A_285 = arith.constant 0 : i32
      %dma_start3A_286 = tpu.memref_slice %arg11[%arg0, %sub3A_284, %dma_start3A_285] : memref<2x10112x128xf32, #tpu.memory_space<hbm>> -> memref<1x24x128xf32, #tpu.memory_space<hbm>>
      %dma_start3A_287 = tpu.memref_squeeze %dma_start3A_286 : memref<1x24x128xf32, #tpu.memory_space<hbm>> -> memref<24x128xf32, #tpu.memory_space<hbm>>
      %dma_start3A_288 = arith.constant 0 : i32
      %dma_start3A_289 = tpu.memref_slice %arg35[%sub3A_284, %dma_start3A_288] : memref<10112x128xf32, #tpu.memory_space<vmem_shared>> -> memref<24x128xf32, #tpu.memory_space<vmem_shared>>
      tpu.enqueue_dma source(%dma_start3A_289 : memref<24x128xf32, #tpu.memory_space<vmem_shared>>) target(%dma_start3A_287 : memref<24x128xf32, #tpu.memory_space<hbm>>) target_semaphore(%run_scoped3A : memref<!tpu.dma_semaphore, #tpu.memory_space<semaphore_mem>>)
      %dma_wait3A_290 = arith.constant 0 : i32
      %dma_wait3A_291 = tpu.memref_slice %arg11[%arg0, %sub3A_284, %dma_wait3A_290] : memref<2x10112x128xf32, #tpu.memory_space<hbm>> -> memref<1x24x128xf32, #tpu.memory_space<hbm>>
      %dma_wait3A_292 = tpu.memref_squeeze %dma_wait3A_291 : memref<1x24x128xf32, #tpu.memory_space<hbm>> -> memref<24x128xf32, #tpu.memory_space<hbm>>
      %dma_wait3A_293 = arith.constant 0 : i32
      %dma_wait3A_294 = tpu.memref_slice %arg35[%sub3A_284, %dma_wait3A_293] : memref<10112x128xf32, #tpu.memory_space<vmem_shared>> -> memref<24x128xf32, #tpu.memory_space<vmem_shared>>
      tpu.wait_dma2 semaphore(%run_scoped3A : memref<!tpu.dma_semaphore, #tpu.memory_space<semaphore_mem>>) src(%dma_wait3A_294 : memref<24x128xf32, #tpu.memory_space<vmem_shared>>) dst(%dma_wait3A_292 : memref<24x128xf32, #tpu.memory_space<hbm>>)
      tpu.yield
    }) : () -> ()
    return
  }
}

module attributes {stable_mosaic.version = 14 : i64} {
  func.func @_precompute_body(%arg0: i32, %arg1: memref<1000x128xf32, #tpu.memory_space<vmem>>, %arg2: memref<1000x128xf32, #tpu.memory_space<vmem>>, %arg3: memref<128x32xf32, #tpu.memory_space<vmem>>, %arg4: memref<128x32xf32, #tpu.memory_space<vmem>>, %arg5: memref<2x128xf32, #tpu.memory_space<vmem>>, %arg6: memref<256x32xf32, #tpu.memory_space<vmem>>, %arg7: memref<1x32xf32, #tpu.memory_space<vmem>>, %arg8: memref<1000x128xf32, #tpu.memory_space<vmem>>, %arg9: memref<1000x128xf32, #tpu.memory_space<vmem>>, %arg10: memref<4x32xf32, #tpu.memory_space<vmem>>) attributes {dimension_semantics = [#tpu.dimension_semantics<arbitrary>], iteration_bounds = array<i64: 10>, scalar_prefetch = 0 : i64, scratch_operands = 0 : i64, tpu.core_type = #tpu.core_type<tc>, window_params = [{transform_indices = @transform_0, window_bounds = array<i64: 1000, 128>}, {transform_indices = @transform_1, window_bounds = array<i64: 1000, 128>}, {pipeline_mode = #tpu.pipeline_mode<synchronous>, transform_indices = @transform_2, window_bounds = array<i64: 128, 32>}, {pipeline_mode = #tpu.pipeline_mode<synchronous>, transform_indices = @transform_3, window_bounds = array<i64: 128, 32>}, {pipeline_mode = #tpu.pipeline_mode<synchronous>, transform_indices = @transform_4, window_bounds = array<i64: 2, 128>}, {pipeline_mode = #tpu.pipeline_mode<synchronous>, transform_indices = @transform_5, window_bounds = array<i64: 256, 32>}, {pipeline_mode = #tpu.pipeline_mode<synchronous>, transform_indices = @transform_6, window_bounds = array<i64: 1, 32>}, {transform_indices = @transform_7, window_bounds = array<i64: 1000, 128>}, {transform_indices = @transform_8, window_bounds = array<i64: 1000, 128>}, {pipeline_mode = #tpu.pipeline_mode<synchronous>, transform_indices = @transform_9, window_bounds = array<i64: 4, 32>}]} {
    %broadcast_in_dim3A = arith.constant 0.000000e+00 : f32
    %broadcast_in_dim3A_0 = vector.broadcast %broadcast_in_dim3A : f32 to vector<1000x96xf32>
    %get3A = arith.constant 0 : index
    %get3A_1 = arith.constant 0 : index
    %get3A_2 = vector.load %arg1[%get3A, %get3A_1] : memref<1000x128xf32, #tpu.memory_space<vmem>>, vector<1000x128xf32>
    %get3A_3 = arith.constant 0 : index
    %get3A_4 = arith.constant 0 : index
    %get3A_5 = vector.load %arg3[%get3A_3, %get3A_4] : memref<128x32xf32, #tpu.memory_space<vmem>>, vector<128x32xf32>
    %dot_general3A = arith.constant dense<0.000000e+00> : vector<1000x32xf32>
    %dot_general3A_6 = tpu.matmul %get3A_2, %get3A_5, %dot_general3A {dimension_numbers = #tpu.dot_dimension_numbers<[1], [0], [0], [1], [0, 0, 1, 1], [], []>, transpose_lhs_hint = false} : vector<1000x128xf32>, vector<128x32xf32>, vector<1000x32xf32> -> vector<1000x32xf32>
    %concatenate3A = tpu.concatenate %dot_general3A_6, %broadcast_in_dim3A_0 in 1 : vector<1000x32xf32>, vector<1000x96xf32> -> vector<1000x128xf32>
    %swap3A = arith.constant 0 : index
    %swap3A_7 = arith.constant 0 : index
    %swap3A_8 = vector.load %arg8[%swap3A, %swap3A_7] : memref<1000x128xf32, #tpu.memory_space<vmem>>, vector<1000x128xf32>
    tpu.vector_store %arg8[%swap3A, %swap3A_7], %concatenate3A {strides = array<i32>} : memref<1000x128xf32, #tpu.memory_space<vmem>>, vector<1000x128xf32>,
    %get3A_9 = arith.constant 0 : index
    %get3A_10 = arith.constant 0 : index
    %get3A_11 = vector.load %arg2[%get3A_9, %get3A_10] : memref<1000x128xf32, #tpu.memory_space<vmem>>, vector<1000x128xf32>
    %get3A_12 = arith.constant 0 : index
    %get3A_13 = arith.constant 0 : index
    %get3A_14 = vector.load %arg4[%get3A_12, %get3A_13] : memref<128x32xf32, #tpu.memory_space<vmem>>, vector<128x32xf32>
    %dot_general3A_15 = arith.constant dense<0.000000e+00> : vector<1000x32xf32>
    %dot_general3A_16 = tpu.matmul %get3A_11, %get3A_14, %dot_general3A_15 {dimension_numbers = #tpu.dot_dimension_numbers<[1], [0], [0], [1], [0, 0, 1, 1], [], []>, transpose_lhs_hint = false} : vector<1000x128xf32>, vector<128x32xf32>, vector<1000x32xf32> -> vector<1000x32xf32>
    %concatenate3A_17 = tpu.concatenate %dot_general3A_16, %broadcast_in_dim3A_0 in 1 : vector<1000x32xf32>, vector<1000x96xf32> -> vector<1000x128xf32>
    %swap3A_18 = arith.constant 0 : index
    %swap3A_19 = arith.constant 0 : index
    %swap3A_20 = vector.load %arg9[%swap3A_18, %swap3A_19] : memref<1000x128xf32, #tpu.memory_space<vmem>>, vector<1000x128xf32>
    tpu.vector_store %arg9[%swap3A_18, %swap3A_19], %concatenate3A_17 {strides = array<i32>} : memref<1000x128xf32, #tpu.memory_space<vmem>>, vector<1000x128xf32>,
    %get3A_21 = arith.constant 0 : index
    %get3A_22 = arith.constant 0 : index
    %get3A_23 = vector.load %arg5[%get3A_21, %get3A_22] : memref<2x128xf32, #tpu.memory_space<vmem>>, vector<2x128xf32>
    %get3A_24 = arith.constant 0 : index
    %get3A_25 = arith.constant 0 : index
    %get3A_26 = vector.load %arg6[%get3A_24, %get3A_25] : memref<256x32xf32, #tpu.memory_space<vmem>>, vector<128x32xf32>
    %dot_general3A_27 = arith.constant dense<0.000000e+00> : vector<2x32xf32>
    %dot_general3A_28 = tpu.matmul %get3A_23, %get3A_26, %dot_general3A_27 {dimension_numbers = #tpu.dot_dimension_numbers<[1], [0], [0], [1], [0, 0, 1, 1], [], []>, transpose_lhs_hint = false} : vector<2x128xf32>, vector<128x32xf32>, vector<2x32xf32> -> vector<2x32xf32>
    %get3A_29 = arith.constant 0 : index
    %get3A_30 = arith.constant 0 : index
    %get3A_31 = vector.load %arg5[%get3A_29, %get3A_30] : memref<2x128xf32, #tpu.memory_space<vmem>>, vector<2x128xf32>
    %get3A_32 = arith.constant 128 : index
    %get3A_33 = arith.constant 0 : index
    %get3A_34 = vector.load %arg6[%get3A_32, %get3A_33] : memref<256x32xf32, #tpu.memory_space<vmem>>, vector<128x32xf32>
    %dot_general3A_35 = arith.constant dense<0.000000e+00> : vector<2x32xf32>
    %dot_general3A_36 = tpu.matmul %get3A_31, %get3A_34, %dot_general3A_35 {dimension_numbers = #tpu.dot_dimension_numbers<[1], [0], [0], [1], [0, 0, 1, 1], [], []>, transpose_lhs_hint = false} : vector<2x128xf32>, vector<128x32xf32>, vector<2x32xf32> -> vector<2x32xf32>
    %slice3A = vector.extract_strided_slice %dot_general3A_28 {offsets = [0, 0], sizes = [1, 32], strides = [1, 1]} : vector<2x32xf32> to vector<1x32xf32>
    %slice3A_37 = vector.extract_strided_slice %dot_general3A_36 {offsets = [0, 0], sizes = [1, 32], strides = [1, 1]} : vector<2x32xf32> to vector<1x32xf32>
    %add3A = arith.addf %slice3A, %slice3A_37 : vector<1x32xf32>
    %slice3A_38 = vector.extract_strided_slice %dot_general3A_28 {offsets = [0, 0], sizes = [1, 32], strides = [1, 1]} : vector<2x32xf32> to vector<1x32xf32>
    %slice3A_39 = vector.extract_strided_slice %dot_general3A_36 {offsets = [1, 0], sizes = [1, 32], strides = [1, 1]} : vector<2x32xf32> to vector<1x32xf32>
    %add3A_40 = arith.addf %slice3A_38, %slice3A_39 : vector<1x32xf32>
    %slice3A_41 = vector.extract_strided_slice %dot_general3A_28 {offsets = [1, 0], sizes = [1, 32], strides = [1, 1]} : vector<2x32xf32> to vector<1x32xf32>
    %slice3A_42 = vector.extract_strided_slice %dot_general3A_36 {offsets = [0, 0], sizes = [1, 32], strides = [1, 1]} : vector<2x32xf32> to vector<1x32xf32>
    %add3A_43 = arith.addf %slice3A_41, %slice3A_42 : vector<1x32xf32>
    %slice3A_44 = vector.extract_strided_slice %dot_general3A_28 {offsets = [1, 0], sizes = [1, 32], strides = [1, 1]} : vector<2x32xf32> to vector<1x32xf32>
    %slice3A_45 = vector.extract_strided_slice %dot_general3A_36 {offsets = [1, 0], sizes = [1, 32], strides = [1, 1]} : vector<2x32xf32> to vector<1x32xf32>
    %add3A_46 = arith.addf %slice3A_44, %slice3A_45 : vector<1x32xf32>
    %concatenate3A_47 = tpu.concatenate %add3A, %add3A_40, %add3A_43, %add3A_46 in 0 : vector<1x32xf32>, vector<1x32xf32>, vector<1x32xf32>, vector<1x32xf32> -> vector<4x32xf32>
    %get3A_48 = arith.constant 0 : index
    %get3A_49 = arith.constant 0 : index
    %get3A_50 = vector.load %arg7[%get3A_48, %get3A_49] : memref<1x32xf32, #tpu.memory_space<vmem>>, vector<1x32xf32>
    %add3A_51 = vector.broadcast %get3A_50 : vector<1x32xf32> to vector<4x32xf32>
    %add3A_52 = arith.addf %concatenate3A_47, %add3A_51 : vector<4x32xf32>
    %swap3A_53 = arith.constant 0 : index
    %swap3A_54 = arith.constant 0 : index
    %swap3A_55 = vector.load %arg10[%swap3A_53, %swap3A_54] : memref<4x32xf32, #tpu.memory_space<vmem>>, vector<4x32xf32>
    tpu.vector_store %arg10[%swap3A_53, %swap3A_54], %add3A_52 {strides = array<i32>} : memref<4x32xf32, #tpu.memory_space<vmem>>, vector<4x32xf32>,
    return
  }
  func.func @transform_0(%arg0: i32) -> (i32, i32) {
    %c0_i32 = arith.constant 0 : i32
    %c0_i32_0 = arith.constant 0 : i32
    return %arg0, %c0_i32 : i32, i32
  }
  func.func @transform_1(%arg0: i32) -> (i32, i32) {
    %c0_i32 = arith.constant 0 : i32
    %c0_i32_0 = arith.constant 0 : i32
    return %arg0, %c0_i32 : i32, i32
  }
  func.func @transform_2(%arg0: i32) -> (i32, i32) {
    %c0_i32 = arith.constant 0 : i32
    %c0_i32_0 = arith.constant 0 : i32
    %c0_i32_1 = arith.constant 0 : i32
    return %c0_i32, %c0_i32_0 : i32, i32
  }
  func.func @transform_3(%arg0: i32) -> (i32, i32) {
    %c0_i32 = arith.constant 0 : i32
    %c0_i32_0 = arith.constant 0 : i32
    %c0_i32_1 = arith.constant 0 : i32
    return %c0_i32, %c0_i32_0 : i32, i32
  }
  func.func @transform_4(%arg0: i32) -> (i32, i32) {
    %c0_i32 = arith.constant 0 : i32
    %c0_i32_0 = arith.constant 0 : i32
    %c0_i32_1 = arith.constant 0 : i32
    return %c0_i32, %c0_i32_0 : i32, i32
  }
  func.func @transform_5(%arg0: i32) -> (i32, i32) {
    %c0_i32 = arith.constant 0 : i32
    %c0_i32_0 = arith.constant 0 : i32
    %c0_i32_1 = arith.constant 0 : i32
    return %c0_i32, %c0_i32_0 : i32, i32
  }
  func.func @transform_6(%arg0: i32) -> (i32, i32) {
    %c0_i32 = arith.constant 0 : i32
    %c0_i32_0 = arith.constant 0 : i32
    %c0_i32_1 = arith.constant 0 : i32
    return %c0_i32, %c0_i32_0 : i32, i32
  }
  func.func @transform_7(%arg0: i32) -> (i32, i32) {
    %c0_i32 = arith.constant 0 : i32
    %c0_i32_0 = arith.constant 0 : i32
    return %arg0, %c0_i32 : i32, i32
  }
  func.func @transform_8(%arg0: i32) -> (i32, i32) {
    %c0_i32 = arith.constant 0 : i32
    %c0_i32_0 = arith.constant 0 : i32
    return %arg0, %c0_i32 : i32, i32
  }
  func.func @transform_9(%arg0: i32) -> (i32, i32) {
    %c0_i32 = arith.constant 0 : i32
    %c0_i32_0 = arith.constant 0 : i32
    %c0_i32_1 = arith.constant 0 : i32
    return %c0_i32, %c0_i32_0 : i32, i32
  }
}

module attributes {stable_mosaic.version = 14 : i64} {
  func.func @_final_body(%arg0: i32, %arg1: memref<2x1000x128xf32, #tpu.memory_space<vmem>>, %arg2: memref<128x128xf32, #tpu.memory_space<vmem>>, %arg3: memref<1000x128xf32, #tpu.memory_space<vmem>>) attributes {dimension_semantics = [#tpu.dimension_semantics<arbitrary>], iteration_bounds = array<i64: 10>, scalar_prefetch = 0 : i64, scratch_operands = 0 : i64, tpu.core_type = #tpu.core_type<tc>, window_params = [{transform_indices = @transform_0, window_bounds = array<i64: 2, 1000, 128>}, {pipeline_mode = #tpu.pipeline_mode<synchronous>, transform_indices = @transform_1, window_bounds = array<i64: 128, 128>}, {transform_indices = @transform_2, window_bounds = array<i64: 1000, 128>}]} {
    %get3A = arith.constant 0 : index
    %get3A_0 = arith.constant 0 : index
    %get3A_1 = arith.constant 0 : index
    %get3A_2 = vector.load %arg1[%get3A, %get3A_0, %get3A_1] : memref<2x1000x128xf32, #tpu.memory_space<vmem>>, vector<2x1000x128xf32>
    %reduce_sum3A = arith.constant dense<0.000000e+00> : vector<1000x128xf32>
    %reduce_sum3A_3 = vector.multi_reduction <add>, %get3A_2, %reduce_sum3A [0] : vector<2x1000x128xf32> to vector<1000x128xf32>
    %get3A_4 = arith.constant 0 : index
    %get3A_5 = arith.constant 0 : index
    %get3A_6 = vector.load %arg2[%get3A_4, %get3A_5] : memref<128x128xf32, #tpu.memory_space<vmem>>, vector<128x128xf32>
    %dot_general3A = arith.constant dense<0.000000e+00> : vector<1000x128xf32>
    %dot_general3A_7 = tpu.matmul %reduce_sum3A_3, %get3A_6, %dot_general3A {dimension_numbers = #tpu.dot_dimension_numbers<[1], [0], [0], [1], [0, 0, 1, 1], [], []>, transpose_lhs_hint = false} : vector<1000x128xf32>, vector<128x128xf32>, vector<1000x128xf32> -> vector<1000x128xf32>
    %swap3A = arith.constant 0 : index
    %swap3A_8 = arith.constant 0 : index
    %swap3A_9 = vector.load %arg3[%swap3A, %swap3A_8] : memref<1000x128xf32, #tpu.memory_space<vmem>>, vector<1000x128xf32>
    tpu.vector_store %arg3[%swap3A, %swap3A_8], %dot_general3A_7 {strides = array<i32>} : memref<1000x128xf32, #tpu.memory_space<vmem>>, vector<1000x128xf32>,
    return
  }
  func.func @transform_0(%arg0: i32) -> (i32, i32, i32) {
    %c0_i32 = arith.constant 0 : i32
    %c0_i32_0 = arith.constant 0 : i32
    %c0_i32_1 = arith.constant 0 : i32
    return %c0_i32, %arg0, %c0_i32_0 : i32, i32, i32
  }
  func.func @transform_1(%arg0: i32) -> (i32, i32) {
    %c0_i32 = arith.constant 0 : i32
    %c0_i32_0 = arith.constant 0 : i32
    %c0_i32_1 = arith.constant 0 : i32
    return %c0_i32, %c0_i32_0 : i32, i32
  }
  func.func @transform_2(%arg0: i32) -> (i32, i32) {
    %c0_i32 = arith.constant 0 : i32
    %c0_i32_0 = arith.constant 0 : i32
    return %arg0, %c0_i32 : i32, i32
  }
}

</mosaic_0001>

<sc_bundles>
// kernel: kernel.5.cloned.1.call-start
scs
__scs_entry_jumppad:
0x0: {  	(pc) =	sbr.rel $0x88, $3  }
0x1: {  	(tag) =	ssettag $0x0;
	lr =	simm.s32 $0x1  }
0x2: {  	[smem:$0x3F95] =	sst lr;
	_ =	strace $0xD0000000  }
0x3: {  	_ = 	snop  }
0x4: {  	_ = 	snop  }
0x5: {  	_ = 	snop  }
0x6: {  	_ = 	snop  }
0x7: {  	_ = 	snop  }
__scs_overlays_trampoline_lowered:
0x8: {  	[smem:$0x3FA4] =	sst s0  }
0x9: {  	[smem:$0x3FA5] =	sst s1  }
0xa: {  	[smem:$0x3FA6] =	sst s2  }
0xb: {  	[smem:$0x3FA7] =	sst s3  }
0xc: {  	[smem:$0x3FA8] =	sst s4  }
0xd: {  	[smem:$0x3FA9] =	sst s5  }
0xe: {  	[smem:$0x3FAA] =	sst s6  }
0xf: {  	[smem:$0x3FAB] =	sst s7  }
0x10: {  	[smem:$0x3FAC] =	sst s8  }
0x11: {  	[smem:$0x3FAD] =	sst s9;
	s0 =	simm.s32 @!p0 $0x0  }
0x12: {  	s1 =	sld [smem:$0x3F93];
	s0 =	simm.s32 @p0 $0x1  }
0x13: {  	[smem:$0x3FAE] =	sst s0;
	s0 =	simm.s32 @!p1 $0x0  }
0x14: {  	s2 =	sld [smem:$0x3F92];
	s0 =	simm.s32 @p1 $0x1  }
0x15: {  	[smem:$0x3FAF] =	sst s0;
	s0 =	simm.s32 @!p2 $0x0  }
0x16: {  	s3 =	sld [smem:$0x3FDB];
	s0 =	simm.s32 @p2 $0x1  }
0x17: {  	s4 =	simm.s32 $0x1BF5;
	[smem:$0x3FB1] =	sst s0  }
0x18: {  	s0 =	sld [smem:$0x3F94];
	_ =	swait.ge [sflag:s4], $0x0  }
0x19: {  	s7 =	sld [smem:$0x3F95]  }
0x1a: {  	s8 =	sadd.s32 $0xFFFFE003, lr  }
0x1b: {  	s9 =	sadd.s32 $0xFFFFFEF7, lr;
	s5 =	simm.s32 $0xFFFFFFFF;
	p2 =	slt.u32 s8, $0xFFFFF086  }
0x1c: {  	p1 =	slt.u32 s9, $0xF7A;
	s5 =	simm.s32 @!p2 $0x0  }
0x1d: {  	s5 =	simm.s32 @p1 $0x1;
	p0 =	seq.s32 s7, s2  }
0x1e: {  	s7 =	smul.u32 @!p0 $0xF7A, s2;
	p2 =	seq.s32 @!p0 s5, $0x0  }
0x1f: {  	s9 =	smul.u32 $0xF7A, s1;
	s8 =	simm.s32 @!p0 $0x1BF5;
	p2 =	por !p2, p0  }
0x20: {  	[sflag:s8] =	ssyncset.s32 @!p0 $0xFFFFF086;
	s6 =	sadd.s32 @!p0 s3, s7;
	s7 =	simm.s32 @!p0 $0x108  }
0x21: {  	s3 =	sadd.s32 s3, s9;
	s6 =	sadd.s32 @!p0 $0x88, s6;
	s7 =	simm.s32 @p2 $0x1082  }
0x22: {  	[simem:s7], [sflag:s8] =	dma.local @!p0 [hbm:s6], $0xF7A  }
0x23: {  	s9 =	sor.u32 $0xD0000000, s2;
	s6 =	simm.s32 $0x108;
	_ =	swait.ge @!p0 [sflag:s8], $0x0  }
0x24: {  	s3 =	sadd.s32 $0x88, s3;
	s6 =	simm.s32 @!p1 $0x1082;
	[sflag:s4] =	ssyncset.s32 $0xFFFFF086  }
0x25: {  	[simem:s6], [sflag:s4] =	dma.local [hbm:s3], $0xF7A  }
0x26: {  	[smem:$0x3F95] =	sst s1;
	(tag) =	ssettag s2;
	_ =	strace s9  }
0x27: {  	s1 =	sld [smem:$0x3FA5]  }
0x28: {  	s2 =	sld [smem:$0x3FA6]  }
0x29: {  	s4 =	sld [smem:$0x3FA8]  }
0x2a: {  	p0 =	seq.s32 s5, $0x0;
	s5 =	sld [smem:$0x3FA9]  }
0x2b: {  	s6 =	sld [smem:$0x3FAA]  }
0x2c: {  	s7 =	sld [smem:$0x3FAB]  }
0x2d: {  	s3 =	simm.s32 $0x108;
	s8 =	sld [smem:$0x3FAC]  }
0x2e: {  	s3 =	simm.s32 @!p0 $0x1082;
	s9 =	sld [smem:$0x3FAD]  }
0x2f: {  	lr =	sadd.s32 s0, s3;
	s0 =	sld [smem:$0x3FA4]  }
0x30: {  	s3 =	sld [smem:$0x3FA7]  }
0x31: {  	[smem:$0x3FB0] =	sst s10  }
0x32: {  	s10 =	sld [smem:$0x3FAE];
	_ =	sdelay $0x3  }
0x33: {  	p0 =	seq.s32 s10, $0x1;
	s10 =	sld [smem:$0x3FB0];
	_ =	sdelay $0x3  }
0x34: {  	[smem:$0x3FB0] =	sst s10  }
0x35: {  	s10 =	sld [smem:$0x3FAF];
	_ =	sdelay $0x3  }
0x36: {  	p1 =	seq.s32 s10, $0x1;
	s10 =	sld [smem:$0x3FB0];
	_ =	sdelay $0x3  }
0x37: {  	[smem:$0x3FB0] =	sst s10  }
0x38: {  	s10 =	sld [smem:$0x3FB1]  }
0x39: {  	_ = 	snop;
	(pc) =	sbr.ind lr, $3  }
0x3a: {  	_ = 	snop  }
0x3b: {  	_ = 	snop  }
0x3c: {  	p2 =	seq.s32 s10, $0x1;
	s10 =	sld [smem:$0x3FB0]  }
0x3d: {  	_ =	shalt  }
0x3e: {  	_ =	shalt  }
0x3f: {  	_ =	shalt  }
0x40: {  	_ =	shalt  }
0x41: {  	_ =	shalt  }
0x42: {  	_ =	shalt  }
0x43: {  	_ =	shalt  }
0x44: {  	_ =	shalt  }
0x45: {  	_ =	shalt  }
0x46: {  	_ =	shalt  }
0x47: {  	_ =	shalt  }
0x48: {  	_ =	shalt  }
0x49: {  	_ =	shalt  }
0x4a: {  	_ =	shalt  }
0x4b: {  	_ =	shalt  }
0x4c: {  	_ =	shalt  }
0x4d: {  	_ =	shalt  }
0x4e: {  	_ =	shalt  }
0x4f: {  	_ =	shalt  }
0x50: {  	_ =	shalt  }
0x51: {  	_ =	shalt  }
0x52: {  	_ =	shalt  }
0x53: {  	_ =	shalt  }
0x54: {  	_ =	shalt  }
0x55: {  	_ =	shalt  }
0x56: {  	_ =	shalt  }
0x57: {  	_ =	shalt  }
0x58: {  	_ =	shalt  }
0x59: {  	_ =	shalt  }
0x5a: {  	_ =	shalt  }
0x5b: {  	_ =	shalt  }
0x5c: {  	_ =	shalt  }
0x5d: {  	_ =	shalt  }
0x5e: {  	_ =	shalt  }
0x5f: {  	_ =	shalt  }
0x60: {  	_ =	shalt  }
0x61: {  	_ =	shalt  }
0x62: {  	_ =	shalt  }
0x63: {  	_ =	shalt  }
0x64: {  	_ =	shalt  }
0x65: {  	_ =	shalt  }
0x66: {  	_ =	shalt  }
0x67: {  	_ =	shalt  }
0x68: {  	_ =	shalt  }
0x69: {  	_ =	shalt  }
0x6a: {  	_ =	shalt  }
0x6b: {  	_ =	shalt  }
0x6c: {  	_ =	shalt  }
0x6d: {  	_ =	shalt  }
0x6e: {  	_ =	shalt  }
0x6f: {  	_ =	shalt  }
0x70: {  	_ =	shalt  }
0x71: {  	_ =	shalt  }
0x72: {  	_ =	shalt  }
0x73: {  	_ =	shalt  }
0x74: {  	_ =	shalt  }
0x75: {  	_ =	shalt  }
0x76: {  	_ =	shalt  }
0x77: {  	_ =	shalt  }
0x78: {  	_ =	shalt  }
0x79: {  	_ =	shalt  }
0x7a: {  	_ =	shalt  }
0x7b: {  	_ =	shalt  }
0x7c: {  	_ =	shalt  }
0x7d: {  	_ =	shalt  }
0x7e: {  	_ =	shalt  }
0x7f: {  	_ =	shalt  }
0x80: {  	_ =	shalt  }
0x81: {  	_ =	shalt  }
0x82: {  	_ =	shalt  }
0x83: {  	_ =	shalt  }
0x84: {  	_ =	shalt  }
0x85: {  	_ =	shalt  }
0x86: {  	_ =	shalt  }
0x87: {  	_ =	shalt  }
.Lfunc_end0:
.L_simem_size_0:
called_computation_lowered:
.L_overlay_start_0:
0x88: {  	s2 =	sld [smem:$0x3FD9]  }
0x89: {  	s3 =	sld [smem:$0x3FFE];
	_ =	sdelay $0x1  }
0x8a: {  	s1 =	srdreg.scid  }
0x8b: {  	s0 =	sand.u32 $0x1, s1  }
0x8c: {  	s17 =	sshll.u32 s0, $0xA;
	s2 =	sadd.s32 s3, s2  }
0x8d: {  	s2 =	sadd.s32 s2, s17  }
0x8e: {  	[smem:$0x3FBC] =	sst s2  }
0x8f: {  	_ = 	snop  }
0x90: {  	s2 =	sld [smem:$0x3FC9]  }
0x91: {  	s18 =	sld [smem:$0x3FC5]  }
0x92: {  	s4 =	sld [smem:$0x3FD0];
	(tm) =	ssettm $0x1  }
0x93: {  	s5 =	sld [smem:$0x3FFB];
	_ =	sdelay $0x3  }
0x94: {  	_ =	strace s5  }
0x95: {  	s5 =	sld [smem:$0x3FFC];
	_ =	sdelay $0x3  }
0x96: {  	_ =	strace s5  }
0x97: {  	s5 =	sld [smem:$0x3FFD];
	_ =	sdelay $0x3  }
0x98: {  	_ =	strace s5  }
0x99: {  	_ =	strace $0x8FFFFFFF  }
0x9a: {  	s19 =	sld [smem:$0x3FDB];
	_ =	sdelay $0x1  }
0x9b: {  	s6 =	simm.s32 $_scs_section_size  }
0x9c: {  	s7 =	simm.s32 $_size__tile_overlayer_lowered;
	s8 =	simm.s32 $_tile_overlayer_lowered  }
0x9d: {  	s22 =	simm.s32 $0x1BFF;
	s21 =	sshll.u32 s8, $0x1;
	s5 =	sadd.s32 s6, s19  }
0x9e: {  	s9 =	simm.s32 $0x0;
	s20 =	sshll.u32 s7, $0x1;
	s7 =	sadd.s32 s21, s5  }
0x9f: {  	[timem:s9], [sflag:s22] =	dma.local [hbm:s7], s20  }
0xa0: {  	_ =	swait.ge [sflag:s22], s20  }
0xa1: {  	s6 =	ssub.s32 $0x0, s20;
	[sflag:s22] =	ssyncset.done $0x0  }
0xa2: {  	[sflag:s22] =	ssyncadd.s32 s6;
	_ =	sdelay $0x1  }
0xa3: {  	s23 =	simm.s32 $0x1B8B  }
0xa4: {  	_ =	swait.ge [sflag:s23], $0x1  }
0xa5: {  	[sflag:s23] =	ssyncset.done $0x0  }
0xa6: {  	s25 =	simm.s32 $0x1B8E;
	s24 =	sld [smem:$0x3FFE];
	[sflag:s23] =	ssyncadd.s32 $0xFFFFFFFF  }
0xa7: {  	s26 =	simm.s32 $execute0_lowered;
	[smem:$0x3FD2] =	sst s25  }
0xa8: {  	s7 =	sshll.u32 s26, $0x1;
	_ =	strace $0x80000046;
	[dreg:$0x1] =	wrdreg $0xFFFFFFFF  }
0xa9: {  	s28 =	simm.s32 $_size_execute0_lowered;
	s5 =	sadd.s32 s5, s7;
	[dreg:$0x0] =	wrdreg $0x0  }
0xaa: {  	s7 =	sshll.u32 s28, $0x1;
	[dreg:$0x2] =	wrdreg s5  }
0xab: {  	[dreg:$0x3] =	wrdreg s7  }
0xac: {  	[dreg:$0x4] =	wrdreg $0xC0  }
0xad: {  	_ =	task [dreg:s9], $0x5FFFF  }
0xae: {  	[dreg:$0x1] =	wrdreg $0xFFFFFFFF  }
0xaf: {  	[dreg:$0x0] =	wrdreg $0x60  }
0xb0: {  	[dreg:$0x2] =	wrdreg s24  }
0xb1: {  	[dreg:$0x3] =	wrdreg s2  }
0xb2: {  	[dreg:$0x4] =	wrdreg s18  }
0xb3: {  	[dreg:$0x5] =	wrdreg s4  }
0xb4: {  	[dreg:$0x6] =	wrdreg $0xB7800  }
0xb5: {  	[dreg:$0x7] =	wrdreg $0x9  }
0xb6: {  	_ =	task.clear_ibuf [dreg:s9], $0x8FFFF;
	_ =	strace $0x90000046  }
0xb7: {  	s29 =	simm.s32 $0x9;
	_ =	strace $0x80000048  }
0xb8: {  	_ =	swait.ge [sflag:s29], $0x1  }
0xb9: {  	[sflag:s29] =	ssyncadd.s32 $0xFFFFFFFF  }
0xba: {  	_ =	strace $0x90000048  }
0xbb: {  	_ =	sfence  }
0xbc: {  	s30 =	sld [smem:$0x0];
	_ =	sdelay $0x2  }
0xbd: {  	s31 =	sshll.u32 s1, $0xD;
	s1 =	sshrl.u32 s1, $0x2  }
0xbe: {  	s3 =	sand.u32 $0x4000, s31;
	s1 =	sadd.s32 s1, s30  }
0xbf: {  	s0 =	sor.u32 s3, s0;
	s1 =	sshll.u32 s1, $0x11  }
0xc0: {  	s0 =	sor.u32 s1, s0  }
0xc1: {  	s0 =	sadd.s32 $0x8F2B, s0  }
0xc2: {  	[sflag:s0] =	ssyncadd.remote.s32 $0x1  }
0xc3: {  	_ =	sfence.sel $0xFFFF  }
0xc4: {  	[dreg:$0x0] =	wrdreg $0xFFFFFFFF;
	(pc) =	sbr.abs _section_cstart, $3  }
0xc5: {  	[dreg:$0x1] =	wrdreg $0xFFFFFFFF  }
0xc6: {  	_ =	task.clear_ibuf [dreg:s9], $0x2FFFF;
	_ =	strace $0x9FFFFFFF  }
0xc7: {  	(tm) =	ssettm $0x7FFFFFFF  }
tec
execute0_lowered:
.L_overlay_start_1:
0x0: {  	(tag) =	ssettag $0x1  }
0x1: {  	s0 =	srdreg.scid;
	s11 =	rddreg [dreg:$0x0]  }
0x2: {  	s1 =	simm.s32 $0x0;
	s28 =	stileid.u32;
	s2 =	sand.u32 $0x1, s0  }
0x3: {  	[smem:$0x7FF] =	sst s1;
	s3 =	sshll.u32 s28, $0x1;
	s22 =	smul.u32 $0x13C00, s28  }
0x4: {  	s23 =	sadd.s32 $0x51A000, s11;
	s0 =	ssub.s32 $0x2, s2;
	s1 =	sor.u32 s2, s3  }
0x5: {  	s24 =	sshrl.u32 s0, $0x1;
	s21 =	sadd.s32 $0x1000, s22;
	s18 =	sadd.s32 $0x2000, s22  }
0x6: {  	s19 =	sadd.s32 $0x3000, s22;
	s20 =	sadd.s32 $0x4000, s22;
	s15 =	sadd.s32 $0x5000, s22  }
0x7: {  	s16 =	sadd.s32 $0x6000, s22;
	s17 =	sadd.s32 $0x7000, s22;
	s12 =	sadd.s32 $0x8000, s22  }
0x8: {  	s13 =	sadd.s32 $0x9000, s22;
	s14 =	sadd.s32 $0xA000, s22;
	s8 =	sadd.s32 $0xB000, s22  }
0x9: {  	s9 =	sadd.s32 $0xC000, s22;
	s0 =	ssub.s32 s0, s24;
	s24 =	smul.u32 $0x13C000, s2  }
0xa: {  	s10 =	sadd.s32 $0xD000, s22;
	s5 =	sadd.s32 $0xE000, s22;
	s6 =	sadd.s32 $0xF000, s22  }
0xb: {  	s7 =	sadd.s32 $0x10000, s22;
	s3 =	sadd.s32 $0x11000, s22;
	s2 =	sadd.s32 s22, s24  }
0xc: {  	s4 =	sadd.s32 $0x12000, s22;
	s26 =	sadd.s32 s24, s21;
	s25 =	sshrl.u32 s2, $0x3  }
0xd: {  	s2 =	sadd.s32 $0x13000, s22;
	s22 =	sshrl.u32 s26, $0x3;
	s25 =	sadd.s32 s23, s25  }
0xe: {  	s26 =	sadd.s32 s24, s19;
	s22 =	sadd.s32 s23, s22;
	[dreg:$0x6] =	wrdreg s25  }
0xf: {  	s31 =	sadd.s32 s24, s18;
	s26 =	sshrl.u32 s26, $0x3;
	[dreg:$0x7] =	wrdreg s22  }
0x10: {  	s25 =	sshrl.u32 s31, $0x3;
	s31 =	sadd.s32 s23, s26;
	s26 =	sadd.s32 s24, s15  }
0x11: {  	s22 =	sadd.s32 s23, s25;
	[dreg:$0x9] =	wrdreg s31;
	s25 =	sadd.s32 s24, s20  }
0x12: {  	s31 =	sadd.s32 s24, s16;
	[dreg:$0x8] =	wrdreg s22;
	s22 =	sshrl.u32 s25, $0x3  }
0x13: {  	s25 =	sshrl.u32 s26, $0x3;
	s26 =	sshrl.u32 s31, $0x3;
	s22 =	sadd.s32 s23, s22  }
0x14: {  	s31 =	sadd.s32 s23, s26;
	s26 =	sadd.s32 s24, s12;
	[dreg:$0xa] =	wrdreg s22  }
0x15: {  	s22 =	sadd.s32 s23, s25;
	[dreg:$0xc] =	wrdreg s31;
	s25 =	sadd.s32 s24, s17  }
0x16: {  	s31 =	sadd.s32 s24, s13;
	[dreg:$0xb] =	wrdreg s22;
	s22 =	sshrl.u32 s25, $0x3  }
0x17: {  	s25 =	sshrl.u32 s26, $0x3;
	s26 =	sshrl.u32 s31, $0x3;
	s22 =	sadd.s32 s23, s22  }
0x18: {  	s31 =	sadd.s32 s23, s26;
	[dreg:$0xd] =	wrdreg s22  }
0x19: {  	s26 =	sadd.s32 s24, s8;
	s22 =	sadd.s32 s23, s25;
	[dreg:$0xf] =	wrdreg s31  }
0x1a: {  	s25 =	sadd.s32 s24, s14;
	s31 =	sadd.s32 s24, s9;
	[dreg:$0xe] =	wrdreg s22  }
0x1b: {  	s22 =	sshrl.u32 s25, $0x3;
	s25 =	sshrl.u32 s26, $0x3;
	s26 =	sshrl.u32 s31, $0x3  }
0x1c: {  	s22 =	sadd.s32 s23, s22;
	s31 =	sadd.s32 s23, s26  }
0x1d: {  	s26 =	sadd.s32 s24, s5;
	[dreg:$0x10] =	wrdreg s22;
	s22 =	sadd.s32 s23, s25  }
0x1e: {  	[dreg:$0x12] =	wrdreg s31;
	s25 =	sadd.s32 s24, s10;
	s31 =	sadd.s32 s24, s6  }
0x1f: {  	[dreg:$0x11] =	wrdreg s22;
	s22 =	sshrl.u32 s25, $0x3;
	s25 =	sshrl.u32 s26, $0x3  }
0x20: {  	s31 =	sshrl.u32 s31, $0x3;
	s26 =	sadd.s32 s24, s7;
	s22 =	sadd.s32 s23, s22  }
0x21: {  	[dreg:$0x13] =	wrdreg s22;
	s22 =	sadd.s32 s23, s25;
	s25 =	sadd.s32 s23, s31  }
0x22: {  	s31 =	sadd.s32 s24, s3;
	[dreg:$0x14] =	wrdreg s22;
	s22 =	sshrl.u32 s26, $0x3  }
0x23: {  	s31 =	sshrl.u32 s31, $0x3;
	s22 =	sadd.s32 s23, s22  }
0x24: {  	[dreg:$0x16] =	wrdreg s22;
	s22 =	sadd.s32 s23, s31  }
0x25: {  	[dreg:$0x17] =	wrdreg s22;
	s22 =	sadd.s32 s24, s4  }
0x26: {  	v0 =	vlaneseq.u32;
	[dreg:$0x15] =	wrdreg s25;
	s24 =	sadd.s32 s24, s2;
	s25 =	sshrl.u32 s22, $0x3  }
0x27: {  	v1 =	vmul.u32 $0x80, v0;
	s26 =	rddreg [dreg:$0x1];
	s24 =	sshrl.u32 s24, $0x3;
	s25 =	sadd.s32 s23, s25  }
0x28: {  	s23 =	sadd.s32 s23, s24;
	[dreg:$0x18] =	wrdreg s25  }
0x29: {  	v3 =	vor.u32 $0x801, v1;
	[dreg:$0x19] =	wrdreg s23  }
0x2a: {  	v48 =	vor.u32 $0x1, v1;
	s22 =	rddreg [dreg:$0x4];
	_ =	strace $0x80000047;
	[tilespmem:$0x1FD10] =	vst v3  }
0x2b: {  	v49 =	vor.u32 $0x2, v1;
	[tilespmem:$0x1FFE0] =	vst v48  }
0x2c: {  	v3 =	vor.u32 $0x802, v1;
	[tilespmem:$0x1FFF0] =	vst v49  }
0x2d: {  	[tilespmem:$0x1FD20] =	vst v3;
	v3 =	vor.u32 $0x803, v1  }
0x2e: {  	[tilespmem:$0x1FD30] =	vst v3;
	v3 =	vor.u32 $0x804, v1  }
0x2f: {  	[tilespmem:$0x1FD40] =	vst v3;
	v3 =	vor.u32 $0x805, v1  }
0x30: {  	[tilespmem:$0x1FD50] =	vst v3;
	v3 =	vor.u32 $0x29, v1  }
0x31: {  	[tilespmem:$0x1FD60] =	vst v3;
	v3 =	vor.u32 $0x2A, v1  }
0x32: {  	[tilespmem:$0x1FD70] =	vst v3;
	v3 =	vor.u32 $0x2B, v1  }
0x33: {  	[tilespmem:$0x1FD80] =	vst v3;
	v3 =	vor.u32 $0x2C, v1  }
0x34: {  	[tilespmem:$0x1FD90] =	vst v3;
	v3 =	vor.u32 $0x2D, v1  }
0x35: {  	[tilespmem:$0x1FDA0] =	vst v3;
	v3 =	vor.u32 $0x2E, v1  }
0x36: {  	[tilespmem:$0x1FDB0] =	vst v3;
	v3 =	vor.u32 $0x2F, v1  }
0x37: {  	[tilespmem:$0x1FDC0] =	vst v3;
	v3 =	vor.u32 $0x30, v1  }
0x38: {  	[tilespmem:$0x1FDD0] =	vst v3;
	v3 =	vor.u32 $0x31, v1  }
0x39: {  	[tilespmem:$0x1FDE0] =	vst v3;
	v3 =	vor.u32 $0x32, v1  }
0x3a: {  	s31 =	smul.u32 $0x4F000, s28;
	[tilespmem:$0x1FDF0] =	vst v3;
	v3 =	vor.u32 $0x33, v1  }
0x3b: {  	s25 =	sadd.s32 $0x519800, s11;
	[tilespmem:$0x1FE00] =	vst v3;
	v3 =	vor.u32 $0x34, v1  }
0x3c: {  	s23 =	sshrl.u32 s31, $0x2;
	s31 =	sadd.s32 $0x519E00, s11;
	[dreg:$0x1a] =	wrdreg s25;
	[tilespmem:$0x1FE10] =	vst v3;
	v3 =	vor.u32 $0x35, v1  }
0x3d: {  	s16 =	sadd.s32 s16, s22;
	[dreg:$0x1b] =	wrdreg s31;
	[tilespmem:$0x1FE20] =	vst v3;
	v3 =	vor.u32 $0x36, v1  }
0x3e: {  	s8 =	sadd.s32 s8, s22;
	[smem:$0x7E8] =	sst s16;
	[tilespmem:$0x1FE30] =	vst v3;
	v3 =	vor.u32 $0x37, v1  }
0x3f: {  	s5 =	sadd.s32 s5, s22;
	[smem:$0x7ED] =	sst s8;
	[tilespmem:$0x1FE40] =	vst v3;
	v3 =	vor.u32 $0x38, v1  }
0x40: {  	s3 =	sadd.s32 s3, s22;
	[smem:$0x7F0] =	sst s5;
	[tilespmem:$0x1FE50] =	vst v3;
	v3 =	vor.u32 $0x39, v1  }
0x41: {  	s0 =	smax.u32 s0, $0x1;
	[smem:$0x7F3] =	sst s3;
	[tilespmem:$0x1FE60] =	vst v3;
	v3 =	vor.u32 $0x3A, v1  }
0x42: {  	s21 =	sadd.s32 s21, s22;
	[smem:$0x7F7] =	sst s0;
	[tilespmem:$0x1FE70] =	vst v3;
	v3 =	vor.u32 $0x3B, v1  }
0x43: {  	s18 =	sadd.s32 s18, s22;
	[dreg:$0x1f] =	wrdreg s21;
	[tilespmem:$0x1FE80] =	vst v3;
	v3 =	vor.u32 $0x3C, v1  }
0x44: {  	s30 =	simm.s32 $0x3;
	s20 =	sadd.s32 s20, s22;
	[smem:$0x7FA] =	sst s18;
	[tilespmem:$0x1FE90] =	vst v3;
	v3 =	vor.u32 $0x3D, v1  }
0x45: {  	s29 =	sadd.s32 $0x4F2600, s11;
	s15 =	sadd.s32 s15, s22;
	[smem:$0x7FB] =	sst s20;
	[tilespmem:$0x1FEA0] =	vst v3;
	v3 =	vor.u32 $0x3E, v1  }
0x46: {  	s28 =	sadd.s32 $0x2600, s11;
	s25 =	sadd.s32 $0x519C00, s11;
	[smem:$0x7FC] =	sst s15;
	[tilespmem:$0x1FEB0] =	vst v3;
	v3 =	vor.u32 $0x3F, v1  }
0x47: {  	s11 =	sadd.s32 $0x519A00, s11;
	s24 =	sadd.s32 s23, s22;
	[dreg:$0x1c] =	wrdreg s25;
	[tilespmem:$0x1FEC0] =	vst v3;
	v3 =	vor.u32 $0x820, v1  }
0x48: {  	s31 =	sadd.s32 s19, s22;
	s19 =	sadd.s32 s17, s22;
	[dreg:$0x1d] =	wrdreg s11;
	[tilespmem:$0x1FED0] =	vst v3;
	v3 =	vor.u32 $0x821, v1  }
0x49: {  	s23 =	sadd.s32 s12, s22;
	s12 =	sadd.s32 s10, s22;
	[smem:$0x7E7] =	sst s31;
	[tilespmem:$0x1FEE0] =	vst v3;
	v3 =	vor.u32 $0x822, v1  }
0x4a: {  	s16 =	sadd.s32 s4, s22;
	s17 =	sshll.u32 s1, $0x9;
	[smem:$0x7E9] =	sst s19;
	[tilespmem:$0x1FEF0] =	vst v3;
	v3 =	vor.u32 $0x823, v1  }
0x4b: {  	s0 =	simm.s32 $0xA480;
	s3 =	simm.s32 $0x20;
	[smem:$0x7EA] =	sst s23;
	[tilespmem:$0x1FF00] =	vst v3;
	v3 =	vor.u32 $0x824, v1  }
0x4c: {  	s4 =	simm.s32 $0x2000;
	s5 =	simm.s32 $0x2100;
	[smem:$0x7EF] =	sst s12;
	[tilespmem:$0x1FF10] =	vst v3;
	v3 =	vor.u32 $0x825, v1  }
0x4d: {  	s10 =	simm.s32 $0x2080;
	s8 =	simm.s32 $0x0;
	[smem:$0x7F4] =	sst s16;
	[tilespmem:$0x1FF20] =	vst v3;
	v3 =	vor.u32 $0x826, v1  }
0x4e: {  	s25 =	sadd.s32 s13, s22;
	s31 =	sadd.s32 s14, s22;
	[dreg:$0x1e] =	wrdreg s24;
	[tilespmem:$0x1FF30] =	vst v3;
	v3 =	vor.u32 $0x827, v1  }
0x4f: {  	s11 =	sadd.s32 s9, s22;
	s13 =	sadd.s32 s6, s22;
	[smem:$0x7EB] =	sst s25;
	[tilespmem:$0x1FF40] =	vst v3;
	v3 =	vor.u32 $0x828, v1  }
0x50: {  	s14 =	sadd.s32 s7, s22;
	s23 =	smov.u32 s22;
	[smem:$0x7EC] =	sst s31;
	[tilespmem:$0x1FF50] =	vst v3;
	v3 =	vor.u32 $0x829, v1  }
0x51: {  	s22 =	sadd.s32 s2, s22;
	s19 =	sadd.s32 s28, s17;
	[smem:$0x7EE] =	sst s11;
	[tilespmem:$0x1FF60] =	vst v3;
	v3 =	vor.u32 $0x82A, v1  }
0x52: {  	v2 =	vimm.f32 $0.0e+00;
	v53 =	vimm.s32 $0x2;
	s2 =	simm.s32 $0x1000;
	s6 =	simm.s32 $0x4400;
	[smem:$0x7F1] =	sst s13;
	[tilespmem:$0x1FF70] =	vst v3;
	v3 =	vor.u32 $0x82B, v1  }
0x53: {  	v15 =	vor.u32 $0x10, v0;
	v50 =	vor.u32 $0x3, v1;
	s7 =	simm.s32 $0x6400;
	s9 =	simm.s32 $0x2;
	[smem:$0x7F2] =	sst s14;
	[tilespmem:$0x1FF80] =	vst v3;
	v3 =	vor.u32 $0x82C, v1  }
0x54: {  	v39 =	vor.u32 $0x20, v1;
	v40 =	vor.u32 $0x21, v1;
	s12 =	simm.s32 $0x2180;
	s16 =	simm.s32 $0x1;
	[smem:$0x7F8] =	sst s19;
	[tilespmem:$0x1FF90] =	vst v3;
	v3 =	vor.u32 $0x82D, v1  }
0x55: {  	v41 =	vor.u32 $0x22, v1;
	v42 =	vor.u32 $0x23, v1;
	s17 =	simm.s32 $0x2300;
	s25 =	sor.u32 $0x40, s1;
	[smem:$0x7FD] =	sst s22;
	[tilespmem:$0x1FFA0] =	vst v3;
	v3 =	vor.u32 $0x82E, v1  }
0x56: {  	v43 =	vor.u32 $0x24, v1;
	v44 =	vor.u32 $0x25, v1;
	s1 =	sor.u32 $0x60, s1;
	s31 =	sadd.s32 $0x4000, s19;
	[smem:$0x7F5] =	sst s25;
	[tilespmem:$0x1FFB0] =	vst v3;
	v3 =	vor.u32 $0x82F, v1  }
0x57: {  	v51 =	vor.u32 $0x4, v1;
	v45 =	vor.u32 $0x26, v1;
	s13 =	simm.s32 $0x5400;
	s14 =	simm.s32 $0x7400;
	[smem:$0x7F6] =	sst s1;
	[tilespmem:$0x1FFC0] =	vst v3;
	v3 =	vor.u32 $0x830, v1  }
0x58: {  	v52 =	vor.u32 $0x5, v1;
	v46 =	vor.u32 $0x27, v1;
	v47 =	vor.u32 $0x28, v1;
	s19 =	simm.s32 $0xA400;
	[smem:$0x7F9] =	sst s31;
	s25 =	simm.s32 $0x2380;
	[tilespmem:$0x1FFD0] =	vst v3  }
.LBB2_1:
0x59: {  	[smem:$0x7E6] =	sst s8  }
0x5a: {  	s1 =	simm.s32 $0x0;
	s11 =	rddreg [dreg:$0x1a]  }
0x5b: {  	[tilespmem:s0], [sflag:$0x3] =	stream.linear.gather [hbm4b:s11+s1], $0x200, $0x38;
	[tilespmem:$0x1F380] =	vst v63  }
0x5c: {  	_ =	swait.ge [sflag:s30], $0x200  }
0x5d: {  	[sflag:s30] =	ssyncset.done $0x0  }
0x5e: {  	s11 =	simm.s32 $0xA680;
	s31 =	rddreg [dreg:$0x1b];
	[sflag:s30] =	ssyncadd.s32 $0xFFFFFE00  }
0x5f: {  	[tilespmem:s11], [sflag:$0x3] =	stream.linear.gather [hbm4b:s31+s1], $0x1000, $0x38;
	[tilespmem:$0x1F380] =	vst v63  }
0x60: {  	_ =	swait.ge [sflag:s30], $0x1000  }
0x61: {  	[sflag:s30] =	ssyncset.done $0x0  }
0x62: {  	s31 =	simm.s32 $0xB680;
	s11 =	rddreg [dreg:$0x1c];
	[sflag:s30] =	ssyncadd.s32 $0xFFFFF000  }
0x63: {  	[tilespmem:s31], [sflag:$0x3] =	stream.linear.gather [hbm4b:s11+s1], $0x80, $0x38;
	[tilespmem:$0x1F380] =	vst v63  }
0x64: {  	_ =	swait.ge [sflag:s30], $0x80  }
0x65: {  	[sflag:s30] =	ssyncset.done $0x0  }
0x66: {  	s31 =	simm.s32 $0xB700;
	s11 =	rddreg [dreg:$0x1d];
	[sflag:s30] =	ssyncadd.s32 $0xFFFFFF80  }
0x67: {  	[tilespmem:s31], [sflag:$0x3] =	stream.linear.gather [hbm4b:s11+s1], $0x80, $0x38;
	[tilespmem:$0x1F380] =	vst v63  }
0x68: {  	_ =	swait.ge [sflag:s30], $0x80  }
0x69: {  	[sflag:s30] =	ssyncset.done $0x0  }
0x6a: {  	s8 =	simm.s32 $0x200;
	s1 =	simm.s32 $0x0;
	[sflag:s30] =	ssyncadd.s32 $0xFFFFFF80  }
.LBB2_2:
0x6b: {  	p0 =	sne.s32 s8, $0x3E00;
	[tilespmem:s1+$0x2470] =	vst v2  }
0x6c: {  	[tilespmem:s1+$0x2400] =	vst v2  }
0x6d: {  	[tilespmem:s1+$0x2410] =	vst v2  }
.Ltmp0:
0x6e: {  	[tilespmem:s1+$0x2420] =	vst v2;
	(pc) =	sbr.rel @p0 .LBB2_2-.Ltmp0, $4  }
0x6f: {  	[tilespmem:s1+$0x2430] =	vst v2  }
0x70: {  	[tilespmem:s1+$0x2440] =	vst v2  }
0x71: {  	[tilespmem:s1+$0x2450] =	vst v2  }
0x72: {  	[tilespmem:s1+$0x2460] =	vst v2;
	s1 =	sshra.s32 s8, $0x2;
	s8 =	sadd.s32 $0x200, s8  }
0x73: {  	[tilespmem:s1+$0x2470] =	vst v2  }
0x74: {  	[tilespmem:s1+$0x2400] =	vst v2  }
0x75: {  	[tilespmem:s1+$0x2410] =	vst v2  }
0x76: {  	[tilespmem:s1+$0x2420] =	vst v2  }
0x77: {  	[tilespmem:s1+$0x2430] =	vst v2  }
0x78: {  	[tilespmem:s1+$0x2440] =	vst v2  }
0x79: {  	[tilespmem:s1+$0x2450] =	vst v2  }
0x7a: {  	[tilespmem:s1+$0x2460] =	vst v2;
	s8 =	simm.s32 $0x2400  }
0x7b: {  	[spmem:s24] =	stream.linear.scatter [tilespmem:s8], [sflag:$0x3], $0x1000, $0x38;
	[tilespmem:$0x1F380] =	vst v63  }
0x7c: {  	_ =	swait.ge [sflag:s30], $0x1000  }
0x7d: {  	[sflag:s30] =	ssyncset.done $0x0  }
0x7e: {  	[sflag:s30] =	ssyncadd.s32 $0xFFFFF000  }
0x7f: {  	[spmem:s21] =	stream.linear.scatter [tilespmem:s8], [sflag:$0x3], $0x1000, $0x38;
	[tilespmem:$0x1F380] =	vst v63  }
0x80: {  	_ =	swait.ge [sflag:s30], $0x1000  }
0x81: {  	[sflag:s30] =	ssyncset.done $0x0  }
0x82: {  	[sflag:s30] =	ssyncadd.s32 $0xFFFFF000  }
0x83: {  	[spmem:s18] =	stream.linear.scatter [tilespmem:s8], [sflag:$0x3], $0x1000, $0x38;
	[tilespmem:$0x1F380] =	vst v63  }
0x84: {  	_ =	swait.ge [sflag:s30], $0x1000  }
0x85: {  	s18 =	sld [smem:$0x7E7]  }
0x86: {  	[sflag:s30] =	ssyncset.done $0x0  }
0x87: {  	[sflag:s30] =	ssyncadd.s32 $0xFFFFF000  }
0x88: {  	[spmem:s18] =	stream.linear.scatter [tilespmem:s8], [sflag:$0x3], $0x1000, $0x38;
	[tilespmem:$0x1F380] =	vst v63  }
0x89: {  	_ =	swait.ge [sflag:s30], $0x1000  }
0x8a: {  	[sflag:s30] =	ssyncset.done $0x0  }
0x8b: {  	[sflag:s30] =	ssyncadd.s32 $0xFFFFF000  }
0x8c: {  	[spmem:s20] =	stream.linear.scatter [tilespmem:s8], [sflag:$0x3], $0x1000, $0x38;
	[tilespmem:$0x1F380] =	vst v63  }
0x8d: {  	_ =	swait.ge [sflag:s30], $0x1000  }
0x8e: {  	[sflag:s30] =	ssyncset.done $0x0  }
0x8f: {  	[sflag:s30] =	ssyncadd.s32 $0xFFFFF000  }
0x90: {  	[spmem:s15] =	stream.linear.scatter [tilespmem:s8], [sflag:$0x3], $0x1000, $0x38;
	[tilespmem:$0x1F380] =	vst v63  }
0x91: {  	_ =	swait.ge [sflag:s30], $0x1000  }
0x92: {  	s21 =	sld [smem:$0x7E8]  }
0x93: {  	[sflag:s30] =	ssyncset.done $0x0  }
0x94: {  	[sflag:s30] =	ssyncadd.s32 $0xFFFFF000  }
0x95: {  	[spmem:s21] =	stream.linear.scatter [tilespmem:s8], [sflag:$0x3], $0x1000, $0x38;
	[tilespmem:$0x1F380] =	vst v63  }
0x96: {  	_ =	swait.ge [sflag:s30], $0x1000  }
0x97: {  	s24 =	sld [smem:$0x7E9]  }
0x98: {  	[sflag:s30] =	ssyncset.done $0x0  }
0x99: {  	[sflag:s30] =	ssyncadd.s32 $0xFFFFF000  }
0x9a: {  	[spmem:s24] =	stream.linear.scatter [tilespmem:s8], [sflag:$0x3], $0x1000, $0x38;
	[tilespmem:$0x1F380] =	vst v63  }
0x9b: {  	_ =	swait.ge [sflag:s30], $0x1000  }
0x9c: {  	s31 =	sld [smem:$0x7EA]  }
0x9d: {  	[sflag:s30] =	ssyncset.done $0x0  }
0x9e: {  	[sflag:s30] =	ssyncadd.s32 $0xFFFFF000  }
0x9f: {  	[spmem:s31] =	stream.linear.scatter [tilespmem:s8], [sflag:$0x3], $0x1000, $0x38;
	[tilespmem:$0x1F380] =	vst v63  }
0xa0: {  	_ =	swait.ge [sflag:s30], $0x1000  }
0xa1: {  	s11 =	sld [smem:$0x7EB]  }
0xa2: {  	[sflag:s30] =	ssyncset.done $0x0  }
0xa3: {  	[sflag:s30] =	ssyncadd.s32 $0xFFFFF000  }
0xa4: {  	[spmem:s11] =	stream.linear.scatter [tilespmem:s8], [sflag:$0x3], $0x1000, $0x38;
	[tilespmem:$0x1F380] =	vst v63  }
0xa5: {  	_ =	swait.ge [sflag:s30], $0x1000  }
0xa6: {  	s15 =	sld [smem:$0x7EC]  }
0xa7: {  	[sflag:s30] =	ssyncset.done $0x0  }
0xa8: {  	[sflag:s30] =	ssyncadd.s32 $0xFFFFF000  }
0xa9: {  	[spmem:s15] =	stream.linear.scatter [tilespmem:s8], [sflag:$0x3], $0x1000, $0x38;
	[tilespmem:$0x1F380] =	vst v63  }
0xaa: {  	_ =	swait.ge [sflag:s30], $0x1000  }
0xab: {  	s18 =	sld [smem:$0x7ED]  }
0xac: {  	[sflag:s30] =	ssyncset.done $0x0  }
0xad: {  	[sflag:s30] =	ssyncadd.s32 $0xFFFFF000  }
0xae: {  	[spmem:s18] =	stream.linear.scatter [tilespmem:s8], [sflag:$0x3], $0x1000, $0x38;
	[tilespmem:$0x1F380] =	vst v63  }
0xaf: {  	_ =	swait.ge [sflag:s30], $0x1000  }
0xb0: {  	s20 =	sld [smem:$0x7EE]  }
0xb1: {  	[sflag:s30] =	ssyncset.done $0x0  }
0xb2: {  	[sflag:s30] =	ssyncadd.s32 $0xFFFFF000  }
0xb3: {  	[spmem:s20] =	stream.linear.scatter [tilespmem:s8], [sflag:$0x3], $0x1000, $0x38;
	[tilespmem:$0x1F380] =	vst v63  }
0xb4: {  	_ =	swait.ge [sflag:s30], $0x1000  }
0xb5: {  	s21 =	sld [smem:$0x7EF]  }
0xb6: {  	[sflag:s30] =	ssyncset.done $0x0  }
0xb7: {  	[sflag:s30] =	ssyncadd.s32 $0xFFFFF000  }
0xb8: {  	[spmem:s21] =	stream.linear.scatter [tilespmem:s8], [sflag:$0x3], $0x1000, $0x38;
	[tilespmem:$0x1F380] =	vst v63  }
0xb9: {  	_ =	swait.ge [sflag:s30], $0x1000  }
0xba: {  	s24 =	sld [smem:$0x7F0]  }
0xbb: {  	[sflag:s30] =	ssyncset.done $0x0  }
0xbc: {  	[sflag:s30] =	ssyncadd.s32 $0xFFFFF000  }
0xbd: {  	[spmem:s24] =	stream.linear.scatter [tilespmem:s8], [sflag:$0x3], $0x1000, $0x38;
	[tilespmem:$0x1F380] =	vst v63  }
0xbe: {  	_ =	swait.ge [sflag:s30], $0x1000  }
0xbf: {  	s31 =	sld [smem:$0x7F1]  }
0xc0: {  	[sflag:s30] =	ssyncset.done $0x0  }
0xc1: {  	[sflag:s30] =	ssyncadd.s32 $0xFFFFF000  }
0xc2: {  	[spmem:s31] =	stream.linear.scatter [tilespmem:s8], [sflag:$0x3], $0x1000, $0x38;
	[tilespmem:$0x1F380] =	vst v63  }
0xc3: {  	_ =	swait.ge [sflag:s30], $0x1000  }
0xc4: {  	s11 =	sld [smem:$0x7F2]  }
0xc5: {  	[sflag:s30] =	ssyncset.done $0x0  }
0xc6: {  	[sflag:s30] =	ssyncadd.s32 $0xFFFFF000  }
0xc7: {  	[spmem:s11] =	stream.linear.scatter [tilespmem:s8], [sflag:$0x3], $0x1000, $0x38;
	[tilespmem:$0x1F380] =	vst v63  }
0xc8: {  	_ =	swait.ge [sflag:s30], $0x1000  }
0xc9: {  	s15 =	sld [smem:$0x7F3]  }
0xca: {  	[sflag:s30] =	ssyncset.done $0x0  }
0xcb: {  	[sflag:s30] =	ssyncadd.s32 $0xFFFFF000  }
0xcc: {  	[spmem:s15] =	stream.linear.scatter [tilespmem:s8], [sflag:$0x3], $0x1000, $0x38;
	[tilespmem:$0x1F380] =	vst v63  }
0xcd: {  	_ =	swait.ge [sflag:s30], $0x1000  }
0xce: {  	s18 =	sld [smem:$0x7F4]  }
0xcf: {  	[sflag:s30] =	ssyncset.done $0x0  }
0xd0: {  	[sflag:s30] =	ssyncadd.s32 $0xFFFFF000  }
0xd1: {  	[spmem:s18] =	stream.linear.scatter [tilespmem:s8], [sflag:$0x3], $0x1000, $0x38;
	[tilespmem:$0x1F380] =	vst v63  }
0xd2: {  	_ =	swait.ge [sflag:s30], $0x1000  }
0xd3: {  	[sflag:s30] =	ssyncset.done $0x0  }
0xd4: {  	[sflag:s30] =	ssyncadd.s32 $0xFFFFF000  }
0xd5: {  	[spmem:s22] =	stream.linear.scatter [tilespmem:s8], [sflag:$0x3], $0xC00, $0x38;
	[tilespmem:$0x1F380] =	vst v63  }
0xd6: {  	_ =	swait.ge [sflag:s30], $0xC00  }
0xd7: {  	[sflag:s30] =	ssyncset.done $0x0  }
0xd8: {  	[sflag:s30] =	ssyncadd.s32 $0xFFFFF400  }
0xd9: {  	[bflag:$0x0] =	sbarrier.arrive $0xFFFF  }
0xda: {  	v3 =	vld [tilespmem:$0xB680]  }
0xdb: {  	s20 =	sld [smem:$0x7F8];
	_ =	sdelay $0x1  }
0xdc: {  	s11 =	simm.s32 $0x0  }
0xdd: {  	v17 =	vld [tilespmem:$0xB700];
	[tilespmem:s11], [sflag:$0x3] =	stream.linear.gather [hbm4b:s20+s11], $0x1000, $0x38  }
0xde: {  	[tilespmem:$0x1FD00] =	vst v3  }
0xdf: {  	_ =	swait.ge [sflag:s30], $0x1000  }
0xe0: {  	s21 =	sld [smem:$0x7F9]  }
0xe1: {  	[sflag:s30] =	ssyncset.done $0x0  }
0xe2: {  	[sflag:s30] =	ssyncadd.s32 $0xFFFFF000  }
0xe3: {  	[tilespmem:s2], [sflag:$0x2] =	stream.linear.gather [hbm4b:s21+s11], $0x1000, $0x38;
	[tilespmem:$0x1F380] =	vst v63  }
0xe4: {  	v3 =	vld.idx.msk [tilespmem:v48+s11+$0x0], $0xffff  }
0xe5: {  	v4 =	vld.idx.msk [tilespmem:v50+s11+$0x0], $0xffff;
	_ =	sdelay $0x2  }
0xe6: {  	v60 =	vld [tilespmem:$0x1FD30]  }
0xe7: {  	v61 =	vld [tilespmem:$0x1FD40]  }
0xe8: {  	v8 =	vimm.s32 $0x0;
	v5 =	vld.idx.msk [tilespmem:v51+s11+$0x0], $0xffff;
	vm0 =	vlt.s32 v3, v17;
	vm1 =	vge.s32 v4, v17  }
0xe9: {  	v6 =	vld.idx.msk [tilespmem:v49+s11+$0x0], $0xffff;
	v3 =	vsel vm0, $0x0, v53;
	v4 =	vsel vm1, $0x1, v8  }
0xea: {  	v7 =	vld.idx.msk [tilespmem:v52+s11+$0x0], $0xffff;
	v3 =	vor.u32 v4, v3  }
0xeb: {  	[tilespmem:$0x2300] =	vst v3;
	v3 =	vld [tilespmem:$0x1FD10]  }
0xec: {  	v62 =	vld [tilespmem:$0x1FD20]  }
0xed: {  	v63 =	vld [tilespmem:$0x1FD50]  }
0xee: {  	[tilespmem:$0x2000] =	vst v5  }
0xef: {  	[tilespmem:$0x2100] =	vst v6  }
0xf0: {  	[tilespmem:$0x2200] =	vst v7  }
0xf1: {  	v4 =	vld.idx.msk [tilespmem:v60+s11+$0x0], $0xffff  }
0xf2: {  	v5 =	vld.idx.msk [tilespmem:v61+s11+$0x0], $0xffff  }
0xf3: {  	v3 =	vld.idx.msk [tilespmem:v3+s11+$0x0], $0xffff  }
0xf4: {  	v6 =	vld.idx.msk [tilespmem:v62+s11+$0x0], $0xffff  }
0xf5: {  	v7 =	vld.idx.msk [tilespmem:v63+s11+$0x0], $0xffff;
	_ =	sdelay $0x2  }
0xf6: {  	vm15 =	vge.s32 v4, v17;
	[tilespmem:$0x2010] =	vst v5;
	vm14 =	vlt.s32 v3, v17  }
0xf7: {  	v4 =	vsel vm15, $0x1, v8;
	[tilespmem:$0x2110] =	vst v6;
	v3 =	vsel vm14, $0x0, v53  }
0xf8: {  	[tilespmem:$0x2210] =	vst v7;
	v3 =	vor.u32 v4, v3  }
0xf9: {  	[tilespmem:$0x2310] =	vst v3  }
0xfa: {  	[tilespmem:s8], [sflag:$0x1] =	stream.indirect.gather [hbm4b:s26+s3], $0x80, s4, s3, $0xb8;
	[tilespmem:$0x1F380] =	vst v63  }
0xfb: {  	s22 =	rddreg [dreg:$0x2]  }
0xfc: {  	[tilespmem:s6], [sflag:$0x1] =	stream.indirect.gather [hbm4b:s22+s3], $0x80, s5, s3, $0xb8;
	[tilespmem:$0x1F380] =	vst v63  }
0xfd: {  	s24 =	rddreg [dreg:$0x3]  }
0xfe: {  	[tilespmem:s7], [sflag:$0x1] =	stream.indirect.gather [hbm4b:s24+s3], $0x80, s4, s3, $0xb8;
	[tilespmem:$0x1F380] =	vst v63  }
0xff: {  	s31 =	simm.s32 $0x8400;
	s15 =	simm.s32 $0x0  }
0x100: {  	[tilespmem:s31], [sflag:$0x1] =	stream.indirect.gather [hbm4b:s29+s3], $0x80, s5, s3, $0xb8;
	[tilespmem:$0x1F380] =	vst v63  }
.LBB2_4:
0x101: {  	_ = 	snop  }
0x102: {  	_ =	swait.ge [sflag:s9], $0x1000  }
0x103: {  	[sflag:s9] =	ssyncset.done $0x0  }
0x104: {  	[sflag:s9] =	ssyncadd.s32 $0xFFFFF000  }
0x105: {  	v3 =	vld.idx.msk [tilespmem:v48+s2+$0x0], $0xffff  }
0x106: {  	v4 =	vld.idx.msk [tilespmem:v50+s2+$0x0], $0xffff  }
0x107: {  	v5 =	vld.idx.msk [tilespmem:v51+s2+$0x0], $0xffff;
	_ =	sdelay $0x2  }
0x108: {  	v6 =	vld.idx.msk [tilespmem:v49+s2+$0x0], $0xffff  }
0x109: {  	v8 =	vimm.s32 $0x0;
	v7 =	vld.idx.msk [tilespmem:v52+s2+$0x0], $0xffff;
	vm0 =	vlt.s32 v3, v17;
	vm1 =	vge.s32 v4, v17  }
0x10a: {  	[tilespmem:$0x2080] =	vst v5;
	v5 =	vld [tilespmem:$0x1FD40];
	v3 =	vsel vm0, $0x0, v53;
	v4 =	vsel vm1, $0x1, v8  }
0x10b: {  	v3 =	vor.u32 v4, v3;
	v4 =	vld [tilespmem:$0x1FD30]  }
0x10c: {  	[tilespmem:$0x2380] =	vst v3;
	v3 =	vld [tilespmem:$0x1FD10]  }
0x10d: {  	[tilespmem:$0x2180] =	vst v6;
	v6 =	vld [tilespmem:$0x1FD20]  }
0x10e: {  	[tilespmem:$0x2280] =	vst v7;
	v7 =	vld [tilespmem:$0x1FD50];
	_ =	sdelay $0x3  }
0x10f: {  	v5 =	vld.idx.msk [tilespmem:v5+s2+$0x0], $0xffff  }
0x110: {  	v4 =	vld.idx.msk [tilespmem:v4+s2+$0x0], $0xffff  }
0x111: {  	v3 =	vld.idx.msk [tilespmem:v3+s2+$0x0], $0xffff  }
0x112: {  	v6 =	vld.idx.msk [tilespmem:v6+s2+$0x0], $0xffff  }
0x113: {  	v7 =	vld.idx.msk [tilespmem:v7+s2+$0x0], $0xffff;
	_ =	sdelay $0x2  }
0x114: {  	[tilespmem:$0x2090] =	vst v5;
	vm15 =	vge.s32 v4, v17;
	vm14 =	vlt.s32 v3, v17  }
0x115: {  	[tilespmem:$0x2190] =	vst v6;
	v4 =	vsel vm15, $0x1, v8;
	v3 =	vsel vm14, $0x0, v53  }
0x116: {  	[tilespmem:$0x2290] =	vst v7;
	v3 =	vor.u32 v4, v3  }
0x117: {  	s1 =	simm.s32 $0x3400;
	s21 =	rddreg [dreg:$0x2];
	[tilespmem:$0x2390] =	vst v3  }
0x118: {  	[tilespmem:s1], [sflag:$0x1] =	stream.indirect.gather [hbm4b:s26+s3], $0x80, s10, s3, $0xb8;
	[tilespmem:$0x1F380] =	vst v63  }
0x119: {  	s31 =	smov.u32 s26;
	s26 =	sld [smem:$0x7F5]  }
0x11a: {  	[tilespmem:s13], [sflag:$0x1] =	stream.indirect.gather [hbm4b:s21+s3], $0x80, s12, s3, $0xb8;
	[tilespmem:$0x1F380] =	vst v63  }
0x11b: {  	s21 =	sshll.u32 s15, $0x6  }
0x11c: {  	s22 =	rddreg [dreg:$0x3];
	s1 =	sadd.s32 s26, s21  }
0x11d: {  	[tilespmem:s14], [sflag:$0x1] =	stream.indirect.gather [hbm4b:s22+s3], $0x80, s10, s3, $0xb8;
	[tilespmem:$0x1F380] =	vst v63  }
0x11e: {  	s24 =	simm.s32 $0x9400;
	s1 =	sshll.u32 s1, $0x9  }
0x11f: {  	[tilespmem:s24], [sflag:$0x1] =	stream.indirect.gather [hbm4b:s29+s3], $0x80, s12, s3, $0xb8;
	[tilespmem:$0x1F380] =	vst v63  }
0x120: {  	s1 =	sadd.s32 s28, s1  }
0x121: {  	[tilespmem:s11], [sflag:$0x2] =	stream.linear.gather [hbm4b:s1+s11], $0x1000, $0x38;
	[tilespmem:$0x1F380] =	vst v63  }
0x122: {  	_ =	swait.ge [sflag:s16], $0x1000  }
0x123: {  	[sflag:s16] =	ssyncset.done $0x0  }
0x124: {  	[sflag:s16] =	ssyncadd.s32 $0xFFFFF000  }
0x125: {  	_ =	swait.ge [sflag:s16], $0x1000  }
0x126: {  	s8 =	simm.s32 $0x1;
	[sflag:s16] =	ssyncset.done $0x0  }
0x127: {  	v4 =	vmov s8;
	[sflag:s16] =	ssyncadd.s32 $0xFFFFF000  }
0x128: {  	s18 =	simm.s32 $0x3;
	v4 =	vand.u32 $0xFFFFFFFD, v4;
	_ =	swait.ge [sflag:s16], $0x1000  }
0x129: {  	v5 =	vmov s18;
	v4 =	vbroadcast v4, $0x0;
	[sflag:s16] =	ssyncset.done $0x0  }
0x12a: {  	s20 =	simm.s32 $0x2;
	[sflag:s16] =	ssyncadd.s32 $0xFFFFF000  }
0x12b: {  	v6 =	vmov s20;
	_ =	swait.ge [sflag:s16], $0x1000  }
0x12c: {  	v6 =	vand.u32 $0xFFFFFFFE, v6;
	v3 =	vmov s11;
	[sflag:s16] =	ssyncset.done $0x0  }
0x12d: {  	v6 =	vbroadcast v6, $0x0;
	v3 =	vand.u32 $0xFFFFFFFC, v3;
	[sflag:s16] =	ssyncadd.s32 $0xFFFFF000  }
0x12e: {  	v3 =	vbroadcast v3, $0x0;
	v5 =	vld.idx.msk [tilespmem:v5+s17+$0x0], $0xffff  }
0x12f: {  	s26 =	simm.s32 $0x7;
	s22 =	simm.s32 $0x4;
	v8 =	vld.idx.msk [tilespmem:v4+s17+$0x0], $0xffff  }
0x130: {  	v11 =	vmov s26;
	v7 =	vmov s22;
	s24 =	simm.s32 $0x5  }
0x131: {  	v4 =	vand.u32 $0xFFFFFFFC, v7;
	v7 =	vmov s24  }
0x132: {  	v9 =	vbroadcast v4, $0x0;
	v4 =	vand.u32 $0xFFFFFFFD, v7  }
0x133: {  	v13 =	vld.idx.msk [tilespmem:v6+s17+$0x0], $0xffff;
	v12 =	vbroadcast v4, $0x0;
	v4 =	vshll.u32 v5, $0x7  }
0x134: {  	v3 =	vld.idx.msk [tilespmem:v3+s17+$0x0], $0xffff;
	v10 =	vshll.u32 v8, $0x7;
	v14 =	vor.u32 v0, v4  }
0x135: {  	s1 =	simm.s32 $0x6500;
	v6 =	vld.idx.msk [tilespmem:v11+s17+$0x0], $0xffff;
	v8 =	vor.u32 v0, v10  }
0x136: {  	s18 =	simm.s32 $0x8500;
	v23 =	vld [tilespmem:s1+$0xFFFFFF00]  }
0x137: {  	v24 =	vld [tilespmem:s18+$0xFFFFFF00]  }
0x138: {  	v21 =	vshll.u32 v13, $0x7;
	v5 =	vld.idx.msk [tilespmem:v9+s17+$0x0], $0xffff  }
0x139: {  	v13 =	vor.u32 v0, v21;
	v9 =	vld.idx.msk [tilespmem:v14+s0+$0x0], $0xffff  }
0x13a: {  	v7 =	vshll.u32 v3, $0x7;
	v11 =	vld.idx.msk [tilespmem:v8+s0+$0x0], $0xffff  }
0x13b: {  	v19 =	vor.u32 v0, v7;
	v8 =	vld [tilespmem:s1+$0x0]  }
0x13c: {  	v14 =	vld [tilespmem:s18+$0x0]  }
0x13d: {  	v20 =	vld [tilespmem:s18+$0xFFFFFF80]  }
0x13e: {  	v22 =	vld.idx.msk [tilespmem:v13+s0+$0x0], $0xffff  }
0x13f: {  	v3 =	vld.idx.msk [tilespmem:v12+s17+$0x0], $0xffff  }
0x140: {  	v12 =	vld.idx.msk [tilespmem:v19+s0+$0x0], $0xffff  }
0x141: {  	v19 =	vld [tilespmem:s1+$0xFFFFFF80];
	v8 =	vadd.f32 v14, v8  }
0x142: {  	v21 =	vor.u32 v15, v21;
	v13 =	vld [tilespmem:s1+$0x80]  }
0x143: {  	v14 =	vld [tilespmem:s18+$0x80];
	v22 =	vadd.f32 v8, v22  }
0x144: {  	v56 =	vmovc v50;
	v57 =	vmov v51;
	v58 =	vmov v52;
	s20 =	simm.s32 $0x8;
	s8 =	simm.s32 $0x6500;
	s24 =	simm.s32 $0x6;
	v23 =	vadd.f32 v24, v23;
	v8 =	vld [tilespmem:s1+$0xFFFFFF10]  }
.LBB2_5:
0x145: {  	p0 =	slt.u32 s20, $0x1C;
	v24 =	vmov s24;
	[tilespmem:s1+$0x20] =	vst v22;
	v22 =	vld [tilespmem:s1+$0x10]  }
0x146: {  	v24 =	vand.u32 $0xFFFFFFFE, v24;
	v12 =	vadd.f32 v23, v12;
	v19 =	vadd.f32 v20, v19;
	v20 =	vld [tilespmem:s18+$0x10]  }
0x147: {  	v10 =	vor.u32 v15, v10;
	v23 =	vbroadcast v24, $0x0;
	v21 =	vld.idx.msk [tilespmem:v21+s0+$0x0], $0xffff  }
0x148: {  	[tilespmem:s1+$0xFFFFFF20] =	vst v12;
	v11 =	vadd.f32 v19, v11;
	v12 =	vld [tilespmem:s1+$0xFFFFFF90];
	v13 =	vadd.f32 v14, v13  }
0x149: {  	v14 =	vmov s20;
	v19 =	vld [tilespmem:s18+$0xFFFFFF10]  }
0x14a: {  	s24 =	sadd.s32 $0x1, s20;
	v24 =	vor.u32 v15, v7;
	v14 =	vand.u32 $0xFFFFFFFC, v14;
	[tilespmem:s1+$0xFFFFFFA0] =	vst v11;
	v7 =	vadd.f32 v13, v9;
	v9 =	vld [tilespmem:s1+$0x90]  }
0x14b: {  	v11 =	vmov s24;
	s24 =	sadd.s32 $0x3, s20;
	v13 =	vld [tilespmem:s18+$0xFFFFFF90];
	v20 =	vadd.f32 v20, v22;
	v22 =	vor.u32 v15, v4  }
0x14c: {  	v14 =	vbroadcast v14, $0x0;
	v4 =	vand.u32 $0xFFFFFFFD, v11;
	v11 =	vmov s24;
	v25 =	vld.idx.msk [tilespmem:v10+s0+$0x0], $0xffff;
	[tilespmem:s1+$0xA0] =	vst v7  }
0x14d: {  	v26 =	vbroadcast v4, $0x0;
	v23 =	vld.idx.msk [tilespmem:v23+s17+$0x0], $0xffff;
	v10 =	vadd.f32 v20, v21  }
0x14e: {  	v4 =	vshll.u32 v6, $0x7;
	v8 =	vadd.f32 v19, v8;
	v19 =	vld [tilespmem:s18+$0x90]  }
0x14f: {  	v7 =	vshll.u32 v5, $0x7;
	v20 =	vor.u32 v0, v4;
	v21 =	vld.idx.msk [tilespmem:v24+s0+$0x0], $0xffff;
	[tilespmem:s1+$0x30] =	vst v10  }
0x150: {  	v24 =	vor.u32 v0, v7;
	v10 =	vshll.u32 v3, $0x7;
	v3 =	vadd.f32 v13, v12;
	v13 =	vld.idx.msk [tilespmem:v22+s0+$0x0], $0xffff  }
0x151: {  	v6 =	vld.idx.msk [tilespmem:v11+s17+$0x0], $0xffff;
	v11 =	vor.u32 v0, v10  }
0x152: {  	v5 =	vld.idx.msk [tilespmem:v14+s17+$0x0], $0xffff;
	v12 =	vadd.f32 v3, v25  }
0x153: {  	v14 =	vshll.u32 v23, $0x7;
	v3 =	vld.idx.msk [tilespmem:v26+s17+$0x0], $0xffff;
	v19 =	vadd.f32 v19, v9  }
0x154: {  	v22 =	vor.u32 v0, v14;
	v9 =	vld.idx.msk [tilespmem:v20+s0+$0x0], $0xffff;
	[tilespmem:s1+$0xFFFFFFB0] =	vst v12  }
0x155: {  	v8 =	vadd.f32 v8, v21;
	v12 =	vld.idx.msk [tilespmem:v24+s0+$0x0], $0xffff  }
0x156: {  	s1 =	sadd.s32 $0x200, s1;
	v13 =	vadd.f32 v19, v13;
	v11 =	vld.idx.msk [tilespmem:v11+s0+$0x0], $0xffff  }
0x157: {  	s18 =	sadd.s32 $0x200, s18;
	v21 =	vld [tilespmem:s1+$0x0];
	[tilespmem:s8+$0xFFFFFF30] =	vst v8  }
0x158: {  	v8 =	vld [tilespmem:s18+$0x0];
	[tilespmem:s8+$0xB0] =	vst v13;
	s8 =	smov.u32 s1  }
0x159: {  	v22 =	vld.idx.msk [tilespmem:v22+s0+$0x0], $0xffff  }
0x15a: {  	v23 =	vld [tilespmem:s1+$0xFFFFFF00]  }
0x15b: {  	v24 =	vld [tilespmem:s18+$0xFFFFFF00]  }
.Ltmp1:
0x15c: {  	v19 =	vld [tilespmem:s1+$0xFFFFFF80];
	(pc) =	sbr.rel @p0 .LBB2_5-.Ltmp1, $4  }
0x15d: {  	v20 =	vld [tilespmem:s18+$0xFFFFFF80];
	v8 =	vadd.f32 v8, v21  }
0x15e: {  	v21 =	vor.u32 v15, v14;
	v13 =	vld [tilespmem:s1+$0x80]  }
0x15f: {  	v22 =	vadd.f32 v8, v22;
	v14 =	vld [tilespmem:s18+$0x80]  }
0x160: {  	s24 =	sadd.s32 $0x2, s20;
	s20 =	sadd.s32 $0x4, s20;
	v23 =	vadd.f32 v24, v23;
	v8 =	vld [tilespmem:s1+$0xFFFFFF10]  }
0x161: {  	_ = 	snop  }
0x162: {  	v24 =	vmov s24  }
0x163: {  	[tilespmem:s1+$0x20] =	vst v22;
	v22 =	vand.u32 $0xFFFFFFFE, v24;
	v24 =	vld [tilespmem:s1+$0x10]  }
0x164: {  	v12 =	vadd.f32 v23, v12;
	v23 =	vld [tilespmem:s18+$0x10];
	v22 =	vbroadcast v22, $0x0  }
0x165: {  	s20 =	sadd.s32 $0x200, s1;
	v19 =	vadd.f32 v20, v19;
	v20 =	vld.idx.msk [tilespmem:v21+s0+$0x0], $0xffff  }
0x166: {  	s26 =	sadd.s32 $0x200, s18;
	v27 =	vld [tilespmem:s20+$0x0]  }
0x167: {  	v28 =	vld [tilespmem:s26+$0x0]  }
0x168: {  	v29 =	vld [tilespmem:s20+$0xFFFFFF00];
	v11 =	vadd.f32 v19, v11  }
0x169: {  	v30 =	vld [tilespmem:s26+$0xFFFFFF00]  }
0x16a: {  	v13 =	vadd.f32 v14, v13;
	[tilespmem:s1+$0xFFFFFFA0] =	vst v11;
	v11 =	vld.idx.msk [tilespmem:v22+s17+$0x0], $0xffff  }
0x16b: {  	v7 =	vor.u32 v15, v7;
	v31 =	vld [tilespmem:s20+$0xFFFFFF80]  }
0x16c: {  	v32 =	vld [tilespmem:s26+$0xFFFFFF80];
	v9 =	vadd.f32 v13, v9  }
0x16d: {  	v10 =	vor.u32 v15, v10;
	v5 =	vshll.u32 v5, $0x7;
	[tilespmem:s1+$0xFFFFFF20] =	vst v12;
	v12 =	vld [tilespmem:s1+$0xFFFFFF90]  }
0x16e: {  	v3 =	vshll.u32 v3, $0x7;
	v19 =	vld [tilespmem:s1+$0x90];
	[tilespmem:s1+$0xA0] =	vst v9;
	v9 =	vor.u32 v0, v5  }
0x16f: {  	v25 =	vor.u32 v0, v3;
	v14 =	vld [tilespmem:s18+$0xFFFFFF10];
	v11 =	vshll.u32 v11, $0x7  }
0x170: {  	v6 =	vshll.u32 v6, $0x7;
	v7 =	vld.idx.msk [tilespmem:v7+s0+$0x0], $0xffff;
	v26 =	vor.u32 v0, v11  }
0x171: {  	v21 =	vor.u32 v0, v6;
	v13 =	vld [tilespmem:s18+$0xFFFFFF90]  }
0x172: {  	v10 =	vld.idx.msk [tilespmem:v10+s0+$0x0], $0xffff  }
0x173: {  	v9 =	vld.idx.msk [tilespmem:v9+s0+$0x0], $0xffff  }
0x174: {  	v25 =	vld.idx.msk [tilespmem:v25+s0+$0x0], $0xffff  }
0x175: {  	v26 =	vld.idx.msk [tilespmem:v26+s0+$0x0], $0xffff  }
0x176: {  	v4 =	vor.u32 v15, v4;
	v21 =	vld.idx.msk [tilespmem:v21+s0+$0x0], $0xffff;
	v29 =	vadd.f32 v30, v29  }
0x177: {  	v27 =	vadd.f32 v28, v27;
	v28 =	vld [tilespmem:s20+$0x80]  }
0x178: {  	v30 =	vld [tilespmem:s20+$0xFFFFFF10];
	v9 =	vadd.f32 v29, v9;
	v29 =	vadd.f32 v32, v31  }
0x179: {  	v3 =	vor.u32 v15, v3;
	v22 =	vld [tilespmem:s18+$0x90]  }
0x17a: {  	[tilespmem:s20+$0xFFFFFF20] =	vst v9;
	v9 =	vadd.f32 v29, v25;
	v26 =	vadd.f32 v27, v26;
	v27 =	vld [tilespmem:s26+$0x80]  }
0x17b: {  	v4 =	vld.idx.msk [tilespmem:v4+s0+$0x0], $0xffff  }
0x17c: {  	v11 =	vor.u32 v15, v11;
	v25 =	vld [tilespmem:s20+$0xFFFFFF90];
	[tilespmem:s20+$0xFFFFFFA0] =	vst v9  }
0x17d: {  	v23 =	vadd.f32 v23, v24;
	v24 =	vld [tilespmem:s26+$0xFFFFFF90]  }
0x17e: {  	v3 =	vld.idx.msk [tilespmem:v3+s0+$0x0], $0xffff  }
0x17f: {  	[tilespmem:s20+$0x20] =	vst v26;
	v26 =	vld [tilespmem:s20+$0x10];
	v27 =	vadd.f32 v27, v28  }
0x180: {  	v5 =	vor.u32 v15, v5;
	v31 =	vld [tilespmem:s26+$0x10]  }
0x181: {  	v6 =	vor.u32 v15, v6;
	v11 =	vld.idx.msk [tilespmem:v11+s0+$0x0], $0xffff;
	v9 =	vadd.f32 v27, v21  }
0x182: {  	v8 =	vadd.f32 v14, v8;
	v12 =	vadd.f32 v13, v12;
	v28 =	vld [tilespmem:s26+$0xFFFFFF10]  }
0x183: {  	v21 =	vld [tilespmem:s20+$0x90];
	[tilespmem:s20+$0xA0] =	vst v9  }
0x184: {  	v7 =	vadd.f32 v8, v7;
	v10 =	vadd.f32 v12, v10;
	v13 =	vld [tilespmem:s26+$0x90]  }
0x185: {  	v12 =	vadd.f32 v22, v19;
	v5 =	vld.idx.msk [tilespmem:v5+s0+$0x0], $0xffff;
	v9 =	vadd.f32 v23, v20  }
0x186: {  	[tilespmem:s8+$0xFFFFFF30] =	vst v7;
	v8 =	vadd.f32 v31, v26;
	v6 =	vld.idx.msk [tilespmem:v6+s0+$0x0], $0xffff  }
0x187: {  	v4 =	vadd.f32 v12, v4;
	[tilespmem:s1+$0x30] =	vst v9;
	v9 =	vadd.f32 v24, v25  }
0x188: {  	[tilespmem:s1+$0xFFFFFFB0] =	vst v10;
	v7 =	vadd.f32 v8, v11;
	v8 =	vadd.f32 v28, v30  }
0x189: {  	[tilespmem:s8+$0xB0] =	vst v4;
	v3 =	vadd.f32 v9, v3;
	v4 =	vadd.f32 v13, v21  }
0x18a: {  	[tilespmem:s20+$0x30] =	vst v7;
	v5 =	vadd.f32 v8, v5  }
0x18b: {  	[tilespmem:s20+$0xFFFFFFB0] =	vst v3;
	v3 =	vadd.f32 v4, v6  }
0x18c: {  	[tilespmem:s20+$0xFFFFFF30] =	vst v5  }
0x18d: {  	[tilespmem:s20+$0xB0] =	vst v3  }
0x18e: {  	v3 =	vld.idx.msk [tilespmem:v39+s7+$0x0], $0xffff  }
0x18f: {  	v4 =	vld [tilespmem:$0xA680]  }
0x190: {  	v5 =	vld.idx.msk [tilespmem:v40+s7+$0x0], $0xffff  }
0x191: {  	v6 =	vld [tilespmem:$0xA700]  }
0x192: {  	v7 =	vld.idx.msk [tilespmem:v41+s7+$0x0], $0xffff  }
0x193: {  	v8 =	vld [tilespmem:$0xA780];
	v3 =	vmax.f32 v3, $0.0e+00  }
0x194: {  	v3 =	vmul.f32 v4, v3;
	v4 =	vld.idx.msk [tilespmem:v42+s7+$0x0], $0xffff  }
0x195: {  	v9 =	vld [tilespmem:$0xA800];
	v5 =	vmax.f32 v5, $0.0e+00  }
0x196: {  	v5 =	vmul.f32 v6, v5;
	v6 =	vld.idx.msk [tilespmem:v43+s7+$0x0], $0xffff;
	v3 =	vadd.f32 $0.0e+00, v3  }
0x197: {  	v10 =	vld [tilespmem:$0xA880];
	v7 =	vmax.f32 v7, $0.0e+00  }
0x198: {  	v3 =	vadd.f32 v5, v3;
	v5 =	vmul.f32 v8, v7;
	v7 =	vld.idx.msk [tilespmem:v44+s7+$0x0], $0xffff  }
0x199: {  	v8 =	vld [tilespmem:$0xA900];
	v4 =	vmax.f32 v4, $0.0e+00  }
0x19a: {  	v3 =	vadd.f32 v5, v3;
	v4 =	vmul.f32 v9, v4;
	v5 =	vld.idx.msk [tilespmem:v45+s7+$0x0], $0xffff  }
0x19b: {  	v6 =	vmax.f32 v6, $0.0e+00;
	v9 =	vld [tilespmem:$0xA980]  }
0x19c: {  	v3 =	vadd.f32 v4, v3;
	v4 =	vmul.f32 v10, v6;
	v6 =	vld.idx.msk [tilespmem:v46+s7+$0x0], $0xffff  }
0x19d: {  	v10 =	vld [tilespmem:$0xAA00];
	v7 =	vmax.f32 v7, $0.0e+00  }
0x19e: {  	v3 =	vadd.f32 v4, v3;
	v4 =	vmul.f32 v8, v7  }
0x19f: {  	v5 =	vmax.f32 v5, $0.0e+00  }
0x1a0: {  	v3 =	vadd.f32 v4, v3;
	v4 =	vmul.f32 v9, v5;
	v5 =	vld [tilespmem:$0x1FD60]  }
0x1a1: {  	v6 =	vmax.f32 v6, $0.0e+00  }
0x1a2: {  	v3 =	vadd.f32 v4, v3;
	v4 =	vmul.f32 v10, v6;
	v6 =	vld [tilespmem:$0x1FD70];
	_ =	sdelay $0x3  }
0x1a3: {  	v7 =	vld.idx.msk [tilespmem:v47+s7+$0x0], $0xffff  }
0x1a4: {  	v8 =	vld [tilespmem:$0xAA80]  }
0x1a5: {  	v5 =	vld.idx.msk [tilespmem:v5+s7+$0x0], $0xffff  }
0x1a6: {  	v9 =	vld [tilespmem:$0xAB00]  }
0x1a7: {  	v6 =	vld.idx.msk [tilespmem:v6+s7+$0x0], $0xffff  }
0x1a8: {  	v10 =	vld [tilespmem:$0xAB80];
	v7 =	vmax.f32 v7, $0.0e+00  }
0x1a9: {  	v3 =	vadd.f32 v4, v3;
	v4 =	vmul.f32 v8, v7;
	v7 =	vld [tilespmem:$0x1FD80]  }
0x1aa: {  	v5 =	vmax.f32 v5, $0.0e+00  }
0x1ab: {  	v3 =	vadd.f32 v4, v3;
	v4 =	vmul.f32 v9, v5;
	v5 =	vld [tilespmem:$0x1FD90]  }
0x1ac: {  	v6 =	vmax.f32 v6, $0.0e+00  }
0x1ad: {  	v3 =	vadd.f32 v4, v3;
	v4 =	vmul.f32 v10, v6;
	v6 =	vld [tilespmem:$0x1FDA0];
	_ =	sdelay $0x3  }
0x1ae: {  	v7 =	vld.idx.msk [tilespmem:v7+s7+$0x0], $0xffff  }
0x1af: {  	v8 =	vld [tilespmem:$0xAC00]  }
0x1b0: {  	v5 =	vld.idx.msk [tilespmem:v5+s7+$0x0], $0xffff  }
0x1b1: {  	v9 =	vld [tilespmem:$0xAC80]  }
0x1b2: {  	v6 =	vld.idx.msk [tilespmem:v6+s7+$0x0], $0xffff  }
0x1b3: {  	v10 =	vld [tilespmem:$0xAD00];
	v7 =	vmax.f32 v7, $0.0e+00  }
0x1b4: {  	v3 =	vadd.f32 v4, v3;
	v4 =	vmul.f32 v8, v7;
	v7 =	vld [tilespmem:$0x1FDB0]  }
0x1b5: {  	v5 =	vmax.f32 v5, $0.0e+00  }
0x1b6: {  	v3 =	vadd.f32 v4, v3;
	v4 =	vmul.f32 v9, v5;
	v5 =	vld [tilespmem:$0x1FDC0]  }
0x1b7: {  	v6 =	vmax.f32 v6, $0.0e+00  }
0x1b8: {  	v3 =	vadd.f32 v4, v3;
	v4 =	vmul.f32 v10, v6;
	v6 =	vld [tilespmem:$0x1FDD0];
	_ =	sdelay $0x3  }
0x1b9: {  	v7 =	vld.idx.msk [tilespmem:v7+s7+$0x0], $0xffff  }
0x1ba: {  	v8 =	vld [tilespmem:$0xAD80]  }
0x1bb: {  	v5 =	vld.idx.msk [tilespmem:v5+s7+$0x0], $0xffff  }
0x1bc: {  	v9 =	vld [tilespmem:$0xAE00]  }
0x1bd: {  	v6 =	vld.idx.msk [tilespmem:v6+s7+$0x0], $0xffff  }
0x1be: {  	v10 =	vld [tilespmem:$0xAE80];
	v7 =	vmax.f32 v7, $0.0e+00  }
0x1bf: {  	v3 =	vadd.f32 v4, v3;
	v4 =	vmul.f32 v8, v7;
	v7 =	vld [tilespmem:$0x1FDE0]  }
0x1c0: {  	v5 =	vmax.f32 v5, $0.0e+00  }
0x1c1: {  	v3 =	vadd.f32 v4, v3;
	v4 =	vmul.f32 v9, v5;
	v5 =	vld [tilespmem:$0x1FDF0]  }
0x1c2: {  	v6 =	vmax.f32 v6, $0.0e+00  }
0x1c3: {  	v3 =	vadd.f32 v4, v3;
	v4 =	vmul.f32 v10, v6;
	v6 =	vld [tilespmem:$0x1FE00];
	_ =	sdelay $0x3  }
0x1c4: {  	v7 =	vld.idx.msk [tilespmem:v7+s7+$0x0], $0xffff  }
0x1c5: {  	v8 =	vld [tilespmem:$0xAF00]  }
0x1c6: {  	v5 =	vld.idx.msk [tilespmem:v5+s7+$0x0], $0xffff  }
0x1c7: {  	v9 =	vld [tilespmem:$0xAF80]  }
0x1c8: {  	v6 =	vld.idx.msk [tilespmem:v6+s7+$0x0], $0xffff  }
0x1c9: {  	v10 =	vld [tilespmem:$0xB000];
	v7 =	vmax.f32 v7, $0.0e+00  }
0x1ca: {  	v3 =	vadd.f32 v4, v3;
	v4 =	vmul.f32 v8, v7;
	v7 =	vld [tilespmem:$0x1FE10]  }
0x1cb: {  	v5 =	vmax.f32 v5, $0.0e+00  }
0x1cc: {  	v3 =	vadd.f32 v4, v3;
	v4 =	vmul.f32 v9, v5;
	v5 =	vld [tilespmem:$0x1FE20]  }
0x1cd: {  	v6 =	vmax.f32 v6, $0.0e+00  }
0x1ce: {  	v3 =	vadd.f32 v4, v3;
	v4 =	vmul.f32 v10, v6;
	v6 =	vld [tilespmem:$0x1FE30];
	_ =	sdelay $0x3  }
0x1cf: {  	v7 =	vld.idx.msk [tilespmem:v7+s7+$0x0], $0xffff  }
0x1d0: {  	v8 =	vld [tilespmem:$0xB080]  }
0x1d1: {  	v5 =	vld.idx.msk [tilespmem:v5+s7+$0x0], $0xffff  }
0x1d2: {  	v9 =	vld [tilespmem:$0xB100]  }
0x1d3: {  	v6 =	vld.idx.msk [tilespmem:v6+s7+$0x0], $0xffff  }
0x1d4: {  	v10 =	vld [tilespmem:$0xB180];
	v7 =	vmax.f32 v7, $0.0e+00  }
0x1d5: {  	v3 =	vadd.f32 v4, v3;
	v4 =	vmul.f32 v8, v7;
	v7 =	vld [tilespmem:$0x1FE40]  }
0x1d6: {  	v5 =	vmax.f32 v5, $0.0e+00  }
0x1d7: {  	v3 =	vadd.f32 v4, v3;
	v4 =	vmul.f32 v9, v5;
	v5 =	vld [tilespmem:$0x1FE50]  }
0x1d8: {  	v6 =	vmax.f32 v6, $0.0e+00  }
0x1d9: {  	v3 =	vadd.f32 v4, v3;
	v4 =	vmul.f32 v10, v6;
	v6 =	vld [tilespmem:$0x1FE60];
	_ =	sdelay $0x3  }
0x1da: {  	v7 =	vld.idx.msk [tilespmem:v7+s7+$0x0], $0xffff  }
0x1db: {  	v8 =	vld [tilespmem:$0xB200]  }
0x1dc: {  	v5 =	vld.idx.msk [tilespmem:v5+s7+$0x0], $0xffff  }
0x1dd: {  	v9 =	vld [tilespmem:$0xB280]  }
0x1de: {  	v6 =	vld.idx.msk [tilespmem:v6+s7+$0x0], $0xffff  }
0x1df: {  	v10 =	vld [tilespmem:$0xB300];
	v7 =	vmax.f32 v7, $0.0e+00  }
0x1e0: {  	v3 =	vadd.f32 v4, v3;
	v4 =	vmul.f32 v8, v7;
	v7 =	vld [tilespmem:$0x1FE70]  }
0x1e1: {  	v5 =	vmax.f32 v5, $0.0e+00  }
0x1e2: {  	v3 =	vadd.f32 v4, v3;
	v4 =	vmul.f32 v9, v5;
	v5 =	vld [tilespmem:$0x1FE80]  }
0x1e3: {  	v6 =	vmax.f32 v6, $0.0e+00  }
0x1e4: {  	v3 =	vadd.f32 v4, v3;
	v4 =	vmul.f32 v10, v6;
	v6 =	vld [tilespmem:$0x1FE90];
	_ =	sdelay $0x3  }
0x1e5: {  	v7 =	vld.idx.msk [tilespmem:v7+s7+$0x0], $0xffff  }
0x1e6: {  	v8 =	vld [tilespmem:$0xB380]  }
0x1e7: {  	v5 =	vld.idx.msk [tilespmem:v5+s7+$0x0], $0xffff  }
0x1e8: {  	v9 =	vld [tilespmem:$0xB400]  }
0x1e9: {  	v6 =	vld.idx.msk [tilespmem:v6+s7+$0x0], $0xffff  }
0x1ea: {  	v10 =	vld [tilespmem:$0xB480];
	v7 =	vmax.f32 v7, $0.0e+00  }
0x1eb: {  	v3 =	vadd.f32 v4, v3;
	v4 =	vmul.f32 v8, v7;
	v7 =	vld [tilespmem:$0x1FEA0]  }
0x1ec: {  	v5 =	vmax.f32 v5, $0.0e+00  }
0x1ed: {  	v3 =	vadd.f32 v4, v3;
	v4 =	vmul.f32 v9, v5;
	v5 =	vld [tilespmem:$0x1FEB0]  }
0x1ee: {  	v6 =	vmax.f32 v6, $0.0e+00  }
0x1ef: {  	v3 =	vadd.f32 v4, v3;
	v4 =	vmul.f32 v10, v6;
	v6 =	vld [tilespmem:$0x1FEC0];
	_ =	sdelay $0x3  }
0x1f0: {  	v7 =	vld.idx.msk [tilespmem:v7+s7+$0x0], $0xffff  }
0x1f1: {  	v8 =	vld [tilespmem:$0xB500]  }
0x1f2: {  	v5 =	vld.idx.msk [tilespmem:v5+s7+$0x0], $0xffff  }
0x1f3: {  	v9 =	vld [tilespmem:$0xB580]  }
0x1f4: {  	v6 =	vld.idx.msk [tilespmem:v6+s7+$0x0], $0xffff  }
0x1f5: {  	v10 =	vld [tilespmem:$0xB600];
	v7 =	vmax.f32 v7, $0.0e+00  }
0x1f6: {  	v3 =	vadd.f32 v4, v3;
	v4 =	vmul.f32 v8, v7  }
0x1f7: {  	v5 =	vmax.f32 v5, $0.0e+00  }
0x1f8: {  	v3 =	vadd.f32 v4, v3;
	v4 =	vmul.f32 v9, v5  }
0x1f9: {  	v13 =	vld [tilespmem:$0x1FD00];
	v5 =	vmax.f32 v6, $0.0e+00  }
0x1fa: {  	v3 =	vadd.f32 v4, v3;
	v4 =	vmul.f32 v10, v5;
	_ =	sdelay $0x1  }
0x1fb: {  	v3 =	vadd.f32 v4, v3;
	_ =	sdelay $0x1  }
0x1fc: {  	v3 =	vadd.f32 v3, v13;
	_ =	sdelay $0x1  }
0x1fd: {  	v3 =	vsub.f32 $0.0e+00, v3;
	_ =	sdelay $0x1  }
0x1fe: {  	v3 =	vmul.f32 $1.442695020e+00, v3;
	_ =	sdelay $0x1  }
0x1ff: {  	(erf) = vpow2.f32 v3;
	_ =	sdelay $0x8  }
0x200: {  	v3 =	vpop (erf)  }
0x201: {  	v3 =	vadd.f32 $1.000000000e+00, v3;
	_ =	sdelay $0x1  }
0x202: {  	(erf) = vrcp.f32 v3;
	_ =	sdelay $0x8  }
0x203: {  	v3 =	vpop (erf)  }
0x204: {  	[tilespmem:v0+s19+$0x0] =	vst.idx.msk $0xffff, v3;
	v3 =	vld [tilespmem:$0x1FED0];
	_ =	sdelay $0x1  }
0x205: {  	v5 =	vld [tilespmem:$0x1FEE0];
	_ =	sdelay $0x5  }
0x206: {  	v3 =	vld.idx.msk [tilespmem:v3+s7+$0x0], $0xffff  }
0x207: {  	v4 =	vld [tilespmem:$0xA680]  }
0x208: {  	v5 =	vld.idx.msk [tilespmem:v5+s7+$0x0], $0xffff  }
0x209: {  	v6 =	vld [tilespmem:$0xA700]  }
0x20a: {  	v7 =	vld [tilespmem:$0x1FEF0]  }
0x20b: {  	v3 =	vmax.f32 v3, $0.0e+00  }
0x20c: {  	v3 =	vmul.f32 v4, v3;
	v4 =	vld [tilespmem:$0x1FF00]  }
0x20d: {  	v5 =	vmax.f32 v5, $0.0e+00  }
0x20e: {  	v5 =	vmul.f32 v6, v5;
	v6 =	vld [tilespmem:$0x1FF10];
	_ =	sdelay $0x3  }
0x20f: {  	v7 =	vld.idx.msk [tilespmem:v7+s7+$0x0], $0xffff  }
0x210: {  	v8 =	vld [tilespmem:$0xA780]  }
0x211: {  	v4 =	vld.idx.msk [tilespmem:v4+s7+$0x0], $0xffff  }
0x212: {  	v9 =	vld [tilespmem:$0xA800]  }
0x213: {  	v6 =	vld.idx.msk [tilespmem:v6+s7+$0x0], $0xffff;
	v3 =	vadd.f32 $0.0e+00, v3  }
0x214: {  	v10 =	vld [tilespmem:$0xA880];
	v7 =	vmax.f32 v7, $0.0e+00  }
0x215: {  	v3 =	vadd.f32 v5, v3;
	v5 =	vmul.f32 v8, v7;
	v7 =	vld [tilespmem:$0x1FF20]  }
0x216: {  	v4 =	vmax.f32 v4, $0.0e+00  }
0x217: {  	v3 =	vadd.f32 v5, v3;
	v5 =	vld [tilespmem:$0x1FF30];
	v4 =	vmul.f32 v9, v4  }
0x218: {  	v6 =	vmax.f32 v6, $0.0e+00  }
0x219: {  	v3 =	vadd.f32 v4, v3;
	v4 =	vmul.f32 v10, v6;
	v6 =	vld [tilespmem:$0x1FF40];
	_ =	sdelay $0x3  }
0x21a: {  	v7 =	vld.idx.msk [tilespmem:v7+s7+$0x0], $0xffff  }
0x21b: {  	v8 =	vld [tilespmem:$0xA900]  }
0x21c: {  	v5 =	vld.idx.msk [tilespmem:v5+s7+$0x0], $0xffff  }
0x21d: {  	v9 =	vld [tilespmem:$0xA980]  }
0x21e: {  	v6 =	vld.idx.msk [tilespmem:v6+s7+$0x0], $0xffff  }
0x21f: {  	v10 =	vld [tilespmem:$0xAA00];
	v7 =	vmax.f32 v7, $0.0e+00  }
0x220: {  	v3 =	vadd.f32 v4, v3;
	v4 =	vmul.f32 v8, v7;
	v7 =	vld [tilespmem:$0x1FF50]  }
0x221: {  	v5 =	vmax.f32 v5, $0.0e+00  }
0x222: {  	v3 =	vadd.f32 v4, v3;
	v4 =	vmul.f32 v9, v5;
	v5 =	vld [tilespmem:$0x1FF60]  }
0x223: {  	v6 =	vmax.f32 v6, $0.0e+00  }
0x224: {  	v3 =	vadd.f32 v4, v3;
	v4 =	vmul.f32 v10, v6;
	v6 =	vld [tilespmem:$0x1FF70];
	_ =	sdelay $0x3  }
0x225: {  	v7 =	vld.idx.msk [tilespmem:v7+s7+$0x0], $0xffff  }
0x226: {  	v8 =	vld [tilespmem:$0xAA80]  }
0x227: {  	v5 =	vld.idx.msk [tilespmem:v5+s7+$0x0], $0xffff  }
0x228: {  	v9 =	vld [tilespmem:$0xAB00]  }
0x229: {  	v6 =	vld.idx.msk [tilespmem:v6+s7+$0x0], $0xffff  }
0x22a: {  	v10 =	vld [tilespmem:$0xAB80];
	v7 =	vmax.f32 v7, $0.0e+00  }
0x22b: {  	v3 =	vadd.f32 v4, v3;
	v4 =	vmul.f32 v8, v7;
	v7 =	vld [tilespmem:$0x1FF80]  }
0x22c: {  	v5 =	vmax.f32 v5, $0.0e+00  }
0x22d: {  	v3 =	vadd.f32 v4, v3;
	v4 =	vmul.f32 v9, v5;
	v5 =	vld [tilespmem:$0x1FF90]  }
0x22e: {  	v6 =	vmax.f32 v6, $0.0e+00  }
0x22f: {  	v3 =	vadd.f32 v4, v3;
	v4 =	vmul.f32 v10, v6;
	v6 =	vld [tilespmem:$0x1FFA0];
	_ =	sdelay $0x3  }
0x230: {  	v7 =	vld.idx.msk [tilespmem:v7+s7+$0x0], $0xffff  }
0x231: {  	v8 =	vld [tilespmem:$0xAC00]  }
0x232: {  	v5 =	vld.idx.msk [tilespmem:v5+s7+$0x0], $0xffff  }
0x233: {  	v9 =	vld [tilespmem:$0xAC80]  }
0x234: {  	v6 =	vld.idx.msk [tilespmem:v6+s7+$0x0], $0xffff  }
0x235: {  	v10 =	vld [tilespmem:$0xAD00];
	v7 =	vmax.f32 v7, $0.0e+00  }
0x236: {  	v3 =	vadd.f32 v4, v3;
	v4 =	vmul.f32 v8, v7;
	v7 =	vld [tilespmem:$0x1FFB0]  }
0x237: {  	v5 =	vmax.f32 v5, $0.0e+00  }
0x238: {  	v3 =	vadd.f32 v4, v3;
	v4 =	vmul.f32 v9, v5;
	v5 =	vld [tilespmem:$0x1FFC0]  }
0x239: {  	v6 =	vmax.f32 v6, $0.0e+00  }
0x23a: {  	v3 =	vadd.f32 v4, v3;
	v4 =	vmul.f32 v10, v6;
	v6 =	vld [tilespmem:$0x1FFD0];
	_ =	sdelay $0x3  }
0x23b: {  	v7 =	vld.idx.msk [tilespmem:v7+s7+$0x0], $0xffff  }
0x23c: {  	v19 =	vor.u32 $0x831, v1;
	v8 =	vld [tilespmem:$0xAD80]  }
0x23d: {  	v5 =	vld.idx.msk [tilespmem:v5+s7+$0x0], $0xffff  }
0x23e: {  	v20 =	vor.u32 $0x832, v1;
	v9 =	vld [tilespmem:$0xAE00]  }
0x23f: {  	v6 =	vld.idx.msk [tilespmem:v6+s7+$0x0], $0xffff  }
0x240: {  	v21 =	vor.u32 $0x833, v1;
	v10 =	vld [tilespmem:$0xAE80];
	v7 =	vmax.f32 v7, $0.0e+00  }
0x241: {  	v3 =	vadd.f32 v4, v3;
	v4 =	vmul.f32 v8, v7;
	v7 =	vld.idx.msk [tilespmem:v19+s7+$0x0], $0xffff  }
0x242: {  	v22 =	vor.u32 $0x834, v1;
	v8 =	vld [tilespmem:$0xAF00];
	v5 =	vmax.f32 v5, $0.0e+00  }
0x243: {  	v3 =	vadd.f32 v4, v3;
	v4 =	vmul.f32 v9, v5;
	v5 =	vld.idx.msk [tilespmem:v20+s7+$0x0], $0xffff  }
0x244: {  	v23 =	vor.u32 $0x835, v1;
	v9 =	vld [tilespmem:$0xAF80];
	v6 =	vmax.f32 v6, $0.0e+00  }
0x245: {  	v3 =	vadd.f32 v4, v3;
	v4 =	vmul.f32 v10, v6;
	v6 =	vld.idx.msk [tilespmem:v21+s7+$0x0], $0xffff  }
0x246: {  	v24 =	vor.u32 $0x836, v1;
	v7 =	vmax.f32 v7, $0.0e+00;
	v10 =	vld [tilespmem:$0xB000]  }
0x247: {  	v3 =	vadd.f32 v4, v3;
	v4 =	vmul.f32 v8, v7;
	v7 =	vld.idx.msk [tilespmem:v22+s7+$0x0], $0xffff  }
0x248: {  	v25 =	vor.u32 $0x837, v1;
	v5 =	vmax.f32 v5, $0.0e+00;
	v8 =	vld [tilespmem:$0xB080]  }
0x249: {  	v3 =	vadd.f32 v4, v3;
	v4 =	vmul.f32 v9, v5;
	v5 =	vld.idx.msk [tilespmem:v23+s7+$0x0], $0xffff  }
0x24a: {  	v26 =	vor.u32 $0x838, v1;
	v9 =	vld [tilespmem:$0xB100];
	v6 =	vmax.f32 v6, $0.0e+00  }
0x24b: {  	v3 =	vadd.f32 v4, v3;
	v4 =	vmul.f32 v10, v6;
	v6 =	vld.idx.msk [tilespmem:v24+s7+$0x0], $0xffff  }
0x24c: {  	v27 =	vor.u32 $0x839, v1;
	v10 =	vld [tilespmem:$0xB180];
	v7 =	vmax.f32 v7, $0.0e+00  }
0x24d: {  	v3 =	vadd.f32 v4, v3;
	v4 =	vmul.f32 v8, v7;
	v7 =	vld.idx.msk [tilespmem:v25+s7+$0x0], $0xffff  }
0x24e: {  	v28 =	vor.u32 $0x83A, v1;
	v8 =	vld [tilespmem:$0xB200];
	v5 =	vmax.f32 v5, $0.0e+00  }
0x24f: {  	v4 =	vadd.f32 v4, v3;
	v5 =	vmul.f32 v9, v5;
	v9 =	vld.idx.msk [tilespmem:v26+s7+$0x0], $0xffff  }
0x250: {  	v11 =	vld [tilespmem:$0xB280];
	v3 =	vor.u32 $0x83B, v1;
	v6 =	vmax.f32 v6, $0.0e+00  }
0x251: {  	v4 =	vadd.f32 v5, v4;
	v5 =	vmul.f32 v10, v6;
	v6 =	vld.idx.msk [tilespmem:v27+s7+$0x0], $0xffff  }
0x252: {  	v29 =	vor.u32 $0x83C, v1;
	v10 =	vld [tilespmem:$0xB300];
	v7 =	vmax.f32 v7, $0.0e+00  }
0x253: {  	v5 =	vadd.f32 v5, v4;
	v7 =	vmul.f32 v8, v7;
	v8 =	vld.idx.msk [tilespmem:v28+s7+$0x0], $0xffff  }
0x254: {  	v12 =	vld [tilespmem:$0xB380];
	v4 =	vor.u32 $0x83D, v1;
	v9 =	vmax.f32 v9, $0.0e+00  }
0x255: {  	v5 =	vadd.f32 v7, v5;
	v7 =	vmul.f32 v11, v9;
	v9 =	vld.idx.msk [tilespmem:v3+s7+$0x0], $0xffff  }
0x256: {  	v30 =	vor.u32 $0x83E, v1;
	v11 =	vld [tilespmem:$0xB400];
	v6 =	vmax.f32 v6, $0.0e+00  }
0x257: {  	v5 =	vadd.f32 v7, v5;
	v6 =	vmul.f32 v10, v6;
	v7 =	vld.idx.msk [tilespmem:v29+s7+$0x0], $0xffff  }
0x258: {  	v31 =	vor.u32 $0x83F, v1;
	v10 =	vld [tilespmem:$0xB480];
	v8 =	vmax.f32 v8, $0.0e+00  }
0x259: {  	v5 =	vadd.f32 v6, v5;
	v6 =	vmul.f32 v12, v8;
	v8 =	vld.idx.msk [tilespmem:v4+s7+$0x0], $0xffff  }
0x25a: {  	v12 =	vld [tilespmem:$0xB500];
	v9 =	vmax.f32 v9, $0.0e+00  }
0x25b: {  	v5 =	vadd.f32 v6, v5;
	v6 =	vmul.f32 v11, v9;
	v9 =	vld.idx.msk [tilespmem:v30+s7+$0x0], $0xffff  }
0x25c: {  	v11 =	vld [tilespmem:$0xB580];
	v7 =	vmax.f32 v7, $0.0e+00  }
0x25d: {  	v5 =	vadd.f32 v6, v5;
	v6 =	vmul.f32 v10, v7;
	v7 =	vld.idx.msk [tilespmem:v31+s7+$0x0], $0xffff  }
0x25e: {  	v10 =	vld [tilespmem:$0xB600];
	v8 =	vmax.f32 v8, $0.0e+00  }
0x25f: {  	v5 =	vadd.f32 v6, v5;
	v6 =	vmul.f32 v12, v8  }
0x260: {  	v8 =	vmax.f32 v9, $0.0e+00  }
0x261: {  	v5 =	vadd.f32 v6, v5;
	v6 =	vmul.f32 v11, v8  }
0x262: {  	v7 =	vmax.f32 v7, $0.0e+00  }
0x263: {  	v5 =	vadd.f32 v6, v5;
	v6 =	vmul.f32 v10, v7;
	_ =	sdelay $0x1  }
0x264: {  	v5 =	vadd.f32 v6, v5;
	_ =	sdelay $0x1  }
0x265: {  	v5 =	vadd.f32 v5, v13;
	_ =	sdelay $0x1  }
0x266: {  	v5 =	vsub.f32 $0.0e+00, v5;
	_ =	sdelay $0x1  }
0x267: {  	v5 =	vmul.f32 $1.442695020e+00, v5;
	_ =	sdelay $0x1  }
0x268: {  	(erf) = vpow2.f32 v5;
	_ =	sdelay $0x8  }
0x269: {  	v5 =	vpop (erf)  }
0x26a: {  	v5 =	vadd.f32 $1.000000000e+00, v5;
	_ =	sdelay $0x1  }
0x26b: {  	(erf) = vrcp.f32 v5;
	_ =	sdelay $0x3  }
0x26c: {  	s8 =	simm.s32 $0x0  }
0x26d: {  	s18 =	simm.s32 $0x2;
	v5 =	vmov s8  }
0x26e: {  	s20 =	simm.s32 $0x1;
	v6 =	vmov s18;
	v5 =	vand.u32 $0xFFFFFFFC, v5  }
0x26f: {  	v7 =	vmov s20;
	v6 =	vand.u32 $0xFFFFFFFE, v6;
	v5 =	vbroadcast v5, $0x0  }
0x270: {  	v7 =	vand.u32 $0xFFFFFFFD, v7;
	v6 =	vbroadcast v6, $0x0  }
0x271: {  	v7 =	vbroadcast v7, $0x0;
	v8 =	vpop (erf)  }
0x272: {  	s24 =	simm.s32 $0x2500;
	[tilespmem:v15+s19+$0x0] =	vst.idx.msk $0xffff, v8  }
0x273: {  	s26 =	simm.s32 $0x4500;
	v8 =	vld [tilespmem:s24+$0x0]  }
0x274: {  	v9 =	vld [tilespmem:s26+$0x0]  }
0x275: {  	v36 =	vld.idx.msk [tilespmem:v5+s19+$0x0], $0xffff  }
0x276: {  	v59 =	vmov v39;
	v39 =	vld.idx.msk [tilespmem:v6+s19+$0x0], $0xffff  }
0x277: {  	v33 =	vld.idx.msk [tilespmem:v7+s19+$0x0], $0xffff  }
0x278: {  	v5 =	vld [tilespmem:s24+$0xFFFFFF00]  }
0x279: {  	v6 =	vld [tilespmem:s26+$0xFFFFFF00]  }
0x27a: {  	s22 =	simm.s32 $0x3;
	v10 =	vld [tilespmem:s26+$0xFFFFFF80];
	v7 =	vadd.f32 v9, v8  }
0x27b: {  	v11 =	vld [tilespmem:s24+$0x80];
	v9 =	vmov s22  }
0x27c: {  	v12 =	vld [tilespmem:s26+$0x80];
	v7 =	vmul.f32 v7, v39  }
0x27d: {  	v8 =	vld [tilespmem:s24+$0xFFFFFF80]  }
0x27e: {  	[tilespmem:s26+$0x0] =	vst v7;
	v7 =	vld [tilespmem:s26+$0x10]  }
0x27f: {  	v5 =	vadd.f32 v6, v5;
	v13 =	vld [tilespmem:s24+$0x10]  }
0x280: {  	v38 =	vld.idx.msk [tilespmem:v9+s19+$0x0], $0xffff  }
0x281: {  	v5 =	vmul.f32 v5, v36  }
0x282: {  	v6 =	vadd.f32 v10, v8  }
0x283: {  	[tilespmem:s26+$0xFFFFFF00] =	vst v5;
	v5 =	vld [tilespmem:s26+$0x90];
	v9 =	vadd.f32 v12, v11  }
0x284: {  	v8 =	vld [tilespmem:s26+$0xFFFFFF10];
	v6 =	vmul.f32 v6, v33  }
0x285: {  	v11 =	vld [tilespmem:s24+$0xFFFFFF10];
	v7 =	vadd.f32 v7, v13;
	v9 =	vmul.f32 v9, v38  }
0x286: {  	v10 =	vld [tilespmem:s26+$0xFFFFFF90];
	[tilespmem:s26+$0xFFFFFF80] =	vst v6  }
0x287: {  	v6 =	vmul.f32 v7, v39;
	v7 =	vld [tilespmem:s24+$0xFFFFFF90];
	[tilespmem:s26+$0x80] =	vst v9  }
0x288: {  	v9 =	vld [tilespmem:s24+$0x90]  }
0x289: {  	[tilespmem:s26+$0x10] =	vst v6;
	v6 =	vld [tilespmem:s26+$0x20]  }
0x28a: {  	v8 =	vadd.f32 v8, v11;
	v12 =	vld [tilespmem:s24+$0x20];
	_ =	sdelay $0x1  }
0x28b: {  	v8 =	vmul.f32 v8, v36;
	v7 =	vadd.f32 v10, v7  }
0x28c: {  	v13 =	vld [tilespmem:s26+$0xFFFFFF20];
	v5 =	vadd.f32 v5, v9  }
0x28d: {  	v11 =	vld [tilespmem:s26+$0xFFFFFFA0];
	[tilespmem:s26+$0xFFFFFF10] =	vst v8;
	v7 =	vmul.f32 v7, v33  }
0x28e: {  	v9 =	vld [tilespmem:s24+$0xFFFFFF20];
	v6 =	vadd.f32 v6, v12;
	v5 =	vmul.f32 v5, v38  }
0x28f: {  	v10 =	vld [tilespmem:s26+$0xA0];
	[tilespmem:s26+$0xFFFFFF90] =	vst v7  }
0x290: {  	v6 =	vmul.f32 v6, v39;
	v12 =	vld [tilespmem:s24+$0xFFFFFFA0];
	[tilespmem:s26+$0x90] =	vst v5  }
0x291: {  	v5 =	vld [tilespmem:s24+$0xA0]  }
0x292: {  	[tilespmem:s26+$0x20] =	vst v6;
	v6 =	vld [tilespmem:s26+$0x30]  }
0x293: {  	v16 =	vmov v44;
	v9 =	vadd.f32 v13, v9;
	v44 =	vld [tilespmem:s24+$0x30]  }
0x294: {  	v14 =	vld [tilespmem:s26+$0xFFFFFF30]  }
0x295: {  	v34 =	vld [tilespmem:s26+$0xD0];
	v9 =	vmul.f32 v9, v36;
	v11 =	vadd.f32 v11, v12  }
0x296: {  	v62 =	vmov v42;
	v42 =	vld [tilespmem:s26+$0x60];
	v5 =	vadd.f32 v10, v5  }
0x297: {  	v8 =	vld [tilespmem:s26+$0xFFFFFFB0];
	[tilespmem:s26+$0xFFFFFF20] =	vst v9;
	v10 =	vmul.f32 v11, v33  }
0x298: {  	v9 =	vld [tilespmem:s24+$0xFFFFFF30];
	v6 =	vadd.f32 v6, v44;
	v5 =	vmul.f32 v5, v38  }
0x299: {  	v7 =	vld [tilespmem:s26+$0xB0];
	[tilespmem:s26+$0xFFFFFFA0] =	vst v10  }
0x29a: {  	v6 =	vmul.f32 v6, v39;
	v10 =	vld [tilespmem:s24+$0xFFFFFFB0];
	[tilespmem:s26+$0xA0] =	vst v5  }
0x29b: {  	v5 =	vld [tilespmem:s24+$0xB0]  }
0x29c: {  	[tilespmem:s26+$0x30] =	vst v6;
	v6 =	vld [tilespmem:s26+$0x40]  }
0x29d: {  	v18 =	vmov v45;
	s1 =	simm.s32 $0x2700;
	s20 =	simm.s32 $0x5;
	v9 =	vadd.f32 v14, v9;
	v45 =	vld [tilespmem:s24+$0x40]  }
0x29e: {  	v48 =	vmov s20;
	v50 =	vld [tilespmem:s1+$0x0]  }
0x29f: {  	v49 =	vand.u32 $0xFFFFFFFD, v48;
	v48 =	vld [tilespmem:s1+$0x80];
	v9 =	vmul.f32 v9, v36;
	v8 =	vadd.f32 v8, v10  }
0x2a0: {  	v13 =	vld [tilespmem:s26+$0xFFFFFFC0];
	v5 =	vadd.f32 v7, v5  }
0x2a1: {  	v12 =	vld [tilespmem:s26+$0xFFFFFF40];
	[tilespmem:s26+$0xFFFFFF30] =	vst v9;
	v7 =	vmul.f32 v8, v33  }
0x2a2: {  	v8 =	vld [tilespmem:s24+$0xFFFFFF40];
	v6 =	vadd.f32 v6, v45;
	v5 =	vmul.f32 v5, v38  }
0x2a3: {  	v11 =	vld [tilespmem:s26+$0xC0];
	[tilespmem:s26+$0xFFFFFFB0] =	vst v7  }
0x2a4: {  	v6 =	vmul.f32 v6, v39;
	v7 =	vld [tilespmem:s24+$0xFFFFFFC0];
	[tilespmem:s26+$0xB0] =	vst v5  }
0x2a5: {  	v5 =	vld [tilespmem:s24+$0xC0]  }
0x2a6: {  	[tilespmem:s26+$0x40] =	vst v6;
	v6 =	vld [tilespmem:s26+$0x50]  }
0x2a7: {  	v9 =	vadd.f32 v12, v8;
	v12 =	vld [tilespmem:s24+$0x50]  }
0x2a8: {  	v44 =	vld [tilespmem:s1+$0xFFFFFF80]  }
0x2a9: {  	v14 =	vld [tilespmem:s26+$0xFFFFFF50]  }
0x2aa: {  	v10 =	vld [tilespmem:s26+$0xFFFFFFD0];
	v7 =	vadd.f32 v13, v7  }
0x2ab: {  	v54 =	vmov v46;
	v45 =	vld [tilespmem:s1+$0xFFFFFF00];
	v46 =	vmul.f32 v9, v36;
	v5 =	vadd.f32 v11, v5  }
0x2ac: {  	s8 =	simm.s32 $0x4;
	v8 =	vld [tilespmem:s26+$0xFFFFFF60];
	v7 =	vmul.f32 v7, v33;
	v6 =	vadd.f32 v6, v12  }
0x2ad: {  	s18 =	simm.s32 $0x6;
	v9 =	vld [tilespmem:s26+$0xFFFFFFE0];
	[tilespmem:s26+$0xFFFFFF40] =	vst v46;
	v12 =	vmov s8;
	v5 =	vmul.f32 v5, v38  }
0x2ae: {  	v55 =	vmovc v47;
	v47 =	vmov s18;
	v13 =	vld [tilespmem:s26+$0xE0];
	[tilespmem:s26+$0xFFFFFFC0] =	vst v7;
	v7 =	vand.u32 $0xFFFFFFFC, v12;
	v6 =	vmul.f32 v6, v39  }
0x2af: {  	v11 =	vld [tilespmem:s26+$0xFFFFFF70];
	v7 =	vbroadcast v7, $0x0;
	[tilespmem:s26+$0xC0] =	vst v5;
	v5 =	vand.u32 $0xFFFFFFFE, v47  }
0x2b0: {  	v35 =	vld [tilespmem:s24+$0xFFFFFF50];
	[tilespmem:s26+$0x50] =	vst v6;
	v6 =	vbroadcast v5, $0x0  }
0x2b1: {  	s8 =	simm.s32 $0x4700;
	v12 =	vld [tilespmem:s26+$0xFFFFFFF0]  }
0x2b2: {  	v51 =	vld [tilespmem:s8+$0x0]  }
0x2b3: {  	v46 =	vld [tilespmem:s8+$0xFFFFFF00]  }
0x2b4: {  	v32 =	vbroadcast v49, $0x0;
	v49 =	vld [tilespmem:s8+$0x80]  }
0x2b5: {  	v5 =	vld.idx.msk [tilespmem:v7+s19+$0x0], $0xffff  }
0x2b6: {  	v7 =	vld.idx.msk [tilespmem:v6+s19+$0x0], $0xffff  }
0x2b7: {  	s22 =	simm.s32 $0x7;
	v37 =	vld [tilespmem:s24+$0xFFFFFFD0]  }
0x2b8: {  	v60 =	vmov v40;
	v40 =	vmov s22;
	v47 =	vld [tilespmem:s8+$0xFFFFFF80]  }
0x2b9: {  	v61 =	vmov v41;
	v41 =	vld [tilespmem:s24+$0xD0];
	v52 =	vadd.f32 v51, v50  }
0x2ba: {  	v63 =	vmov v43;
	v43 =	vld [tilespmem:s24+$0x60]  }
0x2bb: {  	v6 =	vld.idx.msk [tilespmem:v32+s19+$0x0], $0xffff;
	v32 =	vmul.f32 v52, v7  }
0x2bc: {  	v50 =	vld [tilespmem:s8+$0x10]  }
0x2bd: {  	[tilespmem:s8+$0x0] =	vst v32;
	v32 =	vld.idx.msk [tilespmem:v40+s19+$0x0], $0xffff  }
0x2be: {  	v45 =	vadd.f32 v46, v45;
	v51 =	vld [tilespmem:s1+$0x10]  }
0x2bf: {  	v46 =	vld [tilespmem:s26+$0x70]  }
0x2c0: {  	v48 =	vadd.f32 v49, v48;
	v49 =	vld [tilespmem:s8+$0xFFFFFF90];
	v44 =	vadd.f32 v47, v44;
	v45 =	vmul.f32 v45, v5  }
0x2c1: {  	v47 =	vld [tilespmem:s8+$0xFFFFFF10]  }
0x2c2: {  	v10 =	vadd.f32 v10, v37;
	v37 =	vld [tilespmem:s8+$0xFFFFFFD0];
	v44 =	vmul.f32 v44, v6;
	[tilespmem:s8+$0xFFFFFF00] =	vst v45  }
0x2c3: {  	v48 =	vmul.f32 v48, v32;
	v50 =	vadd.f32 v50, v51;
	v51 =	vld [tilespmem:s1+$0xFFFFFF10]  }
0x2c4: {  	v45 =	vld [tilespmem:s8+$0x90];
	[tilespmem:s8+$0xFFFFFF80] =	vst v44  }
0x2c5: {  	[tilespmem:s8+$0x80] =	vst v48;
	v53 =	vmul.f32 v50, v7;
	v50 =	vld [tilespmem:s1+$0xFFFFFF90]  }
0x2c6: {  	v48 =	vld [tilespmem:s1+$0x90]  }
0x2c7: {  	v44 =	vld [tilespmem:s8+$0x20];
	[tilespmem:s8+$0x10] =	vst v53  }
0x2c8: {  	v52 =	vld [tilespmem:s1+$0x20];
	v47 =	vadd.f32 v47, v51  }
0x2c9: {  	v34 =	vadd.f32 v34, v41;
	v41 =	vld [tilespmem:s8+$0x40]  }
0x2ca: {  	v40 =	vld [tilespmem:s26+$0xF0];
	v47 =	vmul.f32 v47, v5;
	v49 =	vadd.f32 v49, v50  }
0x2cb: {  	v53 =	vld [tilespmem:s8+$0xFFFFFF20];
	v45 =	vadd.f32 v45, v48  }
0x2cc: {  	v51 =	vld [tilespmem:s8+$0xFFFFFFA0];
	[tilespmem:s8+$0xFFFFFF10] =	vst v47;
	v47 =	vmul.f32 v49, v6  }
0x2cd: {  	v42 =	vadd.f32 v42, v43;
	v45 =	vmul.f32 v45, v32;
	v44 =	vadd.f32 v44, v52;
	v52 =	vld [tilespmem:s1+$0xFFFFFF20]  }
0x2ce: {  	v14 =	vadd.f32 v14, v35;
	v50 =	vld [tilespmem:s8+$0xA0];
	[tilespmem:s8+$0xFFFFFF90] =	vst v47  }
0x2cf: {  	[tilespmem:s8+$0x90] =	vst v45;
	v45 =	vmul.f32 v42, v39;
	v42 =	vld [tilespmem:s8+$0x30];
	v35 =	vmul.f32 v44, v7  }
0x2d0: {  	v14 =	vmul.f32 v14, v36;
	v43 =	vld [tilespmem:s1+$0xFFFFFFA0]  }
0x2d1: {  	v44 =	vld [tilespmem:s1+$0xA0];
	[tilespmem:s8+$0x20] =	vst v35  }
0x2d2: {  	[tilespmem:s26+$0xFFFFFF50] =	vst v14;
	v14 =	vld [tilespmem:s1+$0x30];
	v35 =	vadd.f32 v53, v52  }
0x2d3: {  	v48 =	vld [tilespmem:s8+$0xFFFFFF30]  }
0x2d4: {  	v49 =	vld [tilespmem:s8+$0xFFFFFFB0];
	v35 =	vmul.f32 v35, v5  }
0x2d5: {  	v47 =	vld [tilespmem:s8+$0xB0];
	[tilespmem:s26+$0x60] =	vst v45;
	v43 =	vadd.f32 v51, v43  }
0x2d6: {  	v45 =	vld [tilespmem:s24+$0xFFFFFF60];
	v44 =	vadd.f32 v50, v44;
	[tilespmem:s8+$0xFFFFFF20] =	vst v35  }
0x2d7: {  	v35 =	vmul.f32 v43, v6;
	v14 =	vadd.f32 v42, v14;
	v42 =	vld [tilespmem:s1+$0xFFFFFF30]  }
0x2d8: {  	v52 =	vld [tilespmem:s24+$0x70];
	v43 =	vmul.f32 v44, v32  }
0x2d9: {  	v53 =	vld [tilespmem:s8+$0xC0];
	[tilespmem:s8+$0xFFFFFFA0] =	vst v35;
	v14 =	vmul.f32 v14, v7  }
0x2da: {  	[tilespmem:s8+$0xA0] =	vst v43;
	v35 =	vld [tilespmem:s1+$0xFFFFFFB0]  }
0x2db: {  	v10 =	vmul.f32 v10, v33;
	[tilespmem:s8+$0x30] =	vst v14;
	v14 =	vld [tilespmem:s1+$0xB0]  }
0x2dc: {  	v51 =	vld [tilespmem:s8+$0xFFFFFF40];
	v42 =	vadd.f32 v48, v42  }
0x2dd: {  	[tilespmem:s26+$0xFFFFFFD0] =	vst v10;
	v10 =	vmul.f32 v34, v38;
	v50 =	vld [tilespmem:s8+$0xFFFFFFC0]  }
0x2de: {  	v48 =	vld [tilespmem:s24+$0xFFFFFFE0];
	v34 =	vmul.f32 v42, v5  }
0x2df: {  	[tilespmem:s26+$0xD0] =	vst v10;
	v43 =	vld [tilespmem:s1+$0x40];
	v42 =	vadd.f32 v49, v35  }
0x2e0: {  	v49 =	vld [tilespmem:s24+$0xE0];
	[tilespmem:s8+$0xFFFFFF30] =	vst v34;
	v14 =	vadd.f32 v47, v14  }
0x2e1: {  	v10 =	vmul.f32 v42, v6;
	v42 =	vld [tilespmem:s1+$0xFFFFFF40]  }
0x2e2: {  	v8 =	vadd.f32 v8, v45;
	v44 =	vld [tilespmem:s8+$0xFFFFFF50];
	v14 =	vmul.f32 v14, v32  }
0x2e3: {  	v35 =	vld [tilespmem:s8+$0xD0];
	v47 =	vadd.f32 v9, v48;
	[tilespmem:s8+$0xFFFFFFB0] =	vst v10  }
0x2e4: {  	v8 =	vmul.f32 v8, v36;
	v41 =	vadd.f32 v41, v43;
	[tilespmem:s8+$0xB0] =	vst v14;
	v14 =	vld [tilespmem:s1+$0xFFFFFFC0]  }
0x2e5: {  	v34 =	vld [tilespmem:s8+$0xFFFFFF70];
	v13 =	vadd.f32 v13, v49;
	v49 =	vmul.f32 v47, v33  }
0x2e6: {  	[tilespmem:s26+$0xFFFFFF60] =	vst v8;
	v41 =	vmul.f32 v41, v7;
	v48 =	vld [tilespmem:s1+$0xC0];
	v42 =	vadd.f32 v51, v42  }
0x2e7: {  	v43 =	vld [tilespmem:s8+$0x50];
	[tilespmem:s26+$0xFFFFFFE0] =	vst v49  }
0x2e8: {  	[tilespmem:s8+$0x40] =	vst v41;
	v8 =	vmul.f32 v42, v5;
	v42 =	vld [tilespmem:s24+$0xFFFFFFF0]  }
0x2e9: {  	v13 =	vmul.f32 v13, v38;
	v41 =	vld [tilespmem:s1+$0x50];
	v14 =	vadd.f32 v50, v14  }
0x2ea: {  	v9 =	vld [tilespmem:s8+$0xFFFFFFE0]  }
0x2eb: {  	[tilespmem:s26+$0xE0] =	vst v13;
	v13 =	vld [tilespmem:s24+$0xFFFFFF70];
	v47 =	vadd.f32 v53, v48;
	v14 =	vmul.f32 v14, v6  }
0x2ec: {  	v45 =	vld [tilespmem:s24+$0xF0];
	[tilespmem:s8+$0xFFFFFF40] =	vst v8  }
0x2ed: {  	s22 =	simm.s32 $0x9;
	v46 =	vadd.f32 v46, v52;
	v53 =	vld [tilespmem:s1+$0xFFFFFF50];
	[tilespmem:s8+$0xFFFFFFC0] =	vst v14;
	v12 =	vadd.f32 v12, v42;
	v14 =	vmul.f32 v47, v32  }
0x2ee: {  	s20 =	simm.s32 $0x8;
	v52 =	vmov s22;
	v10 =	vld [tilespmem:s8+$0xFFFFFF60];
	v43 =	vadd.f32 v43, v41  }
0x2ef: {  	v39 =	vmul.f32 v46, v39;
	v8 =	vld [tilespmem:s8+$0xE0];
	[tilespmem:s8+$0xC0] =	vst v14;
	v14 =	vmul.f32 v12, v33;
	v12 =	vmov s20  }
0x2f0: {  	s24 =	simm.s32 $0xB;
	v11 =	vadd.f32 v11, v13;
	v13 =	vmul.f32 v43, v7;
	v41 =	vld [tilespmem:s1+$0xFFFFFFD0];
	v12 =	vand.u32 $0xFFFFFFFC, v12  }
0x2f1: {  	v45 =	vadd.f32 v40, v45;
	v42 =	vld [tilespmem:s8+$0x60];
	v40 =	vmov s24;
	v12 =	vbroadcast v12, $0x0  }
0x2f2: {  	[tilespmem:s8+$0x50] =	vst v13;
	v43 =	vadd.f32 v44, v53;
	v13 =	vld [tilespmem:s1+$0xD0];
	v53 =	vand.u32 $0xFFFFFFFD, v52  }
0x2f3: {  	[tilespmem:s26+$0x70] =	vst v39;
	v11 =	vmul.f32 v11, v36;
	v33 =	vld [tilespmem:s8+$0xFFFFFFF0];
	v44 =	vbroadcast v53, $0x0  }
0x2f4: {  	s18 =	simm.s32 $0xC;
	s24 =	simm.s32 $0x2700;
	s20 =	simm.s32 $0xA;
	v38 =	vmul.f32 v45, v38;
	[tilespmem:s26+$0xFFFFFFF0] =	vst v14;
	v14 =	vld [tilespmem:s1+$0x60]  }
.LBB2_7:
0x2f5: {  	p0 =	slt.u32 s18, $0x1C;
	v36 =	vmov s20;
	v43 =	vmul.f32 v43, v5;
	v37 =	vadd.f32 v37, v41;
	v39 =	vld [tilespmem:s8+$0xF0];
	[tilespmem:s26+$0xFFFFFF70] =	vst v11  }
0x2f6: {  	v11 =	vand.u32 $0xFFFFFFFE, v36;
	v36 =	vld.idx.msk [tilespmem:v40+s19+$0x0], $0xffff;
	[tilespmem:s26+$0xF0] =	vst v38;
	s26 =	smov.u32 s8  }
0x2f7: {  	v38 =	vld.idx.msk [tilespmem:v12+s19+$0x0], $0xffff;
	v12 =	vbroadcast v11, $0x0;
	[tilespmem:s8+$0xFFFFFF50] =	vst v43;
	v37 =	vmul.f32 v37, v6;
	v13 =	vadd.f32 v35, v13  }
0x2f8: {  	v35 =	vld [tilespmem:s1+$0xFFFFFF60]  }
0x2f9: {  	v11 =	vld.idx.msk [tilespmem:v44+s19+$0x0], $0xffff;
	[tilespmem:s8+$0xFFFFFFD0] =	vst v37;
	v14 =	vadd.f32 v42, v14;
	v13 =	vmul.f32 v13, v32  }
0x2fa: {  	s1 =	sadd.s32 $0x200, s1;
	v37 =	vld [tilespmem:s8+$0x70]  }
0x2fb: {  	s8 =	sadd.s32 $0x200, s8;
	v40 =	vld [tilespmem:s1+$0x0];
	v14 =	vmul.f32 v14, v7;
	[tilespmem:s26+$0xD0] =	vst v13  }
0x2fc: {  	v13 =	vld [tilespmem:s8+$0x0]  }
0x2fd: {  	v12 =	vld.idx.msk [tilespmem:v12+s19+$0x0], $0xffff;
	v10 =	vadd.f32 v10, v35;
	[tilespmem:s26+$0x60] =	vst v14  }
0x2fe: {  	v14 =	vld [tilespmem:s24+$0x70]  }
0x2ff: {  	v35 =	vld [tilespmem:s1+$0xFFFFFF00];
	v10 =	vmul.f32 v10, v5  }
0x300: {  	v41 =	vld [tilespmem:s8+$0xFFFFFF00]  }
0x301: {  	v42 =	vld [tilespmem:s1+$0xFFFFFF80];
	v13 =	vadd.f32 v13, v40;
	[tilespmem:s26+$0xFFFFFF60] =	vst v10  }
0x302: {  	v10 =	vld [tilespmem:s8+$0xFFFFFF80]  }
0x303: {  	v13 =	vmul.f32 v13, v12;
	v40 =	vld [tilespmem:s1+$0x80];
	v14 =	vadd.f32 v37, v14  }
0x304: {  	v37 =	vld [tilespmem:s8+$0x80]  }
0x305: {  	v35 =	vadd.f32 v41, v35;
	[tilespmem:s8+$0x0] =	vst v13;
	v13 =	vld [tilespmem:s8+$0x10];
	v14 =	vmul.f32 v14, v7;
	v7 =	vmov v12  }
0x306: {  	v12 =	vld [tilespmem:s1+$0x10]  }
0x307: {  	v35 =	vmul.f32 v35, v38;
	v41 =	vld [tilespmem:s8+$0xFFFFFF10];
	v10 =	vadd.f32 v10, v42;
	[tilespmem:s26+$0x70] =	vst v14  }
0x308: {  	v14 =	vld [tilespmem:s8+$0xFFFFFF90]  }
0x309: {  	[tilespmem:s8+$0xFFFFFF00] =	vst v35;
	v10 =	vmul.f32 v10, v11;
	v35 =	vadd.f32 v37, v40;
	v37 =	vld [tilespmem:s8+$0x90]  }
0x30a: {  	v40 =	vld [tilespmem:s1+$0xFFFFFF10]  }
0x30b: {  	v42 =	vld [tilespmem:s8+$0xFFFFFF20];
	[tilespmem:s8+$0xFFFFFF80] =	vst v10;
	v10 =	vadd.f32 v13, v12;
	v12 =	vmul.f32 v35, v36  }
0x30c: {  	v13 =	vld [tilespmem:s1+$0xFFFFFF90]  }
0x30d: {  	v35 =	vld [tilespmem:s8+$0xFFFFFFA0];
	v10 =	vmul.f32 v10, v7;
	[tilespmem:s8+$0x80] =	vst v12  }
0x30e: {  	v12 =	vld [tilespmem:s1+$0x90]  }
0x30f: {  	v40 =	vadd.f32 v41, v40;
	[tilespmem:s8+$0x10] =	vst v10;
	v10 =	vld [tilespmem:s8+$0x20]  }
0x310: {  	v41 =	vld [tilespmem:s1+$0x20]  }
0x311: {  	v40 =	vmul.f32 v40, v38;
	v13 =	vadd.f32 v14, v13;
	v14 =	vld [tilespmem:s8+$0xA0]  }
0x312: {  	v43 =	vld [tilespmem:s8+$0xFFFFFF30]  }
0x313: {  	[tilespmem:s8+$0xFFFFFF10] =	vst v40;
	v13 =	vmul.f32 v13, v11;
	v40 =	vld [tilespmem:s8+$0xFFFFFFB0];
	v12 =	vadd.f32 v37, v12  }
0x314: {  	v37 =	vld [tilespmem:s1+$0xFFFFFF20]  }
0x315: {  	[tilespmem:s8+$0xFFFFFF90] =	vst v13;
	v10 =	vadd.f32 v10, v41;
	v12 =	vmul.f32 v12, v36;
	v13 =	vld [tilespmem:s8+$0xB0]  }
0x316: {  	v41 =	vld [tilespmem:s1+$0xFFFFFFA0]  }
0x317: {  	v44 =	vld [tilespmem:s8+$0xFFFFFF40];
	v10 =	vmul.f32 v10, v7;
	[tilespmem:s8+$0x90] =	vst v12  }
0x318: {  	v12 =	vld [tilespmem:s1+$0xA0]  }
0x319: {  	v37 =	vadd.f32 v42, v37;
	[tilespmem:s8+$0x20] =	vst v10;
	v10 =	vld [tilespmem:s8+$0x30]  }
0x31a: {  	v42 =	vld [tilespmem:s1+$0x30]  }
0x31b: {  	v37 =	vmul.f32 v37, v38;
	v35 =	vadd.f32 v35, v41;
	v41 =	vld [tilespmem:s8+$0xFFFFFFC0]  }
0x31c: {  	v45 =	vld [tilespmem:s8+$0xC0]  }
0x31d: {  	[tilespmem:s8+$0xFFFFFF20] =	vst v37;
	v46 =	vld [tilespmem:s8+$0xFFFFFF50];
	v35 =	vmul.f32 v35, v11;
	v12 =	vadd.f32 v14, v12  }
0x31e: {  	v14 =	vld [tilespmem:s1+$0xFFFFFF30]  }
0x31f: {  	[tilespmem:s8+$0xFFFFFFA0] =	vst v35;
	v37 =	vld [tilespmem:s8+$0xFFFFFFD0];
	v10 =	vadd.f32 v10, v42;
	v12 =	vmul.f32 v12, v36  }
0x320: {  	v42 =	vld [tilespmem:s1+$0xFFFFFFB0]  }
0x321: {  	v10 =	vmul.f32 v10, v7;
	[tilespmem:s8+$0xA0] =	vst v12;
	v35 =	vld [tilespmem:s8+$0xD0]  }
0x322: {  	v12 =	vld [tilespmem:s1+$0xB0]  }
0x323: {  	v14 =	vadd.f32 v43, v14;
	[tilespmem:s8+$0x30] =	vst v10;
	v43 =	vld [tilespmem:s8+$0x40]  }
0x324: {  	v47 =	vld [tilespmem:s1+$0x40]  }
0x325: {  	v10 =	vmul.f32 v14, v38;
	v14 =	vadd.f32 v40, v42;
	v40 =	vld [tilespmem:s24+$0xFFFFFFE0]  }
0x326: {  	v42 =	vld [tilespmem:s24+$0xE0]  }
0x327: {  	[tilespmem:s8+$0xFFFFFF30] =	vst v10;
	v10 =	vld [tilespmem:s8+$0xFFFFFF60];
	v14 =	vmul.f32 v14, v11;
	v12 =	vadd.f32 v13, v12  }
0x328: {  	v13 =	vld [tilespmem:s1+$0xFFFFFF40]  }
0x329: {  	[tilespmem:s8+$0xFFFFFFB0] =	vst v14;
	v14 =	vld [tilespmem:s8+$0xFFFFFFE0];
	v43 =	vadd.f32 v43, v47;
	v12 =	vmul.f32 v12, v36  }
0x32a: {  	v47 =	vld [tilespmem:s1+$0xFFFFFFC0];
	v9 =	vadd.f32 v9, v40  }
0x32b: {  	v40 =	vmul.f32 v43, v7;
	[tilespmem:s8+$0xB0] =	vst v12;
	v12 =	vadd.f32 v8, v42;
	v8 =	vld [tilespmem:s8+$0xE0]  }
0x32c: {  	v42 =	vld [tilespmem:s1+$0xC0];
	v48 =	vmul.f32 v9, v6  }
0x32d: {  	v13 =	vadd.f32 v44, v13;
	[tilespmem:s8+$0x40] =	vst v40;
	v43 =	vld [tilespmem:s8+$0x50];
	v12 =	vmul.f32 v12, v32  }
0x32e: {  	v44 =	vld [tilespmem:s1+$0x50];
	[tilespmem:s26+$0xFFFFFFE0] =	vst v48;
	v9 =	vmov v14  }
0x32f: {  	v13 =	vmul.f32 v13, v38;
	v14 =	vadd.f32 v41, v47;
	v47 =	vld [tilespmem:s24+$0xFFFFFFF0];
	[tilespmem:s26+$0xE0] =	vst v12  }
0x330: {  	v48 =	vld [tilespmem:s24+$0xFFFFFF70]  }
0x331: {  	[tilespmem:s8+$0xFFFFFF40] =	vst v13;
	v12 =	vmul.f32 v14, v11;
	v13 =	vadd.f32 v45, v42;
	v14 =	vld [tilespmem:s24+$0xF0];
	s24 =	smov.u32 s1  }
0x332: {  	s20 =	sadd.s32 $0x3, s18;
	v41 =	vmov s18;
	v42 =	vld [tilespmem:s1+$0xFFFFFF50]  }
0x333: {  	s22 =	sadd.s32 $0x1, s18;
	v40 =	vmov s20;
	v45 =	vld [tilespmem:s8+$0xFFFFFF70];
	[tilespmem:s8+$0xFFFFFFC0] =	vst v12;
	v43 =	vadd.f32 v43, v44;
	v13 =	vmul.f32 v13, v36  }
.Ltmp2:
0x334: {  	v12 =	vand.u32 $0xFFFFFFFC, v41;
	v44 =	vmov s22;
	v41 =	vld [tilespmem:s1+$0xFFFFFFD0];
	v47 =	vadd.f32 v33, v47;
	(pc) =	sbr.rel @p0 .LBB2_7-.Ltmp2, $4  }
0x335: {  	v12 =	vbroadcast v12, $0x0;
	v33 =	vld [tilespmem:s8+$0xFFFFFFF0];
	v49 =	vmul.f32 v43, v7;
	[tilespmem:s8+$0xC0] =	vst v13;
	v48 =	vadd.f32 v34, v48  }
0x336: {  	v43 =	vand.u32 $0xFFFFFFFD, v44;
	v13 =	vld [tilespmem:s1+$0xD0];
	v47 =	vmul.f32 v47, v6;
	v39 =	vadd.f32 v39, v14;
	v6 =	vmovc v11  }
0x337: {  	v44 =	vbroadcast v43, $0x0;
	v43 =	vadd.f32 v46, v42;
	[tilespmem:s8+$0x50] =	vst v49;
	v42 =	vld [tilespmem:s8+$0x60];
	v11 =	vmul.f32 v48, v5;
	v5 =	vmovc v38  }
0x338: {  	s20 =	sadd.s32 $0x2, s18;
	s18 =	sadd.s32 $0x4, s18;
	v14 =	vld [tilespmem:s1+$0x60];
	[tilespmem:s26+$0xFFFFFFF0] =	vst v47;
	v38 =	vmul.f32 v39, v32;
	v32 =	vmov v36;
	v34 =	vmov v45  }
0x339: {  	s22 =	sadd.s32 $0x200, s1  }
0x33a: {  	s18 =	sadd.s32 $0x200, s8;
	v53 =	vld [tilespmem:s22+$0x0]  }
0x33b: {  	v45 =	vld [tilespmem:s18+$0x0]  }
0x33c: {  	v46 =	vld [tilespmem:s22+$0xFFFFFF00]  }
0x33d: {  	v47 =	vld [tilespmem:s18+$0xFFFFFF00]  }
0x33e: {  	v36 =	vmov s20;
	v48 =	vld [tilespmem:s22+$0xFFFFFF80]  }
0x33f: {  	v36 =	vand.u32 $0xFFFFFFFE, v36;
	v49 =	vld [tilespmem:s18+$0xFFFFFF80]  }
0x340: {  	v52 =	vld [tilespmem:s22+$0x80];
	v39 =	vbroadcast v36, $0x0  }
0x341: {  	v50 =	vld [tilespmem:s18+$0x80]  }
0x342: {  	v36 =	vld.idx.msk [tilespmem:v44+s19+$0x0], $0xffff  }
0x343: {  	v12 =	vld.idx.msk [tilespmem:v12+s19+$0x0], $0xffff  }
0x344: {  	v40 =	vld.idx.msk [tilespmem:v40+s19+$0x0], $0xffff  }
0x345: {  	v48 =	vadd.f32 v49, v48  }
0x346: {  	v46 =	vadd.f32 v47, v46;
	v39 =	vld.idx.msk [tilespmem:v39+s19+$0x0], $0xffff  }
0x347: {  	v51 =	vld [tilespmem:s18+$0x90];
	v44 =	vadd.f32 v45, v53;
	v45 =	vadd.f32 v50, v52;
	v48 =	vmul.f32 v48, v36  }
0x348: {  	v49 =	vld [tilespmem:s18+$0xFFFFFF10];
	v46 =	vmul.f32 v46, v12  }
0x349: {  	v50 =	vld [tilespmem:s18+$0xFFFFFF90];
	v45 =	vmul.f32 v45, v40;
	[tilespmem:s18+$0xFFFFFF80] =	vst v48  }
0x34a: {  	[tilespmem:s18+$0xFFFFFF00] =	vst v46;
	v53 =	vld [tilespmem:s22+$0xFFFFFF90]  }
0x34b: {  	[tilespmem:s18+$0x80] =	vst v45;
	v52 =	vld [tilespmem:s22+$0xFFFFFF10];
	v44 =	vmul.f32 v44, v39  }
0x34c: {  	v45 =	vld [tilespmem:s22+$0x90]  }
0x34d: {  	[tilespmem:s18+$0x0] =	vst v44;
	v44 =	vld [tilespmem:s18+$0x10]  }
0x34e: {  	v47 =	vld [tilespmem:s22+$0x10]  }
0x34f: {  	v46 =	vadd.f32 v50, v53  }
0x350: {  	v48 =	vadd.f32 v49, v52  }
0x351: {  	v50 =	vld [tilespmem:s18+$0xFFFFFFA0];
	v45 =	vadd.f32 v51, v45;
	v46 =	vmul.f32 v46, v36  }
0x352: {  	v51 =	vld [tilespmem:s18+$0xA0];
	v48 =	vmul.f32 v48, v12  }
0x353: {  	v45 =	vmul.f32 v45, v40;
	[tilespmem:s18+$0xFFFFFF90] =	vst v46;
	v44 =	vadd.f32 v44, v47;
	v47 =	vld [tilespmem:s18+$0xFFFFFF20]  }
0x354: {  	[tilespmem:s18+$0xFFFFFF10] =	vst v48;
	v46 =	vld [tilespmem:s22+$0xFFFFFFA0]  }
0x355: {  	[tilespmem:s18+$0x90] =	vst v45;
	v48 =	vld [tilespmem:s22+$0xFFFFFF20];
	v44 =	vmul.f32 v44, v39  }
0x356: {  	v45 =	vld [tilespmem:s22+$0xA0]  }
0x357: {  	[tilespmem:s18+$0x10] =	vst v44;
	v44 =	vld [tilespmem:s18+$0x20]  }
0x358: {  	v49 =	vld [tilespmem:s22+$0x20]  }
0x359: {  	v46 =	vadd.f32 v50, v46  }
0x35a: {  	v47 =	vadd.f32 v47, v48  }
0x35b: {  	v50 =	vld [tilespmem:s18+$0xFFFFFFB0];
	v45 =	vadd.f32 v51, v45;
	v46 =	vmul.f32 v46, v36  }
0x35c: {  	v48 =	vld [tilespmem:s18+$0xB0];
	v47 =	vmul.f32 v47, v12  }
0x35d: {  	v45 =	vmul.f32 v45, v40;
	[tilespmem:s18+$0xFFFFFFA0] =	vst v46;
	v44 =	vadd.f32 v44, v49;
	v49 =	vld [tilespmem:s18+$0xFFFFFF30]  }
0x35e: {  	[tilespmem:s18+$0xFFFFFF20] =	vst v47;
	v46 =	vld [tilespmem:s22+$0xFFFFFFB0]  }
0x35f: {  	[tilespmem:s18+$0xA0] =	vst v45;
	v47 =	vld [tilespmem:s22+$0xFFFFFF30];
	v44 =	vmul.f32 v44, v39  }
0x360: {  	v45 =	vld [tilespmem:s22+$0xB0]  }
0x361: {  	v43 =	vmul.f32 v43, v5;
	[tilespmem:s18+$0x20] =	vst v44;
	v44 =	vld [tilespmem:s18+$0x30]  }
0x362: {  	v51 =	vld [tilespmem:s22+$0x30]  }
0x363: {  	[tilespmem:s8+$0xFFFFFF50] =	vst v43;
	v14 =	vadd.f32 v42, v14  }
0x364: {  	v43 =	vld [tilespmem:s1+$0xFFFFFF60];
	v47 =	vadd.f32 v49, v47  }
0x365: {  	v42 =	vld [tilespmem:s18+$0x40];
	v14 =	vmul.f32 v14, v7;
	v45 =	vadd.f32 v48, v45  }
0x366: {  	v46 =	vadd.f32 v50, v46;
	v50 =	vld [tilespmem:s18+$0xFFFFFF40];
	v53 =	vmul.f32 v47, v12  }
0x367: {  	[tilespmem:s8+$0x60] =	vst v14;
	v49 =	vld [tilespmem:s18+$0xFFFFFFC0];
	v45 =	vmul.f32 v45, v40;
	v44 =	vadd.f32 v44, v51  }
0x368: {  	v48 =	vld [tilespmem:s18+$0xC0];
	v46 =	vmul.f32 v46, v36;
	[tilespmem:s18+$0xFFFFFF30] =	vst v53  }
0x369: {  	[tilespmem:s18+$0xB0] =	vst v45;
	v53 =	vld [tilespmem:s22+$0xFFFFFF40];
	v44 =	vmul.f32 v44, v39  }
0x36a: {  	v37 =	vadd.f32 v37, v41;
	[tilespmem:s18+$0xFFFFFFB0] =	vst v46;
	v14 =	vld [tilespmem:s22+$0xC0]  }
0x36b: {  	[tilespmem:s18+$0x30] =	vst v44;
	v44 =	vld [tilespmem:s22+$0xFFFFFFC0]  }
0x36c: {  	v37 =	vmul.f32 v37, v6;
	v46 =	vld [tilespmem:s22+$0x40]  }
0x36d: {  	v10 =	vadd.f32 v10, v43;
	v43 =	vld [tilespmem:s18+$0xFFFFFF70]  }
0x36e: {  	[tilespmem:s8+$0xFFFFFFD0] =	vst v37;
	v41 =	vld [tilespmem:s24+$0x70];
	v37 =	vadd.f32 v50, v53  }
0x36f: {  	v47 =	vld [tilespmem:s18+$0xFFFFFFD0];
	v14 =	vadd.f32 v48, v14  }
0x370: {  	v53 =	vld [tilespmem:s24+$0xFFFFFFE0];
	v37 =	vmul.f32 v37, v12;
	v44 =	vadd.f32 v49, v44  }
0x371: {  	v45 =	vld [tilespmem:s18+$0xD0];
	v14 =	vmul.f32 v14, v40;
	v42 =	vadd.f32 v42, v46  }
0x372: {  	v49 =	vld [tilespmem:s18+$0x50];
	[tilespmem:s18+$0xFFFFFF40] =	vst v37;
	v44 =	vmul.f32 v44, v36  }
0x373: {  	v13 =	vadd.f32 v35, v13;
	[tilespmem:s18+$0xC0] =	vst v14;
	v46 =	vld [tilespmem:s18+$0xFFFFFF50];
	v42 =	vmul.f32 v42, v39  }
0x374: {  	v14 =	vld [tilespmem:s22+$0xFFFFFF50];
	[tilespmem:s18+$0xFFFFFFC0] =	vst v44  }
0x375: {  	v13 =	vmul.f32 v13, v32;
	v9 =	vadd.f32 v9, v53;
	[tilespmem:s18+$0x40] =	vst v42;
	v50 =	vld [tilespmem:s22+$0xFFFFFFD0]  }
0x376: {  	v42 =	vld [tilespmem:s22+$0x50]  }
0x377: {  	[tilespmem:s8+$0xD0] =	vst v13;
	v13 =	vld [tilespmem:s22+$0xD0];
	v9 =	vmul.f32 v9, v6  }
0x378: {  	v52 =	vld [tilespmem:s8+$0xF0]  }
0x379: {  	v51 =	vld [tilespmem:s8+$0x70];
	[tilespmem:s8+$0xFFFFFFE0] =	vst v9;
	v9 =	vadd.f32 v46, v14  }
0x37a: {  	v48 =	vld [tilespmem:s18+$0xFFFFFFE0];
	v37 =	vadd.f32 v47, v50  }
0x37b: {  	v53 =	vld [tilespmem:s24+$0xE0];
	v9 =	vmul.f32 v9, v12;
	v35 =	vadd.f32 v49, v42  }
0x37c: {  	v14 =	vld [tilespmem:s18+$0xE0];
	v13 =	vadd.f32 v45, v13;
	v37 =	vmul.f32 v37, v36  }
0x37d: {  	[tilespmem:s18+$0xFFFFFF50] =	vst v9;
	v42 =	vld [tilespmem:s18+$0xFFFFFF60];
	v35 =	vmul.f32 v35, v39  }
0x37e: {  	v13 =	vmul.f32 v13, v40;
	v49 =	vld [tilespmem:s18+$0x60];
	[tilespmem:s18+$0xFFFFFFD0] =	vst v37  }
0x37f: {  	v10 =	vmul.f32 v10, v5;
	[tilespmem:s18+$0x50] =	vst v35;
	v9 =	vld [tilespmem:s22+$0xFFFFFFE0]  }
0x380: {  	v8 =	vadd.f32 v8, v53;
	[tilespmem:s18+$0xD0] =	vst v13;
	v50 =	vld [tilespmem:s22+$0x60]  }
0x381: {  	[tilespmem:s8+$0xFFFFFF60] =	vst v10;
	v10 =	vld [tilespmem:s22+$0xE0]  }
0x382: {  	v8 =	vmul.f32 v8, v32;
	v53 =	vld [tilespmem:s22+$0xFFFFFF60]  }
0x383: {  	v45 =	vld [tilespmem:s24+$0xFFFFFFF0]  }
0x384: {  	[tilespmem:s8+$0xE0] =	vst v8;
	v8 =	vld [tilespmem:s24+$0xFFFFFF70];
	v9 =	vadd.f32 v48, v9  }
0x385: {  	v13 =	vld [tilespmem:s24+$0xF0];
	v35 =	vadd.f32 v49, v50  }
0x386: {  	v10 =	vadd.f32 v14, v10;
	v14 =	vld [tilespmem:s18+$0x70];
	v9 =	vmul.f32 v9, v36  }
0x387: {  	v37 =	vadd.f32 v42, v53;
	v48 =	vld [tilespmem:s18+$0xFFFFFFF0];
	v35 =	vmul.f32 v35, v39  }
0x388: {  	v10 =	vmul.f32 v10, v40;
	v49 =	vld [tilespmem:s18+$0xF0];
	[tilespmem:s18+$0xFFFFFFE0] =	vst v9  }
0x389: {  	v50 =	vmul.f32 v37, v12;
	v9 =	vadd.f32 v51, v41;
	[tilespmem:s18+$0x60] =	vst v35;
	v41 =	vld [tilespmem:s22+$0xFFFFFFF0]  }
0x38a: {  	v33 =	vadd.f32 v33, v45;
	[tilespmem:s18+$0xE0] =	vst v10;
	v53 =	vld [tilespmem:s22+$0x70]  }
0x38b: {  	[tilespmem:s18+$0xFFFFFF60] =	vst v50;
	v7 =	vmul.f32 v9, v7;
	v9 =	vld [tilespmem:s22+$0xF0]  }
0x38c: {  	[tilespmem:s26+$0xFFFFFF70] =	vst v11;
	v6 =	vmul.f32 v33, v6;
	v8 =	vadd.f32 v34, v8;
	v11 =	vadd.f32 v52, v13;
	v10 =	vld [tilespmem:s22+$0xFFFFFF70]  }
0x38d: {  	[tilespmem:s26+$0xF0] =	vst v38  }
0x38e: {  	[tilespmem:s8+$0xFFFFFFF0] =	vst v6;
	v5 =	vmul.f32 v8, v5;
	v6 =	vmul.f32 v11, v32;
	v8 =	vadd.f32 v48, v41  }
0x38f: {  	[tilespmem:s8+$0x70] =	vst v7;
	v7 =	vadd.f32 v14, v53  }
0x390: {  	[tilespmem:s8+$0xF0] =	vst v6;
	v6 =	vmul.f32 v8, v36;
	v8 =	vadd.f32 v49, v9  }
0x391: {  	[tilespmem:s8+$0xFFFFFF70] =	vst v5;
	v5 =	vmul.f32 v7, v39;
	v7 =	vadd.f32 v43, v10  }
0x392: {  	[tilespmem:s18+$0xFFFFFFF0] =	vst v6;
	v6 =	vmul.f32 v8, v40  }
0x393: {  	[tilespmem:s18+$0x70] =	vst v5;
	v5 =	vmul.f32 v7, v12  }
0x394: {  	[tilespmem:s18+$0xF0] =	vst v6  }
0x395: {  	s8 =	simm.s32 $0x2200;
	[tilespmem:s18+$0xFFFFFF70] =	vst v5  }
0x396: {  	[spmem:s23] =	stream.indirect.scatter.add.f32 [tilespmem:s6], [sflag:$0x3], $0x80, s8, s3, $0xb8;
	[tilespmem:$0x1F380] =	vst v63  }
0x397: {  	_ =	swait.ge [sflag:s30], $0x1000  }
0x398: {  	[sflag:s30] =	ssyncset.done $0x0  }
0x399: {  	[sflag:s30] =	ssyncadd.s32 $0xFFFFF000  }
0x39a: {  	_ =	swait.ge [sflag:s9], $0x1000  }
0x39b: {  	v48 =	vld [tilespmem:$0x1FFE0];
	_ =	sdelay $0x4  }
0x39c: {  	[sflag:s9] =	ssyncset.done $0x0;
	v49 =	vld [tilespmem:$0x1FFF0]  }
0x39d: {  	s1 =	simm.s32 $0x0;
	[sflag:s9] =	ssyncadd.s32 $0xFFFFF000  }
0x39e: {  	v6 =	vld.idx.msk [tilespmem:v56+s1+$0x0], $0xffff  }
0x39f: {  	v5 =	vld.idx.msk [tilespmem:v48+s1+$0x0], $0xffff  }
0x3a0: {  	v7 =	vld.idx.msk [tilespmem:v57+s1+$0x0], $0xffff;
	_ =	sdelay $0x2  }
0x3a1: {  	v53 =	vimm.s32 $0x2;
	v9 =	vld.idx.msk [tilespmem:v58+s1+$0x0], $0xffff  }
0x3a2: {  	v10 =	vimm.s32 $0x0;
	vm1 =	vge.s32 v6, v17;
	v8 =	vld.idx.msk [tilespmem:v49+s1+$0x0], $0xffff;
	vm0 =	vlt.s32 v5, v17  }
0x3a3: {  	[tilespmem:$0x2000] =	vst v7;
	v6 =	vsel vm1, $0x1, v10;
	v7 =	vld [tilespmem:$0x1FD40];
	v5 =	vsel vm0, $0x0, v53  }
0x3a4: {  	v5 =	vor.u32 v6, v5;
	v6 =	vld [tilespmem:$0x1FD30]  }
0x3a5: {  	[tilespmem:$0x2300] =	vst v5;
	v5 =	vld [tilespmem:$0x1FD10]  }
0x3a6: {  	[tilespmem:$0x2200] =	vst v9;
	v9 =	vld [tilespmem:$0x1FD50]  }
0x3a7: {  	[tilespmem:$0x2100] =	vst v8;
	v8 =	vld [tilespmem:$0x1FD20];
	_ =	sdelay $0x3  }
0x3a8: {  	v7 =	vld.idx.msk [tilespmem:v7+s1+$0x0], $0xffff  }
0x3a9: {  	v6 =	vld.idx.msk [tilespmem:v6+s1+$0x0], $0xffff  }
0x3aa: {  	v5 =	vld.idx.msk [tilespmem:v5+s1+$0x0], $0xffff  }
0x3ab: {  	v9 =	vld.idx.msk [tilespmem:v9+s1+$0x0], $0xffff  }
0x3ac: {  	v8 =	vld.idx.msk [tilespmem:v8+s1+$0x0], $0xffff;
	_ =	sdelay $0x2  }
0x3ad: {  	[tilespmem:$0x2010] =	vst v7;
	vm15 =	vge.s32 v6, v17;
	vm14 =	vlt.s32 v5, v17  }
0x3ae: {  	[tilespmem:$0x2210] =	vst v9;
	v6 =	vsel vm15, $0x1, v10;
	v5 =	vsel vm14, $0x0, v53  }
0x3af: {  	[tilespmem:$0x2110] =	vst v8;
	v5 =	vor.u32 v6, v5  }
0x3b0: {  	s18 =	simm.s32 $0x2400;
	[tilespmem:$0x2310] =	vst v5  }
0x3b1: {  	[tilespmem:s18], [sflag:$0x1] =	stream.indirect.gather [hbm4b:s31+s3], $0x80, s4, s3, $0xb8;
	[tilespmem:$0x1F380] =	vst v63  }
0x3b2: {  	s26 =	smov.u32 s31;
	s31 =	sld [smem:$0x7F6]  }
0x3b3: {  	s20 =	rddreg [dreg:$0x2]  }
0x3b4: {  	[tilespmem:s6], [sflag:$0x1] =	stream.indirect.gather [hbm4b:s20+s3], $0x80, s5, s3, $0xb8;
	[tilespmem:$0x1F380] =	vst v63  }
0x3b5: {  	s22 =	rddreg [dreg:$0x3];
	s8 =	sadd.s32 s31, s21  }
0x3b6: {  	[tilespmem:s7], [sflag:$0x1] =	stream.indirect.gather [hbm4b:s22+s3], $0x80, s4, s3, $0xb8;
	[tilespmem:$0x1F380] =	vst v63  }
0x3b7: {  	s24 =	simm.s32 $0x8400;
	s8 =	sshll.u32 s8, $0x9  }
0x3b8: {  	[tilespmem:s24], [sflag:$0x1] =	stream.indirect.gather [hbm4b:s29+s3], $0x80, s5, s3, $0xb8;
	[tilespmem:$0x1F380] =	vst v63  }
0x3b9: {  	s8 =	sadd.s32 s28, s8  }
0x3ba: {  	[tilespmem:s2], [sflag:$0x2] =	stream.linear.gather [hbm4b:s8+s1], $0x1000, $0x38;
	[tilespmem:$0x1F380] =	vst v63  }
0x3bb: {  	_ =	swait.ge [sflag:s16], $0x1000  }
0x3bc: {  	[sflag:s16] =	ssyncset.done $0x0  }
0x3bd: {  	[sflag:s16] =	ssyncadd.s32 $0xFFFFF000  }
0x3be: {  	s18 =	simm.s32 $0x1;
	_ =	swait.ge [sflag:s16], $0x1000  }
0x3bf: {  	v6 =	vmov s18;
	[sflag:s16] =	ssyncset.done $0x0  }
0x3c0: {  	v6 =	vand.u32 $0xFFFFFFFD, v6;
	[sflag:s16] =	ssyncadd.s32 $0xFFFFF000  }
0x3c1: {  	v6 =	vbroadcast v6, $0x0;
	s21 =	simm.s32 $0x2;
	_ =	swait.ge [sflag:s16], $0x1000  }
0x3c2: {  	v8 =	vmov s21;
	[sflag:s16] =	ssyncset.done $0x0  }
0x3c3: {  	v5 =	vmov s1;
	s20 =	simm.s32 $0x3;
	v8 =	vand.u32 $0xFFFFFFFE, v8;
	[sflag:s16] =	ssyncadd.s32 $0xFFFFF000  }
0x3c4: {  	v5 =	vand.u32 $0xFFFFFFFC, v5;
	v7 =	vmov s20;
	v8 =	vbroadcast v8, $0x0;
	_ =	swait.ge [sflag:s16], $0x1000  }
0x3c5: {  	v5 =	vbroadcast v5, $0x0;
	[sflag:s16] =	ssyncset.done $0x0  }
0x3c6: {  	s31 =	simm.s32 $0x7;
	[sflag:s16] =	ssyncadd.s32 $0xFFFFF000  }
0x3c7: {  	v13 =	vmov s31;
	v10 =	vld.idx.msk [tilespmem:v6+s25+$0x0], $0xffff;
	_ =	sdelay $0x1  }
0x3c8: {  	v7 =	vld.idx.msk [tilespmem:v7+s25+$0x0], $0xffff  }
0x3c9: {  	v43 =	vld.idx.msk [tilespmem:v8+s25+$0x0], $0xffff  }
0x3ca: {  	v5 =	vld.idx.msk [tilespmem:v5+s25+$0x0], $0xffff  }
0x3cb: {  	s18 =	simm.s32 $0x9500;
	v8 =	vld.idx.msk [tilespmem:v13+s25+$0x0], $0xffff;
	v12 =	vshll.u32 v10, $0x7  }
0x3cc: {  	s22 =	simm.s32 $0x4;
	s1 =	simm.s32 $0x7500;
	v47 =	vld [tilespmem:s18+$0x0];
	v10 =	vor.u32 v0, v12  }
0x3cd: {  	v51 =	vmov v57;
	v9 =	vmov s22;
	s24 =	simm.s32 $0x5;
	v57 =	vld [tilespmem:s1+$0xFFFFFF00]  }
0x3ce: {  	v52 =	vmovc v58;
	v6 =	vand.u32 $0xFFFFFFFC, v9;
	v9 =	vmov s24;
	v58 =	vld [tilespmem:s18+$0xFFFFFF00];
	v46 =	vshll.u32 v43, $0x7  }
0x3cf: {  	v34 =	vld [tilespmem:s1+$0xFFFFFF80];
	v11 =	vbroadcast v6, $0x0;
	v6 =	vand.u32 $0xFFFFFFFD, v9;
	v32 =	vor.u32 v0, v46  }
0x3d0: {  	v35 =	vld [tilespmem:s18+$0xFFFFFF80];
	v14 =	vbroadcast v6, $0x0  }
0x3d1: {  	v9 =	vshll.u32 v5, $0x7;
	v13 =	vld.idx.msk [tilespmem:v10+s0+$0x0], $0xffff  }
0x3d2: {  	v6 =	vshll.u32 v7, $0x7;
	v45 =	vor.u32 v0, v9;
	v10 =	vld [tilespmem:s1+$0x0]  }
0x3d3: {  	v33 =	vld [tilespmem:s18+$0x80];
	v44 =	vor.u32 v0, v6  }
0x3d4: {  	v50 =	vmov v56;
	v56 =	vld.idx.msk [tilespmem:v32+s0+$0x0], $0xffff  }
0x3d5: {  	v7 =	vld.idx.msk [tilespmem:v11+s25+$0x0], $0xffff  }
0x3d6: {  	v5 =	vld.idx.msk [tilespmem:v14+s25+$0x0], $0xffff  }
0x3d7: {  	v14 =	vld.idx.msk [tilespmem:v45+s0+$0x0], $0xffff;
	v10 =	vadd.f32 v47, v10  }
0x3d8: {  	v36 =	vor.u32 v15, v46;
	v11 =	vld.idx.msk [tilespmem:v44+s0+$0x0], $0xffff  }
0x3d9: {  	v32 =	vld [tilespmem:s1+$0x80];
	v37 =	vadd.f32 v10, v56  }
0x3da: {  	s20 =	simm.s32 $0x8;
	s21 =	simm.s32 $0x6;
	s8 =	simm.s32 $0x7500;
	v38 =	vadd.f32 v58, v57;
	v10 =	vld [tilespmem:s1+$0xFFFFFF10]  }
.LBB2_9:
0x3db: {  	p0 =	slt.u32 s20, $0x1C;
	v39 =	vmov s21;
	[tilespmem:s1+$0x20] =	vst v37;
	v37 =	vld [tilespmem:s1+$0x10]  }
0x3dc: {  	v39 =	vand.u32 $0xFFFFFFFE, v39;
	v14 =	vadd.f32 v38, v14;
	v34 =	vadd.f32 v35, v34;
	v35 =	vld [tilespmem:s18+$0x10]  }
0x3dd: {  	v12 =	vor.u32 v15, v12;
	v38 =	vbroadcast v39, $0x0;
	v36 =	vld.idx.msk [tilespmem:v36+s0+$0x0], $0xffff  }
0x3de: {  	[tilespmem:s1+$0xFFFFFF20] =	vst v14;
	v13 =	vadd.f32 v34, v13;
	v14 =	vld [tilespmem:s1+$0xFFFFFF90];
	v32 =	vadd.f32 v33, v32  }
0x3df: {  	v33 =	vmov s20;
	v34 =	vld [tilespmem:s18+$0xFFFFFF10]  }
0x3e0: {  	s21 =	sadd.s32 $0x1, s20;
	v39 =	vor.u32 v15, v9;
	v33 =	vand.u32 $0xFFFFFFFC, v33;
	[tilespmem:s1+$0xFFFFFFA0] =	vst v13;
	v9 =	vadd.f32 v32, v11;
	v11 =	vld [tilespmem:s1+$0x90]  }
0x3e1: {  	v13 =	vmov s21;
	s21 =	sadd.s32 $0x3, s20;
	v32 =	vld [tilespmem:s18+$0xFFFFFF90];
	v35 =	vadd.f32 v35, v37;
	v37 =	vor.u32 v15, v6  }
0x3e2: {  	v33 =	vbroadcast v33, $0x0;
	v6 =	vand.u32 $0xFFFFFFFD, v13;
	v13 =	vmov s21;
	v40 =	vld.idx.msk [tilespmem:v12+s0+$0x0], $0xffff;
	[tilespmem:s1+$0xA0] =	vst v9  }
0x3e3: {  	v41 =	vbroadcast v6, $0x0;
	v38 =	vld.idx.msk [tilespmem:v38+s25+$0x0], $0xffff;
	v12 =	vadd.f32 v35, v36  }
0x3e4: {  	v6 =	vshll.u32 v8, $0x7;
	v10 =	vadd.f32 v34, v10;
	v34 =	vld [tilespmem:s18+$0x90]  }
0x3e5: {  	v9 =	vshll.u32 v7, $0x7;
	v35 =	vor.u32 v0, v6;
	v36 =	vld.idx.msk [tilespmem:v39+s0+$0x0], $0xffff;
	[tilespmem:s1+$0x30] =	vst v12  }
0x3e6: {  	v39 =	vor.u32 v0, v9;
	v12 =	vshll.u32 v5, $0x7;
	v5 =	vadd.f32 v32, v14;
	v32 =	vld.idx.msk [tilespmem:v37+s0+$0x0], $0xffff  }
0x3e7: {  	v8 =	vld.idx.msk [tilespmem:v13+s25+$0x0], $0xffff;
	v13 =	vor.u32 v0, v12  }
0x3e8: {  	v7 =	vld.idx.msk [tilespmem:v33+s25+$0x0], $0xffff;
	v14 =	vadd.f32 v5, v40  }
0x3e9: {  	v33 =	vshll.u32 v38, $0x7;
	v5 =	vld.idx.msk [tilespmem:v41+s25+$0x0], $0xffff;
	v34 =	vadd.f32 v34, v11  }
0x3ea: {  	v37 =	vor.u32 v0, v33;
	v11 =	vld.idx.msk [tilespmem:v35+s0+$0x0], $0xffff;
	[tilespmem:s1+$0xFFFFFFB0] =	vst v14  }
0x3eb: {  	v10 =	vadd.f32 v10, v36;
	v14 =	vld.idx.msk [tilespmem:v39+s0+$0x0], $0xffff  }
0x3ec: {  	s1 =	sadd.s32 $0x200, s1;
	v32 =	vadd.f32 v34, v32;
	v13 =	vld.idx.msk [tilespmem:v13+s0+$0x0], $0xffff  }
0x3ed: {  	s18 =	sadd.s32 $0x200, s18;
	v36 =	vld [tilespmem:s1+$0x0];
	[tilespmem:s8+$0xFFFFFF30] =	vst v10  }
0x3ee: {  	v10 =	vld [tilespmem:s18+$0x0];
	[tilespmem:s8+$0xB0] =	vst v32;
	s8 =	smov.u32 s1  }
0x3ef: {  	v37 =	vld.idx.msk [tilespmem:v37+s0+$0x0], $0xffff  }
0x3f0: {  	v38 =	vld [tilespmem:s1+$0xFFFFFF00]  }
0x3f1: {  	v39 =	vld [tilespmem:s18+$0xFFFFFF00]  }
.Ltmp3:
0x3f2: {  	v34 =	vld [tilespmem:s1+$0xFFFFFF80];
	(pc) =	sbr.rel @p0 .LBB2_9-.Ltmp3, $4  }
0x3f3: {  	v35 =	vld [tilespmem:s18+$0xFFFFFF80];
	v10 =	vadd.f32 v10, v36  }
0x3f4: {  	v36 =	vor.u32 v15, v33;
	v32 =	vld [tilespmem:s1+$0x80]  }
0x3f5: {  	v37 =	vadd.f32 v10, v37;
	v33 =	vld [tilespmem:s18+$0x80]  }
0x3f6: {  	s21 =	sadd.s32 $0x2, s20;
	s20 =	sadd.s32 $0x4, s20;
	v38 =	vadd.f32 v39, v38;
	v10 =	vld [tilespmem:s1+$0xFFFFFF10]  }
0x3f7: {  	_ = 	snop  }
0x3f8: {  	v39 =	vmov s21  }
0x3f9: {  	[tilespmem:s1+$0x20] =	vst v37;
	v46 =	vand.u32 $0xFFFFFFFE, v39;
	v39 =	vld [tilespmem:s1+$0x10]  }
0x3fa: {  	v14 =	vadd.f32 v38, v14;
	v38 =	vld [tilespmem:s18+$0x10]  }
0x3fb: {  	s20 =	sadd.s32 $0x200, s1;
	v34 =	vadd.f32 v35, v34;
	v35 =	vld.idx.msk [tilespmem:v36+s0+$0x0], $0xffff  }
0x3fc: {  	s31 =	sadd.s32 $0x200, s18;
	v42 =	vld [tilespmem:s20+$0x0]  }
0x3fd: {  	v43 =	vld [tilespmem:s31+$0x0]  }
0x3fe: {  	v44 =	vld [tilespmem:s20+$0xFFFFFF00];
	v37 =	vbroadcast v46, $0x0  }
0x3ff: {  	v45 =	vld [tilespmem:s31+$0xFFFFFF00]  }
0x400: {  	v56 =	vld [tilespmem:s20+$0x80]  }
0x401: {  	v57 =	vld [tilespmem:s31+$0x80];
	v32 =	vadd.f32 v33, v32  }
0x402: {  	v9 =	vor.u32 v15, v9;
	v8 =	vshll.u32 v8, $0x7;
	v46 =	vld [tilespmem:s20+$0xFFFFFF80];
	v13 =	vadd.f32 v34, v13  }
0x403: {  	v47 =	vor.u32 v0, v8;
	[tilespmem:s1+$0xFFFFFF20] =	vst v14;
	v14 =	vld [tilespmem:s1+$0xFFFFFF90];
	v11 =	vadd.f32 v32, v11  }
0x404: {  	v7 =	vshll.u32 v7, $0x7;
	[tilespmem:s1+$0xFFFFFFA0] =	vst v13;
	v13 =	vld.idx.msk [tilespmem:v37+s25+$0x0], $0xffff  }
0x405: {  	v34 =	vld [tilespmem:s1+$0x90];
	[tilespmem:s1+$0xA0] =	vst v11;
	v11 =	vor.u32 v0, v7  }
0x406: {  	v5 =	vshll.u32 v5, $0x7;
	v33 =	vld [tilespmem:s18+$0xFFFFFF10]  }
0x407: {  	v40 =	vor.u32 v0, v5;
	v9 =	vld.idx.msk [tilespmem:v9+s0+$0x0], $0xffff  }
0x408: {  	v12 =	vor.u32 v15, v12;
	v36 =	vld.idx.msk [tilespmem:v47+s0+$0x0], $0xffff  }
0x409: {  	v47 =	vld [tilespmem:s31+$0xFFFFFF80];
	v13 =	vshll.u32 v13, $0x7  }
0x40a: {  	v11 =	vld.idx.msk [tilespmem:v11+s0+$0x0], $0xffff;
	v41 =	vor.u32 v0, v13  }
0x40b: {  	v32 =	vld [tilespmem:s18+$0xFFFFFF90]  }
0x40c: {  	v6 =	vor.u32 v15, v6;
	v40 =	vld.idx.msk [tilespmem:v40+s0+$0x0], $0xffff  }
0x40d: {  	v12 =	vld.idx.msk [tilespmem:v12+s0+$0x0], $0xffff;
	v44 =	vadd.f32 v45, v44  }
0x40e: {  	v45 =	vld [tilespmem:s20+$0xFFFFFF10]  }
0x40f: {  	v5 =	vor.u32 v15, v5;
	v58 =	vadd.f32 v47, v46;
	v11 =	vadd.f32 v44, v11;
	v41 =	vld.idx.msk [tilespmem:v41+s0+$0x0], $0xffff  }
0x410: {  	v37 =	vld [tilespmem:s18+$0x90]  }
0x411: {  	v6 =	vld.idx.msk [tilespmem:v6+s0+$0x0], $0xffff;
	[tilespmem:s20+$0xFFFFFF20] =	vst v11;
	v11 =	vadd.f32 v58, v40  }
0x412: {  	v42 =	vadd.f32 v43, v42;
	v40 =	vld [tilespmem:s20+$0xFFFFFF90]  }
0x413: {  	v47 =	vld [tilespmem:s31+$0xFFFFFF10];
	[tilespmem:s20+$0xFFFFFFA0] =	vst v11  }
0x414: {  	v13 =	vor.u32 v15, v13;
	v5 =	vld.idx.msk [tilespmem:v5+s0+$0x0], $0xffff;
	v41 =	vadd.f32 v42, v41  }
0x415: {  	v42 =	vadd.f32 v57, v56;
	v57 =	vld [tilespmem:s31+$0xFFFFFF90]  }
0x416: {  	v7 =	vor.u32 v15, v7;
	[tilespmem:s20+$0x20] =	vst v41;
	v41 =	vld [tilespmem:s20+$0x10]  }
0x417: {  	v8 =	vor.u32 v15, v8;
	v38 =	vadd.f32 v38, v39;
	v11 =	vadd.f32 v42, v36;
	v46 =	vld [tilespmem:s31+$0x10]  }
0x418: {  	v10 =	vadd.f32 v33, v10;
	v14 =	vadd.f32 v32, v14;
	v56 =	vld [tilespmem:s20+$0x90]  }
0x419: {  	v13 =	vld.idx.msk [tilespmem:v13+s0+$0x0], $0xffff;
	[tilespmem:s20+$0xA0] =	vst v11;
	v11 =	vadd.f32 v38, v35  }
0x41a: {  	v9 =	vadd.f32 v10, v9;
	v12 =	vadd.f32 v14, v12;
	v58 =	vld [tilespmem:s31+$0x90]  }
0x41b: {  	v14 =	vadd.f32 v37, v34;
	v7 =	vld.idx.msk [tilespmem:v7+s0+$0x0], $0xffff;
	[tilespmem:s1+$0x30] =	vst v11;
	v11 =	vadd.f32 v57, v40  }
0x41c: {  	v8 =	vld.idx.msk [tilespmem:v8+s0+$0x0], $0xffff;
	v10 =	vadd.f32 v46, v41  }
0x41d: {  	[tilespmem:s8+$0xFFFFFF30] =	vst v9;
	v6 =	vadd.f32 v14, v6;
	v5 =	vadd.f32 v11, v5  }
0x41e: {  	[tilespmem:s1+$0xFFFFFFB0] =	vst v12;
	v9 =	vadd.f32 v10, v13;
	v10 =	vadd.f32 v47, v45  }
0x41f: {  	[tilespmem:s8+$0xB0] =	vst v6;
	v6 =	vadd.f32 v58, v56  }
0x420: {  	[tilespmem:s20+$0xFFFFFFB0] =	vst v5;
	v7 =	vadd.f32 v10, v7  }
0x421: {  	[tilespmem:s20+$0x30] =	vst v9;
	v5 =	vadd.f32 v6, v8  }
0x422: {  	[tilespmem:s20+$0xFFFFFF30] =	vst v7  }
0x423: {  	[tilespmem:s20+$0xB0] =	vst v5  }
0x424: {  	v5 =	vld.idx.msk [tilespmem:v59+s14+$0x0], $0xffff  }
0x425: {  	v6 =	vld [tilespmem:$0xA680]  }
0x426: {  	v7 =	vld.idx.msk [tilespmem:v60+s14+$0x0], $0xffff  }
0x427: {  	v8 =	vld [tilespmem:$0xA700]  }
0x428: {  	v9 =	vld.idx.msk [tilespmem:v61+s14+$0x0], $0xffff  }
0x429: {  	v10 =	vld [tilespmem:$0xA780];
	v5 =	vmax.f32 v5, $0.0e+00  }
0x42a: {  	v5 =	vmul.f32 v6, v5;
	v6 =	vld.idx.msk [tilespmem:v62+s14+$0x0], $0xffff  }
0x42b: {  	v11 =	vld [tilespmem:$0xA800];
	v7 =	vmax.f32 v7, $0.0e+00  }
0x42c: {  	v7 =	vmul.f32 v8, v7;
	v8 =	vld.idx.msk [tilespmem:v63+s14+$0x0], $0xffff;
	v5 =	vadd.f32 $0.0e+00, v5  }
0x42d: {  	v12 =	vld [tilespmem:$0xA880];
	v9 =	vmax.f32 v9, $0.0e+00  }
0x42e: {  	v5 =	vadd.f32 v7, v5;
	v7 =	vmul.f32 v10, v9;
	v9 =	vld.idx.msk [tilespmem:v16+s14+$0x0], $0xffff  }
0x42f: {  	v10 =	vld [tilespmem:$0xA900];
	v6 =	vmax.f32 v6, $0.0e+00  }
0x430: {  	v5 =	vadd.f32 v7, v5;
	v6 =	vmul.f32 v11, v6;
	v7 =	vld.idx.msk [tilespmem:v18+s14+$0x0], $0xffff  }
0x431: {  	v8 =	vmax.f32 v8, $0.0e+00;
	v11 =	vld [tilespmem:$0xA980]  }
0x432: {  	v5 =	vadd.f32 v6, v5;
	v6 =	vmul.f32 v12, v8;
	v8 =	vld.idx.msk [tilespmem:v54+s14+$0x0], $0xffff  }
0x433: {  	v12 =	vld [tilespmem:$0xAA00];
	v9 =	vmax.f32 v9, $0.0e+00  }
0x434: {  	v5 =	vadd.f32 v6, v5;
	v6 =	vmul.f32 v10, v9  }
0x435: {  	v7 =	vmax.f32 v7, $0.0e+00  }
0x436: {  	v5 =	vadd.f32 v6, v5;
	v6 =	vmul.f32 v11, v7;
	v7 =	vld [tilespmem:$0x1FD60]  }
0x437: {  	v8 =	vmax.f32 v8, $0.0e+00  }
0x438: {  	v5 =	vadd.f32 v6, v5;
	v6 =	vmul.f32 v12, v8;
	v8 =	vld [tilespmem:$0x1FD70];
	_ =	sdelay $0x3  }
0x439: {  	v9 =	vld.idx.msk [tilespmem:v55+s14+$0x0], $0xffff  }
0x43a: {  	v10 =	vld [tilespmem:$0xAA80]  }
0x43b: {  	v7 =	vld.idx.msk [tilespmem:v7+s14+$0x0], $0xffff  }
0x43c: {  	v11 =	vld [tilespmem:$0xAB00]  }
0x43d: {  	v8 =	vld.idx.msk [tilespmem:v8+s14+$0x0], $0xffff  }
0x43e: {  	v12 =	vld [tilespmem:$0xAB80];
	v9 =	vmax.f32 v9, $0.0e+00  }
0x43f: {  	v5 =	vadd.f32 v6, v5;
	v6 =	vmul.f32 v10, v9;
	v9 =	vld [tilespmem:$0x1FD80]  }
0x440: {  	v7 =	vmax.f32 v7, $0.0e+00  }
0x441: {  	v5 =	vadd.f32 v6, v5;
	v6 =	vmul.f32 v11, v7;
	v7 =	vld [tilespmem:$0x1FD90]  }
0x442: {  	v8 =	vmax.f32 v8, $0.0e+00  }
0x443: {  	v5 =	vadd.f32 v6, v5;
	v6 =	vmul.f32 v12, v8;
	v8 =	vld [tilespmem:$0x1FDA0];
	_ =	sdelay $0x3  }
0x444: {  	v9 =	vld.idx.msk [tilespmem:v9+s14+$0x0], $0xffff  }
0x445: {  	v10 =	vld [tilespmem:$0xAC00]  }
0x446: {  	v7 =	vld.idx.msk [tilespmem:v7+s14+$0x0], $0xffff  }
0x447: {  	v11 =	vld [tilespmem:$0xAC80]  }
0x448: {  	v8 =	vld.idx.msk [tilespmem:v8+s14+$0x0], $0xffff  }
0x449: {  	v12 =	vld [tilespmem:$0xAD00];
	v9 =	vmax.f32 v9, $0.0e+00  }
0x44a: {  	v5 =	vadd.f32 v6, v5;
	v6 =	vmul.f32 v10, v9;
	v9 =	vld [tilespmem:$0x1FDB0]  }
0x44b: {  	v7 =	vmax.f32 v7, $0.0e+00  }
0x44c: {  	v5 =	vadd.f32 v6, v5;
	v6 =	vmul.f32 v11, v7;
	v7 =	vld [tilespmem:$0x1FDC0]  }
0x44d: {  	v8 =	vmax.f32 v8, $0.0e+00  }
0x44e: {  	v5 =	vadd.f32 v6, v5;
	v6 =	vmul.f32 v12, v8;
	v8 =	vld [tilespmem:$0x1FDD0];
	_ =	sdelay $0x3  }
0x44f: {  	v9 =	vld.idx.msk [tilespmem:v9+s14+$0x0], $0xffff  }
0x450: {  	v10 =	vld [tilespmem:$0xAD80]  }
0x451: {  	v7 =	vld.idx.msk [tilespmem:v7+s14+$0x0], $0xffff  }
0x452: {  	v11 =	vld [tilespmem:$0xAE00]  }
0x453: {  	v8 =	vld.idx.msk [tilespmem:v8+s14+$0x0], $0xffff  }
0x454: {  	v12 =	vld [tilespmem:$0xAE80];
	v9 =	vmax.f32 v9, $0.0e+00  }
0x455: {  	v5 =	vadd.f32 v6, v5;
	v6 =	vmul.f32 v10, v9;
	v9 =	vld [tilespmem:$0x1FDE0]  }
0x456: {  	v7 =	vmax.f32 v7, $0.0e+00  }
0x457: {  	v5 =	vadd.f32 v6, v5;
	v6 =	vmul.f32 v11, v7;
	v7 =	vld [tilespmem:$0x1FDF0]  }
0x458: {  	v8 =	vmax.f32 v8, $0.0e+00  }
0x459: {  	v5 =	vadd.f32 v6, v5;
	v6 =	vmul.f32 v12, v8;
	v8 =	vld [tilespmem:$0x1FE00];
	_ =	sdelay $0x3  }
0x45a: {  	v9 =	vld.idx.msk [tilespmem:v9+s14+$0x0], $0xffff  }
0x45b: {  	v10 =	vld [tilespmem:$0xAF00]  }
0x45c: {  	v7 =	vld.idx.msk [tilespmem:v7+s14+$0x0], $0xffff  }
0x45d: {  	v11 =	vld [tilespmem:$0xAF80]  }
0x45e: {  	v8 =	vld.idx.msk [tilespmem:v8+s14+$0x0], $0xffff  }
0x45f: {  	v12 =	vld [tilespmem:$0xB000];
	v9 =	vmax.f32 v9, $0.0e+00  }
0x460: {  	v5 =	vadd.f32 v6, v5;
	v6 =	vmul.f32 v10, v9;
	v9 =	vld [tilespmem:$0x1FE10]  }
0x461: {  	v7 =	vmax.f32 v7, $0.0e+00  }
0x462: {  	v5 =	vadd.f32 v6, v5;
	v6 =	vmul.f32 v11, v7;
	v7 =	vld [tilespmem:$0x1FE20]  }
0x463: {  	v8 =	vmax.f32 v8, $0.0e+00  }
0x464: {  	v5 =	vadd.f32 v6, v5;
	v6 =	vmul.f32 v12, v8;
	v8 =	vld [tilespmem:$0x1FE30];
	_ =	sdelay $0x3  }
0x465: {  	v9 =	vld.idx.msk [tilespmem:v9+s14+$0x0], $0xffff  }
0x466: {  	v10 =	vld [tilespmem:$0xB080]  }
0x467: {  	v7 =	vld.idx.msk [tilespmem:v7+s14+$0x0], $0xffff  }
0x468: {  	v11 =	vld [tilespmem:$0xB100]  }
0x469: {  	v8 =	vld.idx.msk [tilespmem:v8+s14+$0x0], $0xffff  }
0x46a: {  	v12 =	vld [tilespmem:$0xB180];
	v9 =	vmax.f32 v9, $0.0e+00  }
0x46b: {  	v5 =	vadd.f32 v6, v5;
	v6 =	vmul.f32 v10, v9;
	v9 =	vld [tilespmem:$0x1FE40]  }
0x46c: {  	v7 =	vmax.f32 v7, $0.0e+00  }
0x46d: {  	v5 =	vadd.f32 v6, v5;
	v6 =	vmul.f32 v11, v7;
	v7 =	vld [tilespmem:$0x1FE50]  }
0x46e: {  	v8 =	vmax.f32 v8, $0.0e+00  }
0x46f: {  	v5 =	vadd.f32 v6, v5;
	v6 =	vmul.f32 v12, v8;
	v8 =	vld [tilespmem:$0x1FE60];
	_ =	sdelay $0x3  }
0x470: {  	v9 =	vld.idx.msk [tilespmem:v9+s14+$0x0], $0xffff  }
0x471: {  	v10 =	vld [tilespmem:$0xB200]  }
0x472: {  	v7 =	vld.idx.msk [tilespmem:v7+s14+$0x0], $0xffff  }
0x473: {  	v11 =	vld [tilespmem:$0xB280]  }
0x474: {  	v8 =	vld.idx.msk [tilespmem:v8+s14+$0x0], $0xffff  }
0x475: {  	v12 =	vld [tilespmem:$0xB300];
	v9 =	vmax.f32 v9, $0.0e+00  }
0x476: {  	v5 =	vadd.f32 v6, v5;
	v6 =	vmul.f32 v10, v9;
	v9 =	vld [tilespmem:$0x1FE70]  }
0x477: {  	v7 =	vmax.f32 v7, $0.0e+00  }
0x478: {  	v5 =	vadd.f32 v6, v5;
	v6 =	vmul.f32 v11, v7;
	v7 =	vld [tilespmem:$0x1FE80]  }
0x479: {  	v8 =	vmax.f32 v8, $0.0e+00  }
0x47a: {  	v5 =	vadd.f32 v6, v5;
	v6 =	vmul.f32 v12, v8;
	v8 =	vld [tilespmem:$0x1FE90];
	_ =	sdelay $0x3  }
0x47b: {  	v9 =	vld.idx.msk [tilespmem:v9+s14+$0x0], $0xffff  }
0x47c: {  	v10 =	vld [tilespmem:$0xB380]  }
0x47d: {  	v7 =	vld.idx.msk [tilespmem:v7+s14+$0x0], $0xffff  }
0x47e: {  	v11 =	vld [tilespmem:$0xB400]  }
0x47f: {  	v8 =	vld.idx.msk [tilespmem:v8+s14+$0x0], $0xffff  }
0x480: {  	v12 =	vld [tilespmem:$0xB480];
	v9 =	vmax.f32 v9, $0.0e+00  }
0x481: {  	v5 =	vadd.f32 v6, v5;
	v6 =	vmul.f32 v10, v9;
	v9 =	vld [tilespmem:$0x1FEA0]  }
0x482: {  	v7 =	vmax.f32 v7, $0.0e+00  }
0x483: {  	v5 =	vadd.f32 v6, v5;
	v6 =	vmul.f32 v11, v7;
	v7 =	vld [tilespmem:$0x1FEB0]  }
0x484: {  	v8 =	vmax.f32 v8, $0.0e+00  }
0x485: {  	v5 =	vadd.f32 v6, v5;
	v6 =	vmul.f32 v12, v8;
	v8 =	vld [tilespmem:$0x1FEC0];
	_ =	sdelay $0x3  }
0x486: {  	v9 =	vld.idx.msk [tilespmem:v9+s14+$0x0], $0xffff  }
0x487: {  	v10 =	vld [tilespmem:$0xB500]  }
0x488: {  	v7 =	vld.idx.msk [tilespmem:v7+s14+$0x0], $0xffff  }
0x489: {  	v11 =	vld [tilespmem:$0xB580]  }
0x48a: {  	v8 =	vld.idx.msk [tilespmem:v8+s14+$0x0], $0xffff  }
0x48b: {  	v12 =	vld [tilespmem:$0xB600];
	v9 =	vmax.f32 v9, $0.0e+00  }
0x48c: {  	v5 =	vadd.f32 v6, v5;
	v6 =	vmul.f32 v10, v9  }
0x48d: {  	v7 =	vmax.f32 v7, $0.0e+00  }
0x48e: {  	v5 =	vadd.f32 v6, v5;
	v6 =	vmul.f32 v11, v7  }
0x48f: {  	v13 =	vld [tilespmem:$0x1FD00];
	v7 =	vmax.f32 v8, $0.0e+00  }
0x490: {  	v5 =	vadd.f32 v6, v5;
	v6 =	vmul.f32 v12, v7;
	_ =	sdelay $0x1  }
0x491: {  	v5 =	vadd.f32 v6, v5;
	_ =	sdelay $0x1  }
0x492: {  	v5 =	vadd.f32 v5, v13;
	_ =	sdelay $0x1  }
0x493: {  	v5 =	vsub.f32 $0.0e+00, v5;
	_ =	sdelay $0x1  }
0x494: {  	v5 =	vmul.f32 $1.442695020e+00, v5;
	_ =	sdelay $0x1  }
0x495: {  	(erf) = vpow2.f32 v5;
	_ =	sdelay $0x8  }
0x496: {  	v5 =	vpop (erf)  }
0x497: {  	v5 =	vadd.f32 $1.000000000e+00, v5;
	_ =	sdelay $0x1  }
0x498: {  	(erf) = vrcp.f32 v5;
	_ =	sdelay $0x8  }
0x499: {  	v5 =	vpop (erf)  }
0x49a: {  	[tilespmem:v0+s19+$0x0] =	vst.idx.msk $0xffff, v5;
	v5 =	vld [tilespmem:$0x1FED0];
	_ =	sdelay $0x1  }
0x49b: {  	v7 =	vld [tilespmem:$0x1FEE0];
	_ =	sdelay $0x5  }
0x49c: {  	v5 =	vld.idx.msk [tilespmem:v5+s14+$0x0], $0xffff  }
0x49d: {  	v6 =	vld [tilespmem:$0xA680]  }
0x49e: {  	v7 =	vld.idx.msk [tilespmem:v7+s14+$0x0], $0xffff  }
0x49f: {  	v8 =	vld [tilespmem:$0xA700]  }
0x4a0: {  	v9 =	vld [tilespmem:$0x1FEF0]  }
0x4a1: {  	v5 =	vmax.f32 v5, $0.0e+00  }
0x4a2: {  	v5 =	vmul.f32 v6, v5;
	v6 =	vld [tilespmem:$0x1FF00]  }
0x4a3: {  	v7 =	vmax.f32 v7, $0.0e+00  }
0x4a4: {  	v7 =	vmul.f32 v8, v7;
	v8 =	vld [tilespmem:$0x1FF10];
	_ =	sdelay $0x3  }
0x4a5: {  	v9 =	vld.idx.msk [tilespmem:v9+s14+$0x0], $0xffff  }
0x4a6: {  	v10 =	vld [tilespmem:$0xA780]  }
0x4a7: {  	v6 =	vld.idx.msk [tilespmem:v6+s14+$0x0], $0xffff  }
0x4a8: {  	v11 =	vld [tilespmem:$0xA800]  }
0x4a9: {  	v8 =	vld.idx.msk [tilespmem:v8+s14+$0x0], $0xffff;
	v5 =	vadd.f32 $0.0e+00, v5  }
0x4aa: {  	v12 =	vld [tilespmem:$0xA880];
	v9 =	vmax.f32 v9, $0.0e+00  }
0x4ab: {  	v5 =	vadd.f32 v7, v5;
	v7 =	vmul.f32 v10, v9;
	v9 =	vld [tilespmem:$0x1FF20]  }
0x4ac: {  	v6 =	vmax.f32 v6, $0.0e+00  }
0x4ad: {  	v5 =	vadd.f32 v7, v5;
	v7 =	vld [tilespmem:$0x1FF30];
	v6 =	vmul.f32 v11, v6  }
0x4ae: {  	v8 =	vmax.f32 v8, $0.0e+00  }
0x4af: {  	v5 =	vadd.f32 v6, v5;
	v6 =	vmul.f32 v12, v8;
	v8 =	vld [tilespmem:$0x1FF40];
	_ =	sdelay $0x3  }
0x4b0: {  	v9 =	vld.idx.msk [tilespmem:v9+s14+$0x0], $0xffff  }
0x4b1: {  	v10 =	vld [tilespmem:$0xA900]  }
0x4b2: {  	v7 =	vld.idx.msk [tilespmem:v7+s14+$0x0], $0xffff  }
0x4b3: {  	v11 =	vld [tilespmem:$0xA980]  }
0x4b4: {  	v8 =	vld.idx.msk [tilespmem:v8+s14+$0x0], $0xffff  }
0x4b5: {  	v12 =	vld [tilespmem:$0xAA00];
	v9 =	vmax.f32 v9, $0.0e+00  }
0x4b6: {  	v5 =	vadd.f32 v6, v5;
	v6 =	vmul.f32 v10, v9;
	v9 =	vld [tilespmem:$0x1FF50]  }
0x4b7: {  	v7 =	vmax.f32 v7, $0.0e+00  }
0x4b8: {  	v5 =	vadd.f32 v6, v5;
	v6 =	vmul.f32 v11, v7;
	v7 =	vld [tilespmem:$0x1FF60]  }
0x4b9: {  	v8 =	vmax.f32 v8, $0.0e+00  }
0x4ba: {  	v5 =	vadd.f32 v6, v5;
	v6 =	vmul.f32 v12, v8;
	v8 =	vld [tilespmem:$0x1FF70];
	_ =	sdelay $0x3  }
0x4bb: {  	v9 =	vld.idx.msk [tilespmem:v9+s14+$0x0], $0xffff  }
0x4bc: {  	v10 =	vld [tilespmem:$0xAA80]  }
0x4bd: {  	v7 =	vld.idx.msk [tilespmem:v7+s14+$0x0], $0xffff  }
0x4be: {  	v11 =	vld [tilespmem:$0xAB00]  }
0x4bf: {  	v8 =	vld.idx.msk [tilespmem:v8+s14+$0x0], $0xffff  }
0x4c0: {  	v12 =	vld [tilespmem:$0xAB80];
	v9 =	vmax.f32 v9, $0.0e+00  }
0x4c1: {  	v5 =	vadd.f32 v6, v5;
	v6 =	vmul.f32 v10, v9;
	v9 =	vld [tilespmem:$0x1FF80]  }
0x4c2: {  	v7 =	vmax.f32 v7, $0.0e+00  }
0x4c3: {  	v5 =	vadd.f32 v6, v5;
	v6 =	vmul.f32 v11, v7;
	v7 =	vld [tilespmem:$0x1FF90]  }
0x4c4: {  	v8 =	vmax.f32 v8, $0.0e+00  }
0x4c5: {  	v5 =	vadd.f32 v6, v5;
	v6 =	vmul.f32 v12, v8;
	v8 =	vld [tilespmem:$0x1FFA0];
	_ =	sdelay $0x3  }
0x4c6: {  	v9 =	vld.idx.msk [tilespmem:v9+s14+$0x0], $0xffff  }
0x4c7: {  	v10 =	vld [tilespmem:$0xAC00]  }
0x4c8: {  	v7 =	vld.idx.msk [tilespmem:v7+s14+$0x0], $0xffff  }
0x4c9: {  	v11 =	vld [tilespmem:$0xAC80]  }
0x4ca: {  	v8 =	vld.idx.msk [tilespmem:v8+s14+$0x0], $0xffff  }
0x4cb: {  	v12 =	vld [tilespmem:$0xAD00];
	v9 =	vmax.f32 v9, $0.0e+00  }
0x4cc: {  	v5 =	vadd.f32 v6, v5;
	v6 =	vmul.f32 v10, v9;
	v9 =	vld [tilespmem:$0x1FFB0]  }
0x4cd: {  	v7 =	vmax.f32 v7, $0.0e+00  }
0x4ce: {  	v5 =	vadd.f32 v6, v5;
	v6 =	vmul.f32 v11, v7;
	v7 =	vld [tilespmem:$0x1FFC0]  }
0x4cf: {  	v8 =	vmax.f32 v8, $0.0e+00  }
0x4d0: {  	v5 =	vadd.f32 v6, v5;
	v6 =	vmul.f32 v12, v8;
	v8 =	vld [tilespmem:$0x1FFD0];
	_ =	sdelay $0x3  }
0x4d1: {  	v9 =	vld.idx.msk [tilespmem:v9+s14+$0x0], $0xffff  }
0x4d2: {  	v10 =	vld [tilespmem:$0xAD80]  }
0x4d3: {  	v7 =	vld.idx.msk [tilespmem:v7+s14+$0x0], $0xffff  }
0x4d4: {  	v11 =	vld [tilespmem:$0xAE00]  }
0x4d5: {  	v8 =	vld.idx.msk [tilespmem:v8+s14+$0x0], $0xffff  }
0x4d6: {  	v12 =	vld [tilespmem:$0xAE80];
	v9 =	vmax.f32 v9, $0.0e+00  }
0x4d7: {  	v5 =	vadd.f32 v6, v5;
	v6 =	vmul.f32 v10, v9;
	v9 =	vld.idx.msk [tilespmem:v19+s14+$0x0], $0xffff  }
0x4d8: {  	v10 =	vld [tilespmem:$0xAF00];
	v7 =	vmax.f32 v7, $0.0e+00  }
0x4d9: {  	v5 =	vadd.f32 v6, v5;
	v6 =	vmul.f32 v11, v7;
	v7 =	vld.idx.msk [tilespmem:v20+s14+$0x0], $0xffff  }
0x4da: {  	v11 =	vld [tilespmem:$0xAF80];
	v8 =	vmax.f32 v8, $0.0e+00  }
0x4db: {  	v5 =	vadd.f32 v6, v5;
	v6 =	vmul.f32 v12, v8;
	v8 =	vld.idx.msk [tilespmem:v21+s14+$0x0], $0xffff  }
0x4dc: {  	v9 =	vmax.f32 v9, $0.0e+00;
	v12 =	vld [tilespmem:$0xB000]  }
0x4dd: {  	v5 =	vadd.f32 v6, v5;
	v6 =	vmul.f32 v10, v9;
	v9 =	vld.idx.msk [tilespmem:v22+s14+$0x0], $0xffff  }
0x4de: {  	v7 =	vmax.f32 v7, $0.0e+00;
	v10 =	vld [tilespmem:$0xB080]  }
0x4df: {  	v5 =	vadd.f32 v6, v5;
	v6 =	vmul.f32 v11, v7;
	v7 =	vld.idx.msk [tilespmem:v23+s14+$0x0], $0xffff  }
0x4e0: {  	v11 =	vld [tilespmem:$0xB100];
	v8 =	vmax.f32 v8, $0.0e+00  }
0x4e1: {  	v5 =	vadd.f32 v6, v5;
	v6 =	vmul.f32 v12, v8;
	v8 =	vld.idx.msk [tilespmem:v24+s14+$0x0], $0xffff  }
0x4e2: {  	v12 =	vld [tilespmem:$0xB180];
	v9 =	vmax.f32 v9, $0.0e+00  }
0x4e3: {  	v5 =	vadd.f32 v6, v5;
	v6 =	vmul.f32 v10, v9;
	v9 =	vld.idx.msk [tilespmem:v25+s14+$0x0], $0xffff  }
0x4e4: {  	v10 =	vld [tilespmem:$0xB200];
	v7 =	vmax.f32 v7, $0.0e+00  }
0x4e5: {  	v5 =	vadd.f32 v6, v5;
	v6 =	vmul.f32 v11, v7;
	v7 =	vld.idx.msk [tilespmem:v26+s14+$0x0], $0xffff  }
0x4e6: {  	v11 =	vld [tilespmem:$0xB280];
	v8 =	vmax.f32 v8, $0.0e+00  }
0x4e7: {  	v5 =	vadd.f32 v6, v5;
	v6 =	vmul.f32 v12, v8;
	v8 =	vld.idx.msk [tilespmem:v27+s14+$0x0], $0xffff  }
0x4e8: {  	v12 =	vld [tilespmem:$0xB300];
	v9 =	vmax.f32 v9, $0.0e+00  }
0x4e9: {  	v5 =	vadd.f32 v6, v5;
	v6 =	vmul.f32 v10, v9;
	v9 =	vld.idx.msk [tilespmem:v28+s14+$0x0], $0xffff  }
0x4ea: {  	v10 =	vld [tilespmem:$0xB380];
	v7 =	vmax.f32 v7, $0.0e+00  }
0x4eb: {  	v3 =	vld.idx.msk [tilespmem:v3+s14+$0x0], $0xffff;
	v5 =	vadd.f32 v6, v5;
	v6 =	vmul.f32 v11, v7  }
0x4ec: {  	v7 =	vmax.f32 v8, $0.0e+00;
	v8 =	vld [tilespmem:$0xB400]  }
0x4ed: {  	v5 =	vadd.f32 v6, v5;
	v6 =	vmul.f32 v12, v7;
	v7 =	vld.idx.msk [tilespmem:v29+s14+$0x0], $0xffff  }
0x4ee: {  	v11 =	vld [tilespmem:$0xB480];
	v9 =	vmax.f32 v9, $0.0e+00  }
0x4ef: {  	v4 =	vld.idx.msk [tilespmem:v4+s14+$0x0], $0xffff;
	v5 =	vadd.f32 v6, v5;
	v6 =	vmul.f32 v10, v9  }
0x4f0: {  	v3 =	vmax.f32 v3, $0.0e+00;
	v9 =	vld [tilespmem:$0xB500]  }
0x4f1: {  	v5 =	vadd.f32 v6, v5;
	v3 =	vmul.f32 v8, v3;
	v6 =	vld.idx.msk [tilespmem:v30+s14+$0x0], $0xffff  }
0x4f2: {  	v8 =	vld [tilespmem:$0xB580];
	v7 =	vmax.f32 v7, $0.0e+00  }
0x4f3: {  	v3 =	vadd.f32 v3, v5;
	v5 =	vmul.f32 v11, v7;
	v7 =	vld.idx.msk [tilespmem:v31+s14+$0x0], $0xffff  }
0x4f4: {  	v4 =	vmax.f32 v4, $0.0e+00;
	v10 =	vld [tilespmem:$0xB600]  }
0x4f5: {  	v4 =	vmul.f32 v9, v4;
	v3 =	vadd.f32 v5, v3  }
0x4f6: {  	v5 =	vmax.f32 v6, $0.0e+00  }
0x4f7: {  	v3 =	vadd.f32 v4, v3;
	v4 =	vmul.f32 v8, v5  }
0x4f8: {  	v5 =	vmax.f32 v7, $0.0e+00  }
0x4f9: {  	v3 =	vadd.f32 v4, v3;
	v4 =	vmul.f32 v10, v5;
	_ =	sdelay $0x1  }
0x4fa: {  	v3 =	vadd.f32 v4, v3;
	_ =	sdelay $0x1  }
0x4fb: {  	v3 =	vadd.f32 v3, v13;
	_ =	sdelay $0x1  }
0x4fc: {  	v3 =	vsub.f32 $0.0e+00, v3;
	_ =	sdelay $0x1  }
0x4fd: {  	v3 =	vmul.f32 $1.442695020e+00, v3;
	_ =	sdelay $0x1  }
0x4fe: {  	(erf) = vpow2.f32 v3;
	_ =	sdelay $0x8  }
0x4ff: {  	v3 =	vpop (erf)  }
0x500: {  	v3 =	vadd.f32 $1.000000000e+00, v3;
	_ =	sdelay $0x1  }
0x501: {  	(erf) = vrcp.f32 v3;
	_ =	sdelay $0x3  }
0x502: {  	s18 =	simm.s32 $0x0  }
0x503: {  	s20 =	simm.s32 $0x2;
	v3 =	vmov s18  }
0x504: {  	s21 =	simm.s32 $0x1;
	v4 =	vmov s20;
	v3 =	vand.u32 $0xFFFFFFFC, v3  }
0x505: {  	v5 =	vmov s21;
	v4 =	vand.u32 $0xFFFFFFFE, v4;
	v3 =	vbroadcast v3, $0x0  }
0x506: {  	v5 =	vand.u32 $0xFFFFFFFD, v5;
	v4 =	vbroadcast v4, $0x0  }
0x507: {  	v5 =	vbroadcast v5, $0x0;
	v6 =	vpop (erf)  }
0x508: {  	s24 =	simm.s32 $0x3500;
	[tilespmem:v15+s19+$0x0] =	vst.idx.msk $0xffff, v6  }
0x509: {  	s21 =	simm.s32 $0x5500;
	v6 =	vld [tilespmem:s24+$0x0]  }
0x50a: {  	v8 =	vld [tilespmem:s21+$0x0]  }
0x50b: {  	v21 =	vld.idx.msk [tilespmem:v3+s19+$0x0], $0xffff  }
0x50c: {  	v24 =	vld.idx.msk [tilespmem:v4+s19+$0x0], $0xffff  }
0x50d: {  	v7 =	vld.idx.msk [tilespmem:v5+s19+$0x0], $0xffff  }
0x50e: {  	v3 =	vld [tilespmem:s24+$0xFFFFFF00]  }
0x50f: {  	v4 =	vld [tilespmem:s21+$0xFFFFFF00]  }
0x510: {  	s22 =	simm.s32 $0x3;
	v9 =	vld [tilespmem:s21+$0xFFFFFF80];
	v5 =	vadd.f32 v8, v6  }
0x511: {  	v10 =	vld [tilespmem:s24+$0x80];
	v8 =	vmov s22  }
0x512: {  	v11 =	vld [tilespmem:s21+$0x80];
	v5 =	vmul.f32 v5, v24  }
0x513: {  	v6 =	vld [tilespmem:s24+$0xFFFFFF80]  }
0x514: {  	[tilespmem:s21+$0x0] =	vst v5;
	v5 =	vld [tilespmem:s21+$0x10]  }
0x515: {  	v3 =	vadd.f32 v4, v3;
	v12 =	vld [tilespmem:s24+$0x10]  }
0x516: {  	v23 =	vld.idx.msk [tilespmem:v8+s19+$0x0], $0xffff  }
0x517: {  	v3 =	vmul.f32 v3, v21  }
0x518: {  	v4 =	vadd.f32 v9, v6  }
0x519: {  	[tilespmem:s21+$0xFFFFFF00] =	vst v3;
	v3 =	vld [tilespmem:s21+$0x90];
	v8 =	vadd.f32 v11, v10  }
0x51a: {  	v6 =	vld [tilespmem:s21+$0xFFFFFF10];
	v4 =	vmul.f32 v4, v7  }
0x51b: {  	v10 =	vld [tilespmem:s24+$0xFFFFFF10];
	v5 =	vadd.f32 v5, v12;
	v8 =	vmul.f32 v8, v23  }
0x51c: {  	v9 =	vld [tilespmem:s21+$0xFFFFFF90];
	[tilespmem:s21+$0xFFFFFF80] =	vst v4  }
0x51d: {  	v4 =	vmul.f32 v5, v24;
	v5 =	vld [tilespmem:s24+$0xFFFFFF90];
	[tilespmem:s21+$0x80] =	vst v8  }
0x51e: {  	v8 =	vld [tilespmem:s24+$0x90]  }
0x51f: {  	[tilespmem:s21+$0x10] =	vst v4;
	v4 =	vld [tilespmem:s21+$0x20]  }
0x520: {  	v6 =	vadd.f32 v6, v10;
	v11 =	vld [tilespmem:s24+$0x20];
	_ =	sdelay $0x1  }
0x521: {  	v6 =	vmul.f32 v6, v21;
	v5 =	vadd.f32 v9, v5  }
0x522: {  	v12 =	vld [tilespmem:s21+$0xFFFFFF20];
	v3 =	vadd.f32 v3, v8  }
0x523: {  	v10 =	vld [tilespmem:s21+$0xFFFFFFA0];
	[tilespmem:s21+$0xFFFFFF10] =	vst v6;
	v5 =	vmul.f32 v5, v7  }
0x524: {  	v8 =	vld [tilespmem:s24+$0xFFFFFF20];
	v4 =	vadd.f32 v4, v11;
	v3 =	vmul.f32 v3, v23  }
0x525: {  	v9 =	vld [tilespmem:s21+$0xA0];
	[tilespmem:s21+$0xFFFFFF90] =	vst v5  }
0x526: {  	v4 =	vmul.f32 v4, v24;
	v11 =	vld [tilespmem:s24+$0xFFFFFFA0];
	[tilespmem:s21+$0x90] =	vst v3  }
0x527: {  	v3 =	vld [tilespmem:s24+$0xA0]  }
0x528: {  	[tilespmem:s21+$0x20] =	vst v4;
	v4 =	vld [tilespmem:s21+$0x30]  }
0x529: {  	v8 =	vadd.f32 v12, v8;
	v14 =	vld [tilespmem:s24+$0x30];
	_ =	sdelay $0x1  }
0x52a: {  	v13 =	vld [tilespmem:s21+$0xFFFFFF30];
	v8 =	vmul.f32 v8, v21;
	v10 =	vadd.f32 v10, v11  }
0x52b: {  	v20 =	vld [tilespmem:s21+$0xFFFFFF50];
	v3 =	vadd.f32 v9, v3  }
0x52c: {  	v6 =	vld [tilespmem:s21+$0xFFFFFFB0];
	[tilespmem:s21+$0xFFFFFF20] =	vst v8;
	v10 =	vmul.f32 v10, v7  }
0x52d: {  	v8 =	vld [tilespmem:s24+$0xFFFFFF30];
	v4 =	vadd.f32 v4, v14;
	v3 =	vmul.f32 v3, v23  }
0x52e: {  	v5 =	vld [tilespmem:s21+$0xB0];
	[tilespmem:s21+$0xFFFFFFA0] =	vst v10  }
0x52f: {  	v4 =	vmul.f32 v4, v24;
	v10 =	vld [tilespmem:s24+$0xFFFFFFB0];
	[tilespmem:s21+$0xA0] =	vst v3  }
0x530: {  	v3 =	vld [tilespmem:s24+$0xB0]  }
0x531: {  	[tilespmem:s21+$0x30] =	vst v4;
	v4 =	vld [tilespmem:s21+$0x40]  }
0x532: {  	v8 =	vadd.f32 v13, v8;
	v14 =	vld [tilespmem:s24+$0x40]  }
0x533: {  	v19 =	vld [tilespmem:s21+$0xD0]  }
0x534: {  	v27 =	vld [tilespmem:s21+$0x60];
	v8 =	vmul.f32 v8, v21;
	v6 =	vadd.f32 v6, v10  }
0x535: {  	v12 =	vld [tilespmem:s21+$0xC0];
	v3 =	vadd.f32 v5, v3  }
0x536: {  	v11 =	vld [tilespmem:s21+$0xFFFFFF40];
	[tilespmem:s21+$0xFFFFFF30] =	vst v8;
	v5 =	vmul.f32 v6, v7  }
0x537: {  	v6 =	vld [tilespmem:s24+$0xFFFFFF40];
	v4 =	vadd.f32 v4, v14;
	v3 =	vmul.f32 v3, v23  }
0x538: {  	v9 =	vld [tilespmem:s21+$0xFFFFFFC0];
	[tilespmem:s21+$0xFFFFFFB0] =	vst v5  }
0x539: {  	v4 =	vmul.f32 v4, v24;
	v5 =	vld [tilespmem:s24+$0xFFFFFFC0];
	[tilespmem:s21+$0xB0] =	vst v3  }
0x53a: {  	v3 =	vld [tilespmem:s24+$0xC0]  }
0x53b: {  	[tilespmem:s21+$0x40] =	vst v4;
	v4 =	vld [tilespmem:s21+$0x50]  }
0x53c: {  	s1 =	simm.s32 $0x3700;
	v6 =	vadd.f32 v11, v6;
	v11 =	vld [tilespmem:s24+$0x50]  }
0x53d: {  	v30 =	vld [tilespmem:s1+$0xFFFFFF00]  }
0x53e: {  	v40 =	vmov v60;
	v60 =	vld [tilespmem:s1+$0x80]  }
0x53f: {  	v13 =	vld [tilespmem:s21+$0xE0];
	v5 =	vadd.f32 v9, v5  }
0x540: {  	v10 =	vld [tilespmem:s21+$0xFFFFFFD0];
	v6 =	vmul.f32 v6, v21;
	v3 =	vadd.f32 v12, v3  }
0x541: {  	s31 =	simm.s32 $0x4;
	v8 =	vld [tilespmem:s21+$0xFFFFFF60];
	v5 =	vmul.f32 v5, v7;
	v4 =	vadd.f32 v4, v11  }
0x542: {  	s8 =	simm.s32 $0x6;
	v9 =	vld [tilespmem:s21+$0xFFFFFFE0];
	[tilespmem:s21+$0xFFFFFF40] =	vst v6;
	v6 =	vmov s31;
	v3 =	vmul.f32 v3, v23  }
0x543: {  	v12 =	vld [tilespmem:s21+$0xFFFFFFF0];
	[tilespmem:s21+$0xFFFFFFC0] =	vst v5;
	v5 =	vand.u32 $0xFFFFFFFC, v6;
	v6 =	vmov s8;
	v4 =	vmul.f32 v4, v24  }
0x544: {  	s18 =	simm.s32 $0x5;
	v14 =	vld [tilespmem:s24+$0xFFFFFF50];
	v5 =	vbroadcast v5, $0x0;
	[tilespmem:s21+$0xC0] =	vst v3;
	v3 =	vand.u32 $0xFFFFFFFE, v6  }
0x545: {  	v25 =	vmov s18;
	v11 =	vld [tilespmem:s21+$0xFFFFFF70];
	[tilespmem:s21+$0x50] =	vst v4;
	v4 =	vbroadcast v3, $0x0  }
0x546: {  	v22 =	vld [tilespmem:s24+$0xFFFFFFD0];
	v6 =	vand.u32 $0xFFFFFFFD, v25  }
0x547: {  	s8 =	simm.s32 $0x5700;
	v25 =	vld [tilespmem:s1+$0x0];
	v6 =	vbroadcast v6, $0x0  }
0x548: {  	v29 =	vld [tilespmem:s8+$0x0]  }
0x549: {  	v31 =	vld [tilespmem:s8+$0xFFFFFF00]  }
0x54a: {  	v3 =	vld.idx.msk [tilespmem:v5+s19+$0x0], $0xffff  }
0x54b: {  	v5 =	vld.idx.msk [tilespmem:v4+s19+$0x0], $0xffff  }
0x54c: {  	v39 =	vmov v59;
	s20 =	simm.s32 $0x7;
	v59 =	vld [tilespmem:s8+$0xFFFFFF80]  }
0x54d: {  	v4 =	vld.idx.msk [tilespmem:v6+s19+$0x0], $0xffff;
	v6 =	vadd.f32 v29, v25;
	v25 =	vmov s20  }
0x54e: {  	v41 =	vmov v61;
	v61 =	vld [tilespmem:s8+$0x80]  }
0x54f: {  	v42 =	vmov v62;
	v62 =	vld [tilespmem:s8+$0x10]  }
0x550: {  	v29 =	vld [tilespmem:s1+$0xFFFFFF80];
	v6 =	vmul.f32 v6, v5  }
0x551: {  	v46 =	vmov v54;
	v54 =	vld [tilespmem:s8+$0xFFFFFF10]  }
0x552: {  	[tilespmem:s8+$0x0] =	vst v6;
	v6 =	vld.idx.msk [tilespmem:v25+s19+$0x0], $0xffff  }
0x553: {  	v43 =	vmov v63;
	v63 =	vld [tilespmem:s1+$0x10]  }
0x554: {  	v47 =	vmov v55;
	v55 =	vld [tilespmem:s8+$0xFFFFFF90];
	v30 =	vadd.f32 v31, v30  }
0x555: {  	v26 =	vld [tilespmem:s24+$0xD0];
	v29 =	vadd.f32 v59, v29  }
0x556: {  	v28 =	vld [tilespmem:s24+$0x60];
	v33 =	vadd.f32 v61, v60;
	v30 =	vmul.f32 v30, v3  }
0x557: {  	v31 =	vld [tilespmem:s21+$0x70];
	v29 =	vmul.f32 v29, v4  }
0x558: {  	[tilespmem:s8+$0xFFFFFF00] =	vst v30;
	v30 =	vld [tilespmem:s8+$0x90];
	v33 =	vmul.f32 v33, v6;
	v35 =	vadd.f32 v62, v63  }
0x559: {  	v56 =	vld [tilespmem:s1+$0xFFFFFF10];
	[tilespmem:s8+$0xFFFFFF80] =	vst v29  }
0x55a: {  	v57 =	vld [tilespmem:s1+$0xFFFFFF90];
	[tilespmem:s8+$0x80] =	vst v33;
	v29 =	vmul.f32 v35, v5  }
0x55b: {  	v33 =	vld [tilespmem:s1+$0x90]  }
0x55c: {  	[tilespmem:s8+$0x10] =	vst v29;
	v29 =	vld [tilespmem:s8+$0x20]  }
0x55d: {  	v58 =	vld [tilespmem:s1+$0x20]  }
0x55e: {  	v60 =	vld [tilespmem:s8+$0xFFFFFFA0];
	v32 =	vadd.f32 v54, v56  }
0x55f: {  	v61 =	vld [tilespmem:s8+$0xA0]  }
0x560: {  	v10 =	vadd.f32 v10, v22;
	v22 =	vld [tilespmem:s8+$0xFFFFFFD0];
	v32 =	vmul.f32 v32, v3;
	v34 =	vadd.f32 v55, v57  }
0x561: {  	v19 =	vadd.f32 v19, v26;
	v26 =	vld [tilespmem:s8+$0x40];
	v30 =	vadd.f32 v30, v33  }
0x562: {  	v59 =	vld [tilespmem:s8+$0xFFFFFF20];
	[tilespmem:s8+$0xFFFFFF10] =	vst v32;
	v63 =	vmul.f32 v34, v4;
	v29 =	vadd.f32 v29, v58  }
0x563: {  	v14 =	vadd.f32 v20, v14;
	v55 =	vld [tilespmem:s1+$0xFFFFFF20];
	v30 =	vmul.f32 v30, v6  }
0x564: {  	v27 =	vadd.f32 v27, v28;
	v25 =	vld [tilespmem:s21+$0xF0];
	[tilespmem:s8+$0xFFFFFF90] =	vst v63;
	v20 =	vmul.f32 v29, v5  }
0x565: {  	v14 =	vmul.f32 v14, v21;
	v28 =	vld [tilespmem:s1+$0xFFFFFFA0];
	[tilespmem:s8+$0x90] =	vst v30  }
0x566: {  	v29 =	vld [tilespmem:s1+$0xA0];
	[tilespmem:s8+$0x20] =	vst v20;
	v20 =	vmul.f32 v27, v24  }
0x567: {  	[tilespmem:s21+$0xFFFFFF50] =	vst v14;
	v27 =	vld [tilespmem:s8+$0x30]  }
0x568: {  	v14 =	vld [tilespmem:s1+$0x30];
	[tilespmem:s21+$0x60] =	vst v20;
	v20 =	vadd.f32 v59, v55  }
0x569: {  	v54 =	vld [tilespmem:s8+$0xFFFFFFB0]  }
0x56a: {  	v56 =	vld [tilespmem:s8+$0xB0];
	v20 =	vmul.f32 v20, v3  }
0x56b: {  	v62 =	vld [tilespmem:s8+$0xFFFFFF30];
	v28 =	vadd.f32 v60, v28  }
0x56c: {  	v58 =	vld [tilespmem:s8+$0xFFFFFF40];
	v29 =	vadd.f32 v61, v29;
	[tilespmem:s8+$0xFFFFFF20] =	vst v20  }
0x56d: {  	v20 =	vmul.f32 v28, v4;
	v14 =	vadd.f32 v27, v14;
	v27 =	vld [tilespmem:s1+$0xFFFFFF30]  }
0x56e: {  	v30 =	vld [tilespmem:s24+$0xFFFFFF60];
	v28 =	vmul.f32 v29, v6  }
0x56f: {  	v60 =	vld [tilespmem:s8+$0xC0];
	[tilespmem:s8+$0xFFFFFFA0] =	vst v20;
	v14 =	vmul.f32 v14, v5  }
0x570: {  	[tilespmem:s8+$0xA0] =	vst v28;
	v20 =	vld [tilespmem:s1+$0xFFFFFFB0]  }
0x571: {  	v10 =	vmul.f32 v10, v7;
	[tilespmem:s8+$0x30] =	vst v14;
	v14 =	vld [tilespmem:s1+$0xB0]  }
0x572: {  	v28 =	vld [tilespmem:s1+$0x40];
	v27 =	vadd.f32 v62, v27  }
0x573: {  	[tilespmem:s21+$0xFFFFFFD0] =	vst v10;
	v10 =	vmul.f32 v19, v23;
	v59 =	vld [tilespmem:s8+$0xFFFFFFC0]  }
0x574: {  	v61 =	vld [tilespmem:s24+$0xFFFFFFE0];
	v19 =	vmul.f32 v27, v3  }
0x575: {  	[tilespmem:s21+$0xD0] =	vst v10;
	v57 =	vld [tilespmem:s24+$0x70];
	v27 =	vadd.f32 v54, v20  }
0x576: {  	v14 =	vadd.f32 v56, v14;
	[tilespmem:s8+$0xFFFFFF30] =	vst v19;
	v19 =	vld [tilespmem:s24+$0xE0]  }
0x577: {  	v10 =	vmul.f32 v27, v4;
	v26 =	vadd.f32 v26, v28;
	v27 =	vld [tilespmem:s1+$0xFFFFFF40]  }
0x578: {  	v29 =	vld [tilespmem:s8+$0xFFFFFF50];
	v14 =	vmul.f32 v14, v6  }
0x579: {  	v20 =	vld [tilespmem:s8+$0xD0];
	v28 =	vadd.f32 v9, v61;
	[tilespmem:s8+$0xFFFFFFB0] =	vst v10;
	v26 =	vmul.f32 v26, v5  }
0x57a: {  	v8 =	vadd.f32 v8, v30;
	[tilespmem:s8+$0xB0] =	vst v14;
	v14 =	vld [tilespmem:s1+$0xFFFFFFC0]  }
0x57b: {  	v9 =	vld [tilespmem:s8+$0xFFFFFFE0];
	[tilespmem:s8+$0x40] =	vst v26;
	v26 =	vmul.f32 v28, v7  }
0x57c: {  	v8 =	vmul.f32 v8, v21;
	v13 =	vadd.f32 v13, v19;
	v19 =	vld [tilespmem:s1+$0xC0];
	v27 =	vadd.f32 v58, v27  }
0x57d: {  	v28 =	vld [tilespmem:s8+$0x50];
	[tilespmem:s21+$0xFFFFFFE0] =	vst v26  }
0x57e: {  	[tilespmem:s21+$0xFFFFFF60] =	vst v8;
	v8 =	vmul.f32 v27, v3;
	v27 =	vld [tilespmem:s24+$0xFFFFFFF0]  }
0x57f: {  	v26 =	vld [tilespmem:s1+$0x50];
	v13 =	vmul.f32 v13, v23;
	v14 =	vadd.f32 v59, v14  }
0x580: {  	v10 =	vld [tilespmem:s8+$0xFFFFFF60]  }
0x581: {  	[tilespmem:s21+$0xE0] =	vst v13;
	v13 =	vld [tilespmem:s24+$0xFFFFFF70];
	v14 =	vmul.f32 v14, v4;
	v62 =	vadd.f32 v60, v19  }
0x582: {  	[tilespmem:s8+$0xFFFFFF40] =	vst v8;
	v30 =	vld [tilespmem:s24+$0xF0]  }
0x583: {  	v8 =	vld [tilespmem:s8+$0xE0];
	[tilespmem:s8+$0xFFFFFFC0] =	vst v14;
	v14 =	vmul.f32 v62, v6;
	v12 =	vadd.f32 v12, v27  }
0x584: {  	s22 =	simm.s32 $0x8;
	v31 =	vadd.f32 v31, v57;
	s24 =	simm.s32 $0x9;
	v63 =	vld [tilespmem:s1+$0xFFFFFF50];
	v28 =	vadd.f32 v28, v26  }
0x585: {  	v19 =	vld [tilespmem:s8+$0xFFFFFF70];
	v27 =	vmov s24;
	[tilespmem:s8+$0xC0] =	vst v14;
	v14 =	vmov s22;
	v12 =	vmul.f32 v12, v7  }
0x586: {  	s31 =	simm.s32 $0xB;
	v26 =	vld [tilespmem:s1+$0xFFFFFFD0];
	v11 =	vadd.f32 v11, v13;
	v13 =	vmul.f32 v28, v5;
	v14 =	vand.u32 $0xFFFFFFFC, v14  }
0x587: {  	v30 =	vadd.f32 v25, v30;
	v7 =	vld [tilespmem:s8+$0xFFFFFFF0];
	v25 =	vbroadcast v14, $0x0;
	[tilespmem:s21+$0xFFFFFFF0] =	vst v12;
	v12 =	vmov s31  }
0x588: {  	v24 =	vmul.f32 v31, v24;
	[tilespmem:s8+$0x50] =	vst v13;
	v13 =	vld [tilespmem:s1+$0xD0];
	v14 =	vand.u32 $0xFFFFFFFD, v27  }
0x589: {  	v28 =	vadd.f32 v29, v63;
	v11 =	vmul.f32 v11, v21;
	v27 =	vld [tilespmem:s8+$0x60];
	v29 =	vbroadcast v14, $0x0  }
0x58a: {  	v44 =	vmov v16;
	v45 =	vmov v18;
	s18 =	simm.s32 $0xC;
	s20 =	simm.s32 $0xA;
	[tilespmem:s21+$0x70] =	vst v24;
	s24 =	simm.s32 $0x3700;
	v23 =	vmul.f32 v30, v23;
	v14 =	vld [tilespmem:s1+$0x60]  }
.LBB2_11:
0x58b: {  	p0 =	slt.u32 s18, $0x1C;
	v21 =	vmov s20;
	v28 =	vmul.f32 v28, v3;
	v22 =	vadd.f32 v22, v26;
	v24 =	vld [tilespmem:s8+$0xF0];
	[tilespmem:s21+$0xFFFFFF70] =	vst v11  }
0x58c: {  	v11 =	vand.u32 $0xFFFFFFFE, v21;
	v21 =	vld.idx.msk [tilespmem:v12+s19+$0x0], $0xffff;
	[tilespmem:s21+$0xF0] =	vst v23;
	s21 =	smov.u32 s8  }
0x58d: {  	v23 =	vld.idx.msk [tilespmem:v25+s19+$0x0], $0xffff;
	v12 =	vbroadcast v11, $0x0;
	[tilespmem:s8+$0xFFFFFF50] =	vst v28;
	v22 =	vmul.f32 v22, v4;
	v13 =	vadd.f32 v20, v13  }
0x58e: {  	v20 =	vld [tilespmem:s1+$0xFFFFFF60]  }
0x58f: {  	v11 =	vld.idx.msk [tilespmem:v29+s19+$0x0], $0xffff;
	[tilespmem:s8+$0xFFFFFFD0] =	vst v22;
	v14 =	vadd.f32 v27, v14;
	v13 =	vmul.f32 v13, v6  }
0x590: {  	s1 =	sadd.s32 $0x200, s1;
	v22 =	vld [tilespmem:s8+$0x70]  }
0x591: {  	s8 =	sadd.s32 $0x200, s8;
	v25 =	vld [tilespmem:s1+$0x0];
	v14 =	vmul.f32 v14, v5;
	[tilespmem:s21+$0xD0] =	vst v13  }
0x592: {  	v13 =	vld [tilespmem:s8+$0x0]  }
0x593: {  	v12 =	vld.idx.msk [tilespmem:v12+s19+$0x0], $0xffff;
	v10 =	vadd.f32 v10, v20;
	[tilespmem:s21+$0x60] =	vst v14  }
0x594: {  	v14 =	vld [tilespmem:s24+$0x70]  }
0x595: {  	v20 =	vld [tilespmem:s1+$0xFFFFFF00];
	v10 =	vmul.f32 v10, v3  }
0x596: {  	v26 =	vld [tilespmem:s8+$0xFFFFFF00]  }
0x597: {  	v27 =	vld [tilespmem:s1+$0xFFFFFF80];
	v13 =	vadd.f32 v13, v25;
	[tilespmem:s21+$0xFFFFFF60] =	vst v10  }
0x598: {  	v10 =	vld [tilespmem:s8+$0xFFFFFF80]  }
0x599: {  	v13 =	vmul.f32 v13, v12;
	v25 =	vld [tilespmem:s1+$0x80];
	v14 =	vadd.f32 v22, v14  }
0x59a: {  	v22 =	vld [tilespmem:s8+$0x80]  }
0x59b: {  	v20 =	vadd.f32 v26, v20;
	[tilespmem:s8+$0x0] =	vst v13;
	v13 =	vld [tilespmem:s8+$0x10];
	v14 =	vmul.f32 v14, v5;
	v5 =	vmov v12  }
0x59c: {  	v12 =	vld [tilespmem:s1+$0x10]  }
0x59d: {  	v20 =	vmul.f32 v20, v23;
	v26 =	vld [tilespmem:s8+$0xFFFFFF10];
	v10 =	vadd.f32 v10, v27;
	[tilespmem:s21+$0x70] =	vst v14  }
0x59e: {  	v14 =	vld [tilespmem:s8+$0xFFFFFF90]  }
0x59f: {  	[tilespmem:s8+$0xFFFFFF00] =	vst v20;
	v10 =	vmul.f32 v10, v11;
	v20 =	vadd.f32 v22, v25;
	v22 =	vld [tilespmem:s8+$0x90]  }
0x5a0: {  	v25 =	vld [tilespmem:s1+$0xFFFFFF10]  }
0x5a1: {  	v27 =	vld [tilespmem:s8+$0xFFFFFF20];
	[tilespmem:s8+$0xFFFFFF80] =	vst v10;
	v10 =	vadd.f32 v13, v12;
	v12 =	vmul.f32 v20, v21  }
0x5a2: {  	v13 =	vld [tilespmem:s1+$0xFFFFFF90]  }
0x5a3: {  	v20 =	vld [tilespmem:s8+$0xFFFFFFA0];
	v10 =	vmul.f32 v10, v5;
	[tilespmem:s8+$0x80] =	vst v12  }
0x5a4: {  	v12 =	vld [tilespmem:s1+$0x90]  }
0x5a5: {  	v25 =	vadd.f32 v26, v25;
	[tilespmem:s8+$0x10] =	vst v10;
	v10 =	vld [tilespmem:s8+$0x20]  }
0x5a6: {  	v26 =	vld [tilespmem:s1+$0x20]  }
0x5a7: {  	v25 =	vmul.f32 v25, v23;
	v13 =	vadd.f32 v14, v13;
	v14 =	vld [tilespmem:s8+$0xA0]  }
0x5a8: {  	v28 =	vld [tilespmem:s8+$0xFFFFFF30]  }
0x5a9: {  	[tilespmem:s8+$0xFFFFFF10] =	vst v25;
	v13 =	vmul.f32 v13, v11;
	v25 =	vld [tilespmem:s8+$0xFFFFFFB0];
	v12 =	vadd.f32 v22, v12  }
0x5aa: {  	v22 =	vld [tilespmem:s1+$0xFFFFFF20]  }
0x5ab: {  	[tilespmem:s8+$0xFFFFFF90] =	vst v13;
	v10 =	vadd.f32 v10, v26;
	v12 =	vmul.f32 v12, v21;
	v13 =	vld [tilespmem:s8+$0xB0]  }
0x5ac: {  	v26 =	vld [tilespmem:s1+$0xFFFFFFA0]  }
0x5ad: {  	v29 =	vld [tilespmem:s8+$0xFFFFFF40];
	v10 =	vmul.f32 v10, v5;
	[tilespmem:s8+$0x90] =	vst v12  }
0x5ae: {  	v12 =	vld [tilespmem:s1+$0xA0]  }
0x5af: {  	v22 =	vadd.f32 v27, v22;
	[tilespmem:s8+$0x20] =	vst v10;
	v10 =	vld [tilespmem:s8+$0x30]  }
0x5b0: {  	v27 =	vld [tilespmem:s1+$0x30]  }
0x5b1: {  	v22 =	vmul.f32 v22, v23;
	v20 =	vadd.f32 v20, v26;
	v26 =	vld [tilespmem:s8+$0xFFFFFFC0]  }
0x5b2: {  	v30 =	vld [tilespmem:s8+$0xC0]  }
0x5b3: {  	[tilespmem:s8+$0xFFFFFF20] =	vst v22;
	v31 =	vld [tilespmem:s8+$0xFFFFFF50];
	v20 =	vmul.f32 v20, v11;
	v12 =	vadd.f32 v14, v12  }
0x5b4: {  	v14 =	vld [tilespmem:s1+$0xFFFFFF30]  }
0x5b5: {  	[tilespmem:s8+$0xFFFFFFA0] =	vst v20;
	v22 =	vld [tilespmem:s8+$0xFFFFFFD0];
	v10 =	vadd.f32 v10, v27;
	v12 =	vmul.f32 v12, v21  }
0x5b6: {  	v27 =	vld [tilespmem:s1+$0xFFFFFFB0]  }
0x5b7: {  	v10 =	vmul.f32 v10, v5;
	[tilespmem:s8+$0xA0] =	vst v12;
	v20 =	vld [tilespmem:s8+$0xD0]  }
0x5b8: {  	v12 =	vld [tilespmem:s1+$0xB0]  }
0x5b9: {  	v14 =	vadd.f32 v28, v14;
	[tilespmem:s8+$0x30] =	vst v10;
	v28 =	vld [tilespmem:s8+$0x40]  }
0x5ba: {  	v32 =	vld [tilespmem:s1+$0x40]  }
0x5bb: {  	v10 =	vmul.f32 v14, v23;
	v14 =	vadd.f32 v25, v27;
	v25 =	vld [tilespmem:s24+$0xFFFFFFE0]  }
0x5bc: {  	v27 =	vld [tilespmem:s24+$0xE0]  }
0x5bd: {  	[tilespmem:s8+$0xFFFFFF30] =	vst v10;
	v10 =	vld [tilespmem:s8+$0xFFFFFF60];
	v14 =	vmul.f32 v14, v11;
	v12 =	vadd.f32 v13, v12  }
0x5be: {  	v13 =	vld [tilespmem:s1+$0xFFFFFF40]  }
0x5bf: {  	[tilespmem:s8+$0xFFFFFFB0] =	vst v14;
	v14 =	vld [tilespmem:s8+$0xFFFFFFE0];
	v28 =	vadd.f32 v28, v32;
	v12 =	vmul.f32 v12, v21  }
0x5c0: {  	v32 =	vld [tilespmem:s1+$0xFFFFFFC0];
	v9 =	vadd.f32 v9, v25  }
0x5c1: {  	v25 =	vmul.f32 v28, v5;
	[tilespmem:s8+$0xB0] =	vst v12;
	v12 =	vadd.f32 v8, v27;
	v8 =	vld [tilespmem:s8+$0xE0]  }
0x5c2: {  	v27 =	vld [tilespmem:s1+$0xC0];
	v16 =	vmul.f32 v9, v4  }
0x5c3: {  	v13 =	vadd.f32 v29, v13;
	[tilespmem:s8+$0x40] =	vst v25;
	v25 =	vld [tilespmem:s8+$0x50];
	v12 =	vmul.f32 v12, v6  }
0x5c4: {  	v28 =	vld [tilespmem:s1+$0x50];
	[tilespmem:s21+$0xFFFFFFE0] =	vst v16;
	v9 =	vmov v14  }
0x5c5: {  	v13 =	vmul.f32 v13, v23;
	v14 =	vadd.f32 v26, v32;
	v29 =	vld [tilespmem:s24+$0xFFFFFFF0];
	[tilespmem:s21+$0xE0] =	vst v12  }
0x5c6: {  	v32 =	vld [tilespmem:s24+$0xFFFFFF70]  }
0x5c7: {  	[tilespmem:s8+$0xFFFFFF40] =	vst v13;
	v13 =	vmul.f32 v14, v11;
	v14 =	vadd.f32 v30, v27;
	v27 =	vld [tilespmem:s24+$0xF0];
	s24 =	smov.u32 s1  }
0x5c8: {  	s20 =	sadd.s32 $0x3, s18;
	v26 =	vmov s18;
	v30 =	vld [tilespmem:s1+$0xFFFFFF50]  }
0x5c9: {  	s22 =	sadd.s32 $0x1, s18;
	v12 =	vmov s20;
	v33 =	vld [tilespmem:s8+$0xFFFFFF70];
	[tilespmem:s8+$0xFFFFFFC0] =	vst v13;
	v13 =	vadd.f32 v25, v28;
	v14 =	vmul.f32 v14, v21  }
.Ltmp4:
0x5ca: {  	v25 =	vand.u32 $0xFFFFFFFC, v26;
	v28 =	vmov s22;
	v26 =	vld [tilespmem:s1+$0xFFFFFFD0];
	v29 =	vadd.f32 v7, v29;
	(pc) =	sbr.rel @p0 .LBB2_11-.Ltmp4, $4  }
0x5cb: {  	v25 =	vbroadcast v25, $0x0;
	v7 =	vld [tilespmem:s8+$0xFFFFFFF0];
	v34 =	vmul.f32 v13, v5;
	[tilespmem:s8+$0xC0] =	vst v14;
	v14 =	vadd.f32 v19, v32  }
0x5cc: {  	v16 =	vand.u32 $0xFFFFFFFD, v28;
	v13 =	vld [tilespmem:s1+$0xD0];
	v32 =	vmul.f32 v29, v4;
	v24 =	vadd.f32 v24, v27;
	v4 =	vmovc v11  }
0x5cd: {  	v29 =	vbroadcast v16, $0x0;
	v28 =	vadd.f32 v31, v30;
	[tilespmem:s8+$0x50] =	vst v34;
	v27 =	vld [tilespmem:s8+$0x60];
	v11 =	vmul.f32 v14, v3;
	v3 =	vmovc v23  }
0x5ce: {  	s20 =	sadd.s32 $0x2, s18;
	s18 =	sadd.s32 $0x4, s18;
	v14 =	vld [tilespmem:s1+$0x60];
	[tilespmem:s21+$0xFFFFFFF0] =	vst v32;
	v23 =	vmul.f32 v24, v6;
	v6 =	vmov v21;
	v19 =	vmov v33  }
0x5cf: {  	s22 =	sadd.s32 $0x200, s1  }
0x5d0: {  	s18 =	sadd.s32 $0x200, s8;
	v61 =	vld [tilespmem:s22+$0x0]  }
0x5d1: {  	v30 =	vld [tilespmem:s18+$0x0]  }
0x5d2: {  	v31 =	vld [tilespmem:s22+$0xFFFFFF00]  }
0x5d3: {  	v21 =	vmov s20;
	v32 =	vld [tilespmem:s18+$0xFFFFFF00]  }
0x5d4: {  	v21 =	vand.u32 $0xFFFFFFFE, v21;
	v33 =	vld [tilespmem:s22+$0xFFFFFF80]  }
0x5d5: {  	v34 =	vld [tilespmem:s18+$0xFFFFFF80];
	v24 =	vbroadcast v21, $0x0  }
0x5d6: {  	v62 =	vld [tilespmem:s22+$0x80]  }
0x5d7: {  	v35 =	vld [tilespmem:s18+$0x80]  }
0x5d8: {  	v21 =	vld.idx.msk [tilespmem:v29+s19+$0x0], $0xffff  }
0x5d9: {  	v25 =	vld.idx.msk [tilespmem:v25+s19+$0x0], $0xffff  }
0x5da: {  	v12 =	vld.idx.msk [tilespmem:v12+s19+$0x0], $0xffff  }
0x5db: {  	v33 =	vadd.f32 v34, v33;
	v24 =	vld.idx.msk [tilespmem:v24+s19+$0x0], $0xffff  }
0x5dc: {  	v63 =	vld [tilespmem:s18+$0x10];
	v31 =	vadd.f32 v32, v31  }
0x5dd: {  	v55 =	vld [tilespmem:s18+$0xFFFFFF10];
	v29 =	vadd.f32 v30, v61;
	v30 =	vadd.f32 v35, v62;
	v33 =	vmul.f32 v33, v21  }
0x5de: {  	v56 =	vld [tilespmem:s18+$0xFFFFFF90];
	v31 =	vmul.f32 v31, v25  }
0x5df: {  	v36 =	vld [tilespmem:s18+$0x90];
	v30 =	vmul.f32 v30, v12;
	[tilespmem:s18+$0xFFFFFF80] =	vst v33  }
0x5e0: {  	[tilespmem:s18+$0xFFFFFF00] =	vst v31;
	v57 =	vld [tilespmem:s22+$0xFFFFFF90];
	v29 =	vmul.f32 v29, v24  }
0x5e1: {  	[tilespmem:s18+$0x80] =	vst v30;
	v58 =	vld [tilespmem:s22+$0xFFFFFF10]  }
0x5e2: {  	v30 =	vld [tilespmem:s22+$0x90];
	[tilespmem:s18+$0x0] =	vst v29  }
0x5e3: {  	v54 =	vld [tilespmem:s22+$0x10];
	_ =	sdelay $0x1  }
0x5e4: {  	v31 =	vadd.f32 v56, v57  }
0x5e5: {  	v59 =	vld [tilespmem:s18+$0xFFFFFF20];
	v33 =	vadd.f32 v55, v58  }
0x5e6: {  	v60 =	vld [tilespmem:s18+$0xFFFFFFA0];
	v30 =	vadd.f32 v36, v30;
	v31 =	vmul.f32 v31, v21  }
0x5e7: {  	v61 =	vld [tilespmem:s18+$0x20];
	v33 =	vmul.f32 v33, v25;
	v29 =	vadd.f32 v63, v54  }
0x5e8: {  	v30 =	vmul.f32 v30, v12;
	[tilespmem:s18+$0xFFFFFF90] =	vst v31;
	v63 =	vld [tilespmem:s18+$0xA0]  }
0x5e9: {  	[tilespmem:s18+$0xFFFFFF10] =	vst v33;
	v31 =	vld [tilespmem:s22+$0xFFFFFFA0];
	v29 =	vmul.f32 v29, v24  }
0x5ea: {  	[tilespmem:s18+$0x90] =	vst v30;
	v33 =	vld [tilespmem:s22+$0xFFFFFF20]  }
0x5eb: {  	v30 =	vld [tilespmem:s22+$0xA0];
	[tilespmem:s18+$0x10] =	vst v29  }
0x5ec: {  	v62 =	vld [tilespmem:s22+$0x20];
	_ =	sdelay $0x1  }
0x5ed: {  	v31 =	vadd.f32 v60, v31  }
0x5ee: {  	v55 =	vld [tilespmem:s18+$0xFFFFFFB0];
	v32 =	vadd.f32 v59, v33  }
0x5ef: {  	v56 =	vld [tilespmem:s18+$0xB0];
	v30 =	vadd.f32 v63, v30;
	v31 =	vmul.f32 v31, v21  }
0x5f0: {  	v57 =	vld [tilespmem:s18+$0x30];
	v32 =	vmul.f32 v32, v25;
	v29 =	vadd.f32 v61, v62  }
0x5f1: {  	v54 =	vld [tilespmem:s18+$0xFFFFFF30];
	v30 =	vmul.f32 v30, v12;
	[tilespmem:s18+$0xFFFFFFA0] =	vst v31  }
0x5f2: {  	[tilespmem:s18+$0xFFFFFF20] =	vst v32;
	v31 =	vld [tilespmem:s22+$0xFFFFFFB0];
	v29 =	vmul.f32 v29, v24  }
0x5f3: {  	[tilespmem:s18+$0xA0] =	vst v30;
	v32 =	vld [tilespmem:s22+$0xFFFFFF30]  }
0x5f4: {  	v28 =	vmul.f32 v28, v3;
	v30 =	vld [tilespmem:s22+$0xB0];
	[tilespmem:s18+$0x20] =	vst v29  }
0x5f5: {  	v58 =	vld [tilespmem:s22+$0x30]  }
0x5f6: {  	v37 =	vld [tilespmem:s8+$0xF0];
	[tilespmem:s8+$0xFFFFFF50] =	vst v28;
	v14 =	vadd.f32 v27, v14  }
0x5f7: {  	v28 =	vld [tilespmem:s1+$0xFFFFFF60];
	v31 =	vadd.f32 v55, v31  }
0x5f8: {  	v14 =	vmul.f32 v14, v5;
	v59 =	vld [tilespmem:s18+$0xFFFFFF40];
	v32 =	vadd.f32 v54, v32  }
0x5f9: {  	v60 =	vld [tilespmem:s18+$0xFFFFFFC0];
	v30 =	vadd.f32 v56, v30;
	v31 =	vmul.f32 v31, v21  }
0x5fa: {  	[tilespmem:s8+$0x60] =	vst v14;
	v61 =	vld [tilespmem:s18+$0xC0];
	v63 =	vmul.f32 v32, v25;
	v29 =	vadd.f32 v57, v58  }
0x5fb: {  	v62 =	vld [tilespmem:s18+$0x40];
	v30 =	vmul.f32 v30, v12;
	[tilespmem:s18+$0xFFFFFFB0] =	vst v31  }
0x5fc: {  	[tilespmem:s18+$0xFFFFFF30] =	vst v63;
	v54 =	vld [tilespmem:s22+$0xFFFFFFC0];
	v29 =	vmul.f32 v29, v24  }
0x5fd: {  	[tilespmem:s18+$0xB0] =	vst v30;
	v55 =	vld [tilespmem:s22+$0xFFFFFF40]  }
0x5fe: {  	v14 =	vld [tilespmem:s22+$0xC0];
	[tilespmem:s18+$0x30] =	vst v29  }
0x5ff: {  	v38 =	vld [tilespmem:s22+$0x40]  }
0x600: {  	v22 =	vadd.f32 v22, v26;
	v26 =	vld [tilespmem:s24+$0x70]  }
0x601: {  	v36 =	vld [tilespmem:s8+$0x70];
	v29 =	vadd.f32 v60, v54  }
0x602: {  	v22 =	vmul.f32 v22, v4;
	v56 =	vld [tilespmem:s18+$0xFFFFFF50];
	v58 =	vadd.f32 v59, v55  }
0x603: {  	v57 =	vld [tilespmem:s18+$0xFFFFFFD0];
	v14 =	vadd.f32 v61, v14;
	v29 =	vmul.f32 v29, v21  }
0x604: {  	[tilespmem:s8+$0xFFFFFFD0] =	vst v22;
	v59 =	vld [tilespmem:s18+$0xD0];
	v22 =	vmul.f32 v58, v25;
	v27 =	vadd.f32 v62, v38  }
0x605: {  	v60 =	vld [tilespmem:s24+$0xFFFFFFE0];
	v14 =	vmul.f32 v14, v12;
	[tilespmem:s18+$0xFFFFFFC0] =	vst v29  }
0x606: {  	v13 =	vadd.f32 v20, v13;
	v61 =	vld [tilespmem:s18+$0x50];
	[tilespmem:s18+$0xFFFFFF40] =	vst v22;
	v27 =	vmul.f32 v27, v24  }
0x607: {  	[tilespmem:s18+$0xC0] =	vst v14;
	v62 =	vld [tilespmem:s22+$0xFFFFFFD0]  }
0x608: {  	v13 =	vmul.f32 v13, v6;
	v14 =	vld [tilespmem:s22+$0xFFFFFF50];
	[tilespmem:s18+$0x40] =	vst v27  }
0x609: {  	v27 =	vld [tilespmem:s22+$0x50]  }
0x60a: {  	[tilespmem:s8+$0xD0] =	vst v13;
	v13 =	vld [tilespmem:s22+$0xD0]  }
0x60b: {  	v63 =	vld [tilespmem:s24+$0xE0];
	v9 =	vadd.f32 v9, v60  }
0x60c: {  	v31 =	vld [tilespmem:s18+$0xF0];
	v22 =	vadd.f32 v57, v62  }
0x60d: {  	v38 =	vld [tilespmem:s18+$0xFFFFFFE0];
	v9 =	vmul.f32 v9, v4;
	v54 =	vadd.f32 v56, v14  }
0x60e: {  	v14 =	vld [tilespmem:s18+$0xE0];
	v22 =	vmul.f32 v22, v21;
	v20 =	vadd.f32 v61, v27  }
0x60f: {  	[tilespmem:s8+$0xFFFFFFE0] =	vst v9;
	v13 =	vadd.f32 v59, v13;
	v56 =	vld [tilespmem:s18+$0x60];
	v9 =	vmul.f32 v54, v25  }
0x610: {  	[tilespmem:s18+$0xFFFFFFD0] =	vst v22;
	v27 =	vld [tilespmem:s18+$0xFFFFFF60];
	v20 =	vmul.f32 v20, v24  }
0x611: {  	v13 =	vmul.f32 v13, v12;
	[tilespmem:s18+$0xFFFFFF50] =	vst v9;
	v58 =	vld [tilespmem:s22+$0xFFFFFFE0]  }
0x612: {  	v59 =	vld [tilespmem:s22+$0xFFFFFF60];
	[tilespmem:s18+$0x50] =	vst v20  }
0x613: {  	v8 =	vadd.f32 v8, v63;
	[tilespmem:s18+$0xD0] =	vst v13;
	v57 =	vld [tilespmem:s22+$0x60]  }
0x614: {  	v10 =	vadd.f32 v10, v28;
	v60 =	vld [tilespmem:s22+$0xE0]  }
0x615: {  	v63 =	vld [tilespmem:s18+$0xFFFFFFF0];
	v8 =	vmul.f32 v8, v6  }
0x616: {  	v10 =	vmul.f32 v10, v3;
	v55 =	vld [tilespmem:s24+$0xFFFFFFF0];
	v9 =	vadd.f32 v38, v58  }
0x617: {  	[tilespmem:s8+$0xE0] =	vst v8;
	v62 =	vld [tilespmem:s18+$0xFFFFFF70];
	v22 =	vadd.f32 v27, v59  }
0x618: {  	[tilespmem:s8+$0xFFFFFF60] =	vst v10;
	v13 =	vld [tilespmem:s24+$0xF0];
	v9 =	vmul.f32 v9, v21;
	v20 =	vadd.f32 v56, v57  }
0x619: {  	v61 =	vld [tilespmem:s24+$0xFFFFFF70];
	v10 =	vadd.f32 v14, v60;
	v32 =	vmul.f32 v22, v25  }
0x61a: {  	v14 =	vld [tilespmem:s18+$0x70];
	[tilespmem:s18+$0xFFFFFFE0] =	vst v9;
	v20 =	vmul.f32 v20, v24  }
0x61b: {  	v10 =	vmul.f32 v10, v12;
	[tilespmem:s18+$0xFFFFFF60] =	vst v32;
	v35 =	vld [tilespmem:s22+$0xFFFFFFF0]  }
0x61c: {  	v34 =	vadd.f32 v36, v26;
	v36 =	vld [tilespmem:s22+$0xFFFFFF70];
	[tilespmem:s18+$0x60] =	vst v20  }
0x61d: {  	v7 =	vadd.f32 v7, v55;
	[tilespmem:s18+$0xE0] =	vst v10;
	v33 =	vld [tilespmem:s22+$0x70]  }
0x61e: {  	v54 =	vld [tilespmem:s22+$0xF0]  }
0x61f: {  	[tilespmem:s21+$0xFFFFFF70] =	vst v11;
	v55 =	vmul.f32 v7, v4;
	v8 =	vadd.f32 v19, v61  }
0x620: {  	[tilespmem:s21+$0xF0] =	vst v23;
	v38 =	vmul.f32 v34, v5;
	v56 =	vadd.f32 v37, v13  }
0x621: {  	[tilespmem:s8+$0xFFFFFFF0] =	vst v55;
	v3 =	vmul.f32 v8, v3;
	v59 =	vadd.f32 v63, v35  }
0x622: {  	[tilespmem:s8+$0x70] =	vst v38;
	v58 =	vmul.f32 v56, v6;
	v57 =	vadd.f32 v14, v33  }
0x623: {  	[tilespmem:s8+$0xFFFFFF70] =	vst v3;
	v60 =	vadd.f32 v62, v36;
	v62 =	vadd.f32 v31, v54;
	v61 =	vmul.f32 v59, v21  }
0x624: {  	[tilespmem:s8+$0xF0] =	vst v58;
	v3 =	vmul.f32 v57, v24  }
0x625: {  	v63 =	vmul.f32 v62, v12;
	[tilespmem:s18+$0xFFFFFFF0] =	vst v61  }
0x626: {  	s15 =	sadd.s32 $0x1, s15;
	[tilespmem:s18+$0x70] =	vst v3;
	v3 =	vmul.f32 v60, v25  }
0x627: {  	p0 =	sne.s32 s15, $0x9D;
	[tilespmem:s18+$0xF0] =	vst v63  }
.Ltmp5:
0x628: {  	s31 =	simm.s32 $0x2280;
	[tilespmem:s18+$0xFFFFFF70] =	vst v3;
	(pc) =	sbr.rel @p0 .LBB2_4-.Ltmp5, $4  }
0x629: {  	[spmem:s23] =	stream.indirect.scatter.add.f32 [tilespmem:s13], [sflag:$0x3], $0x80, s31, s3, $0xb8;
	[tilespmem:$0x1F380] =	vst v63  }
0x62a: {  	_ =	swait.ge [sflag:s30], $0x1000  }
0x62b: {  	[sflag:s30] =	ssyncset.done $0x0  }
0x62c: {  	[sflag:s30] =	ssyncadd.s32 $0xFFFFF000  }
0x62d: {  	_ =	swait.ge [sflag:s9], $0x1000  }
0x62e: {  	[sflag:s9] =	ssyncset.done $0x0  }
0x62f: {  	[sflag:s9] =	ssyncadd.s32 $0xFFFFF000  }
0x630: {  	_ =	swait.ge [sflag:s16], $0x1000  }
0x631: {  	[sflag:s16] =	ssyncset.done $0x0  }
0x632: {  	[sflag:s16] =	ssyncadd.s32 $0xFFFFF000  }
0x633: {  	_ =	swait.ge [sflag:s16], $0x1000  }
0x634: {  	[sflag:s16] =	ssyncset.done $0x0  }
0x635: {  	[sflag:s16] =	ssyncadd.s32 $0xFFFFF000  }
0x636: {  	_ =	swait.ge [sflag:s16], $0x1000  }
0x637: {  	[sflag:s16] =	ssyncset.done $0x0  }
0x638: {  	[sflag:s16] =	ssyncadd.s32 $0xFFFFF000  }
0x639: {  	_ =	swait.ge [sflag:s16], $0x1000  }
0x63a: {  	[sflag:s16] =	ssyncset.done $0x0  }
0x63b: {  	[sflag:s16] =	ssyncadd.s32 $0xFFFFF000  }
0x63c: {  	s1 =	stileid.u32;
	[bflag:$0x0] =	sbarrier.arrive $0xFFFF  }
0x63d: {  	s1 =	sshll.u32 s1, $0x6;
	s24 =	rddreg [dreg:$0x1e]  }
0x63e: {  	s1 =	sor.u32 $0x1C03, s1;
	s11 =	rddreg [dreg:$0x6];
	s8 =	sshrl.u32 s24, $0x3  }
0x63f: {  	[hbm:s11], [sflag:s1] =	dma.local [spmem:s8], $0x200  }
0x640: {  	_ =	swait.ge [sflag:s30], $0x200  }
0x641: {  	[sflag:s30] =	ssyncset.done $0x0;
	s21 =	rddreg [dreg:$0x1f]  }
0x642: {  	s31 =	rddreg [dreg:$0x7];
	[sflag:s30] =	ssyncadd.s32 $0xFFFFFE00;
	s22 =	sshrl.u32 s21, $0x3  }
0x643: {  	[hbm:s31], [sflag:s1] =	dma.local [spmem:s22], $0x200  }
0x644: {  	_ =	swait.ge [sflag:s30], $0x200  }
0x645: {  	s18 =	sld [smem:$0x7FA];
	_ =	sdelay $0x1  }
0x646: {  	[sflag:s30] =	ssyncset.done $0x0  }
0x647: {  	s20 =	rddreg [dreg:$0x8];
	[sflag:s30] =	ssyncadd.s32 $0xFFFFFE00;
	s15 =	sshrl.u32 s18, $0x3  }
0x648: {  	[hbm:s20], [sflag:s1] =	dma.local [spmem:s15], $0x200  }
0x649: {  	_ =	swait.ge [sflag:s30], $0x200  }
0x64a: {  	s22 =	sld [smem:$0x7E7];
	_ =	sdelay $0x1  }
0x64b: {  	[sflag:s30] =	ssyncset.done $0x0  }
0x64c: {  	s31 =	rddreg [dreg:$0x9];
	[sflag:s30] =	ssyncadd.s32 $0xFFFFFE00;
	s8 =	sshrl.u32 s22, $0x3  }
0x64d: {  	[hbm:s31], [sflag:s1] =	dma.local [spmem:s8], $0x200  }
0x64e: {  	_ =	swait.ge [sflag:s30], $0x200  }
0x64f: {  	s20 =	sld [smem:$0x7FB];
	_ =	sdelay $0x1  }
0x650: {  	[sflag:s30] =	ssyncset.done $0x0  }
0x651: {  	s15 =	rddreg [dreg:$0xa];
	[sflag:s30] =	ssyncadd.s32 $0xFFFFFE00;
	s11 =	sshrl.u32 s20, $0x3  }
0x652: {  	[hbm:s15], [sflag:s1] =	dma.local [spmem:s11], $0x200  }
0x653: {  	_ =	swait.ge [sflag:s30], $0x200  }
0x654: {  	s15 =	sld [smem:$0x7FC];
	_ =	sdelay $0x1  }
0x655: {  	[sflag:s30] =	ssyncset.done $0x0  }
0x656: {  	s31 =	rddreg [dreg:$0xb];
	[sflag:s30] =	ssyncadd.s32 $0xFFFFFE00;
	s22 =	sshrl.u32 s15, $0x3  }
0x657: {  	[hbm:s31], [sflag:s1] =	dma.local [spmem:s22], $0x200  }
0x658: {  	_ =	swait.ge [sflag:s30], $0x200  }
0x659: {  	s22 =	sld [smem:$0x7E8];
	_ =	sdelay $0x1  }
0x65a: {  	[sflag:s30] =	ssyncset.done $0x0  }
0x65b: {  	s31 =	rddreg [dreg:$0xc];
	[sflag:s30] =	ssyncadd.s32 $0xFFFFFE00;
	s8 =	sshrl.u32 s22, $0x3  }
0x65c: {  	[hbm:s31], [sflag:s1] =	dma.local [spmem:s8], $0x200  }
0x65d: {  	_ =	swait.ge [sflag:s30], $0x200  }
0x65e: {  	s22 =	sld [smem:$0x7E9];
	_ =	sdelay $0x1  }
0x65f: {  	[sflag:s30] =	ssyncset.done $0x0  }
0x660: {  	s31 =	rddreg [dreg:$0xd];
	[sflag:s30] =	ssyncadd.s32 $0xFFFFFE00;
	s8 =	sshrl.u32 s22, $0x3  }
0x661: {  	[hbm:s31], [sflag:s1] =	dma.local [spmem:s8], $0x200  }
0x662: {  	_ =	swait.ge [sflag:s30], $0x200  }
0x663: {  	s22 =	sld [smem:$0x7EA];
	_ =	sdelay $0x1  }
0x664: {  	[sflag:s30] =	ssyncset.done $0x0  }
0x665: {  	s31 =	rddreg [dreg:$0xe];
	[sflag:s30] =	ssyncadd.s32 $0xFFFFFE00;
	s8 =	sshrl.u32 s22, $0x3  }
0x666: {  	[hbm:s31], [sflag:s1] =	dma.local [spmem:s8], $0x200  }
0x667: {  	_ =	swait.ge [sflag:s30], $0x200  }
0x668: {  	s22 =	sld [smem:$0x7EB];
	_ =	sdelay $0x1  }
0x669: {  	[sflag:s30] =	ssyncset.done $0x0  }
0x66a: {  	s31 =	rddreg [dreg:$0xf];
	[sflag:s30] =	ssyncadd.s32 $0xFFFFFE00;
	s8 =	sshrl.u32 s22, $0x3  }
0x66b: {  	[hbm:s31], [sflag:s1] =	dma.local [spmem:s8], $0x200  }
0x66c: {  	_ =	swait.ge [sflag:s30], $0x200  }
0x66d: {  	s22 =	sld [smem:$0x7EC];
	_ =	sdelay $0x1  }
0x66e: {  	[sflag:s30] =	ssyncset.done $0x0  }
0x66f: {  	s31 =	rddreg [dreg:$0x10];
	[sflag:s30] =	ssyncadd.s32 $0xFFFFFE00;
	s8 =	sshrl.u32 s22, $0x3  }
0x670: {  	[hbm:s31], [sflag:s1] =	dma.local [spmem:s8], $0x200  }
0x671: {  	_ =	swait.ge [sflag:s30], $0x200  }
0x672: {  	s22 =	sld [smem:$0x7ED];
	_ =	sdelay $0x1  }
0x673: {  	[sflag:s30] =	ssyncset.done $0x0  }
0x674: {  	s31 =	rddreg [dreg:$0x11];
	[sflag:s30] =	ssyncadd.s32 $0xFFFFFE00;
	s8 =	sshrl.u32 s22, $0x3  }
0x675: {  	[hbm:s31], [sflag:s1] =	dma.local [spmem:s8], $0x200  }
0x676: {  	_ =	swait.ge [sflag:s30], $0x200  }
0x677: {  	s22 =	sld [smem:$0x7EE];
	_ =	sdelay $0x1  }
0x678: {  	[sflag:s30] =	ssyncset.done $0x0  }
0x679: {  	s31 =	rddreg [dreg:$0x12];
	[sflag:s30] =	ssyncadd.s32 $0xFFFFFE00;
	s8 =	sshrl.u32 s22, $0x3  }
0x67a: {  	[hbm:s31], [sflag:s1] =	dma.local [spmem:s8], $0x200  }
0x67b: {  	_ =	swait.ge [sflag:s30], $0x200  }
0x67c: {  	s22 =	sld [smem:$0x7EF];
	_ =	sdelay $0x1  }
0x67d: {  	[sflag:s30] =	ssyncset.done $0x0  }
0x67e: {  	s31 =	rddreg [dreg:$0x13];
	[sflag:s30] =	ssyncadd.s32 $0xFFFFFE00;
	s8 =	sshrl.u32 s22, $0x3  }
0x67f: {  	[hbm:s31], [sflag:s1] =	dma.local [spmem:s8], $0x200  }
0x680: {  	_ =	swait.ge [sflag:s30], $0x200  }
0x681: {  	s22 =	sld [smem:$0x7F0];
	_ =	sdelay $0x1  }
0x682: {  	[sflag:s30] =	ssyncset.done $0x0  }
0x683: {  	s31 =	rddreg [dreg:$0x14];
	[sflag:s30] =	ssyncadd.s32 $0xFFFFFE00;
	s8 =	sshrl.u32 s22, $0x3  }
0x684: {  	[hbm:s31], [sflag:s1] =	dma.local [spmem:s8], $0x200  }
0x685: {  	_ =	swait.ge [sflag:s30], $0x200  }
0x686: {  	s22 =	sld [smem:$0x7F1];
	_ =	sdelay $0x1  }
0x687: {  	[sflag:s30] =	ssyncset.done $0x0  }
0x688: {  	s31 =	rddreg [dreg:$0x15];
	[sflag:s30] =	ssyncadd.s32 $0xFFFFFE00;
	s8 =	sshrl.u32 s22, $0x3  }
0x689: {  	[hbm:s31], [sflag:s1] =	dma.local [spmem:s8], $0x200  }
0x68a: {  	_ =	swait.ge [sflag:s30], $0x200  }
0x68b: {  	s22 =	sld [smem:$0x7F2];
	_ =	sdelay $0x1  }
0x68c: {  	[sflag:s30] =	ssyncset.done $0x0  }
0x68d: {  	s31 =	rddreg [dreg:$0x16];
	[sflag:s30] =	ssyncadd.s32 $0xFFFFFE00;
	s8 =	sshrl.u32 s22, $0x3  }
0x68e: {  	[hbm:s31], [sflag:s1] =	dma.local [spmem:s8], $0x200  }
0x68f: {  	_ =	swait.ge [sflag:s30], $0x200  }
0x690: {  	s22 =	sld [smem:$0x7F3];
	_ =	sdelay $0x1  }
0x691: {  	[sflag:s30] =	ssyncset.done $0x0  }
0x692: {  	s31 =	rddreg [dreg:$0x17];
	[sflag:s30] =	ssyncadd.s32 $0xFFFFFE00;
	s8 =	sshrl.u32 s22, $0x3  }
0x693: {  	[hbm:s31], [sflag:s1] =	dma.local [spmem:s8], $0x200  }
0x694: {  	_ =	swait.ge [sflag:s30], $0x200  }
0x695: {  	s22 =	sld [smem:$0x7F4];
	_ =	sdelay $0x1  }
0x696: {  	[sflag:s30] =	ssyncset.done $0x0  }
0x697: {  	s31 =	rddreg [dreg:$0x18];
	[sflag:s30] =	ssyncadd.s32 $0xFFFFFE00;
	s8 =	sshrl.u32 s22, $0x3  }
0x698: {  	[hbm:s31], [sflag:s1] =	dma.local [spmem:s8], $0x200  }
0x699: {  	_ =	swait.ge [sflag:s30], $0x200  }
0x69a: {  	s22 =	sld [smem:$0x7FD];
	_ =	sdelay $0x1  }
0x69b: {  	[sflag:s30] =	ssyncset.done $0x0  }
0x69c: {  	s31 =	rddreg [dreg:$0x19];
	[sflag:s30] =	ssyncadd.s32 $0xFFFFFE00;
	s11 =	sshrl.u32 s22, $0x3  }
0x69d: {  	[hbm:s31], [sflag:s1] =	dma.local [spmem:s11], $0x180  }
0x69e: {  	_ =	swait.ge [sflag:s30], $0x180  }
0x69f: {  	s11 =	sld [smem:$0x7E6]  }
0x6a0: {  	s31 =	sld [smem:$0x7F7];
	_ =	sdelay $0x1  }
0x6a1: {  	s8 =	sadd.s32 $0x1, s11  }
0x6a2: {  	p0 =	sne.s32 s8, s31  }
.Ltmp6:
0x6a3: {  	_ = 	snop;
	(pc) =	sbr.rel @p0 .LBB2_1-.Ltmp6, $3  }
0x6a4: {  	_ =	sdelay $0x1  }
0x6a5: {  	[sflag:s30] =	ssyncset.done $0x0  }
0x6a6: {  	[sflag:s30] =	ssyncadd.s32 $0xFFFFFE80  }
0x6a7: {  	_ =	sfence.sel $0x180000  }
0x6a8: {  	[bflag:$0x0] =	sbarrier.arrive $0xFFFF  }
0x6a9: {  	_ =	strace $0x90000047  }
0x6aa: {  	s0 =	stileid.u32;
	[bflag:$0x2] =	sbarrier.arrive $0xFFFF  }
0x6ab: {  	p0 =	sne.s32 s0, $0x0;
	s0 =	rddreg [dreg:$0x5]  }
0x6ac: {  	s0 =	sadd.s32 @!p0 $0x100000, s0  }
0x6ad: {  	[sflag:s0] =	ssyncadd.tile.s32 @!p0 $0x1;
	_ =	shalt  }
.Lfunc_end2:
_tile_overlayer_lowered:
.L_overlay_start_2:
0x6ae: {  	(tag) =	ssettag $0x2  }
0x6af: {  	s0 =	rddreg [dreg:$0x0];
	s2 =	stileid.u32  }
0x6b0: {  	s1 =	rddreg [dreg:$0x1];
	p0 =	sne.s32 s2, $0x0  }
0x6b1: {  	s3 =	rddreg [dreg:$0x2];
	[bflag:$0x3] =	sbarrier.arrive $0xFFFF;
	s2 =	simm.s32 @!p0 $0x1C03  }
0x6b2: {  	[timem:s3], [sflag:s2] =	dma.local @!p0 [hbm:s0], s1  }
0x6b3: {  	s0 =	simm.s32 @!p0 $0x3  }
0x6b4: {  	_ =	swait.ge @!p0 [sflag:s0], s1  }
0x6b5: {  	s1 =	ssub.s32 @!p0 $0x0, s1;
	[sflag:s0] =	ssyncset.done @!p0 $0x0  }
0x6b6: {  	[sflag:s0] =	ssyncadd.s32 @!p0 s1  }
0x6b7: {  	[bflag:$0x3] =	sbarrier.arrive $0xFFFF  }
0x6b8: {  	_ =	shalt  }

</sc_bundles>
